<compile_context>
chip_gen: v7x
topology: tpu7x:2x2x1
jax: 0.10.2.dev20260603
libtpu: 0.0.44.dev20260713+nightly
codegen_flags: <defaults>
</compile_context>

<pallas_src>
import functools

import jax
import jax.numpy as jnp
from jax import lax
from jax.experimental import pallas as pl
from jax.experimental.pallas import tpu as pltpu
from jax.experimental.pallas import tpu_sc as plsc

_LOG2 = 0.6931471805599453
_SQRT3 = 1.7320508075688772


def _ssp(x):
    return jnp.maximum(x, 0.0) + jnp.log1p(jnp.exp(-jnp.abs(x))) - _LOG2



def _edge_weights_body(f_ref, d_ref, rc_ref, v_ref,
                       w1_ref, b1_ref, w2_ref, b2_ref,
                       wc_ref, u3_ref):
    f = f_ref[...]
    d = d_ref[...]
    rc = rc_ref[...]
    invd = 1.0 / d
    scale = rc * invd * invd * invd
    w1 = w1_ref[0]
    b1 = b1_ref[0]
    w2 = w2_ref[0]
    b2 = b2_ref[0]
    h = _ssp(jnp.dot(f, w1, preferred_element_type=jnp.float32) + b1)
    wc_ref[...] = (jnp.dot(h, w2, preferred_element_type=jnp.float32) + b2) * scale
    us = _SQRT3 * invd
    v = v_ref[...]
    eb = v.shape[0]
    u3_ref[...] = jnp.concatenate(
        [jnp.broadcast_to(v[:, k:k + 1] * us, (eb, 16)) for k in range(3)], axis=1)



def _node_transform_body(pe_ref, pm_ref, wte_ref, bte_ref, wtm_ref, btm_ref, out_ref):
    ye = _ssp(jnp.dot(pe_ref[...], wte_ref[...], preferred_element_type=jnp.float32) + bte_ref[...])
    ym = _ssp(jnp.dot(pm_ref[...], wtm_ref[...], preferred_element_type=jnp.float32) + btm_ref[...])
    out_ref[...] = ye + ym



def _make_sc_stage(N, E, F):
    NSUB = 16
    EPT = E // NSUB
    C = 16
    NCH = EPT // C
    NP = (N + NSUB * C - 1) // (NSUB * C) * (NSUB * C)
    NPT = NP // NSUB
    FC = F // 16
    TF = 3 * F

    mesh = plsc.VectorSubcoreMesh(core_axis_name="c", subcore_axis_name="s")

    D = 4
    scratch = [pltpu.VMEM_SHARED((NP, F), jnp.float32)]
    for _ in range(D):
        scratch += [
            pltpu.VMEM((C,), jnp.int32),
            pltpu.VMEM((C,), jnp.int32),
            pltpu.VMEM((C, 48), jnp.float32),
            pltpu.VMEM((C, F), jnp.float32),
        ]
    for _ in range(2):
        scratch += [
            pltpu.VMEM((C,), jnp.int32),
            pltpu.VMEM((C,), jnp.int32),
            pltpu.VMEM((C, TF), jnp.float32),
            pltpu.VMEM((C, TF), jnp.float32),
            pltpu.VMEM((C,), jnp.int32),
            pltpu.VMEM((C, F), jnp.float32),
        ]
    scratch += [pltpu.SemaphoreType.DMA] * (D + 2 + 2)

    @functools.partial(
        pl.kernel,
        out_type=jax.ShapeDtypeStruct((2 * NP, F), jnp.float32),
        mesh=mesh,
        scratch_types=scratch,
    )
    def sc_stage(mu_hbm, wc_hbm, u3_hbm, idxi_hbm, idxj_hbm,
                 out_hbm, *scr):
        acc = scr[0]
        bufs = tuple(scr[1 + i * 4: 1 + (i + 1) * 4] for i in range(D))
        gbase = 1 + 4 * D
        gbufs = tuple(scr[gbase + i * 6: gbase + (i + 1) * 6] for i in range(2))
        sem_sm = scr[gbase + 12: gbase + 12 + D]
        sem_g = scr[gbase + 12 + D: gbase + 12 + D + 2]
        sem_sc = scr[gbase + 12 + D + 2: gbase + 12 + D + 4]
        c = lax.axis_index("c")
        s = lax.axis_index("s")
        cN = c * N
        cE = c * E
        base0 = s * EPT

        def issue_smalls(g, par):
            idxi_v, idxj_v, u3v, wcv = bufs[par]
            sem = sem_sm[par]
            b = base0 + g * C
            pltpu.async_copy(idxi_hbm.at[pl.ds(b, C)], idxi_v, sem)
            pltpu.async_copy(idxj_hbm.at[pl.ds(b, C)], idxj_v, sem)
            pltpu.async_copy(u3_hbm.at[pl.ds(b, C)], u3v, sem)
            pltpu.async_copy(wc_hbm.at[pl.ds(cE + b, C)], wcv, sem)

        def wait_smalls(par):
            idxi_v, idxj_v, u3v, wcv = bufs[par]
            sem = sem_sm[par]
            pltpu.make_async_copy(idxi_hbm.at[pl.ds(0, C)], idxi_v, sem).wait()
            pltpu.make_async_copy(idxj_hbm.at[pl.ds(0, C)], idxj_v, sem).wait()
            pltpu.make_async_copy(u3_hbm.at[pl.ds(0, C)], u3v, sem).wait()
            pltpu.make_async_copy(wc_hbm.at[pl.ds(0, C)], wcv, sem).wait()

        def issue_gathers(par, gpar):
            idxi_v, idxj_v = bufs[par][0], bufs[par][1]
            idxig, idxjg, mujv, muiv = gbufs[gpar][0], gbufs[gpar][1], gbufs[gpar][2], gbufs[gpar][3]
            sem = sem_g[gpar]
            idxjg[...] = idxj_v[...] + cN
            idxig[...] = idxi_v[...] + cN
            pltpu.async_copy(mu_hbm.at[idxjg], mujv, sem)
            pltpu.async_copy(mu_hbm.at[idxig], muiv, sem)

        def wait_gathers(gpar):
            mujv, muiv = gbufs[gpar][2], gbufs[gpar][3]
            sem = sem_g[gpar]
            pltpu.make_async_copy(mu_hbm.at[pl.ds(0, C)], mujv, sem).wait()
            pltpu.make_async_copy(mu_hbm.at[pl.ds(0, C)], muiv, sem).wait()

        def issue_scatter(par, gpar):
            idxi_v = bufs[par][0]
            scidx, stg = gbufs[gpar][4], gbufs[gpar][5]
            scidx[...] = idxi_v[...]
            pltpu.async_copy(stg, acc.at[scidx], sem_sc[gpar], add=True)

        def wait_scatter(gpar):
            stg = gbufs[gpar][5]
            pltpu.make_async_copy(wc_hbm.at[pl.ds(0, C)], stg, sem_sc[gpar]).wait()

        def compute(par, gpar):
            u3v, wcv = bufs[par][2], bufs[par][3]
            mujv, muiv, stg = gbufs[gpar][2], gbufs[gpar][3], gbufs[gpar][5]

            def edge(j, carry):
                b0 = u3v[j, pl.ds(0, 16)]
                b1 = u3v[j, pl.ds(16, 16)]
                b2 = u3v[j, pl.ds(32, 16)]
                for fc in range(FC):
                    o = fc * 16
                    mj0 = mujv[j, pl.ds(o, 16)]
                    mj1 = mujv[j, pl.ds(F + o, 16)]
                    mj2 = mujv[j, pl.ds(2 * F + o, 16)]
                    mi0 = muiv[j, pl.ds(o, 16)]
                    mi1 = muiv[j, pl.ds(F + o, 16)]
                    mi2 = muiv[j, pl.ds(2 * F + o, 16)]
                    w = wcv[j, pl.ds(o, 16)]
                    a = mi0 * mj0 + mi1 * mj1 + mi2 * mj2
                    pj = b0 * mj0 + b1 * mj1 + b2 * mj2
                    pi = b0 * mi0 + b1 * mi1 + b2 * mi2
                    stg[j, pl.ds(o, 16)] = w * (a - pi * pj)
                return carry
            lax.fori_loop(0, C, edge, 0)

        zv = jnp.zeros((16,), jnp.float32)
        stg0 = gbufs[0][5]

        def zrow(i, carry):
            for fc in range(FC):
                stg0[i, pl.ds(fc * 16, 16)] = zv
            return carry
        lax.fori_loop(0, C, zrow, 0)
        for zz in range(NPT // C):
            pltpu.async_copy(stg0, acc.at[pl.ds(s * NPT + zz * C, C)], sem_sc[0])
        for zz in range(NPT // C):
            pltpu.make_async_copy(wc_hbm.at[pl.ds(0, C)],
                                  acc.at[pl.ds(s * NPT + zz * C, C)],
                                  sem_sc[0]).wait()
        plsc.subcore_barrier()

        issue_smalls(0, 0)
        issue_smalls(1, 1)
        issue_smalls(2, 2)
        issue_smalls(3, 3)
        wait_smalls(0)
        issue_gathers(0, 0)
        wait_smalls(1)
        issue_gathers(1, 1)

        def slot(g, par, gpar):
            wait_gathers(gpar)

            @pl.when(g >= 2)
            def _():
                wait_scatter(gpar)
            compute(par, gpar)
            issue_scatter(par, gpar)

            @pl.when(g + 2 < NCH)
            def _():
                wait_smalls((par + 2) % D)
                issue_gathers((par + 2) % D, gpar)

            @pl.when(g + 4 < NCH)
            def _():
                issue_smalls(g + 4, par)

        def four(gi, carry):
            g0 = gi * 4
            for j in range(4):
                g = g0 + j

                @pl.when(g < NCH)
                def _(_g=g, _j=j):
                    slot(_g, _j % D, _j % 2)
            return carry
        lax.fori_loop(0, (NCH + 3) // 4, four, 0)

        wait_scatter(0)
        wait_scatter(1)
        plsc.subcore_barrier()
        pltpu.sync_copy(acc.at[pl.ds(s * NPT, NPT)],
                        out_hbm.at[pl.ds(c * NP + s * NPT, NPT)])

    return sc_stage, NP


def kernel(q, mu_electric_field, mu_magnetic_field, f_ij, d_ij, v_ij, idx_i, idx_j,
           rcut_ij, W1_e, b1_e, W2_e, b2_e, Wt_e, bt_e, W1_m, b1_m, W2_m, b2_m,
           Wt_m, bt_m):
    N, _, F = q.shape
    E, R = f_ij.shape

    EB = 640
    gb = E // EB
    W1s = jnp.stack([W1_e, W1_m])
    b1s = jnp.stack([b1_e, b1_m]).reshape(2, 1, F)
    W2s = jnp.stack([W2_e, W2_m])
    b2s = jnp.stack([b2_e, b2_m]).reshape(2, 1, F)
    wc_cat, u3 = pl.pallas_call(
        _edge_weights_body,
        grid=(2, gb),
        in_specs=[
            pl.BlockSpec((EB, R), lambda fi, i: (i, 0)),
            pl.BlockSpec((EB, 1), lambda fi, i: (i, 0)),
            pl.BlockSpec((EB, 1), lambda fi, i: (i, 0)),
            pl.BlockSpec((EB, 3), lambda fi, i: (i, 0)),
            pl.BlockSpec((1, R, F), lambda fi, i: (fi, 0, 0)),
            pl.BlockSpec((1, 1, F), lambda fi, i: (fi, 0, 0)),
            pl.BlockSpec((1, F, F), lambda fi, i: (fi, 0, 0)),
            pl.BlockSpec((1, 1, F), lambda fi, i: (fi, 0, 0)),
        ],
        out_specs=[
            pl.BlockSpec((EB, F), lambda fi, i, _g=gb: (fi * _g + i, 0)),
            pl.BlockSpec((EB, 48), lambda fi, i: (i, 0)),
        ],
        out_shape=[
            jax.ShapeDtypeStruct((2 * E, F), jnp.float32),
            jax.ShapeDtypeStruct((E, 48), jnp.float32),
        ],
    )(f_ij, d_ij.reshape(E, 1), rcut_ij.reshape(E, 1), v_ij, W1s, b1s, W2s, b2s)

    mu_cat = jnp.concatenate([mu_electric_field.reshape(N, 3 * F),
                              mu_magnetic_field.reshape(N, 3 * F)], axis=0)
    sc_stage, NP = _make_sc_stage(N, E, F)
    acc_cat = sc_stage(mu_cat, wc_cat, u3, idx_i, idx_j)

    NB = 80
    grid_c = N // NB
    off_m = NP // NB
    full = lambda shape: pl.BlockSpec(shape, lambda i: (0, 0))
    out = pl.pallas_call(
        _node_transform_body,
        grid=(grid_c,),
        in_specs=[
            pl.BlockSpec((NB, F), lambda i: (i, 0)),
            pl.BlockSpec((NB, F), lambda i, _o=off_m: (_o + i, 0)),
            full((F, F)), full((1, F)),
            full((F, F)), full((1, F)),
        ],
        out_specs=pl.BlockSpec((NB, F), lambda i: (i, 0)),
        out_shape=jax.ShapeDtypeStruct((N, F), jnp.float32),
    )(acc_cat, acc_cat, Wt_e, bt_e.reshape(1, F), Wt_m, bt_m.reshape(1, F))

    return out.reshape(N, 1, F)

# --- scband reference (transcript-rebuilt; emitter-appended) ---
"""Pipeline reference for scband-dipole-interaction-18794776887568 (READ-ONLY COPY).

The authoritative reference and input builder live on the scoring server;
editing this copy changes nothing except your own understanding.
"""

import jax, jax.numpy as jnp
import numpy as np

N = 10000
E = 320000
F = 128
NRBF = 20

def shifted_softplus(x):
    return jax.nn.softplus(x) - jnp.log(2.0)

def setup_inputs(seed: int = 0):
    key = jax.random.key(seed)
    ks = jax.random.split(key, 24)
    inp = {}
    inp["q"] = jax.random.normal(ks[0], (N, 1, F), dtype=jnp.float32)
    inp["mu_electric_field"] = 0.1 * jax.random.normal(ks[1], (N, 3, F), dtype=jnp.float32)
    inp["mu_magnetic_field"] = 0.1 * jax.random.normal(ks[2], (N, 3, F), dtype=jnp.float32)
    inp["f_ij"] = jax.random.uniform(ks[3], (E, NRBF), dtype=jnp.float32)
    # interatomic distances: keep bounded away from 0 since forward divides by d_ij**5
    inp["d_ij"] = jax.random.uniform(ks[4], (E,), dtype=jnp.float32, minval=1.0, maxval=5.0)
    inp["v_ij"] = jax.random.normal(ks[5], (E, 3), dtype=jnp.float32)
    inp["idx_i"] = jnp.sort(jax.random.randint(ks[6], (E,), 0, N, dtype=jnp.int32))
    inp["idx_j"] = jax.random.randint(ks[7], (E,), 0, N, dtype=jnp.int32)
    inp["rcut_ij"] = jax.random.uniform(ks[8], (E,), dtype=jnp.float32)
    # learned params: per external field -> filter_network (Dense(NRBF->F,ssp), Dense(F->F)) and transform Dense(F->F,ssp)
    k = 9
    for suf in ("e", "m"):
        inp["W1_" + suf] = jax.random.normal(ks[k], (NRBF, F), dtype=jnp.float32) / np.sqrt(NRBF); k += 1
        inp["b1_" + suf] = jnp.zeros((F,), dtype=jnp.float32)
        inp["W2_" + suf] = 0.01 * jax.random.normal(ks[k], (F, F), dtype=jnp.float32); k += 1
        inp["b2_" + suf] = jnp.zeros((F,), dtype=jnp.float32)
        inp["Wt_" + suf] = jax.random.normal(ks[k], (F, F), dtype=jnp.float32) / np.sqrt(F); k += 1
        inp["bt_" + suf] = jnp.zeros((F,), dtype=jnp.float32)
    return inp

def _field_dq(mu_field, f_ij, d_ij, v_ij, idx_i, idx_j, rcut_ij, W1, b1, W2, b2, Wt, bt, n_atoms):
    h = shifted_softplus(f_ij @ W1 + b1)
    Wij = (h @ W2 + b2) * rcut_ij[:, None]
    Wij = Wij[:, None, :]
    mu_ij = jnp.take(mu_field, idx_j, axis=0)
    proj = jnp.sum(v_ij[:, :, None] * mu_ij, axis=1, keepdims=True)
    tensor_ij = mu_ij * (d_ij[:, None, None] ** 2) - 3.0 * v_ij[:, :, None] * proj
    tensor_ij = tensor_ij * Wij / (d_ij[:, None, None] ** 5)
    tensor_i = jax.ops.segment_sum(tensor_ij, idx_i, num_segments=n_atoms, indices_are_sorted=True)
    dq_i = jnp.sum(mu_field * tensor_i, axis=1, keepdims=True)
    return shifted_softplus(dq_i @ Wt + bt)

def reference(q, mu_electric_field, mu_magnetic_field, f_ij, d_ij, v_ij, idx_i, idx_j, rcut_ij, W1_e, b1_e, W2_e, b2_e, Wt_e, bt_e, W1_m, b1_m, W2_m, b2_m, Wt_m, bt_m):
    n_atoms = q.shape[0]
    dq = _field_dq(mu_electric_field, f_ij, d_ij, v_ij, idx_i, idx_j, rcut_ij, W1_e, b1_e, W2_e, b2_e, Wt_e, bt_e, n_atoms)
    dq = dq + _field_dq(mu_magnetic_field, f_ij, d_ij, v_ij, idx_i, idx_j, rcut_ij, W1_m, b1_m, W2_m, b2_m, Wt_m, bt_m, n_atoms)
    return dq

if __name__ == "__main__":
    import jax
    _d = setup_inputs()
    print(jax.jit(kernel)(*tuple(_d.values())))

</pallas_src>

<mosaic_0001>
#map = affine_map<(d0, d1) -> (0, 0)>
#map1 = affine_map<(d0, d1) -> (0)>
module attributes {stable_mosaic.version = 14 : i64} {
  func.func @sc_stage(%arg0: i32, %arg1: i32, %arg2: memref<20000x384xf32, #tpu.memory_space<hbm>>, %arg3: memref<640000x128xf32, #tpu.memory_space<hbm>>, %arg4: memref<320000x48xf32, #tpu.memory_space<hbm>>, %arg5: memref<320000xi32, #tpu.memory_space<hbm>>, %arg6: memref<320000xi32, #tpu.memory_space<hbm>>, %arg7: memref<20480x128xf32, #tpu.memory_space<hbm>>, %arg8: memref<10240x128xf32, #tpu.memory_space<vmem_shared>>, %arg9: memref<16xi32, #tpu.memory_space<vmem>>, %arg10: memref<16xi32, #tpu.memory_space<vmem>>, %arg11: memref<16x48xf32, #tpu.memory_space<vmem>>, %arg12: memref<16x128xf32, #tpu.memory_space<vmem>>, %arg13: memref<16xi32, #tpu.memory_space<vmem>>, %arg14: memref<16xi32, #tpu.memory_space<vmem>>, %arg15: memref<16x48xf32, #tpu.memory_space<vmem>>, %arg16: memref<16x128xf32, #tpu.memory_space<vmem>>, %arg17: memref<16xi32, #tpu.memory_space<vmem>>, %arg18: memref<16xi32, #tpu.memory_space<vmem>>, %arg19: memref<16x48xf32, #tpu.memory_space<vmem>>, %arg20: memref<16x128xf32, #tpu.memory_space<vmem>>, %arg21: memref<16xi32, #tpu.memory_space<vmem>>, %arg22: memref<16xi32, #tpu.memory_space<vmem>>, %arg23: memref<16x48xf32, #tpu.memory_space<vmem>>, %arg24: memref<16x128xf32, #tpu.memory_space<vmem>>, %arg25: memref<16xi32, #tpu.memory_space<vmem>>, %arg26: memref<16xi32, #tpu.memory_space<vmem>>, %arg27: memref<16x384xf32, #tpu.memory_space<vmem>>, %arg28: memref<16x384xf32, #tpu.memory_space<vmem>>, %arg29: memref<16xi32, #tpu.memory_space<vmem>>, %arg30: memref<16x128xf32, #tpu.memory_space<vmem>>, %arg31: memref<16xi32, #tpu.memory_space<vmem>>, %arg32: memref<16xi32, #tpu.memory_space<vmem>>, %arg33: memref<16x384xf32, #tpu.memory_space<vmem>>, %arg34: memref<16x384xf32, #tpu.memory_space<vmem>>, %arg35: memref<16xi32, #tpu.memory_space<vmem>>, %arg36: memref<16x128xf32, #tpu.memory_space<vmem>>, %arg37: memref<!tpu.dma_semaphore, #tpu.memory_space<semaphore_mem>>, %arg38: memref<!tpu.dma_semaphore, #tpu.memory_space<semaphore_mem>>, %arg39: memref<!tpu.dma_semaphore, #tpu.memory_space<semaphore_mem>>, %arg40: memref<!tpu.dma_semaphore, #tpu.memory_space<semaphore_mem>>, %arg41: memref<!tpu.dma_semaphore, #tpu.memory_space<semaphore_mem>>, %arg42: memref<!tpu.dma_semaphore, #tpu.memory_space<semaphore_mem>>, %arg43: memref<!tpu.dma_semaphore, #tpu.memory_space<semaphore_mem>>, %arg44: memref<!tpu.dma_semaphore, #tpu.memory_space<semaphore_mem>>) attributes {dimension_semantics = [#tpu.dimension_semantics<core_parallel>, #tpu.dimension_semantics<subcore_parallel>], iteration_bounds = array<i64: 2, 16>, scalar_prefetch = 0 : i64, scratch_operands = 37 : i64, tpu.core_type = #tpu.core_type<sc_vector_subcore>, window_params = [{transform_indices = #map}, {transform_indices = #map}, {transform_indices = #map}, {transform_indices = #map1}, {transform_indices = #map1}, {transform_indices = #map}]} {
    %mul3A = arith.constant 10000 : i32
    %mul3A_0 = arith.muli %arg0, %mul3A : i32
    %mul3A_1 = arith.constant 320000 : i32
    %mul3A_2 = arith.muli %arg0, %mul3A_1 : i32
    %mul3A_3 = arith.constant 20000 : i32
    %mul3A_4 = arith.muli %arg1, %mul3A_3 : i32
    %broadcast_in_dim3A = arith.constant 0.000000e+00 : f32
    %broadcast_in_dim3A_5 = vector.broadcast %broadcast_in_dim3A : f32 to vector<16xf32>
    %scan3A = arith.constant 0 : i32
    %scan3A_6 = arith.constant 0 : i32
    %scan3A_7 = arith.constant 16 : i32
    %scan3A_8 = arith.addi %scan3A_6, %scan3A_7 : i32
    %scan3A_9 = arith.constant 1 : i32
    scf.for %scan3A_860 = %scan3A_6 to %scan3A_8 step %scan3A_9  : i32 {
      %swap3A_861 = arith.index_cast %scan3A_860 : i32 to index
      %swap3A_862 = arith.constant 0 : index
      %swap3A_863 = tpu.vector_load %arg30[%swap3A_861, %swap3A_862] {strides = array<i32>} : memref<16x128xf32, #tpu.memory_space<vmem>>, vector<1x16xf32>,
      %swap3A_864 = vector.shape_cast %swap3A_863 : vector<1x16xf32> to vector<16xf32>
      %swap3A_865 = vector.shape_cast %broadcast_in_dim3A_5 : vector<16xf32> to vector<1x16xf32>
      tpu.vector_store %arg30[%swap3A_861, %swap3A_862], %swap3A_865 {strides = array<i32>} : memref<16x128xf32, #tpu.memory_space<vmem>>, vector<1x16xf32>,
      %swap3A_866 = arith.index_cast %scan3A_860 : i32 to index
      %swap3A_867 = arith.constant 16 : index
      %swap3A_868 = tpu.vector_load %arg30[%swap3A_866, %swap3A_867] {strides = array<i32>} : memref<16x128xf32, #tpu.memory_space<vmem>>, vector<1x16xf32>,
      %swap3A_869 = vector.shape_cast %swap3A_868 : vector<1x16xf32> to vector<16xf32>
      %swap3A_870 = vector.shape_cast %broadcast_in_dim3A_5 : vector<16xf32> to vector<1x16xf32>
      tpu.vector_store %arg30[%swap3A_866, %swap3A_867], %swap3A_870 {strides = array<i32>} : memref<16x128xf32, #tpu.memory_space<vmem>>, vector<1x16xf32>,
      %swap3A_871 = arith.index_cast %scan3A_860 : i32 to index
      %swap3A_872 = arith.constant 32 : index
      %swap3A_873 = tpu.vector_load %arg30[%swap3A_871, %swap3A_872] {strides = array<i32>} : memref<16x128xf32, #tpu.memory_space<vmem>>, vector<1x16xf32>,
      %swap3A_874 = vector.shape_cast %swap3A_873 : vector<1x16xf32> to vector<16xf32>
      %swap3A_875 = vector.shape_cast %broadcast_in_dim3A_5 : vector<16xf32> to vector<1x16xf32>
      tpu.vector_store %arg30[%swap3A_871, %swap3A_872], %swap3A_875 {strides = array<i32>} : memref<16x128xf32, #tpu.memory_space<vmem>>, vector<1x16xf32>,
      %swap3A_876 = arith.index_cast %scan3A_860 : i32 to index
      %swap3A_877 = arith.constant 48 : index
      %swap3A_878 = tpu.vector_load %arg30[%swap3A_876, %swap3A_877] {strides = array<i32>} : memref<16x128xf32, #tpu.memory_space<vmem>>, vector<1x16xf32>,
      %swap3A_879 = vector.shape_cast %swap3A_878 : vector<1x16xf32> to vector<16xf32>
      %swap3A_880 = vector.shape_cast %broadcast_in_dim3A_5 : vector<16xf32> to vector<1x16xf32>
      tpu.vector_store %arg30[%swap3A_876, %swap3A_877], %swap3A_880 {strides = array<i32>} : memref<16x128xf32, #tpu.memory_space<vmem>>, vector<1x16xf32>,
      %swap3A_881 = arith.index_cast %scan3A_860 : i32 to index
      %swap3A_882 = arith.constant 64 : index
      %swap3A_883 = tpu.vector_load %arg30[%swap3A_881, %swap3A_882] {strides = array<i32>} : memref<16x128xf32, #tpu.memory_space<vmem>>, vector<1x16xf32>,
      %swap3A_884 = vector.shape_cast %swap3A_883 : vector<1x16xf32> to vector<16xf32>
      %swap3A_885 = vector.shape_cast %broadcast_in_dim3A_5 : vector<16xf32> to vector<1x16xf32>
      tpu.vector_store %arg30[%swap3A_881, %swap3A_882], %swap3A_885 {strides = array<i32>} : memref<16x128xf32, #tpu.memory_space<vmem>>, vector<1x16xf32>,
      %swap3A_886 = arith.index_cast %scan3A_860 : i32 to index
      %swap3A_887 = arith.constant 80 : index
      %swap3A_888 = tpu.vector_load %arg30[%swap3A_886, %swap3A_887] {strides = array<i32>} : memref<16x128xf32, #tpu.memory_space<vmem>>, vector<1x16xf32>,
      %swap3A_889 = vector.shape_cast %swap3A_888 : vector<1x16xf32> to vector<16xf32>
      %swap3A_890 = vector.shape_cast %broadcast_in_dim3A_5 : vector<16xf32> to vector<1x16xf32>
      tpu.vector_store %arg30[%swap3A_886, %swap3A_887], %swap3A_890 {strides = array<i32>} : memref<16x128xf32, #tpu.memory_space<vmem>>, vector<1x16xf32>,
      %swap3A_891 = arith.index_cast %scan3A_860 : i32 to index
      %swap3A_892 = arith.constant 96 : index
      %swap3A_893 = tpu.vector_load %arg30[%swap3A_891, %swap3A_892] {strides = array<i32>} : memref<16x128xf32, #tpu.memory_space<vmem>>, vector<1x16xf32>,
      %swap3A_894 = vector.shape_cast %swap3A_893 : vector<1x16xf32> to vector<16xf32>
      %swap3A_895 = vector.shape_cast %broadcast_in_dim3A_5 : vector<16xf32> to vector<1x16xf32>
      tpu.vector_store %arg30[%swap3A_891, %swap3A_892], %swap3A_895 {strides = array<i32>} : memref<16x128xf32, #tpu.memory_space<vmem>>, vector<1x16xf32>,
      %swap3A_896 = arith.index_cast %scan3A_860 : i32 to index
      %swap3A_897 = arith.constant 112 : index
      %swap3A_898 = tpu.vector_load %arg30[%swap3A_896, %swap3A_897] {strides = array<i32>} : memref<16x128xf32, #tpu.memory_space<vmem>>, vector<1x16xf32>,
      %swap3A_899 = vector.shape_cast %swap3A_898 : vector<1x16xf32> to vector<16xf32>
      %swap3A_900 = vector.shape_cast %broadcast_in_dim3A_5 : vector<16xf32> to vector<1x16xf32>
      tpu.vector_store %arg30[%swap3A_896, %swap3A_897], %swap3A_900 {strides = array<i32>} : memref<16x128xf32, #tpu.memory_space<vmem>>, vector<1x16xf32>,
    }
    %scan3A_10 = arith.constant 16 : i32
    %mul3A_11 = arith.constant 640 : i32
    %mul3A_12 = arith.muli %arg1, %mul3A_11 : i32
    %add3A = arith.constant 0 : i32
    %add3A_13 = arith.addi %mul3A_12, %add3A : i32
    %dma_start3A = arith.constant 0 : i32
    %dma_start3A_14 = tpu.memref_slice %arg8[%add3A_13, %dma_start3A] : memref<10240x128xf32, #tpu.memory_space<vmem_shared>> -> memref<16x128xf32, #tpu.memory_space<vmem_shared>>
    %dma_start3A_15 = arith.constant 0 : i32
    %dma_start3A_16 = tpu.memref_slice %arg8[%add3A_13, %dma_start3A_15] : memref<10240x128xf32, #tpu.memory_space<vmem_shared>> -> memref<16x128xf32, #tpu.memory_space<vmem_shared>>
    tpu.enqueue_dma source(%arg30 : memref<16x128xf32, #tpu.memory_space<vmem>>) target(%dma_start3A_16 : memref<16x128xf32, #tpu.memory_space<vmem_shared>>) target_semaphore(%arg43 : memref<!tpu.dma_semaphore, #tpu.memory_space<semaphore_mem>>)
    %mul3A_17 = arith.constant 640 : i32
    %mul3A_18 = arith.muli %arg1, %mul3A_17 : i32
    %add3A_19 = arith.constant 16 : i32
    %add3A_20 = arith.addi %mul3A_18, %add3A_19 : i32
    %dma_start3A_21 = arith.constant 0 : i32
    %dma_start3A_22 = tpu.memref_slice %arg8[%add3A_20, %dma_start3A_21] : memref<10240x128xf32, #tpu.memory_space<vmem_shared>> -> memref<16x128xf32, #tpu.memory_space<vmem_shared>>
    %dma_start3A_23 = arith.constant 0 : i32
    %dma_start3A_24 = tpu.memref_slice %arg8[%add3A_20, %dma_start3A_23] : memref<10240x128xf32, #tpu.memory_space<vmem_shared>> -> memref<16x128xf32, #tpu.memory_space<vmem_shared>>
    tpu.enqueue_dma source(%arg30 : memref<16x128xf32, #tpu.memory_space<vmem>>) target(%dma_start3A_24 : memref<16x128xf32, #tpu.memory_space<vmem_shared>>) target_semaphore(%arg43 : memref<!tpu.dma_semaphore, #tpu.memory_space<semaphore_mem>>)
    %mul3A_25 = arith.constant 640 : i32
    %mul3A_26 = arith.muli %arg1, %mul3A_25 : i32
    %add3A_27 = arith.constant 32 : i32
    %add3A_28 = arith.addi %mul3A_26, %add3A_27 : i32
    %dma_start3A_29 = arith.constant 0 : i32
    %dma_start3A_30 = tpu.memref_slice %arg8[%add3A_28, %dma_start3A_29] : memref<10240x128xf32, #tpu.memory_space<vmem_shared>> -> memref<16x128xf32, #tpu.memory_space<vmem_shared>>
    %dma_start3A_31 = arith.constant 0 : i32
    %dma_start3A_32 = tpu.memref_slice %arg8[%add3A_28, %dma_start3A_31] : memref<10240x128xf32, #tpu.memory_space<vmem_shared>> -> memref<16x128xf32, #tpu.memory_space<vmem_shared>>
    tpu.enqueue_dma source(%arg30 : memref<16x128xf32, #tpu.memory_space<vmem>>) target(%dma_start3A_32 : memref<16x128xf32, #tpu.memory_space<vmem_shared>>) target_semaphore(%arg43 : memref<!tpu.dma_semaphore, #tpu.memory_space<semaphore_mem>>)
    %mul3A_33 = arith.constant 640 : i32
    %mul3A_34 = arith.muli %arg1, %mul3A_33 : i32
    %add3A_35 = arith.constant 48 : i32
    %add3A_36 = arith.addi %mul3A_34, %add3A_35 : i32
    %dma_start3A_37 = arith.constant 0 : i32
    %dma_start3A_38 = tpu.memref_slice %arg8[%add3A_36, %dma_start3A_37] : memref<10240x128xf32, #tpu.memory_space<vmem_shared>> -> memref<16x128xf32, #tpu.memory_space<vmem_shared>>
    %dma_start3A_39 = arith.constant 0 : i32
    %dma_start3A_40 = tpu.memref_slice %arg8[%add3A_36, %dma_start3A_39] : memref<10240x128xf32, #tpu.memory_space<vmem_shared>> -> memref<16x128xf32, #tpu.memory_space<vmem_shared>>
    tpu.enqueue_dma source(%arg30 : memref<16x128xf32, #tpu.memory_space<vmem>>) target(%dma_start3A_40 : memref<16x128xf32, #tpu.memory_space<vmem_shared>>) target_semaphore(%arg43 : memref<!tpu.dma_semaphore, #tpu.memory_space<semaphore_mem>>)
    %mul3A_41 = arith.constant 640 : i32
    %mul3A_42 = arith.muli %arg1, %mul3A_41 : i32
    %add3A_43 = arith.constant 64 : i32
    %add3A_44 = arith.addi %mul3A_42, %add3A_43 : i32
    %dma_start3A_45 = arith.constant 0 : i32
    %dma_start3A_46 = tpu.memref_slice %arg8[%add3A_44, %dma_start3A_45] : memref<10240x128xf32, #tpu.memory_space<vmem_shared>> -> memref<16x128xf32, #tpu.memory_space<vmem_shared>>
    %dma_start3A_47 = arith.constant 0 : i32
    %dma_start3A_48 = tpu.memref_slice %arg8[%add3A_44, %dma_start3A_47] : memref<10240x128xf32, #tpu.memory_space<vmem_shared>> -> memref<16x128xf32, #tpu.memory_space<vmem_shared>>
    tpu.enqueue_dma source(%arg30 : memref<16x128xf32, #tpu.memory_space<vmem>>) target(%dma_start3A_48 : memref<16x128xf32, #tpu.memory_space<vmem_shared>>) target_semaphore(%arg43 : memref<!tpu.dma_semaphore, #tpu.memory_space<semaphore_mem>>)
    %mul3A_49 = arith.constant 640 : i32
    %mul3A_50 = arith.muli %arg1, %mul3A_49 : i32
    %add3A_51 = arith.constant 80 : i32
    %add3A_52 = arith.addi %mul3A_50, %add3A_51 : i32
    %dma_start3A_53 = arith.constant 0 : i32
    %dma_start3A_54 = tpu.memref_slice %arg8[%add3A_52, %dma_start3A_53] : memref<10240x128xf32, #tpu.memory_space<vmem_shared>> -> memref<16x128xf32, #tpu.memory_space<vmem_shared>>
    %dma_start3A_55 = arith.constant 0 : i32
    %dma_start3A_56 = tpu.memref_slice %arg8[%add3A_52, %dma_start3A_55] : memref<10240x128xf32, #tpu.memory_space<vmem_shared>> -> memref<16x128xf32, #tpu.memory_space<vmem_shared>>
    tpu.enqueue_dma source(%arg30 : memref<16x128xf32, #tpu.memory_space<vmem>>) target(%dma_start3A_56 : memref<16x128xf32, #tpu.memory_space<vmem_shared>>) target_semaphore(%arg43 : memref<!tpu.dma_semaphore, #tpu.memory_space<semaphore_mem>>)
    %mul3A_57 = arith.constant 640 : i32
    %mul3A_58 = arith.muli %arg1, %mul3A_57 : i32
    %add3A_59 = arith.constant 96 : i32
    %add3A_60 = arith.addi %mul3A_58, %add3A_59 : i32
    %dma_start3A_61 = arith.constant 0 : i32
    %dma_start3A_62 = tpu.memref_slice %arg8[%add3A_60, %dma_start3A_61] : memref<10240x128xf32, #tpu.memory_space<vmem_shared>> -> memref<16x128xf32, #tpu.memory_space<vmem_shared>>
    %dma_start3A_63 = arith.constant 0 : i32
    %dma_start3A_64 = tpu.memref_slice %arg8[%add3A_60, %dma_start3A_63] : memref<10240x128xf32, #tpu.memory_space<vmem_shared>> -> memref<16x128xf32, #tpu.memory_space<vmem_shared>>
    tpu.enqueue_dma source(%arg30 : memref<16x128xf32, #tpu.memory_space<vmem>>) target(%dma_start3A_64 : memref<16x128xf32, #tpu.memory_space<vmem_shared>>) target_semaphore(%arg43 : memref<!tpu.dma_semaphore, #tpu.memory_space<semaphore_mem>>)
    %mul3A_65 = arith.constant 640 : i32
    %mul3A_66 = arith.muli %arg1, %mul3A_65 : i32
    %add3A_67 = arith.constant 112 : i32
    %add3A_68 = arith.addi %mul3A_66, %add3A_67 : i32
    %dma_start3A_69 = arith.constant 0 : i32
    %dma_start3A_70 = tpu.memref_slice %arg8[%add3A_68, %dma_start3A_69] : memref<10240x128xf32, #tpu.memory_space<vmem_shared>> -> memref<16x128xf32, #tpu.memory_space<vmem_shared>>
    %dma_start3A_71 = arith.constant 0 : i32
    %dma_start3A_72 = tpu.memref_slice %arg8[%add3A_68, %dma_start3A_71] : memref<10240x128xf32, #tpu.memory_space<vmem_shared>> -> memref<16x128xf32, #tpu.memory_space<vmem_shared>>
    tpu.enqueue_dma source(%arg30 : memref<16x128xf32, #tpu.memory_space<vmem>>) target(%dma_start3A_72 : memref<16x128xf32, #tpu.memory_space<vmem_shared>>) target_semaphore(%arg43 : memref<!tpu.dma_semaphore, #tpu.memory_space<semaphore_mem>>)
    %mul3A_73 = arith.constant 640 : i32
    %mul3A_74 = arith.muli %arg1, %mul3A_73 : i32
    %add3A_75 = arith.constant 128 : i32
    %add3A_76 = arith.addi %mul3A_74, %add3A_75 : i32
    %dma_start3A_77 = arith.constant 0 : i32
    %dma_start3A_78 = tpu.memref_slice %arg8[%add3A_76, %dma_start3A_77] : memref<10240x128xf32, #tpu.memory_space<vmem_shared>> -> memref<16x128xf32, #tpu.memory_space<vmem_shared>>
    %dma_start3A_79 = arith.constant 0 : i32
    %dma_start3A_80 = tpu.memref_slice %arg8[%add3A_76, %dma_start3A_79] : memref<10240x128xf32, #tpu.memory_space<vmem_shared>> -> memref<16x128xf32, #tpu.memory_space<vmem_shared>>
    tpu.enqueue_dma source(%arg30 : memref<16x128xf32, #tpu.memory_space<vmem>>) target(%dma_start3A_80 : memref<16x128xf32, #tpu.memory_space<vmem_shared>>) target_semaphore(%arg43 : memref<!tpu.dma_semaphore, #tpu.memory_space<semaphore_mem>>)
    %mul3A_81 = arith.constant 640 : i32
    %mul3A_82 = arith.muli %arg1, %mul3A_81 : i32
    %add3A_83 = arith.constant 144 : i32
    %add3A_84 = arith.addi %mul3A_82, %add3A_83 : i32
    %dma_start3A_85 = arith.constant 0 : i32
    %dma_start3A_86 = tpu.memref_slice %arg8[%add3A_84, %dma_start3A_85] : memref<10240x128xf32, #tpu.memory_space<vmem_shared>> -> memref<16x128xf32, #tpu.memory_space<vmem_shared>>
    %dma_start3A_87 = arith.constant 0 : i32
    %dma_start3A_88 = tpu.memref_slice %arg8[%add3A_84, %dma_start3A_87] : memref<10240x128xf32, #tpu.memory_space<vmem_shared>> -> memref<16x128xf32, #tpu.memory_space<vmem_shared>>
    tpu.enqueue_dma source(%arg30 : memref<16x128xf32, #tpu.memory_space<vmem>>) target(%dma_start3A_88 : memref<16x128xf32, #tpu.memory_space<vmem_shared>>) target_semaphore(%arg43 : memref<!tpu.dma_semaphore, #tpu.memory_space<semaphore_mem>>)
    %mul3A_89 = arith.constant 640 : i32
    %mul3A_90 = arith.muli %arg1, %mul3A_89 : i32
    %add3A_91 = arith.constant 160 : i32
    %add3A_92 = arith.addi %mul3A_90, %add3A_91 : i32
    %dma_start3A_93 = arith.constant 0 : i32
    %dma_start3A_94 = tpu.memref_slice %arg8[%add3A_92, %dma_start3A_93] : memref<10240x128xf32, #tpu.memory_space<vmem_shared>> -> memref<16x128xf32, #tpu.memory_space<vmem_shared>>
    %dma_start3A_95 = arith.constant 0 : i32
    %dma_start3A_96 = tpu.memref_slice %arg8[%add3A_92, %dma_start3A_95] : memref<10240x128xf32, #tpu.memory_space<vmem_shared>> -> memref<16x128xf32, #tpu.memory_space<vmem_shared>>
    tpu.enqueue_dma source(%arg30 : memref<16x128xf32, #tpu.memory_space<vmem>>) target(%dma_start3A_96 : memref<16x128xf32, #tpu.memory_space<vmem_shared>>) target_semaphore(%arg43 : memref<!tpu.dma_semaphore, #tpu.memory_space<semaphore_mem>>)
    %mul3A_97 = arith.constant 640 : i32
    %mul3A_98 = arith.muli %arg1, %mul3A_97 : i32
    %add3A_99 = arith.constant 176 : i32
    %add3A_100 = arith.addi %mul3A_98, %add3A_99 : i32
    %dma_start3A_101 = arith.constant 0 : i32
    %dma_start3A_102 = tpu.memref_slice %arg8[%add3A_100, %dma_start3A_101] : memref<10240x128xf32, #tpu.memory_space<vmem_shared>> -> memref<16x128xf32, #tpu.memory_space<vmem_shared>>
    %dma_start3A_103 = arith.constant 0 : i32
    %dma_start3A_104 = tpu.memref_slice %arg8[%add3A_100, %dma_start3A_103] : memref<10240x128xf32, #tpu.memory_space<vmem_shared>> -> memref<16x128xf32, #tpu.memory_space<vmem_shared>>
    tpu.enqueue_dma source(%arg30 : memref<16x128xf32, #tpu.memory_space<vmem>>) target(%dma_start3A_104 : memref<16x128xf32, #tpu.memory_space<vmem_shared>>) target_semaphore(%arg43 : memref<!tpu.dma_semaphore, #tpu.memory_space<semaphore_mem>>)
    %mul3A_105 = arith.constant 640 : i32
    %mul3A_106 = arith.muli %arg1, %mul3A_105 : i32
    %add3A_107 = arith.constant 192 : i32
    %add3A_108 = arith.addi %mul3A_106, %add3A_107 : i32
    %dma_start3A_109 = arith.constant 0 : i32
    %dma_start3A_110 = tpu.memref_slice %arg8[%add3A_108, %dma_start3A_109] : memref<10240x128xf32, #tpu.memory_space<vmem_shared>> -> memref<16x128xf32, #tpu.memory_space<vmem_shared>>
    %dma_start3A_111 = arith.constant 0 : i32
    %dma_start3A_112 = tpu.memref_slice %arg8[%add3A_108, %dma_start3A_111] : memref<10240x128xf32, #tpu.memory_space<vmem_shared>> -> memref<16x128xf32, #tpu.memory_space<vmem_shared>>
    tpu.enqueue_dma source(%arg30 : memref<16x128xf32, #tpu.memory_space<vmem>>) target(%dma_start3A_112 : memref<16x128xf32, #tpu.memory_space<vmem_shared>>) target_semaphore(%arg43 : memref<!tpu.dma_semaphore, #tpu.memory_space<semaphore_mem>>)
    %mul3A_113 = arith.constant 640 : i32
    %mul3A_114 = arith.muli %arg1, %mul3A_113 : i32
    %add3A_115 = arith.constant 208 : i32
    %add3A_116 = arith.addi %mul3A_114, %add3A_115 : i32
    %dma_start3A_117 = arith.constant 0 : i32
    %dma_start3A_118 = tpu.memref_slice %arg8[%add3A_116, %dma_start3A_117] : memref<10240x128xf32, #tpu.memory_space<vmem_shared>> -> memref<16x128xf32, #tpu.memory_space<vmem_shared>>
    %dma_start3A_119 = arith.constant 0 : i32
    %dma_start3A_120 = tpu.memref_slice %arg8[%add3A_116, %dma_start3A_119] : memref<10240x128xf32, #tpu.memory_space<vmem_shared>> -> memref<16x128xf32, #tpu.memory_space<vmem_shared>>
    tpu.enqueue_dma source(%arg30 : memref<16x128xf32, #tpu.memory_space<vmem>>) target(%dma_start3A_120 : memref<16x128xf32, #tpu.memory_space<vmem_shared>>) target_semaphore(%arg43 : memref<!tpu.dma_semaphore, #tpu.memory_space<semaphore_mem>>)
    %mul3A_121 = arith.constant 640 : i32
    %mul3A_122 = arith.muli %arg1, %mul3A_121 : i32
    %add3A_123 = arith.constant 224 : i32
    %add3A_124 = arith.addi %mul3A_122, %add3A_123 : i32
    %dma_start3A_125 = arith.constant 0 : i32
    %dma_start3A_126 = tpu.memref_slice %arg8[%add3A_124, %dma_start3A_125] : memref<10240x128xf32, #tpu.memory_space<vmem_shared>> -> memref<16x128xf32, #tpu.memory_space<vmem_shared>>
    %dma_start3A_127 = arith.constant 0 : i32
    %dma_start3A_128 = tpu.memref_slice %arg8[%add3A_124, %dma_start3A_127] : memref<10240x128xf32, #tpu.memory_space<vmem_shared>> -> memref<16x128xf32, #tpu.memory_space<vmem_shared>>
    tpu.enqueue_dma source(%arg30 : memref<16x128xf32, #tpu.memory_space<vmem>>) target(%dma_start3A_128 : memref<16x128xf32, #tpu.memory_space<vmem_shared>>) target_semaphore(%arg43 : memref<!tpu.dma_semaphore, #tpu.memory_space<semaphore_mem>>)
    %mul3A_129 = arith.constant 640 : i32
    %mul3A_130 = arith.muli %arg1, %mul3A_129 : i32
    %add3A_131 = arith.constant 240 : i32
    %add3A_132 = arith.addi %mul3A_130, %add3A_131 : i32
    %dma_start3A_133 = arith.constant 0 : i32
    %dma_start3A_134 = tpu.memref_slice %arg8[%add3A_132, %dma_start3A_133] : memref<10240x128xf32, #tpu.memory_space<vmem_shared>> -> memref<16x128xf32, #tpu.memory_space<vmem_shared>>
    %dma_start3A_135 = arith.constant 0 : i32
    %dma_start3A_136 = tpu.memref_slice %arg8[%add3A_132, %dma_start3A_135] : memref<10240x128xf32, #tpu.memory_space<vmem_shared>> -> memref<16x128xf32, #tpu.memory_space<vmem_shared>>
    tpu.enqueue_dma source(%arg30 : memref<16x128xf32, #tpu.memory_space<vmem>>) target(%dma_start3A_136 : memref<16x128xf32, #tpu.memory_space<vmem_shared>>) target_semaphore(%arg43 : memref<!tpu.dma_semaphore, #tpu.memory_space<semaphore_mem>>)
    %mul3A_137 = arith.constant 640 : i32
    %mul3A_138 = arith.muli %arg1, %mul3A_137 : i32
    %add3A_139 = arith.constant 256 : i32
    %add3A_140 = arith.addi %mul3A_138, %add3A_139 : i32
    %dma_start3A_141 = arith.constant 0 : i32
    %dma_start3A_142 = tpu.memref_slice %arg8[%add3A_140, %dma_start3A_141] : memref<10240x128xf32, #tpu.memory_space<vmem_shared>> -> memref<16x128xf32, #tpu.memory_space<vmem_shared>>
    %dma_start3A_143 = arith.constant 0 : i32
    %dma_start3A_144 = tpu.memref_slice %arg8[%add3A_140, %dma_start3A_143] : memref<10240x128xf32, #tpu.memory_space<vmem_shared>> -> memref<16x128xf32, #tpu.memory_space<vmem_shared>>
    tpu.enqueue_dma source(%arg30 : memref<16x128xf32, #tpu.memory_space<vmem>>) target(%dma_start3A_144 : memref<16x128xf32, #tpu.memory_space<vmem_shared>>) target_semaphore(%arg43 : memref<!tpu.dma_semaphore, #tpu.memory_space<semaphore_mem>>)
    %mul3A_145 = arith.constant 640 : i32
    %mul3A_146 = arith.muli %arg1, %mul3A_145 : i32
    %add3A_147 = arith.constant 272 : i32
    %add3A_148 = arith.addi %mul3A_146, %add3A_147 : i32
    %dma_start3A_149 = arith.constant 0 : i32
    %dma_start3A_150 = tpu.memref_slice %arg8[%add3A_148, %dma_start3A_149] : memref<10240x128xf32, #tpu.memory_space<vmem_shared>> -> memref<16x128xf32, #tpu.memory_space<vmem_shared>>
    %dma_start3A_151 = arith.constant 0 : i32
    %dma_start3A_152 = tpu.memref_slice %arg8[%add3A_148, %dma_start3A_151] : memref<10240x128xf32, #tpu.memory_space<vmem_shared>> -> memref<16x128xf32, #tpu.memory_space<vmem_shared>>
    tpu.enqueue_dma source(%arg30 : memref<16x128xf32, #tpu.memory_space<vmem>>) target(%dma_start3A_152 : memref<16x128xf32, #tpu.memory_space<vmem_shared>>) target_semaphore(%arg43 : memref<!tpu.dma_semaphore, #tpu.memory_space<semaphore_mem>>)
    %mul3A_153 = arith.constant 640 : i32
    %mul3A_154 = arith.muli %arg1, %mul3A_153 : i32
    %add3A_155 = arith.constant 288 : i32
    %add3A_156 = arith.addi %mul3A_154, %add3A_155 : i32
    %dma_start3A_157 = arith.constant 0 : i32
    %dma_start3A_158 = tpu.memref_slice %arg8[%add3A_156, %dma_start3A_157] : memref<10240x128xf32, #tpu.memory_space<vmem_shared>> -> memref<16x128xf32, #tpu.memory_space<vmem_shared>>
    %dma_start3A_159 = arith.constant 0 : i32
    %dma_start3A_160 = tpu.memref_slice %arg8[%add3A_156, %dma_start3A_159] : memref<10240x128xf32, #tpu.memory_space<vmem_shared>> -> memref<16x128xf32, #tpu.memory_space<vmem_shared>>
    tpu.enqueue_dma source(%arg30 : memref<16x128xf32, #tpu.memory_space<vmem>>) target(%dma_start3A_160 : memref<16x128xf32, #tpu.memory_space<vmem_shared>>) target_semaphore(%arg43 : memref<!tpu.dma_semaphore, #tpu.memory_space<semaphore_mem>>)
    %mul3A_161 = arith.constant 640 : i32
    %mul3A_162 = arith.muli %arg1, %mul3A_161 : i32
    %add3A_163 = arith.constant 304 : i32
    %add3A_164 = arith.addi %mul3A_162, %add3A_163 : i32
    %dma_start3A_165 = arith.constant 0 : i32
    %dma_start3A_166 = tpu.memref_slice %arg8[%add3A_164, %dma_start3A_165] : memref<10240x128xf32, #tpu.memory_space<vmem_shared>> -> memref<16x128xf32, #tpu.memory_space<vmem_shared>>
    %dma_start3A_167 = arith.constant 0 : i32
    %dma_start3A_168 = tpu.memref_slice %arg8[%add3A_164, %dma_start3A_167] : memref<10240x128xf32, #tpu.memory_space<vmem_shared>> -> memref<16x128xf32, #tpu.memory_space<vmem_shared>>
    tpu.enqueue_dma source(%arg30 : memref<16x128xf32, #tpu.memory_space<vmem>>) target(%dma_start3A_168 : memref<16x128xf32, #tpu.memory_space<vmem_shared>>) target_semaphore(%arg43 : memref<!tpu.dma_semaphore, #tpu.memory_space<semaphore_mem>>)
    %mul3A_169 = arith.constant 640 : i32
    %mul3A_170 = arith.muli %arg1, %mul3A_169 : i32
    %add3A_171 = arith.constant 320 : i32
    %add3A_172 = arith.addi %mul3A_170, %add3A_171 : i32
    %dma_start3A_173 = arith.constant 0 : i32
    %dma_start3A_174 = tpu.memref_slice %arg8[%add3A_172, %dma_start3A_173] : memref<10240x128xf32, #tpu.memory_space<vmem_shared>> -> memref<16x128xf32, #tpu.memory_space<vmem_shared>>
    %dma_start3A_175 = arith.constant 0 : i32
    %dma_start3A_176 = tpu.memref_slice %arg8[%add3A_172, %dma_start3A_175] : memref<10240x128xf32, #tpu.memory_space<vmem_shared>> -> memref<16x128xf32, #tpu.memory_space<vmem_shared>>
    tpu.enqueue_dma source(%arg30 : memref<16x128xf32, #tpu.memory_space<vmem>>) target(%dma_start3A_176 : memref<16x128xf32, #tpu.memory_space<vmem_shared>>) target_semaphore(%arg43 : memref<!tpu.dma_semaphore, #tpu.memory_space<semaphore_mem>>)
    %mul3A_177 = arith.constant 640 : i32
    %mul3A_178 = arith.muli %arg1, %mul3A_177 : i32
    %add3A_179 = arith.constant 336 : i32
    %add3A_180 = arith.addi %mul3A_178, %add3A_179 : i32
    %dma_start3A_181 = arith.constant 0 : i32
    %dma_start3A_182 = tpu.memref_slice %arg8[%add3A_180, %dma_start3A_181] : memref<10240x128xf32, #tpu.memory_space<vmem_shared>> -> memref<16x128xf32, #tpu.memory_space<vmem_shared>>
    %dma_start3A_183 = arith.constant 0 : i32
    %dma_start3A_184 = tpu.memref_slice %arg8[%add3A_180, %dma_start3A_183] : memref<10240x128xf32, #tpu.memory_space<vmem_shared>> -> memref<16x128xf32, #tpu.memory_space<vmem_shared>>
    tpu.enqueue_dma source(%arg30 : memref<16x128xf32, #tpu.memory_space<vmem>>) target(%dma_start3A_184 : memref<16x128xf32, #tpu.memory_space<vmem_shared>>) target_semaphore(%arg43 : memref<!tpu.dma_semaphore, #tpu.memory_space<semaphore_mem>>)
    %mul3A_185 = arith.constant 640 : i32
    %mul3A_186 = arith.muli %arg1, %mul3A_185 : i32
    %add3A_187 = arith.constant 352 : i32
    %add3A_188 = arith.addi %mul3A_186, %add3A_187 : i32
    %dma_start3A_189 = arith.constant 0 : i32
    %dma_start3A_190 = tpu.memref_slice %arg8[%add3A_188, %dma_start3A_189] : memref<10240x128xf32, #tpu.memory_space<vmem_shared>> -> memref<16x128xf32, #tpu.memory_space<vmem_shared>>
    %dma_start3A_191 = arith.constant 0 : i32
    %dma_start3A_192 = tpu.memref_slice %arg8[%add3A_188, %dma_start3A_191] : memref<10240x128xf32, #tpu.memory_space<vmem_shared>> -> memref<16x128xf32, #tpu.memory_space<vmem_shared>>
    tpu.enqueue_dma source(%arg30 : memref<16x128xf32, #tpu.memory_space<vmem>>) target(%dma_start3A_192 : memref<16x128xf32, #tpu.memory_space<vmem_shared>>) target_semaphore(%arg43 : memref<!tpu.dma_semaphore, #tpu.memory_space<semaphore_mem>>)
    %mul3A_193 = arith.constant 640 : i32
    %mul3A_194 = arith.muli %arg1, %mul3A_193 : i32
    %add3A_195 = arith.constant 368 : i32
    %add3A_196 = arith.addi %mul3A_194, %add3A_195 : i32
    %dma_start3A_197 = arith.constant 0 : i32
    %dma_start3A_198 = tpu.memref_slice %arg8[%add3A_196, %dma_start3A_197] : memref<10240x128xf32, #tpu.memory_space<vmem_shared>> -> memref<16x128xf32, #tpu.memory_space<vmem_shared>>
    %dma_start3A_199 = arith.constant 0 : i32
    %dma_start3A_200 = tpu.memref_slice %arg8[%add3A_196, %dma_start3A_199] : memref<10240x128xf32, #tpu.memory_space<vmem_shared>> -> memref<16x128xf32, #tpu.memory_space<vmem_shared>>
    tpu.enqueue_dma source(%arg30 : memref<16x128xf32, #tpu.memory_space<vmem>>) target(%dma_start3A_200 : memref<16x128xf32, #tpu.memory_space<vmem_shared>>) target_semaphore(%arg43 : memref<!tpu.dma_semaphore, #tpu.memory_space<semaphore_mem>>)
    %mul3A_201 = arith.constant 640 : i32
    %mul3A_202 = arith.muli %arg1, %mul3A_201 : i32
    %add3A_203 = arith.constant 384 : i32
    %add3A_204 = arith.addi %mul3A_202, %add3A_203 : i32
    %dma_start3A_205 = arith.constant 0 : i32
    %dma_start3A_206 = tpu.memref_slice %arg8[%add3A_204, %dma_start3A_205] : memref<10240x128xf32, #tpu.memory_space<vmem_shared>> -> memref<16x128xf32, #tpu.memory_space<vmem_shared>>
    %dma_start3A_207 = arith.constant 0 : i32
    %dma_start3A_208 = tpu.memref_slice %arg8[%add3A_204, %dma_start3A_207] : memref<10240x128xf32, #tpu.memory_space<vmem_shared>> -> memref<16x128xf32, #tpu.memory_space<vmem_shared>>
    tpu.enqueue_dma source(%arg30 : memref<16x128xf32, #tpu.memory_space<vmem>>) target(%dma_start3A_208 : memref<16x128xf32, #tpu.memory_space<vmem_shared>>) target_semaphore(%arg43 : memref<!tpu.dma_semaphore, #tpu.memory_space<semaphore_mem>>)
    %mul3A_209 = arith.constant 640 : i32
    %mul3A_210 = arith.muli %arg1, %mul3A_209 : i32
    %add3A_211 = arith.constant 400 : i32
    %add3A_212 = arith.addi %mul3A_210, %add3A_211 : i32
    %dma_start3A_213 = arith.constant 0 : i32
    %dma_start3A_214 = tpu.memref_slice %arg8[%add3A_212, %dma_start3A_213] : memref<10240x128xf32, #tpu.memory_space<vmem_shared>> -> memref<16x128xf32, #tpu.memory_space<vmem_shared>>
    %dma_start3A_215 = arith.constant 0 : i32
    %dma_start3A_216 = tpu.memref_slice %arg8[%add3A_212, %dma_start3A_215] : memref<10240x128xf32, #tpu.memory_space<vmem_shared>> -> memref<16x128xf32, #tpu.memory_space<vmem_shared>>
    tpu.enqueue_dma source(%arg30 : memref<16x128xf32, #tpu.memory_space<vmem>>) target(%dma_start3A_216 : memref<16x128xf32, #tpu.memory_space<vmem_shared>>) target_semaphore(%arg43 : memref<!tpu.dma_semaphore, #tpu.memory_space<semaphore_mem>>)
    %mul3A_217 = arith.constant 640 : i32
    %mul3A_218 = arith.muli %arg1, %mul3A_217 : i32
    %add3A_219 = arith.constant 416 : i32
    %add3A_220 = arith.addi %mul3A_218, %add3A_219 : i32
    %dma_start3A_221 = arith.constant 0 : i32
    %dma_start3A_222 = tpu.memref_slice %arg8[%add3A_220, %dma_start3A_221] : memref<10240x128xf32, #tpu.memory_space<vmem_shared>> -> memref<16x128xf32, #tpu.memory_space<vmem_shared>>
    %dma_start3A_223 = arith.constant 0 : i32
    %dma_start3A_224 = tpu.memref_slice %arg8[%add3A_220, %dma_start3A_223] : memref<10240x128xf32, #tpu.memory_space<vmem_shared>> -> memref<16x128xf32, #tpu.memory_space<vmem_shared>>
    tpu.enqueue_dma source(%arg30 : memref<16x128xf32, #tpu.memory_space<vmem>>) target(%dma_start3A_224 : memref<16x128xf32, #tpu.memory_space<vmem_shared>>) target_semaphore(%arg43 : memref<!tpu.dma_semaphore, #tpu.memory_space<semaphore_mem>>)
    %mul3A_225 = arith.constant 640 : i32
    %mul3A_226 = arith.muli %arg1, %mul3A_225 : i32
    %add3A_227 = arith.constant 432 : i32
    %add3A_228 = arith.addi %mul3A_226, %add3A_227 : i32
    %dma_start3A_229 = arith.constant 0 : i32
    %dma_start3A_230 = tpu.memref_slice %arg8[%add3A_228, %dma_start3A_229] : memref<10240x128xf32, #tpu.memory_space<vmem_shared>> -> memref<16x128xf32, #tpu.memory_space<vmem_shared>>
    %dma_start3A_231 = arith.constant 0 : i32
    %dma_start3A_232 = tpu.memref_slice %arg8[%add3A_228, %dma_start3A_231] : memref<10240x128xf32, #tpu.memory_space<vmem_shared>> -> memref<16x128xf32, #tpu.memory_space<vmem_shared>>
    tpu.enqueue_dma source(%arg30 : memref<16x128xf32, #tpu.memory_space<vmem>>) target(%dma_start3A_232 : memref<16x128xf32, #tpu.memory_space<vmem_shared>>) target_semaphore(%arg43 : memref<!tpu.dma_semaphore, #tpu.memory_space<semaphore_mem>>)
    %mul3A_233 = arith.constant 640 : i32
    %mul3A_234 = arith.muli %arg1, %mul3A_233 : i32
    %add3A_235 = arith.constant 448 : i32
    %add3A_236 = arith.addi %mul3A_234, %add3A_235 : i32
    %dma_start3A_237 = arith.constant 0 : i32
    %dma_start3A_238 = tpu.memref_slice %arg8[%add3A_236, %dma_start3A_237] : memref<10240x128xf32, #tpu.memory_space<vmem_shared>> -> memref<16x128xf32, #tpu.memory_space<vmem_shared>>
    %dma_start3A_239 = arith.constant 0 : i32
    %dma_start3A_240 = tpu.memref_slice %arg8[%add3A_236, %dma_start3A_239] : memref<10240x128xf32, #tpu.memory_space<vmem_shared>> -> memref<16x128xf32, #tpu.memory_space<vmem_shared>>
    tpu.enqueue_dma source(%arg30 : memref<16x128xf32, #tpu.memory_space<vmem>>) target(%dma_start3A_240 : memref<16x128xf32, #tpu.memory_space<vmem_shared>>) target_semaphore(%arg43 : memref<!tpu.dma_semaphore, #tpu.memory_space<semaphore_mem>>)
    %mul3A_241 = arith.constant 640 : i32
    %mul3A_242 = arith.muli %arg1, %mul3A_241 : i32
    %add3A_243 = arith.constant 464 : i32
    %add3A_244 = arith.addi %mul3A_242, %add3A_243 : i32
    %dma_start3A_245 = arith.constant 0 : i32
    %dma_start3A_246 = tpu.memref_slice %arg8[%add3A_244, %dma_start3A_245] : memref<10240x128xf32, #tpu.memory_space<vmem_shared>> -> memref<16x128xf32, #tpu.memory_space<vmem_shared>>
    %dma_start3A_247 = arith.constant 0 : i32
    %dma_start3A_248 = tpu.memref_slice %arg8[%add3A_244, %dma_start3A_247] : memref<10240x128xf32, #tpu.memory_space<vmem_shared>> -> memref<16x128xf32, #tpu.memory_space<vmem_shared>>
    tpu.enqueue_dma source(%arg30 : memref<16x128xf32, #tpu.memory_space<vmem>>) target(%dma_start3A_248 : memref<16x128xf32, #tpu.memory_space<vmem_shared>>) target_semaphore(%arg43 : memref<!tpu.dma_semaphore, #tpu.memory_space<semaphore_mem>>)
    %mul3A_249 = arith.constant 640 : i32
    %mul3A_250 = arith.muli %arg1, %mul3A_249 : i32
    %add3A_251 = arith.constant 480 : i32
    %add3A_252 = arith.addi %mul3A_250, %add3A_251 : i32
    %dma_start3A_253 = arith.constant 0 : i32
    %dma_start3A_254 = tpu.memref_slice %arg8[%add3A_252, %dma_start3A_253] : memref<10240x128xf32, #tpu.memory_space<vmem_shared>> -> memref<16x128xf32, #tpu.memory_space<vmem_shared>>
    %dma_start3A_255 = arith.constant 0 : i32
    %dma_start3A_256 = tpu.memref_slice %arg8[%add3A_252, %dma_start3A_255] : memref<10240x128xf32, #tpu.memory_space<vmem_shared>> -> memref<16x128xf32, #tpu.memory_space<vmem_shared>>
    tpu.enqueue_dma source(%arg30 : memref<16x128xf32, #tpu.memory_space<vmem>>) target(%dma_start3A_256 : memref<16x128xf32, #tpu.memory_space<vmem_shared>>) target_semaphore(%arg43 : memref<!tpu.dma_semaphore, #tpu.memory_space<semaphore_mem>>)
    %mul3A_257 = arith.constant 640 : i32
    %mul3A_258 = arith.muli %arg1, %mul3A_257 : i32
    %add3A_259 = arith.constant 496 : i32
    %add3A_260 = arith.addi %mul3A_258, %add3A_259 : i32
    %dma_start3A_261 = arith.constant 0 : i32
    %dma_start3A_262 = tpu.memref_slice %arg8[%add3A_260, %dma_start3A_261] : memref<10240x128xf32, #tpu.memory_space<vmem_shared>> -> memref<16x128xf32, #tpu.memory_space<vmem_shared>>
    %dma_start3A_263 = arith.constant 0 : i32
    %dma_start3A_264 = tpu.memref_slice %arg8[%add3A_260, %dma_start3A_263] : memref<10240x128xf32, #tpu.memory_space<vmem_shared>> -> memref<16x128xf32, #tpu.memory_space<vmem_shared>>
    tpu.enqueue_dma source(%arg30 : memref<16x128xf32, #tpu.memory_space<vmem>>) target(%dma_start3A_264 : memref<16x128xf32, #tpu.memory_space<vmem_shared>>) target_semaphore(%arg43 : memref<!tpu.dma_semaphore, #tpu.memory_space<semaphore_mem>>)
    %mul3A_265 = arith.constant 640 : i32
    %mul3A_266 = arith.muli %arg1, %mul3A_265 : i32
    %add3A_267 = arith.constant 512 : i32
    %add3A_268 = arith.addi %mul3A_266, %add3A_267 : i32
    %dma_start3A_269 = arith.constant 0 : i32
    %dma_start3A_270 = tpu.memref_slice %arg8[%add3A_268, %dma_start3A_269] : memref<10240x128xf32, #tpu.memory_space<vmem_shared>> -> memref<16x128xf32, #tpu.memory_space<vmem_shared>>
    %dma_start3A_271 = arith.constant 0 : i32
    %dma_start3A_272 = tpu.memref_slice %arg8[%add3A_268, %dma_start3A_271] : memref<10240x128xf32, #tpu.memory_space<vmem_shared>> -> memref<16x128xf32, #tpu.memory_space<vmem_shared>>
    tpu.enqueue_dma source(%arg30 : memref<16x128xf32, #tpu.memory_space<vmem>>) target(%dma_start3A_272 : memref<16x128xf32, #tpu.memory_space<vmem_shared>>) target_semaphore(%arg43 : memref<!tpu.dma_semaphore, #tpu.memory_space<semaphore_mem>>)
    %mul3A_273 = arith.constant 640 : i32
    %mul3A_274 = arith.muli %arg1, %mul3A_273 : i32
    %add3A_275 = arith.constant 528 : i32
    %add3A_276 = arith.addi %mul3A_274, %add3A_275 : i32
    %dma_start3A_277 = arith.constant 0 : i32
    %dma_start3A_278 = tpu.memref_slice %arg8[%add3A_276, %dma_start3A_277] : memref<10240x128xf32, #tpu.memory_space<vmem_shared>> -> memref<16x128xf32, #tpu.memory_space<vmem_shared>>
    %dma_start3A_279 = arith.constant 0 : i32
    %dma_start3A_280 = tpu.memref_slice %arg8[%add3A_276, %dma_start3A_279] : memref<10240x128xf32, #tpu.memory_space<vmem_shared>> -> memref<16x128xf32, #tpu.memory_space<vmem_shared>>
    tpu.enqueue_dma source(%arg30 : memref<16x128xf32, #tpu.memory_space<vmem>>) target(%dma_start3A_280 : memref<16x128xf32, #tpu.memory_space<vmem_shared>>) target_semaphore(%arg43 : memref<!tpu.dma_semaphore, #tpu.memory_space<semaphore_mem>>)
    %mul3A_281 = arith.constant 640 : i32
    %mul3A_282 = arith.muli %arg1, %mul3A_281 : i32
    %add3A_283 = arith.constant 544 : i32
    %add3A_284 = arith.addi %mul3A_282, %add3A_283 : i32
    %dma_start3A_285 = arith.constant 0 : i32
    %dma_start3A_286 = tpu.memref_slice %arg8[%add3A_284, %dma_start3A_285] : memref<10240x128xf32, #tpu.memory_space<vmem_shared>> -> memref<16x128xf32, #tpu.memory_space<vmem_shared>>
    %dma_start3A_287 = arith.constant 0 : i32
    %dma_start3A_288 = tpu.memref_slice %arg8[%add3A_284, %dma_start3A_287] : memref<10240x128xf32, #tpu.memory_space<vmem_shared>> -> memref<16x128xf32, #tpu.memory_space<vmem_shared>>
    tpu.enqueue_dma source(%arg30 : memref<16x128xf32, #tpu.memory_space<vmem>>) target(%dma_start3A_288 : memref<16x128xf32, #tpu.memory_space<vmem_shared>>) target_semaphore(%arg43 : memref<!tpu.dma_semaphore, #tpu.memory_space<semaphore_mem>>)
    %mul3A_289 = arith.constant 640 : i32
    %mul3A_290 = arith.muli %arg1, %mul3A_289 : i32
    %add3A_291 = arith.constant 560 : i32
    %add3A_292 = arith.addi %mul3A_290, %add3A_291 : i32
    %dma_start3A_293 = arith.constant 0 : i32
    %dma_start3A_294 = tpu.memref_slice %arg8[%add3A_292, %dma_start3A_293] : memref<10240x128xf32, #tpu.memory_space<vmem_shared>> -> memref<16x128xf32, #tpu.memory_space<vmem_shared>>
    %dma_start3A_295 = arith.constant 0 : i32
    %dma_start3A_296 = tpu.memref_slice %arg8[%add3A_292, %dma_start3A_295] : memref<10240x128xf32, #tpu.memory_space<vmem_shared>> -> memref<16x128xf32, #tpu.memory_space<vmem_shared>>
    tpu.enqueue_dma source(%arg30 : memref<16x128xf32, #tpu.memory_space<vmem>>) target(%dma_start3A_296 : memref<16x128xf32, #tpu.memory_space<vmem_shared>>) target_semaphore(%arg43 : memref<!tpu.dma_semaphore, #tpu.memory_space<semaphore_mem>>)
    %mul3A_297 = arith.constant 640 : i32
    %mul3A_298 = arith.muli %arg1, %mul3A_297 : i32
    %add3A_299 = arith.constant 576 : i32
    %add3A_300 = arith.addi %mul3A_298, %add3A_299 : i32
    %dma_start3A_301 = arith.constant 0 : i32
    %dma_start3A_302 = tpu.memref_slice %arg8[%add3A_300, %dma_start3A_301] : memref<10240x128xf32, #tpu.memory_space<vmem_shared>> -> memref<16x128xf32, #tpu.memory_space<vmem_shared>>
    %dma_start3A_303 = arith.constant 0 : i32
    %dma_start3A_304 = tpu.memref_slice %arg8[%add3A_300, %dma_start3A_303] : memref<10240x128xf32, #tpu.memory_space<vmem_shared>> -> memref<16x128xf32, #tpu.memory_space<vmem_shared>>
    tpu.enqueue_dma source(%arg30 : memref<16x128xf32, #tpu.memory_space<vmem>>) target(%dma_start3A_304 : memref<16x128xf32, #tpu.memory_space<vmem_shared>>) target_semaphore(%arg43 : memref<!tpu.dma_semaphore, #tpu.memory_space<semaphore_mem>>)
    %mul3A_305 = arith.constant 640 : i32
    %mul3A_306 = arith.muli %arg1, %mul3A_305 : i32
    %add3A_307 = arith.constant 592 : i32
    %add3A_308 = arith.addi %mul3A_306, %add3A_307 : i32
    %dma_start3A_309 = arith.constant 0 : i32
    %dma_start3A_310 = tpu.memref_slice %arg8[%add3A_308, %dma_start3A_309] : memref<10240x128xf32, #tpu.memory_space<vmem_shared>> -> memref<16x128xf32, #tpu.memory_space<vmem_shared>>
    %dma_start3A_311 = arith.constant 0 : i32
    %dma_start3A_312 = tpu.memref_slice %arg8[%add3A_308, %dma_start3A_311] : memref<10240x128xf32, #tpu.memory_space<vmem_shared>> -> memref<16x128xf32, #tpu.memory_space<vmem_shared>>
    tpu.enqueue_dma source(%arg30 : memref<16x128xf32, #tpu.memory_space<vmem>>) target(%dma_start3A_312 : memref<16x128xf32, #tpu.memory_space<vmem_shared>>) target_semaphore(%arg43 : memref<!tpu.dma_semaphore, #tpu.memory_space<semaphore_mem>>)
    %mul3A_313 = arith.constant 640 : i32
    %mul3A_314 = arith.muli %arg1, %mul3A_313 : i32
    %add3A_315 = arith.constant 608 : i32
    %add3A_316 = arith.addi %mul3A_314, %add3A_315 : i32
    %dma_start3A_317 = arith.constant 0 : i32
    %dma_start3A_318 = tpu.memref_slice %arg8[%add3A_316, %dma_start3A_317] : memref<10240x128xf32, #tpu.memory_space<vmem_shared>> -> memref<16x128xf32, #tpu.memory_space<vmem_shared>>
    %dma_start3A_319 = arith.constant 0 : i32
    %dma_start3A_320 = tpu.memref_slice %arg8[%add3A_316, %dma_start3A_319] : memref<10240x128xf32, #tpu.memory_space<vmem_shared>> -> memref<16x128xf32, #tpu.memory_space<vmem_shared>>
    tpu.enqueue_dma source(%arg30 : memref<16x128xf32, #tpu.memory_space<vmem>>) target(%dma_start3A_320 : memref<16x128xf32, #tpu.memory_space<vmem_shared>>) target_semaphore(%arg43 : memref<!tpu.dma_semaphore, #tpu.memory_space<semaphore_mem>>)
    %mul3A_321 = arith.constant 640 : i32
    %mul3A_322 = arith.muli %arg1, %mul3A_321 : i32
    %add3A_323 = arith.constant 624 : i32
    %add3A_324 = arith.addi %mul3A_322, %add3A_323 : i32
    %dma_start3A_325 = arith.constant 0 : i32
    %dma_start3A_326 = tpu.memref_slice %arg8[%add3A_324, %dma_start3A_325] : memref<10240x128xf32, #tpu.memory_space<vmem_shared>> -> memref<16x128xf32, #tpu.memory_space<vmem_shared>>
    %dma_start3A_327 = arith.constant 0 : i32
    %dma_start3A_328 = tpu.memref_slice %arg8[%add3A_324, %dma_start3A_327] : memref<10240x128xf32, #tpu.memory_space<vmem_shared>> -> memref<16x128xf32, #tpu.memory_space<vmem_shared>>
    tpu.enqueue_dma source(%arg30 : memref<16x128xf32, #tpu.memory_space<vmem>>) target(%dma_start3A_328 : memref<16x128xf32, #tpu.memory_space<vmem_shared>>) target_semaphore(%arg43 : memref<!tpu.dma_semaphore, #tpu.memory_space<semaphore_mem>>)
    %mul3A_329 = arith.constant 640 : i32
    %mul3A_330 = arith.muli %arg1, %mul3A_329 : i32
    %add3A_331 = arith.constant 0 : i32
    %add3A_332 = arith.addi %mul3A_330, %add3A_331 : i32
    %dma_wait3A = arith.constant 0 : i32
    %dma_wait3A_333 = tpu.memref_slice %arg8[%add3A_332, %dma_wait3A] : memref<10240x128xf32, #tpu.memory_space<vmem_shared>> -> memref<16x128xf32, #tpu.memory_space<vmem_shared>>
    %dma_wait3A_334 = arith.constant 0 : i32
    %dma_wait3A_335 = arith.constant 0 : i32
    %dma_wait3A_336 = tpu.memref_slice %arg3[%dma_wait3A_334, %dma_wait3A_335] : memref<640000x128xf32, #tpu.memory_space<hbm>> -> memref<16x128xf32, #tpu.memory_space<hbm>>
    tpu.wait_dma2 semaphore(%arg43 : memref<!tpu.dma_semaphore, #tpu.memory_space<semaphore_mem>>) src(%dma_wait3A_336 : memref<16x128xf32, #tpu.memory_space<hbm>>) dst(%dma_wait3A_333 : memref<16x128xf32, #tpu.memory_space<vmem_shared>>)
    %mul3A_337 = arith.constant 640 : i32
    %mul3A_338 = arith.muli %arg1, %mul3A_337 : i32
    %add3A_339 = arith.constant 16 : i32
    %add3A_340 = arith.addi %mul3A_338, %add3A_339 : i32
    %dma_wait3A_341 = arith.constant 0 : i32
    %dma_wait3A_342 = tpu.memref_slice %arg8[%add3A_340, %dma_wait3A_341] : memref<10240x128xf32, #tpu.memory_space<vmem_shared>> -> memref<16x128xf32, #tpu.memory_space<vmem_shared>>
    %dma_wait3A_343 = arith.constant 0 : i32
    %dma_wait3A_344 = arith.constant 0 : i32
    %dma_wait3A_345 = tpu.memref_slice %arg3[%dma_wait3A_343, %dma_wait3A_344] : memref<640000x128xf32, #tpu.memory_space<hbm>> -> memref<16x128xf32, #tpu.memory_space<hbm>>
    tpu.wait_dma2 semaphore(%arg43 : memref<!tpu.dma_semaphore, #tpu.memory_space<semaphore_mem>>) src(%dma_wait3A_345 : memref<16x128xf32, #tpu.memory_space<hbm>>) dst(%dma_wait3A_342 : memref<16x128xf32, #tpu.memory_space<vmem_shared>>)
    %mul3A_346 = arith.constant 640 : i32
    %mul3A_347 = arith.muli %arg1, %mul3A_346 : i32
    %add3A_348 = arith.constant 32 : i32
    %add3A_349 = arith.addi %mul3A_347, %add3A_348 : i32
    %dma_wait3A_350 = arith.constant 0 : i32
    %dma_wait3A_351 = tpu.memref_slice %arg8[%add3A_349, %dma_wait3A_350] : memref<10240x128xf32, #tpu.memory_space<vmem_shared>> -> memref<16x128xf32, #tpu.memory_space<vmem_shared>>
    %dma_wait3A_352 = arith.constant 0 : i32
    %dma_wait3A_353 = arith.constant 0 : i32
    %dma_wait3A_354 = tpu.memref_slice %arg3[%dma_wait3A_352, %dma_wait3A_353] : memref<640000x128xf32, #tpu.memory_space<hbm>> -> memref<16x128xf32, #tpu.memory_space<hbm>>
    tpu.wait_dma2 semaphore(%arg43 : memref<!tpu.dma_semaphore, #tpu.memory_space<semaphore_mem>>) src(%dma_wait3A_354 : memref<16x128xf32, #tpu.memory_space<hbm>>) dst(%dma_wait3A_351 : memref<16x128xf32, #tpu.memory_space<vmem_shared>>)
    %mul3A_355 = arith.constant 640 : i32
    %mul3A_356 = arith.muli %arg1, %mul3A_355 : i32
    %add3A_357 = arith.constant 48 : i32
    %add3A_358 = arith.addi %mul3A_356, %add3A_357 : i32
    %dma_wait3A_359 = arith.constant 0 : i32
    %dma_wait3A_360 = tpu.memref_slice %arg8[%add3A_358, %dma_wait3A_359] : memref<10240x128xf32, #tpu.memory_space<vmem_shared>> -> memref<16x128xf32, #tpu.memory_space<vmem_shared>>
    %dma_wait3A_361 = arith.constant 0 : i32
    %dma_wait3A_362 = arith.constant 0 : i32
    %dma_wait3A_363 = tpu.memref_slice %arg3[%dma_wait3A_361, %dma_wait3A_362] : memref<640000x128xf32, #tpu.memory_space<hbm>> -> memref<16x128xf32, #tpu.memory_space<hbm>>
    tpu.wait_dma2 semaphore(%arg43 : memref<!tpu.dma_semaphore, #tpu.memory_space<semaphore_mem>>) src(%dma_wait3A_363 : memref<16x128xf32, #tpu.memory_space<hbm>>) dst(%dma_wait3A_360 : memref<16x128xf32, #tpu.memory_space<vmem_shared>>)
    %mul3A_364 = arith.constant 640 : i32
    %mul3A_365 = arith.muli %arg1, %mul3A_364 : i32
    %add3A_366 = arith.constant 64 : i32
    %add3A_367 = arith.addi %mul3A_365, %add3A_366 : i32
    %dma_wait3A_368 = arith.constant 0 : i32
    %dma_wait3A_369 = tpu.memref_slice %arg8[%add3A_367, %dma_wait3A_368] : memref<10240x128xf32, #tpu.memory_space<vmem_shared>> -> memref<16x128xf32, #tpu.memory_space<vmem_shared>>
    %dma_wait3A_370 = arith.constant 0 : i32
    %dma_wait3A_371 = arith.constant 0 : i32
    %dma_wait3A_372 = tpu.memref_slice %arg3[%dma_wait3A_370, %dma_wait3A_371] : memref<640000x128xf32, #tpu.memory_space<hbm>> -> memref<16x128xf32, #tpu.memory_space<hbm>>
    tpu.wait_dma2 semaphore(%arg43 : memref<!tpu.dma_semaphore, #tpu.memory_space<semaphore_mem>>) src(%dma_wait3A_372 : memref<16x128xf32, #tpu.memory_space<hbm>>) dst(%dma_wait3A_369 : memref<16x128xf32, #tpu.memory_space<vmem_shared>>)
    %mul3A_373 = arith.constant 640 : i32
    %mul3A_374 = arith.muli %arg1, %mul3A_373 : i32
    %add3A_375 = arith.constant 80 : i32
    %add3A_376 = arith.addi %mul3A_374, %add3A_375 : i32
    %dma_wait3A_377 = arith.constant 0 : i32
    %dma_wait3A_378 = tpu.memref_slice %arg8[%add3A_376, %dma_wait3A_377] : memref<10240x128xf32, #tpu.memory_space<vmem_shared>> -> memref<16x128xf32, #tpu.memory_space<vmem_shared>>
    %dma_wait3A_379 = arith.constant 0 : i32
    %dma_wait3A_380 = arith.constant 0 : i32
    %dma_wait3A_381 = tpu.memref_slice %arg3[%dma_wait3A_379, %dma_wait3A_380] : memref<640000x128xf32, #tpu.memory_space<hbm>> -> memref<16x128xf32, #tpu.memory_space<hbm>>
    tpu.wait_dma2 semaphore(%arg43 : memref<!tpu.dma_semaphore, #tpu.memory_space<semaphore_mem>>) src(%dma_wait3A_381 : memref<16x128xf32, #tpu.memory_space<hbm>>) dst(%dma_wait3A_378 : memref<16x128xf32, #tpu.memory_space<vmem_shared>>)
    %mul3A_382 = arith.constant 640 : i32
    %mul3A_383 = arith.muli %arg1, %mul3A_382 : i32
    %add3A_384 = arith.constant 96 : i32
    %add3A_385 = arith.addi %mul3A_383, %add3A_384 : i32
    %dma_wait3A_386 = arith.constant 0 : i32
    %dma_wait3A_387 = tpu.memref_slice %arg8[%add3A_385, %dma_wait3A_386] : memref<10240x128xf32, #tpu.memory_space<vmem_shared>> -> memref<16x128xf32, #tpu.memory_space<vmem_shared>>
    %dma_wait3A_388 = arith.constant 0 : i32
    %dma_wait3A_389 = arith.constant 0 : i32
    %dma_wait3A_390 = tpu.memref_slice %arg3[%dma_wait3A_388, %dma_wait3A_389] : memref<640000x128xf32, #tpu.memory_space<hbm>> -> memref<16x128xf32, #tpu.memory_space<hbm>>
    tpu.wait_dma2 semaphore(%arg43 : memref<!tpu.dma_semaphore, #tpu.memory_space<semaphore_mem>>) src(%dma_wait3A_390 : memref<16x128xf32, #tpu.memory_space<hbm>>) dst(%dma_wait3A_387 : memref<16x128xf32, #tpu.memory_space<vmem_shared>>)
    %mul3A_391 = arith.constant 640 : i32
    %mul3A_392 = arith.muli %arg1, %mul3A_391 : i32
    %add3A_393 = arith.constant 112 : i32
    %add3A_394 = arith.addi %mul3A_392, %add3A_393 : i32
    %dma_wait3A_395 = arith.constant 0 : i32
    %dma_wait3A_396 = tpu.memref_slice %arg8[%add3A_394, %dma_wait3A_395] : memref<10240x128xf32, #tpu.memory_space<vmem_shared>> -> memref<16x128xf32, #tpu.memory_space<vmem_shared>>
    %dma_wait3A_397 = arith.constant 0 : i32
    %dma_wait3A_398 = arith.constant 0 : i32
    %dma_wait3A_399 = tpu.memref_slice %arg3[%dma_wait3A_397, %dma_wait3A_398] : memref<640000x128xf32, #tpu.memory_space<hbm>> -> memref<16x128xf32, #tpu.memory_space<hbm>>
    tpu.wait_dma2 semaphore(%arg43 : memref<!tpu.dma_semaphore, #tpu.memory_space<semaphore_mem>>) src(%dma_wait3A_399 : memref<16x128xf32, #tpu.memory_space<hbm>>) dst(%dma_wait3A_396 : memref<16x128xf32, #tpu.memory_space<vmem_shared>>)
    %mul3A_400 = arith.constant 640 : i32
    %mul3A_401 = arith.muli %arg1, %mul3A_400 : i32
    %add3A_402 = arith.constant 128 : i32
    %add3A_403 = arith.addi %mul3A_401, %add3A_402 : i32
    %dma_wait3A_404 = arith.constant 0 : i32
    %dma_wait3A_405 = tpu.memref_slice %arg8[%add3A_403, %dma_wait3A_404] : memref<10240x128xf32, #tpu.memory_space<vmem_shared>> -> memref<16x128xf32, #tpu.memory_space<vmem_shared>>
    %dma_wait3A_406 = arith.constant 0 : i32
    %dma_wait3A_407 = arith.constant 0 : i32
    %dma_wait3A_408 = tpu.memref_slice %arg3[%dma_wait3A_406, %dma_wait3A_407] : memref<640000x128xf32, #tpu.memory_space<hbm>> -> memref<16x128xf32, #tpu.memory_space<hbm>>
    tpu.wait_dma2 semaphore(%arg43 : memref<!tpu.dma_semaphore, #tpu.memory_space<semaphore_mem>>) src(%dma_wait3A_408 : memref<16x128xf32, #tpu.memory_space<hbm>>) dst(%dma_wait3A_405 : memref<16x128xf32, #tpu.memory_space<vmem_shared>>)
    %mul3A_409 = arith.constant 640 : i32
    %mul3A_410 = arith.muli %arg1, %mul3A_409 : i32
    %add3A_411 = arith.constant 144 : i32
    %add3A_412 = arith.addi %mul3A_410, %add3A_411 : i32
    %dma_wait3A_413 = arith.constant 0 : i32
    %dma_wait3A_414 = tpu.memref_slice %arg8[%add3A_412, %dma_wait3A_413] : memref<10240x128xf32, #tpu.memory_space<vmem_shared>> -> memref<16x128xf32, #tpu.memory_space<vmem_shared>>
    %dma_wait3A_415 = arith.constant 0 : i32
    %dma_wait3A_416 = arith.constant 0 : i32
    %dma_wait3A_417 = tpu.memref_slice %arg3[%dma_wait3A_415, %dma_wait3A_416] : memref<640000x128xf32, #tpu.memory_space<hbm>> -> memref<16x128xf32, #tpu.memory_space<hbm>>
    tpu.wait_dma2 semaphore(%arg43 : memref<!tpu.dma_semaphore, #tpu.memory_space<semaphore_mem>>) src(%dma_wait3A_417 : memref<16x128xf32, #tpu.memory_space<hbm>>) dst(%dma_wait3A_414 : memref<16x128xf32, #tpu.memory_space<vmem_shared>>)
    %mul3A_418 = arith.constant 640 : i32
    %mul3A_419 = arith.muli %arg1, %mul3A_418 : i32
    %add3A_420 = arith.constant 160 : i32
    %add3A_421 = arith.addi %mul3A_419, %add3A_420 : i32
    %dma_wait3A_422 = arith.constant 0 : i32
    %dma_wait3A_423 = tpu.memref_slice %arg8[%add3A_421, %dma_wait3A_422] : memref<10240x128xf32, #tpu.memory_space<vmem_shared>> -> memref<16x128xf32, #tpu.memory_space<vmem_shared>>
    %dma_wait3A_424 = arith.constant 0 : i32
    %dma_wait3A_425 = arith.constant 0 : i32
    %dma_wait3A_426 = tpu.memref_slice %arg3[%dma_wait3A_424, %dma_wait3A_425] : memref<640000x128xf32, #tpu.memory_space<hbm>> -> memref<16x128xf32, #tpu.memory_space<hbm>>
    tpu.wait_dma2 semaphore(%arg43 : memref<!tpu.dma_semaphore, #tpu.memory_space<semaphore_mem>>) src(%dma_wait3A_426 : memref<16x128xf32, #tpu.memory_space<hbm>>) dst(%dma_wait3A_423 : memref<16x128xf32, #tpu.memory_space<vmem_shared>>)
    %mul3A_427 = arith.constant 640 : i32
    %mul3A_428 = arith.muli %arg1, %mul3A_427 : i32
    %add3A_429 = arith.constant 176 : i32
    %add3A_430 = arith.addi %mul3A_428, %add3A_429 : i32
    %dma_wait3A_431 = arith.constant 0 : i32
    %dma_wait3A_432 = tpu.memref_slice %arg8[%add3A_430, %dma_wait3A_431] : memref<10240x128xf32, #tpu.memory_space<vmem_shared>> -> memref<16x128xf32, #tpu.memory_space<vmem_shared>>
    %dma_wait3A_433 = arith.constant 0 : i32
    %dma_wait3A_434 = arith.constant 0 : i32
    %dma_wait3A_435 = tpu.memref_slice %arg3[%dma_wait3A_433, %dma_wait3A_434] : memref<640000x128xf32, #tpu.memory_space<hbm>> -> memref<16x128xf32, #tpu.memory_space<hbm>>
    tpu.wait_dma2 semaphore(%arg43 : memref<!tpu.dma_semaphore, #tpu.memory_space<semaphore_mem>>) src(%dma_wait3A_435 : memref<16x128xf32, #tpu.memory_space<hbm>>) dst(%dma_wait3A_432 : memref<16x128xf32, #tpu.memory_space<vmem_shared>>)
    %mul3A_436 = arith.constant 640 : i32
    %mul3A_437 = arith.muli %arg1, %mul3A_436 : i32
    %add3A_438 = arith.constant 192 : i32
    %add3A_439 = arith.addi %mul3A_437, %add3A_438 : i32
    %dma_wait3A_440 = arith.constant 0 : i32
    %dma_wait3A_441 = tpu.memref_slice %arg8[%add3A_439, %dma_wait3A_440] : memref<10240x128xf32, #tpu.memory_space<vmem_shared>> -> memref<16x128xf32, #tpu.memory_space<vmem_shared>>
    %dma_wait3A_442 = arith.constant 0 : i32
    %dma_wait3A_443 = arith.constant 0 : i32
    %dma_wait3A_444 = tpu.memref_slice %arg3[%dma_wait3A_442, %dma_wait3A_443] : memref<640000x128xf32, #tpu.memory_space<hbm>> -> memref<16x128xf32, #tpu.memory_space<hbm>>
    tpu.wait_dma2 semaphore(%arg43 : memref<!tpu.dma_semaphore, #tpu.memory_space<semaphore_mem>>) src(%dma_wait3A_444 : memref<16x128xf32, #tpu.memory_space<hbm>>) dst(%dma_wait3A_441 : memref<16x128xf32, #tpu.memory_space<vmem_shared>>)
    %mul3A_445 = arith.constant 640 : i32
    %mul3A_446 = arith.muli %arg1, %mul3A_445 : i32
    %add3A_447 = arith.constant 208 : i32
    %add3A_448 = arith.addi %mul3A_446, %add3A_447 : i32
    %dma_wait3A_449 = arith.constant 0 : i32
    %dma_wait3A_450 = tpu.memref_slice %arg8[%add3A_448, %dma_wait3A_449] : memref<10240x128xf32, #tpu.memory_space<vmem_shared>> -> memref<16x128xf32, #tpu.memory_space<vmem_shared>>
    %dma_wait3A_451 = arith.constant 0 : i32
    %dma_wait3A_452 = arith.constant 0 : i32
    %dma_wait3A_453 = tpu.memref_slice %arg3[%dma_wait3A_451, %dma_wait3A_452] : memref<640000x128xf32, #tpu.memory_space<hbm>> -> memref<16x128xf32, #tpu.memory_space<hbm>>
    tpu.wait_dma2 semaphore(%arg43 : memref<!tpu.dma_semaphore, #tpu.memory_space<semaphore_mem>>) src(%dma_wait3A_453 : memref<16x128xf32, #tpu.memory_space<hbm>>) dst(%dma_wait3A_450 : memref<16x128xf32, #tpu.memory_space<vmem_shared>>)
    %mul3A_454 = arith.constant 640 : i32
    %mul3A_455 = arith.muli %arg1, %mul3A_454 : i32
    %add3A_456 = arith.constant 224 : i32
    %add3A_457 = arith.addi %mul3A_455, %add3A_456 : i32
    %dma_wait3A_458 = arith.constant 0 : i32
    %dma_wait3A_459 = tpu.memref_slice %arg8[%add3A_457, %dma_wait3A_458] : memref<10240x128xf32, #tpu.memory_space<vmem_shared>> -> memref<16x128xf32, #tpu.memory_space<vmem_shared>>
    %dma_wait3A_460 = arith.constant 0 : i32
    %dma_wait3A_461 = arith.constant 0 : i32
    %dma_wait3A_462 = tpu.memref_slice %arg3[%dma_wait3A_460, %dma_wait3A_461] : memref<640000x128xf32, #tpu.memory_space<hbm>> -> memref<16x128xf32, #tpu.memory_space<hbm>>
    tpu.wait_dma2 semaphore(%arg43 : memref<!tpu.dma_semaphore, #tpu.memory_space<semaphore_mem>>) src(%dma_wait3A_462 : memref<16x128xf32, #tpu.memory_space<hbm>>) dst(%dma_wait3A_459 : memref<16x128xf32, #tpu.memory_space<vmem_shared>>)
    %mul3A_463 = arith.constant 640 : i32
    %mul3A_464 = arith.muli %arg1, %mul3A_463 : i32
    %add3A_465 = arith.constant 240 : i32
    %add3A_466 = arith.addi %mul3A_464, %add3A_465 : i32
    %dma_wait3A_467 = arith.constant 0 : i32
    %dma_wait3A_468 = tpu.memref_slice %arg8[%add3A_466, %dma_wait3A_467] : memref<10240x128xf32, #tpu.memory_space<vmem_shared>> -> memref<16x128xf32, #tpu.memory_space<vmem_shared>>
    %dma_wait3A_469 = arith.constant 0 : i32
    %dma_wait3A_470 = arith.constant 0 : i32
    %dma_wait3A_471 = tpu.memref_slice %arg3[%dma_wait3A_469, %dma_wait3A_470] : memref<640000x128xf32, #tpu.memory_space<hbm>> -> memref<16x128xf32, #tpu.memory_space<hbm>>
    tpu.wait_dma2 semaphore(%arg43 : memref<!tpu.dma_semaphore, #tpu.memory_space<semaphore_mem>>) src(%dma_wait3A_471 : memref<16x128xf32, #tpu.memory_space<hbm>>) dst(%dma_wait3A_468 : memref<16x128xf32, #tpu.memory_space<vmem_shared>>)
    %mul3A_472 = arith.constant 640 : i32
    %mul3A_473 = arith.muli %arg1, %mul3A_472 : i32
    %add3A_474 = arith.constant 256 : i32
    %add3A_475 = arith.addi %mul3A_473, %add3A_474 : i32
    %dma_wait3A_476 = arith.constant 0 : i32
    %dma_wait3A_477 = tpu.memref_slice %arg8[%add3A_475, %dma_wait3A_476] : memref<10240x128xf32, #tpu.memory_space<vmem_shared>> -> memref<16x128xf32, #tpu.memory_space<vmem_shared>>
    %dma_wait3A_478 = arith.constant 0 : i32
    %dma_wait3A_479 = arith.constant 0 : i32
    %dma_wait3A_480 = tpu.memref_slice %arg3[%dma_wait3A_478, %dma_wait3A_479] : memref<640000x128xf32, #tpu.memory_space<hbm>> -> memref<16x128xf32, #tpu.memory_space<hbm>>
    tpu.wait_dma2 semaphore(%arg43 : memref<!tpu.dma_semaphore, #tpu.memory_space<semaphore_mem>>) src(%dma_wait3A_480 : memref<16x128xf32, #tpu.memory_space<hbm>>) dst(%dma_wait3A_477 : memref<16x128xf32, #tpu.memory_space<vmem_shared>>)
    %mul3A_481 = arith.constant 640 : i32
    %mul3A_482 = arith.muli %arg1, %mul3A_481 : i32
    %add3A_483 = arith.constant 272 : i32
    %add3A_484 = arith.addi %mul3A_482, %add3A_483 : i32
    %dma_wait3A_485 = arith.constant 0 : i32
    %dma_wait3A_486 = tpu.memref_slice %arg8[%add3A_484, %dma_wait3A_485] : memref<10240x128xf32, #tpu.memory_space<vmem_shared>> -> memref<16x128xf32, #tpu.memory_space<vmem_shared>>
    %dma_wait3A_487 = arith.constant 0 : i32
    %dma_wait3A_488 = arith.constant 0 : i32
    %dma_wait3A_489 = tpu.memref_slice %arg3[%dma_wait3A_487, %dma_wait3A_488] : memref<640000x128xf32, #tpu.memory_space<hbm>> -> memref<16x128xf32, #tpu.memory_space<hbm>>
    tpu.wait_dma2 semaphore(%arg43 : memref<!tpu.dma_semaphore, #tpu.memory_space<semaphore_mem>>) src(%dma_wait3A_489 : memref<16x128xf32, #tpu.memory_space<hbm>>) dst(%dma_wait3A_486 : memref<16x128xf32, #tpu.memory_space<vmem_shared>>)
    %mul3A_490 = arith.constant 640 : i32
    %mul3A_491 = arith.muli %arg1, %mul3A_490 : i32
    %add3A_492 = arith.constant 288 : i32
    %add3A_493 = arith.addi %mul3A_491, %add3A_492 : i32
    %dma_wait3A_494 = arith.constant 0 : i32
    %dma_wait3A_495 = tpu.memref_slice %arg8[%add3A_493, %dma_wait3A_494] : memref<10240x128xf32, #tpu.memory_space<vmem_shared>> -> memref<16x128xf32, #tpu.memory_space<vmem_shared>>
    %dma_wait3A_496 = arith.constant 0 : i32
    %dma_wait3A_497 = arith.constant 0 : i32
    %dma_wait3A_498 = tpu.memref_slice %arg3[%dma_wait3A_496, %dma_wait3A_497] : memref<640000x128xf32, #tpu.memory_space<hbm>> -> memref<16x128xf32, #tpu.memory_space<hbm>>
    tpu.wait_dma2 semaphore(%arg43 : memref<!tpu.dma_semaphore, #tpu.memory_space<semaphore_mem>>) src(%dma_wait3A_498 : memref<16x128xf32, #tpu.memory_space<hbm>>) dst(%dma_wait3A_495 : memref<16x128xf32, #tpu.memory_space<vmem_shared>>)
    %mul3A_499 = arith.constant 640 : i32
    %mul3A_500 = arith.muli %arg1, %mul3A_499 : i32
    %add3A_501 = arith.constant 304 : i32
    %add3A_502 = arith.addi %mul3A_500, %add3A_501 : i32
    %dma_wait3A_503 = arith.constant 0 : i32
    %dma_wait3A_504 = tpu.memref_slice %arg8[%add3A_502, %dma_wait3A_503] : memref<10240x128xf32, #tpu.memory_space<vmem_shared>> -> memref<16x128xf32, #tpu.memory_space<vmem_shared>>
    %dma_wait3A_505 = arith.constant 0 : i32
    %dma_wait3A_506 = arith.constant 0 : i32
    %dma_wait3A_507 = tpu.memref_slice %arg3[%dma_wait3A_505, %dma_wait3A_506] : memref<640000x128xf32, #tpu.memory_space<hbm>> -> memref<16x128xf32, #tpu.memory_space<hbm>>
    tpu.wait_dma2 semaphore(%arg43 : memref<!tpu.dma_semaphore, #tpu.memory_space<semaphore_mem>>) src(%dma_wait3A_507 : memref<16x128xf32, #tpu.memory_space<hbm>>) dst(%dma_wait3A_504 : memref<16x128xf32, #tpu.memory_space<vmem_shared>>)
    %mul3A_508 = arith.constant 640 : i32
    %mul3A_509 = arith.muli %arg1, %mul3A_508 : i32
    %add3A_510 = arith.constant 320 : i32
    %add3A_511 = arith.addi %mul3A_509, %add3A_510 : i32
    %dma_wait3A_512 = arith.constant 0 : i32
    %dma_wait3A_513 = tpu.memref_slice %arg8[%add3A_511, %dma_wait3A_512] : memref<10240x128xf32, #tpu.memory_space<vmem_shared>> -> memref<16x128xf32, #tpu.memory_space<vmem_shared>>
    %dma_wait3A_514 = arith.constant 0 : i32
    %dma_wait3A_515 = arith.constant 0 : i32
    %dma_wait3A_516 = tpu.memref_slice %arg3[%dma_wait3A_514, %dma_wait3A_515] : memref<640000x128xf32, #tpu.memory_space<hbm>> -> memref<16x128xf32, #tpu.memory_space<hbm>>
    tpu.wait_dma2 semaphore(%arg43 : memref<!tpu.dma_semaphore, #tpu.memory_space<semaphore_mem>>) src(%dma_wait3A_516 : memref<16x128xf32, #tpu.memory_space<hbm>>) dst(%dma_wait3A_513 : memref<16x128xf32, #tpu.memory_space<vmem_shared>>)
    %mul3A_517 = arith.constant 640 : i32
    %mul3A_518 = arith.muli %arg1, %mul3A_517 : i32
    %add3A_519 = arith.constant 336 : i32
    %add3A_520 = arith.addi %mul3A_518, %add3A_519 : i32
    %dma_wait3A_521 = arith.constant 0 : i32
    %dma_wait3A_522 = tpu.memref_slice %arg8[%add3A_520, %dma_wait3A_521] : memref<10240x128xf32, #tpu.memory_space<vmem_shared>> -> memref<16x128xf32, #tpu.memory_space<vmem_shared>>
    %dma_wait3A_523 = arith.constant 0 : i32
    %dma_wait3A_524 = arith.constant 0 : i32
    %dma_wait3A_525 = tpu.memref_slice %arg3[%dma_wait3A_523, %dma_wait3A_524] : memref<640000x128xf32, #tpu.memory_space<hbm>> -> memref<16x128xf32, #tpu.memory_space<hbm>>
    tpu.wait_dma2 semaphore(%arg43 : memref<!tpu.dma_semaphore, #tpu.memory_space<semaphore_mem>>) src(%dma_wait3A_525 : memref<16x128xf32, #tpu.memory_space<hbm>>) dst(%dma_wait3A_522 : memref<16x128xf32, #tpu.memory_space<vmem_shared>>)
    %mul3A_526 = arith.constant 640 : i32
    %mul3A_527 = arith.muli %arg1, %mul3A_526 : i32
    %add3A_528 = arith.constant 352 : i32
    %add3A_529 = arith.addi %mul3A_527, %add3A_528 : i32
    %dma_wait3A_530 = arith.constant 0 : i32
    %dma_wait3A_531 = tpu.memref_slice %arg8[%add3A_529, %dma_wait3A_530] : memref<10240x128xf32, #tpu.memory_space<vmem_shared>> -> memref<16x128xf32, #tpu.memory_space<vmem_shared>>
    %dma_wait3A_532 = arith.constant 0 : i32
    %dma_wait3A_533 = arith.constant 0 : i32
    %dma_wait3A_534 = tpu.memref_slice %arg3[%dma_wait3A_532, %dma_wait3A_533] : memref<640000x128xf32, #tpu.memory_space<hbm>> -> memref<16x128xf32, #tpu.memory_space<hbm>>
    tpu.wait_dma2 semaphore(%arg43 : memref<!tpu.dma_semaphore, #tpu.memory_space<semaphore_mem>>) src(%dma_wait3A_534 : memref<16x128xf32, #tpu.memory_space<hbm>>) dst(%dma_wait3A_531 : memref<16x128xf32, #tpu.memory_space<vmem_shared>>)
    %mul3A_535 = arith.constant 640 : i32
    %mul3A_536 = arith.muli %arg1, %mul3A_535 : i32
    %add3A_537 = arith.constant 368 : i32
    %add3A_538 = arith.addi %mul3A_536, %add3A_537 : i32
    %dma_wait3A_539 = arith.constant 0 : i32
    %dma_wait3A_540 = tpu.memref_slice %arg8[%add3A_538, %dma_wait3A_539] : memref<10240x128xf32, #tpu.memory_space<vmem_shared>> -> memref<16x128xf32, #tpu.memory_space<vmem_shared>>
    %dma_wait3A_541 = arith.constant 0 : i32
    %dma_wait3A_542 = arith.constant 0 : i32
    %dma_wait3A_543 = tpu.memref_slice %arg3[%dma_wait3A_541, %dma_wait3A_542] : memref<640000x128xf32, #tpu.memory_space<hbm>> -> memref<16x128xf32, #tpu.memory_space<hbm>>
    tpu.wait_dma2 semaphore(%arg43 : memref<!tpu.dma_semaphore, #tpu.memory_space<semaphore_mem>>) src(%dma_wait3A_543 : memref<16x128xf32, #tpu.memory_space<hbm>>) dst(%dma_wait3A_540 : memref<16x128xf32, #tpu.memory_space<vmem_shared>>)
    %mul3A_544 = arith.constant 640 : i32
    %mul3A_545 = arith.muli %arg1, %mul3A_544 : i32
    %add3A_546 = arith.constant 384 : i32
    %add3A_547 = arith.addi %mul3A_545, %add3A_546 : i32
    %dma_wait3A_548 = arith.constant 0 : i32
    %dma_wait3A_549 = tpu.memref_slice %arg8[%add3A_547, %dma_wait3A_548] : memref<10240x128xf32, #tpu.memory_space<vmem_shared>> -> memref<16x128xf32, #tpu.memory_space<vmem_shared>>
    %dma_wait3A_550 = arith.constant 0 : i32
    %dma_wait3A_551 = arith.constant 0 : i32
    %dma_wait3A_552 = tpu.memref_slice %arg3[%dma_wait3A_550, %dma_wait3A_551] : memref<640000x128xf32, #tpu.memory_space<hbm>> -> memref<16x128xf32, #tpu.memory_space<hbm>>
    tpu.wait_dma2 semaphore(%arg43 : memref<!tpu.dma_semaphore, #tpu.memory_space<semaphore_mem>>) src(%dma_wait3A_552 : memref<16x128xf32, #tpu.memory_space<hbm>>) dst(%dma_wait3A_549 : memref<16x128xf32, #tpu.memory_space<vmem_shared>>)
    %mul3A_553 = arith.constant 640 : i32
    %mul3A_554 = arith.muli %arg1, %mul3A_553 : i32
    %add3A_555 = arith.constant 400 : i32
    %add3A_556 = arith.addi %mul3A_554, %add3A_555 : i32
    %dma_wait3A_557 = arith.constant 0 : i32
    %dma_wait3A_558 = tpu.memref_slice %arg8[%add3A_556, %dma_wait3A_557] : memref<10240x128xf32, #tpu.memory_space<vmem_shared>> -> memref<16x128xf32, #tpu.memory_space<vmem_shared>>
    %dma_wait3A_559 = arith.constant 0 : i32
    %dma_wait3A_560 = arith.constant 0 : i32
    %dma_wait3A_561 = tpu.memref_slice %arg3[%dma_wait3A_559, %dma_wait3A_560] : memref<640000x128xf32, #tpu.memory_space<hbm>> -> memref<16x128xf32, #tpu.memory_space<hbm>>
    tpu.wait_dma2 semaphore(%arg43 : memref<!tpu.dma_semaphore, #tpu.memory_space<semaphore_mem>>) src(%dma_wait3A_561 : memref<16x128xf32, #tpu.memory_space<hbm>>) dst(%dma_wait3A_558 : memref<16x128xf32, #tpu.memory_space<vmem_shared>>)
    %mul3A_562 = arith.constant 640 : i32
    %mul3A_563 = arith.muli %arg1, %mul3A_562 : i32
    %add3A_564 = arith.constant 416 : i32
    %add3A_565 = arith.addi %mul3A_563, %add3A_564 : i32
    %dma_wait3A_566 = arith.constant 0 : i32
    %dma_wait3A_567 = tpu.memref_slice %arg8[%add3A_565, %dma_wait3A_566] : memref<10240x128xf32, #tpu.memory_space<vmem_shared>> -> memref<16x128xf32, #tpu.memory_space<vmem_shared>>
    %dma_wait3A_568 = arith.constant 0 : i32
    %dma_wait3A_569 = arith.constant 0 : i32
    %dma_wait3A_570 = tpu.memref_slice %arg3[%dma_wait3A_568, %dma_wait3A_569] : memref<640000x128xf32, #tpu.memory_space<hbm>> -> memref<16x128xf32, #tpu.memory_space<hbm>>
    tpu.wait_dma2 semaphore(%arg43 : memref<!tpu.dma_semaphore, #tpu.memory_space<semaphore_mem>>) src(%dma_wait3A_570 : memref<16x128xf32, #tpu.memory_space<hbm>>) dst(%dma_wait3A_567 : memref<16x128xf32, #tpu.memory_space<vmem_shared>>)
    %mul3A_571 = arith.constant 640 : i32
    %mul3A_572 = arith.muli %arg1, %mul3A_571 : i32
    %add3A_573 = arith.constant 432 : i32
    %add3A_574 = arith.addi %mul3A_572, %add3A_573 : i32
    %dma_wait3A_575 = arith.constant 0 : i32
    %dma_wait3A_576 = tpu.memref_slice %arg8[%add3A_574, %dma_wait3A_575] : memref<10240x128xf32, #tpu.memory_space<vmem_shared>> -> memref<16x128xf32, #tpu.memory_space<vmem_shared>>
    %dma_wait3A_577 = arith.constant 0 : i32
    %dma_wait3A_578 = arith.constant 0 : i32
    %dma_wait3A_579 = tpu.memref_slice %arg3[%dma_wait3A_577, %dma_wait3A_578] : memref<640000x128xf32, #tpu.memory_space<hbm>> -> memref<16x128xf32, #tpu.memory_space<hbm>>
    tpu.wait_dma2 semaphore(%arg43 : memref<!tpu.dma_semaphore, #tpu.memory_space<semaphore_mem>>) src(%dma_wait3A_579 : memref<16x128xf32, #tpu.memory_space<hbm>>) dst(%dma_wait3A_576 : memref<16x128xf32, #tpu.memory_space<vmem_shared>>)
    %mul3A_580 = arith.constant 640 : i32
    %mul3A_581 = arith.muli %arg1, %mul3A_580 : i32
    %add3A_582 = arith.constant 448 : i32
    %add3A_583 = arith.addi %mul3A_581, %add3A_582 : i32
    %dma_wait3A_584 = arith.constant 0 : i32
    %dma_wait3A_585 = tpu.memref_slice %arg8[%add3A_583, %dma_wait3A_584] : memref<10240x128xf32, #tpu.memory_space<vmem_shared>> -> memref<16x128xf32, #tpu.memory_space<vmem_shared>>
    %dma_wait3A_586 = arith.constant 0 : i32
    %dma_wait3A_587 = arith.constant 0 : i32
    %dma_wait3A_588 = tpu.memref_slice %arg3[%dma_wait3A_586, %dma_wait3A_587] : memref<640000x128xf32, #tpu.memory_space<hbm>> -> memref<16x128xf32, #tpu.memory_space<hbm>>
    tpu.wait_dma2 semaphore(%arg43 : memref<!tpu.dma_semaphore, #tpu.memory_space<semaphore_mem>>) src(%dma_wait3A_588 : memref<16x128xf32, #tpu.memory_space<hbm>>) dst(%dma_wait3A_585 : memref<16x128xf32, #tpu.memory_space<vmem_shared>>)
    %mul3A_589 = arith.constant 640 : i32
    %mul3A_590 = arith.muli %arg1, %mul3A_589 : i32
    %add3A_591 = arith.constant 464 : i32
    %add3A_592 = arith.addi %mul3A_590, %add3A_591 : i32
    %dma_wait3A_593 = arith.constant 0 : i32
    %dma_wait3A_594 = tpu.memref_slice %arg8[%add3A_592, %dma_wait3A_593] : memref<10240x128xf32, #tpu.memory_space<vmem_shared>> -> memref<16x128xf32, #tpu.memory_space<vmem_shared>>
    %dma_wait3A_595 = arith.constant 0 : i32
    %dma_wait3A_596 = arith.constant 0 : i32
    %dma_wait3A_597 = tpu.memref_slice %arg3[%dma_wait3A_595, %dma_wait3A_596] : memref<640000x128xf32, #tpu.memory_space<hbm>> -> memref<16x128xf32, #tpu.memory_space<hbm>>
    tpu.wait_dma2 semaphore(%arg43 : memref<!tpu.dma_semaphore, #tpu.memory_space<semaphore_mem>>) src(%dma_wait3A_597 : memref<16x128xf32, #tpu.memory_space<hbm>>) dst(%dma_wait3A_594 : memref<16x128xf32, #tpu.memory_space<vmem_shared>>)
    %mul3A_598 = arith.constant 640 : i32
    %mul3A_599 = arith.muli %arg1, %mul3A_598 : i32
    %add3A_600 = arith.constant 480 : i32
    %add3A_601 = arith.addi %mul3A_599, %add3A_600 : i32
    %dma_wait3A_602 = arith.constant 0 : i32
    %dma_wait3A_603 = tpu.memref_slice %arg8[%add3A_601, %dma_wait3A_602] : memref<10240x128xf32, #tpu.memory_space<vmem_shared>> -> memref<16x128xf32, #tpu.memory_space<vmem_shared>>
    %dma_wait3A_604 = arith.constant 0 : i32
    %dma_wait3A_605 = arith.constant 0 : i32
    %dma_wait3A_606 = tpu.memref_slice %arg3[%dma_wait3A_604, %dma_wait3A_605] : memref<640000x128xf32, #tpu.memory_space<hbm>> -> memref<16x128xf32, #tpu.memory_space<hbm>>
    tpu.wait_dma2 semaphore(%arg43 : memref<!tpu.dma_semaphore, #tpu.memory_space<semaphore_mem>>) src(%dma_wait3A_606 : memref<16x128xf32, #tpu.memory_space<hbm>>) dst(%dma_wait3A_603 : memref<16x128xf32, #tpu.memory_space<vmem_shared>>)
    %mul3A_607 = arith.constant 640 : i32
    %mul3A_608 = arith.muli %arg1, %mul3A_607 : i32
    %add3A_609 = arith.constant 496 : i32
    %add3A_610 = arith.addi %mul3A_608, %add3A_609 : i32
    %dma_wait3A_611 = arith.constant 0 : i32
    %dma_wait3A_612 = tpu.memref_slice %arg8[%add3A_610, %dma_wait3A_611] : memref<10240x128xf32, #tpu.memory_space<vmem_shared>> -> memref<16x128xf32, #tpu.memory_space<vmem_shared>>
    %dma_wait3A_613 = arith.constant 0 : i32
    %dma_wait3A_614 = arith.constant 0 : i32
    %dma_wait3A_615 = tpu.memref_slice %arg3[%dma_wait3A_613, %dma_wait3A_614] : memref<640000x128xf32, #tpu.memory_space<hbm>> -> memref<16x128xf32, #tpu.memory_space<hbm>>
    tpu.wait_dma2 semaphore(%arg43 : memref<!tpu.dma_semaphore, #tpu.memory_space<semaphore_mem>>) src(%dma_wait3A_615 : memref<16x128xf32, #tpu.memory_space<hbm>>) dst(%dma_wait3A_612 : memref<16x128xf32, #tpu.memory_space<vmem_shared>>)
    %mul3A_616 = arith.constant 640 : i32
    %mul3A_617 = arith.muli %arg1, %mul3A_616 : i32
    %add3A_618 = arith.constant 512 : i32
    %add3A_619 = arith.addi %mul3A_617, %add3A_618 : i32
    %dma_wait3A_620 = arith.constant 0 : i32
    %dma_wait3A_621 = tpu.memref_slice %arg8[%add3A_619, %dma_wait3A_620] : memref<10240x128xf32, #tpu.memory_space<vmem_shared>> -> memref<16x128xf32, #tpu.memory_space<vmem_shared>>
    %dma_wait3A_622 = arith.constant 0 : i32
    %dma_wait3A_623 = arith.constant 0 : i32
    %dma_wait3A_624 = tpu.memref_slice %arg3[%dma_wait3A_622, %dma_wait3A_623] : memref<640000x128xf32, #tpu.memory_space<hbm>> -> memref<16x128xf32, #tpu.memory_space<hbm>>
    tpu.wait_dma2 semaphore(%arg43 : memref<!tpu.dma_semaphore, #tpu.memory_space<semaphore_mem>>) src(%dma_wait3A_624 : memref<16x128xf32, #tpu.memory_space<hbm>>) dst(%dma_wait3A_621 : memref<16x128xf32, #tpu.memory_space<vmem_shared>>)
    %mul3A_625 = arith.constant 640 : i32
    %mul3A_626 = arith.muli %arg1, %mul3A_625 : i32
    %add3A_627 = arith.constant 528 : i32
    %add3A_628 = arith.addi %mul3A_626, %add3A_627 : i32
    %dma_wait3A_629 = arith.constant 0 : i32
    %dma_wait3A_630 = tpu.memref_slice %arg8[%add3A_628, %dma_wait3A_629] : memref<10240x128xf32, #tpu.memory_space<vmem_shared>> -> memref<16x128xf32, #tpu.memory_space<vmem_shared>>
    %dma_wait3A_631 = arith.constant 0 : i32
    %dma_wait3A_632 = arith.constant 0 : i32
    %dma_wait3A_633 = tpu.memref_slice %arg3[%dma_wait3A_631, %dma_wait3A_632] : memref<640000x128xf32, #tpu.memory_space<hbm>> -> memref<16x128xf32, #tpu.memory_space<hbm>>
    tpu.wait_dma2 semaphore(%arg43 : memref<!tpu.dma_semaphore, #tpu.memory_space<semaphore_mem>>) src(%dma_wait3A_633 : memref<16x128xf32, #tpu.memory_space<hbm>>) dst(%dma_wait3A_630 : memref<16x128xf32, #tpu.memory_space<vmem_shared>>)
    %mul3A_634 = arith.constant 640 : i32
    %mul3A_635 = arith.muli %arg1, %mul3A_634 : i32
    %add3A_636 = arith.constant 544 : i32
    %add3A_637 = arith.addi %mul3A_635, %add3A_636 : i32
    %dma_wait3A_638 = arith.constant 0 : i32
    %dma_wait3A_639 = tpu.memref_slice %arg8[%add3A_637, %dma_wait3A_638] : memref<10240x128xf32, #tpu.memory_space<vmem_shared>> -> memref<16x128xf32, #tpu.memory_space<vmem_shared>>
    %dma_wait3A_640 = arith.constant 0 : i32
    %dma_wait3A_641 = arith.constant 0 : i32
    %dma_wait3A_642 = tpu.memref_slice %arg3[%dma_wait3A_640, %dma_wait3A_641] : memref<640000x128xf32, #tpu.memory_space<hbm>> -> memref<16x128xf32, #tpu.memory_space<hbm>>
    tpu.wait_dma2 semaphore(%arg43 : memref<!tpu.dma_semaphore, #tpu.memory_space<semaphore_mem>>) src(%dma_wait3A_642 : memref<16x128xf32, #tpu.memory_space<hbm>>) dst(%dma_wait3A_639 : memref<16x128xf32, #tpu.memory_space<vmem_shared>>)
    %mul3A_643 = arith.constant 640 : i32
    %mul3A_644 = arith.muli %arg1, %mul3A_643 : i32
    %add3A_645 = arith.constant 560 : i32
    %add3A_646 = arith.addi %mul3A_644, %add3A_645 : i32
    %dma_wait3A_647 = arith.constant 0 : i32
    %dma_wait3A_648 = tpu.memref_slice %arg8[%add3A_646, %dma_wait3A_647] : memref<10240x128xf32, #tpu.memory_space<vmem_shared>> -> memref<16x128xf32, #tpu.memory_space<vmem_shared>>
    %dma_wait3A_649 = arith.constant 0 : i32
    %dma_wait3A_650 = arith.constant 0 : i32
    %dma_wait3A_651 = tpu.memref_slice %arg3[%dma_wait3A_649, %dma_wait3A_650] : memref<640000x128xf32, #tpu.memory_space<hbm>> -> memref<16x128xf32, #tpu.memory_space<hbm>>
    tpu.wait_dma2 semaphore(%arg43 : memref<!tpu.dma_semaphore, #tpu.memory_space<semaphore_mem>>) src(%dma_wait3A_651 : memref<16x128xf32, #tpu.memory_space<hbm>>) dst(%dma_wait3A_648 : memref<16x128xf32, #tpu.memory_space<vmem_shared>>)
    %mul3A_652 = arith.constant 640 : i32
    %mul3A_653 = arith.muli %arg1, %mul3A_652 : i32
    %add3A_654 = arith.constant 576 : i32
    %add3A_655 = arith.addi %mul3A_653, %add3A_654 : i32
    %dma_wait3A_656 = arith.constant 0 : i32
    %dma_wait3A_657 = tpu.memref_slice %arg8[%add3A_655, %dma_wait3A_656] : memref<10240x128xf32, #tpu.memory_space<vmem_shared>> -> memref<16x128xf32, #tpu.memory_space<vmem_shared>>
    %dma_wait3A_658 = arith.constant 0 : i32
    %dma_wait3A_659 = arith.constant 0 : i32
    %dma_wait3A_660 = tpu.memref_slice %arg3[%dma_wait3A_658, %dma_wait3A_659] : memref<640000x128xf32, #tpu.memory_space<hbm>> -> memref<16x128xf32, #tpu.memory_space<hbm>>
    tpu.wait_dma2 semaphore(%arg43 : memref<!tpu.dma_semaphore, #tpu.memory_space<semaphore_mem>>) src(%dma_wait3A_660 : memref<16x128xf32, #tpu.memory_space<hbm>>) dst(%dma_wait3A_657 : memref<16x128xf32, #tpu.memory_space<vmem_shared>>)
    %mul3A_661 = arith.constant 640 : i32
    %mul3A_662 = arith.muli %arg1, %mul3A_661 : i32
    %add3A_663 = arith.constant 592 : i32
    %add3A_664 = arith.addi %mul3A_662, %add3A_663 : i32
    %dma_wait3A_665 = arith.constant 0 : i32
    %dma_wait3A_666 = tpu.memref_slice %arg8[%add3A_664, %dma_wait3A_665] : memref<10240x128xf32, #tpu.memory_space<vmem_shared>> -> memref<16x128xf32, #tpu.memory_space<vmem_shared>>
    %dma_wait3A_667 = arith.constant 0 : i32
    %dma_wait3A_668 = arith.constant 0 : i32
    %dma_wait3A_669 = tpu.memref_slice %arg3[%dma_wait3A_667, %dma_wait3A_668] : memref<640000x128xf32, #tpu.memory_space<hbm>> -> memref<16x128xf32, #tpu.memory_space<hbm>>
    tpu.wait_dma2 semaphore(%arg43 : memref<!tpu.dma_semaphore, #tpu.memory_space<semaphore_mem>>) src(%dma_wait3A_669 : memref<16x128xf32, #tpu.memory_space<hbm>>) dst(%dma_wait3A_666 : memref<16x128xf32, #tpu.memory_space<vmem_shared>>)
    %mul3A_670 = arith.constant 640 : i32
    %mul3A_671 = arith.muli %arg1, %mul3A_670 : i32
    %add3A_672 = arith.constant 608 : i32
    %add3A_673 = arith.addi %mul3A_671, %add3A_672 : i32
    %dma_wait3A_674 = arith.constant 0 : i32
    %dma_wait3A_675 = tpu.memref_slice %arg8[%add3A_673, %dma_wait3A_674] : memref<10240x128xf32, #tpu.memory_space<vmem_shared>> -> memref<16x128xf32, #tpu.memory_space<vmem_shared>>
    %dma_wait3A_676 = arith.constant 0 : i32
    %dma_wait3A_677 = arith.constant 0 : i32
    %dma_wait3A_678 = tpu.memref_slice %arg3[%dma_wait3A_676, %dma_wait3A_677] : memref<640000x128xf32, #tpu.memory_space<hbm>> -> memref<16x128xf32, #tpu.memory_space<hbm>>
    tpu.wait_dma2 semaphore(%arg43 : memref<!tpu.dma_semaphore, #tpu.memory_space<semaphore_mem>>) src(%dma_wait3A_678 : memref<16x128xf32, #tpu.memory_space<hbm>>) dst(%dma_wait3A_675 : memref<16x128xf32, #tpu.memory_space<vmem_shared>>)
    %mul3A_679 = arith.constant 640 : i32
    %mul3A_680 = arith.muli %arg1, %mul3A_679 : i32
    %add3A_681 = arith.constant 624 : i32
    %add3A_682 = arith.addi %mul3A_680, %add3A_681 : i32
    %dma_wait3A_683 = arith.constant 0 : i32
    %dma_wait3A_684 = tpu.memref_slice %arg8[%add3A_682, %dma_wait3A_683] : memref<10240x128xf32, #tpu.memory_space<vmem_shared>> -> memref<16x128xf32, #tpu.memory_space<vmem_shared>>
    %dma_wait3A_685 = arith.constant 0 : i32
    %dma_wait3A_686 = arith.constant 0 : i32
    %dma_wait3A_687 = tpu.memref_slice %arg3[%dma_wait3A_685, %dma_wait3A_686] : memref<640000x128xf32, #tpu.memory_space<hbm>> -> memref<16x128xf32, #tpu.memory_space<hbm>>
    tpu.wait_dma2 semaphore(%arg43 : memref<!tpu.dma_semaphore, #tpu.memory_space<semaphore_mem>>) src(%dma_wait3A_687 : memref<16x128xf32, #tpu.memory_space<hbm>>) dst(%dma_wait3A_684 : memref<16x128xf32, #tpu.memory_space<vmem_shared>>)
    %barrier3A = arith.constant 0 : index
    tpu.barrier barrier_id(%barrier3A)
    %add3A_688 = arith.constant 0 : i32
    %add3A_689 = arith.addi %mul3A_4, %add3A_688 : i32
    %dma_start3A_690 = tpu.memref_slice %arg5[%add3A_689] : memref<320000xi32, #tpu.memory_space<hbm>> -> memref<16xi32, #tpu.memory_space<hbm>>
    %dma_start3A_691 = tpu.memref_slice %arg5[%add3A_689] : memref<320000xi32, #tpu.memory_space<hbm>> -> memref<16xi32, #tpu.memory_space<hbm>>
    tpu.enqueue_dma source(%dma_start3A_691 : memref<16xi32, #tpu.memory_space<hbm>>) target(%arg9 : memref<16xi32, #tpu.memory_space<vmem>>) target_semaphore(%arg37 : memref<!tpu.dma_semaphore, #tpu.memory_space<semaphore_mem>>)
    %dma_start3A_692 = tpu.memref_slice %arg6[%add3A_689] : memref<320000xi32, #tpu.memory_space<hbm>> -> memref<16xi32, #tpu.memory_space<hbm>>
    %dma_start3A_693 = tpu.memref_slice %arg6[%add3A_689] : memref<320000xi32, #tpu.memory_space<hbm>> -> memref<16xi32, #tpu.memory_space<hbm>>
    tpu.enqueue_dma source(%dma_start3A_693 : memref<16xi32, #tpu.memory_space<hbm>>) target(%arg10 : memref<16xi32, #tpu.memory_space<vmem>>) target_semaphore(%arg37 : memref<!tpu.dma_semaphore, #tpu.memory_space<semaphore_mem>>)
    %dma_start3A_694 = arith.constant 0 : i32
    %dma_start3A_695 = tpu.memref_slice %arg4[%add3A_689, %dma_start3A_694] : memref<320000x48xf32, #tpu.memory_space<hbm>> -> memref<16x48xf32, #tpu.memory_space<hbm>>
    %dma_start3A_696 = arith.constant 0 : i32
    %dma_start3A_697 = tpu.memref_slice %arg4[%add3A_689, %dma_start3A_696] : memref<320000x48xf32, #tpu.memory_space<hbm>> -> memref<16x48xf32, #tpu.memory_space<hbm>>
    tpu.enqueue_dma source(%dma_start3A_697 : memref<16x48xf32, #tpu.memory_space<hbm>>) target(%arg11 : memref<16x48xf32, #tpu.memory_space<vmem>>) target_semaphore(%arg37 : memref<!tpu.dma_semaphore, #tpu.memory_space<semaphore_mem>>)
    %add3A_698 = arith.addi %mul3A_2, %add3A_689 : i32
    %dma_start3A_699 = arith.constant 0 : i32
    %dma_start3A_700 = tpu.memref_slice %arg3[%add3A_698, %dma_start3A_699] : memref<640000x128xf32, #tpu.memory_space<hbm>> -> memref<16x128xf32, #tpu.memory_space<hbm>>
    %dma_start3A_701 = arith.constant 0 : i32
    %dma_start3A_702 = tpu.memref_slice %arg3[%add3A_698, %dma_start3A_701] : memref<640000x128xf32, #tpu.memory_space<hbm>> -> memref<16x128xf32, #tpu.memory_space<hbm>>
    tpu.enqueue_dma source(%dma_start3A_702 : memref<16x128xf32, #tpu.memory_space<hbm>>) target(%arg12 : memref<16x128xf32, #tpu.memory_space<vmem>>) target_semaphore(%arg37 : memref<!tpu.dma_semaphore, #tpu.memory_space<semaphore_mem>>)
    %add3A_703 = arith.constant 16 : i32
    %add3A_704 = arith.addi %mul3A_4, %add3A_703 : i32
    %dma_start3A_705 = tpu.memref_slice %arg5[%add3A_704] : memref<320000xi32, #tpu.memory_space<hbm>> -> memref<16xi32, #tpu.memory_space<hbm>>
    %dma_start3A_706 = tpu.memref_slice %arg5[%add3A_704] : memref<320000xi32, #tpu.memory_space<hbm>> -> memref<16xi32, #tpu.memory_space<hbm>>
    tpu.enqueue_dma source(%dma_start3A_706 : memref<16xi32, #tpu.memory_space<hbm>>) target(%arg13 : memref<16xi32, #tpu.memory_space<vmem>>) target_semaphore(%arg38 : memref<!tpu.dma_semaphore, #tpu.memory_space<semaphore_mem>>)
    %dma_start3A_707 = tpu.memref_slice %arg6[%add3A_704] : memref<320000xi32, #tpu.memory_space<hbm>> -> memref<16xi32, #tpu.memory_space<hbm>>
    %dma_start3A_708 = tpu.memref_slice %arg6[%add3A_704] : memref<320000xi32, #tpu.memory_space<hbm>> -> memref<16xi32, #tpu.memory_space<hbm>>
    tpu.enqueue_dma source(%dma_start3A_708 : memref<16xi32, #tpu.memory_space<hbm>>) target(%arg14 : memref<16xi32, #tpu.memory_space<vmem>>) target_semaphore(%arg38 : memref<!tpu.dma_semaphore, #tpu.memory_space<semaphore_mem>>)
    %dma_start3A_709 = arith.constant 0 : i32
    %dma_start3A_710 = tpu.memref_slice %arg4[%add3A_704, %dma_start3A_709] : memref<320000x48xf32, #tpu.memory_space<hbm>> -> memref<16x48xf32, #tpu.memory_space<hbm>>
    %dma_start3A_711 = arith.constant 0 : i32
    %dma_start3A_712 = tpu.memref_slice %arg4[%add3A_704, %dma_start3A_711] : memref<320000x48xf32, #tpu.memory_space<hbm>> -> memref<16x48xf32, #tpu.memory_space<hbm>>
    tpu.enqueue_dma source(%dma_start3A_712 : memref<16x48xf32, #tpu.memory_space<hbm>>) target(%arg15 : memref<16x48xf32, #tpu.memory_space<vmem>>) target_semaphore(%arg38 : memref<!tpu.dma_semaphore, #tpu.memory_space<semaphore_mem>>)
    %add3A_713 = arith.addi %mul3A_2, %add3A_704 : i32
    %dma_start3A_714 = arith.constant 0 : i32
    %dma_start3A_715 = tpu.memref_slice %arg3[%add3A_713, %dma_start3A_714] : memref<640000x128xf32, #tpu.memory_space<hbm>> -> memref<16x128xf32, #tpu.memory_space<hbm>>
    %dma_start3A_716 = arith.constant 0 : i32
    %dma_start3A_717 = tpu.memref_slice %arg3[%add3A_713, %dma_start3A_716] : memref<640000x128xf32, #tpu.memory_space<hbm>> -> memref<16x128xf32, #tpu.memory_space<hbm>>
    tpu.enqueue_dma source(%dma_start3A_717 : memref<16x128xf32, #tpu.memory_space<hbm>>) target(%arg16 : memref<16x128xf32, #tpu.memory_space<vmem>>) target_semaphore(%arg38 : memref<!tpu.dma_semaphore, #tpu.memory_space<semaphore_mem>>)
    %add3A_718 = arith.constant 32 : i32
    %add3A_719 = arith.addi %mul3A_4, %add3A_718 : i32
    %dma_start3A_720 = tpu.memref_slice %arg5[%add3A_719] : memref<320000xi32, #tpu.memory_space<hbm>> -> memref<16xi32, #tpu.memory_space<hbm>>
    %dma_start3A_721 = tpu.memref_slice %arg5[%add3A_719] : memref<320000xi32, #tpu.memory_space<hbm>> -> memref<16xi32, #tpu.memory_space<hbm>>
    tpu.enqueue_dma source(%dma_start3A_721 : memref<16xi32, #tpu.memory_space<hbm>>) target(%arg17 : memref<16xi32, #tpu.memory_space<vmem>>) target_semaphore(%arg39 : memref<!tpu.dma_semaphore, #tpu.memory_space<semaphore_mem>>)
    %dma_start3A_722 = tpu.memref_slice %arg6[%add3A_719] : memref<320000xi32, #tpu.memory_space<hbm>> -> memref<16xi32, #tpu.memory_space<hbm>>
    %dma_start3A_723 = tpu.memref_slice %arg6[%add3A_719] : memref<320000xi32, #tpu.memory_space<hbm>> -> memref<16xi32, #tpu.memory_space<hbm>>
    tpu.enqueue_dma source(%dma_start3A_723 : memref<16xi32, #tpu.memory_space<hbm>>) target(%arg18 : memref<16xi32, #tpu.memory_space<vmem>>) target_semaphore(%arg39 : memref<!tpu.dma_semaphore, #tpu.memory_space<semaphore_mem>>)
    %dma_start3A_724 = arith.constant 0 : i32
    %dma_start3A_725 = tpu.memref_slice %arg4[%add3A_719, %dma_start3A_724] : memref<320000x48xf32, #tpu.memory_space<hbm>> -> memref<16x48xf32, #tpu.memory_space<hbm>>
    %dma_start3A_726 = arith.constant 0 : i32
    %dma_start3A_727 = tpu.memref_slice %arg4[%add3A_719, %dma_start3A_726] : memref<320000x48xf32, #tpu.memory_space<hbm>> -> memref<16x48xf32, #tpu.memory_space<hbm>>
    tpu.enqueue_dma source(%dma_start3A_727 : memref<16x48xf32, #tpu.memory_space<hbm>>) target(%arg19 : memref<16x48xf32, #tpu.memory_space<vmem>>) target_semaphore(%arg39 : memref<!tpu.dma_semaphore, #tpu.memory_space<semaphore_mem>>)
    %add3A_728 = arith.addi %mul3A_2, %add3A_719 : i32
    %dma_start3A_729 = arith.constant 0 : i32
    %dma_start3A_730 = tpu.memref_slice %arg3[%add3A_728, %dma_start3A_729] : memref<640000x128xf32, #tpu.memory_space<hbm>> -> memref<16x128xf32, #tpu.memory_space<hbm>>
    %dma_start3A_731 = arith.constant 0 : i32
    %dma_start3A_732 = tpu.memref_slice %arg3[%add3A_728, %dma_start3A_731] : memref<640000x128xf32, #tpu.memory_space<hbm>> -> memref<16x128xf32, #tpu.memory_space<hbm>>
    tpu.enqueue_dma source(%dma_start3A_732 : memref<16x128xf32, #tpu.memory_space<hbm>>) target(%arg20 : memref<16x128xf32, #tpu.memory_space<vmem>>) target_semaphore(%arg39 : memref<!tpu.dma_semaphore, #tpu.memory_space<semaphore_mem>>)
    %add3A_733 = arith.constant 48 : i32
    %add3A_734 = arith.addi %mul3A_4, %add3A_733 : i32
    %dma_start3A_735 = tpu.memref_slice %arg5[%add3A_734] : memref<320000xi32, #tpu.memory_space<hbm>> -> memref<16xi32, #tpu.memory_space<hbm>>
    %dma_start3A_736 = tpu.memref_slice %arg5[%add3A_734] : memref<320000xi32, #tpu.memory_space<hbm>> -> memref<16xi32, #tpu.memory_space<hbm>>
    tpu.enqueue_dma source(%dma_start3A_736 : memref<16xi32, #tpu.memory_space<hbm>>) target(%arg21 : memref<16xi32, #tpu.memory_space<vmem>>) target_semaphore(%arg40 : memref<!tpu.dma_semaphore, #tpu.memory_space<semaphore_mem>>)
    %dma_start3A_737 = tpu.memref_slice %arg6[%add3A_734] : memref<320000xi32, #tpu.memory_space<hbm>> -> memref<16xi32, #tpu.memory_space<hbm>>
    %dma_start3A_738 = tpu.memref_slice %arg6[%add3A_734] : memref<320000xi32, #tpu.memory_space<hbm>> -> memref<16xi32, #tpu.memory_space<hbm>>
    tpu.enqueue_dma source(%dma_start3A_738 : memref<16xi32, #tpu.memory_space<hbm>>) target(%arg22 : memref<16xi32, #tpu.memory_space<vmem>>) target_semaphore(%arg40 : memref<!tpu.dma_semaphore, #tpu.memory_space<semaphore_mem>>)
    %dma_start3A_739 = arith.constant 0 : i32
    %dma_start3A_740 = tpu.memref_slice %arg4[%add3A_734, %dma_start3A_739] : memref<320000x48xf32, #tpu.memory_space<hbm>> -> memref<16x48xf32, #tpu.memory_space<hbm>>
    %dma_start3A_741 = arith.constant 0 : i32
    %dma_start3A_742 = tpu.memref_slice %arg4[%add3A_734, %dma_start3A_741] : memref<320000x48xf32, #tpu.memory_space<hbm>> -> memref<16x48xf32, #tpu.memory_space<hbm>>
    tpu.enqueue_dma source(%dma_start3A_742 : memref<16x48xf32, #tpu.memory_space<hbm>>) target(%arg23 : memref<16x48xf32, #tpu.memory_space<vmem>>) target_semaphore(%arg40 : memref<!tpu.dma_semaphore, #tpu.memory_space<semaphore_mem>>)
    %add3A_743 = arith.addi %mul3A_2, %add3A_734 : i32
    %dma_start3A_744 = arith.constant 0 : i32
    %dma_start3A_745 = tpu.memref_slice %arg3[%add3A_743, %dma_start3A_744] : memref<640000x128xf32, #tpu.memory_space<hbm>> -> memref<16x128xf32, #tpu.memory_space<hbm>>
    %dma_start3A_746 = arith.constant 0 : i32
    %dma_start3A_747 = tpu.memref_slice %arg3[%add3A_743, %dma_start3A_746] : memref<640000x128xf32, #tpu.memory_space<hbm>> -> memref<16x128xf32, #tpu.memory_space<hbm>>
    tpu.enqueue_dma source(%dma_start3A_747 : memref<16x128xf32, #tpu.memory_space<hbm>>) target(%arg24 : memref<16x128xf32, #tpu.memory_space<vmem>>) target_semaphore(%arg40 : memref<!tpu.dma_semaphore, #tpu.memory_space<semaphore_mem>>)
    %dma_wait3A_748 = arith.constant 0 : i32
    %dma_wait3A_749 = tpu.memref_slice %arg5[%dma_wait3A_748] : memref<320000xi32, #tpu.memory_space<hbm>> -> memref<16xi32, #tpu.memory_space<hbm>>
    %dma_wait3A_750 = arith.constant 0 : i32
    %dma_wait3A_751 = tpu.memref_slice %arg5[%dma_wait3A_750] : memref<320000xi32, #tpu.memory_space<hbm>> -> memref<16xi32, #tpu.memory_space<hbm>>
    tpu.wait_dma2 semaphore(%arg37 : memref<!tpu.dma_semaphore, #tpu.memory_space<semaphore_mem>>) src(%dma_wait3A_751 : memref<16xi32, #tpu.memory_space<hbm>>) dst(%arg9 : memref<16xi32, #tpu.memory_space<vmem>>)
    %dma_wait3A_752 = arith.constant 0 : i32
    %dma_wait3A_753 = tpu.memref_slice %arg6[%dma_wait3A_752] : memref<320000xi32, #tpu.memory_space<hbm>> -> memref<16xi32, #tpu.memory_space<hbm>>
    %dma_wait3A_754 = arith.constant 0 : i32
    %dma_wait3A_755 = tpu.memref_slice %arg6[%dma_wait3A_754] : memref<320000xi32, #tpu.memory_space<hbm>> -> memref<16xi32, #tpu.memory_space<hbm>>
    tpu.wait_dma2 semaphore(%arg37 : memref<!tpu.dma_semaphore, #tpu.memory_space<semaphore_mem>>) src(%dma_wait3A_755 : memref<16xi32, #tpu.memory_space<hbm>>) dst(%arg10 : memref<16xi32, #tpu.memory_space<vmem>>)
    %dma_wait3A_756 = arith.constant 0 : i32
    %dma_wait3A_757 = arith.constant 0 : i32
    %dma_wait3A_758 = tpu.memref_slice %arg4[%dma_wait3A_756, %dma_wait3A_757] : memref<320000x48xf32, #tpu.memory_space<hbm>> -> memref<16x48xf32, #tpu.memory_space<hbm>>
    %dma_wait3A_759 = arith.constant 0 : i32
    %dma_wait3A_760 = arith.constant 0 : i32
    %dma_wait3A_761 = tpu.memref_slice %arg4[%dma_wait3A_759, %dma_wait3A_760] : memref<320000x48xf32, #tpu.memory_space<hbm>> -> memref<16x48xf32, #tpu.memory_space<hbm>>
    tpu.wait_dma2 semaphore(%arg37 : memref<!tpu.dma_semaphore, #tpu.memory_space<semaphore_mem>>) src(%dma_wait3A_761 : memref<16x48xf32, #tpu.memory_space<hbm>>) dst(%arg11 : memref<16x48xf32, #tpu.memory_space<vmem>>)
    %dma_wait3A_762 = arith.constant 0 : i32
    %dma_wait3A_763 = arith.constant 0 : i32
    %dma_wait3A_764 = tpu.memref_slice %arg3[%dma_wait3A_762, %dma_wait3A_763] : memref<640000x128xf32, #tpu.memory_space<hbm>> -> memref<16x128xf32, #tpu.memory_space<hbm>>
    %dma_wait3A_765 = arith.constant 0 : i32
    %dma_wait3A_766 = arith.constant 0 : i32
    %dma_wait3A_767 = tpu.memref_slice %arg3[%dma_wait3A_765, %dma_wait3A_766] : memref<640000x128xf32, #tpu.memory_space<hbm>> -> memref<16x128xf32, #tpu.memory_space<hbm>>
    tpu.wait_dma2 semaphore(%arg37 : memref<!tpu.dma_semaphore, #tpu.memory_space<semaphore_mem>>) src(%dma_wait3A_767 : memref<16x128xf32, #tpu.memory_space<hbm>>) dst(%arg12 : memref<16x128xf32, #tpu.memory_space<vmem>>)
    %get3A = arith.constant 0 : index
    %get3A_768 = tpu.vector_load %arg10[%get3A] {strides = array<i32>} : memref<16xi32, #tpu.memory_space<vmem>>, vector<16xi32>,
    %get3A_769 = vector.shape_cast %get3A_768 : vector<16xi32> to vector<16xi32>
    %add3A_770 = vector.broadcast %mul3A_0 : i32 to vector<16xi32>
    %add3A_771 = arith.addi %get3A_769, %add3A_770 : vector<16xi32>
    %swap3A = arith.constant 0 : index
    %swap3A_772 = tpu.vector_load %arg26[%swap3A] {strides = array<i32>} : memref<16xi32, #tpu.memory_space<vmem>>, vector<16xi32>,
    %swap3A_773 = vector.shape_cast %swap3A_772 : vector<16xi32> to vector<16xi32>
    %swap3A_774 = vector.shape_cast %add3A_771 : vector<16xi32> to vector<16xi32>
    tpu.vector_store %arg26[%swap3A], %swap3A_774 {strides = array<i32>} : memref<16xi32, #tpu.memory_space<vmem>>, vector<16xi32>,
    %get3A_775 = arith.constant 0 : index
    %get3A_776 = tpu.vector_load %arg9[%get3A_775] {strides = array<i32>} : memref<16xi32, #tpu.memory_space<vmem>>, vector<16xi32>,
    %get3A_777 = vector.shape_cast %get3A_776 : vector<16xi32> to vector<16xi32>
    %add3A_778 = vector.broadcast %mul3A_0 : i32 to vector<16xi32>
    %add3A_779 = arith.addi %get3A_777, %add3A_778 : vector<16xi32>
    %swap3A_780 = arith.constant 0 : index
    %swap3A_781 = tpu.vector_load %arg25[%swap3A_780] {strides = array<i32>} : memref<16xi32, #tpu.memory_space<vmem>>, vector<16xi32>,
    %swap3A_782 = vector.shape_cast %swap3A_781 : vector<16xi32> to vector<16xi32>
    %swap3A_783 = vector.shape_cast %add3A_779 : vector<16xi32> to vector<16xi32>
    tpu.vector_store %arg25[%swap3A_780], %swap3A_783 {strides = array<i32>} : memref<16xi32, #tpu.memory_space<vmem>>, vector<16xi32>,
    %dma_start3A_784 = arith.constant 0 : i32
    %dma_start3A_785 = arith.constant 0 : i32
    %dma_start3A_786 = tpu.memref_slice %arg2[%dma_start3A_784, %dma_start3A_785] : memref<20000x384xf32, #tpu.memory_space<hbm>> -> memref<20000x384xf32, #tpu.memory_space<hbm>>
    tpu.enqueue_indirect_dma source(%dma_start3A_786 : memref<20000x384xf32, #tpu.memory_space<hbm>>) target(%arg27 : memref<16x384xf32, #tpu.memory_space<vmem>>) offsets(%arg26 : memref<16xi32, #tpu.memory_space<vmem>>) semaphore(%arg41 : memref<!tpu.dma_semaphore, #tpu.memory_space<semaphore_mem>>)
    %dma_start3A_787 = arith.constant 0 : i32
    %dma_start3A_788 = arith.constant 0 : i32
    %dma_start3A_789 = tpu.memref_slice %arg2[%dma_start3A_787, %dma_start3A_788] : memref<20000x384xf32, #tpu.memory_space<hbm>> -> memref<20000x384xf32, #tpu.memory_space<hbm>>
    tpu.enqueue_indirect_dma source(%dma_start3A_789 : memref<20000x384xf32, #tpu.memory_space<hbm>>) target(%arg28 : memref<16x384xf32, #tpu.memory_space<vmem>>) offsets(%arg25 : memref<16xi32, #tpu.memory_space<vmem>>) semaphore(%arg41 : memref<!tpu.dma_semaphore, #tpu.memory_space<semaphore_mem>>)
    %dma_wait3A_790 = arith.constant 0 : i32
    %dma_wait3A_791 = tpu.memref_slice %arg5[%dma_wait3A_790] : memref<320000xi32, #tpu.memory_space<hbm>> -> memref<16xi32, #tpu.memory_space<hbm>>
    %dma_wait3A_792 = arith.constant 0 : i32
    %dma_wait3A_793 = tpu.memref_slice %arg5[%dma_wait3A_792] : memref<320000xi32, #tpu.memory_space<hbm>> -> memref<16xi32, #tpu.memory_space<hbm>>
    tpu.wait_dma2 semaphore(%arg38 : memref<!tpu.dma_semaphore, #tpu.memory_space<semaphore_mem>>) src(%dma_wait3A_793 : memref<16xi32, #tpu.memory_space<hbm>>) dst(%arg13 : memref<16xi32, #tpu.memory_space<vmem>>)
    %dma_wait3A_794 = arith.constant 0 : i32
    %dma_wait3A_795 = tpu.memref_slice %arg6[%dma_wait3A_794] : memref<320000xi32, #tpu.memory_space<hbm>> -> memref<16xi32, #tpu.memory_space<hbm>>
    %dma_wait3A_796 = arith.constant 0 : i32
    %dma_wait3A_797 = tpu.memref_slice %arg6[%dma_wait3A_796] : memref<320000xi32, #tpu.memory_space<hbm>> -> memref<16xi32, #tpu.memory_space<hbm>>
    tpu.wait_dma2 semaphore(%arg38 : memref<!tpu.dma_semaphore, #tpu.memory_space<semaphore_mem>>) src(%dma_wait3A_797 : memref<16xi32, #tpu.memory_space<hbm>>) dst(%arg14 : memref<16xi32, #tpu.memory_space<vmem>>)
    %dma_wait3A_798 = arith.constant 0 : i32
    %dma_wait3A_799 = arith.constant 0 : i32
    %dma_wait3A_800 = tpu.memref_slice %arg4[%dma_wait3A_798, %dma_wait3A_799] : memref<320000x48xf32, #tpu.memory_space<hbm>> -> memref<16x48xf32, #tpu.memory_space<hbm>>
    %dma_wait3A_801 = arith.constant 0 : i32
    %dma_wait3A_802 = arith.constant 0 : i32
    %dma_wait3A_803 = tpu.memref_slice %arg4[%dma_wait3A_801, %dma_wait3A_802] : memref<320000x48xf32, #tpu.memory_space<hbm>> -> memref<16x48xf32, #tpu.memory_space<hbm>>
    tpu.wait_dma2 semaphore(%arg38 : memref<!tpu.dma_semaphore, #tpu.memory_space<semaphore_mem>>) src(%dma_wait3A_803 : memref<16x48xf32, #tpu.memory_space<hbm>>) dst(%arg15 : memref<16x48xf32, #tpu.memory_space<vmem>>)
    %dma_wait3A_804 = arith.constant 0 : i32
    %dma_wait3A_805 = arith.constant 0 : i32
    %dma_wait3A_806 = tpu.memref_slice %arg3[%dma_wait3A_804, %dma_wait3A_805] : memref<640000x128xf32, #tpu.memory_space<hbm>> -> memref<16x128xf32, #tpu.memory_space<hbm>>
    %dma_wait3A_807 = arith.constant 0 : i32
    %dma_wait3A_808 = arith.constant 0 : i32
    %dma_wait3A_809 = tpu.memref_slice %arg3[%dma_wait3A_807, %dma_wait3A_808] : memref<640000x128xf32, #tpu.memory_space<hbm>> -> memref<16x128xf32, #tpu.memory_space<hbm>>
    tpu.wait_dma2 semaphore(%arg38 : memref<!tpu.dma_semaphore, #tpu.memory_space<semaphore_mem>>) src(%dma_wait3A_809 : memref<16x128xf32, #tpu.memory_space<hbm>>) dst(%arg16 : memref<16x128xf32, #tpu.memory_space<vmem>>)
    %get3A_810 = arith.constant 0 : index
    %get3A_811 = tpu.vector_load %arg14[%get3A_810] {strides = array<i32>} : memref<16xi32, #tpu.memory_space<vmem>>, vector<16xi32>,
    %get3A_812 = vector.shape_cast %get3A_811 : vector<16xi32> to vector<16xi32>
    %add3A_813 = vector.broadcast %mul3A_0 : i32 to vector<16xi32>
    %add3A_814 = arith.addi %get3A_812, %add3A_813 : vector<16xi32>
    %swap3A_815 = arith.constant 0 : index
    %swap3A_816 = tpu.vector_load %arg32[%swap3A_815] {strides = array<i32>} : memref<16xi32, #tpu.memory_space<vmem>>, vector<16xi32>,
    %swap3A_817 = vector.shape_cast %swap3A_816 : vector<16xi32> to vector<16xi32>
    %swap3A_818 = vector.shape_cast %add3A_814 : vector<16xi32> to vector<16xi32>
    tpu.vector_store %arg32[%swap3A_815], %swap3A_818 {strides = array<i32>} : memref<16xi32, #tpu.memory_space<vmem>>, vector<16xi32>,
    %get3A_819 = arith.constant 0 : index
    %get3A_820 = tpu.vector_load %arg13[%get3A_819] {strides = array<i32>} : memref<16xi32, #tpu.memory_space<vmem>>, vector<16xi32>,
    %get3A_821 = vector.shape_cast %get3A_820 : vector<16xi32> to vector<16xi32>
    %add3A_822 = vector.broadcast %mul3A_0 : i32 to vector<16xi32>
    %add3A_823 = arith.addi %get3A_821, %add3A_822 : vector<16xi32>
    %swap3A_824 = arith.constant 0 : index
    %swap3A_825 = tpu.vector_load %arg31[%swap3A_824] {strides = array<i32>} : memref<16xi32, #tpu.memory_space<vmem>>, vector<16xi32>,
    %swap3A_826 = vector.shape_cast %swap3A_825 : vector<16xi32> to vector<16xi32>
    %swap3A_827 = vector.shape_cast %add3A_823 : vector<16xi32> to vector<16xi32>
    tpu.vector_store %arg31[%swap3A_824], %swap3A_827 {strides = array<i32>} : memref<16xi32, #tpu.memory_space<vmem>>, vector<16xi32>,
    %dma_start3A_828 = arith.constant 0 : i32
    %dma_start3A_829 = arith.constant 0 : i32
    %dma_start3A_830 = tpu.memref_slice %arg2[%dma_start3A_828, %dma_start3A_829] : memref<20000x384xf32, #tpu.memory_space<hbm>> -> memref<20000x384xf32, #tpu.memory_space<hbm>>
    tpu.enqueue_indirect_dma source(%dma_start3A_830 : memref<20000x384xf32, #tpu.memory_space<hbm>>) target(%arg33 : memref<16x384xf32, #tpu.memory_space<vmem>>) offsets(%arg32 : memref<16xi32, #tpu.memory_space<vmem>>) semaphore(%arg42 : memref<!tpu.dma_semaphore, #tpu.memory_space<semaphore_mem>>)
    %dma_start3A_831 = arith.constant 0 : i32
    %dma_start3A_832 = arith.constant 0 : i32
    %dma_start3A_833 = tpu.memref_slice %arg2[%dma_start3A_831, %dma_start3A_832] : memref<20000x384xf32, #tpu.memory_space<hbm>> -> memref<20000x384xf32, #tpu.memory_space<hbm>>
    tpu.enqueue_indirect_dma source(%dma_start3A_833 : memref<20000x384xf32, #tpu.memory_space<hbm>>) target(%arg34 : memref<16x384xf32, #tpu.memory_space<vmem>>) offsets(%arg31 : memref<16xi32, #tpu.memory_space<vmem>>) semaphore(%arg42 : memref<!tpu.dma_semaphore, #tpu.memory_space<semaphore_mem>>)
    %scan3A_834 = arith.constant 0 : i32
    %scan3A_835 = arith.constant 0 : i32
    %scan3A_836 = arith.constant 313 : i32
    %scan3A_837 = arith.addi %scan3A_835, %scan3A_836 : i32
    %scan3A_838 = arith.constant 1 : i32
    scf.for %scan3A_860 = %scan3A_835 to %scan3A_837 step %scan3A_838  : i32 {
      %mul3A_861 = arith.constant 4 : i32
      %mul3A_862 = arith.muli %scan3A_860, %mul3A_861 : i32
      %add3A_863 = arith.constant 0 : i32
      %add3A_864 = arith.addi %mul3A_862, %add3A_863 : i32
      %lt3A = arith.constant 1250 : i32
      %lt3A_865 = arith.cmpi slt, %add3A_864, %lt3A : i32
      %convert_element_type3A = arith.extui %lt3A_865 : i1 to i32
      %cond3A = arith.constant 0 : i32
      %cond3A_866 = arith.cmpi ne, %convert_element_type3A, %cond3A : i32
      scf.if %cond3A_866 {
        %dma_wait3A_888 = arith.constant 0 : i32
        %dma_wait3A_889 = arith.constant 0 : i32
        %dma_wait3A_890 = tpu.memref_slice %arg2[%dma_wait3A_888, %dma_wait3A_889] : memref<20000x384xf32, #tpu.memory_space<hbm>> -> memref<16x384xf32, #tpu.memory_space<hbm>>
        %dma_wait3A_891 = arith.constant 0 : i32
        %dma_wait3A_892 = arith.constant 0 : i32
        %dma_wait3A_893 = tpu.memref_slice %arg2[%dma_wait3A_891, %dma_wait3A_892] : memref<20000x384xf32, #tpu.memory_space<hbm>> -> memref<16x384xf32, #tpu.memory_space<hbm>>
        tpu.wait_dma2 semaphore(%arg41 : memref<!tpu.dma_semaphore, #tpu.memory_space<semaphore_mem>>) src(%dma_wait3A_893 : memref<16x384xf32, #tpu.memory_space<hbm>>) dst(%arg27 : memref<16x384xf32, #tpu.memory_space<vmem>>)
        %dma_wait3A_894 = arith.constant 0 : i32
        %dma_wait3A_895 = arith.constant 0 : i32
        %dma_wait3A_896 = tpu.memref_slice %arg2[%dma_wait3A_894, %dma_wait3A_895] : memref<20000x384xf32, #tpu.memory_space<hbm>> -> memref<16x384xf32, #tpu.memory_space<hbm>>
        %dma_wait3A_897 = arith.constant 0 : i32
        %dma_wait3A_898 = arith.constant 0 : i32
        %dma_wait3A_899 = tpu.memref_slice %arg2[%dma_wait3A_897, %dma_wait3A_898] : memref<20000x384xf32, #tpu.memory_space<hbm>> -> memref<16x384xf32, #tpu.memory_space<hbm>>
        tpu.wait_dma2 semaphore(%arg41 : memref<!tpu.dma_semaphore, #tpu.memory_space<semaphore_mem>>) src(%dma_wait3A_899 : memref<16x384xf32, #tpu.memory_space<hbm>>) dst(%arg28 : memref<16x384xf32, #tpu.memory_space<vmem>>)
        %ge3A = arith.constant 2 : i32
        %ge3A_900 = arith.cmpi sge, %add3A_864, %ge3A : i32
        %convert_element_type3A_901 = arith.extui %ge3A_900 : i1 to i32
        %cond3A_902 = arith.constant 0 : i32
        %cond3A_903 = arith.cmpi ne, %convert_element_type3A_901, %cond3A_902 : i32
        scf.if %cond3A_903 {
          %dma_wait3A_934 = arith.constant 0 : i32
          %dma_wait3A_935 = arith.constant 0 : i32
          %dma_wait3A_936 = tpu.memref_slice %arg3[%dma_wait3A_934, %dma_wait3A_935] : memref<640000x128xf32, #tpu.memory_space<hbm>> -> memref<16x128xf32, #tpu.memory_space<hbm>>
          %dma_wait3A_937 = arith.constant 0 : i32
          %dma_wait3A_938 = arith.constant 0 : i32
          %dma_wait3A_939 = tpu.memref_slice %arg3[%dma_wait3A_937, %dma_wait3A_938] : memref<640000x128xf32, #tpu.memory_space<hbm>> -> memref<16x128xf32, #tpu.memory_space<hbm>>
          tpu.wait_dma2 semaphore(%arg43 : memref<!tpu.dma_semaphore, #tpu.memory_space<semaphore_mem>>) src(%dma_wait3A_939 : memref<16x128xf32, #tpu.memory_space<hbm>>) dst(%arg30 : memref<16x128xf32, #tpu.memory_space<vmem>>)
        } else {
        }
        %scan3A_904 = arith.constant 0 : i32
        %scan3A_905 = arith.constant 0 : i32
        %scan3A_906 = arith.constant 16 : i32
        %scan3A_907 = arith.addi %scan3A_905, %scan3A_906 : i32
        %scan3A_908 = arith.constant 1 : i32
        scf.for %scan3A_934 = %scan3A_905 to %scan3A_907 step %scan3A_908  : i32 {
          %get3A_935 = arith.index_cast %scan3A_934 : i32 to index
          %get3A_936 = arith.constant 0 : index
          %get3A_937 = tpu.vector_load %arg11[%get3A_935, %get3A_936] {strides = array<i32>} : memref<16x48xf32, #tpu.memory_space<vmem>>, vector<1x16xf32>,
          %get3A_938 = vector.shape_cast %get3A_937 : vector<1x16xf32> to vector<16xf32>
          %get3A_939 = arith.index_cast %scan3A_934 : i32 to index
          %get3A_940 = arith.constant 16 : index
          %get3A_941 = tpu.vector_load %arg11[%get3A_939, %get3A_940] {strides = array<i32>} : memref<16x48xf32, #tpu.memory_space<vmem>>, vector<1x16xf32>,
          %get3A_942 = vector.shape_cast %get3A_941 : vector<1x16xf32> to vector<16xf32>
          %get3A_943 = arith.index_cast %scan3A_934 : i32 to index
          %get3A_944 = arith.constant 32 : index
          %get3A_945 = tpu.vector_load %arg11[%get3A_943, %get3A_944] {strides = array<i32>} : memref<16x48xf32, #tpu.memory_space<vmem>>, vector<1x16xf32>,
          %get3A_946 = vector.shape_cast %get3A_945 : vector<1x16xf32> to vector<16xf32>
          %get3A_947 = arith.index_cast %scan3A_934 : i32 to index
          %get3A_948 = arith.constant 0 : index
          %get3A_949 = tpu.vector_load %arg27[%get3A_947, %get3A_948] {strides = array<i32>} : memref<16x384xf32, #tpu.memory_space<vmem>>, vector<1x16xf32>,
          %get3A_950 = vector.shape_cast %get3A_949 : vector<1x16xf32> to vector<16xf32>
          %get3A_951 = arith.index_cast %scan3A_934 : i32 to index
          %get3A_952 = arith.constant 128 : index
          %get3A_953 = tpu.vector_load %arg27[%get3A_951, %get3A_952] {strides = array<i32>} : memref<16x384xf32, #tpu.memory_space<vmem>>, vector<1x16xf32>,
          %get3A_954 = vector.shape_cast %get3A_953 : vector<1x16xf32> to vector<16xf32>
          %get3A_955 = arith.index_cast %scan3A_934 : i32 to index
          %get3A_956 = arith.constant 256 : index
          %get3A_957 = tpu.vector_load %arg27[%get3A_955, %get3A_956] {strides = array<i32>} : memref<16x384xf32, #tpu.memory_space<vmem>>, vector<1x16xf32>,
          %get3A_958 = vector.shape_cast %get3A_957 : vector<1x16xf32> to vector<16xf32>
          %get3A_959 = arith.index_cast %scan3A_934 : i32 to index
          %get3A_960 = arith.constant 0 : index
          %get3A_961 = tpu.vector_load %arg28[%get3A_959, %get3A_960] {strides = array<i32>} : memref<16x384xf32, #tpu.memory_space<vmem>>, vector<1x16xf32>,
          %get3A_962 = vector.shape_cast %get3A_961 : vector<1x16xf32> to vector<16xf32>
          %get3A_963 = arith.index_cast %scan3A_934 : i32 to index
          %get3A_964 = arith.constant 128 : index
          %get3A_965 = tpu.vector_load %arg28[%get3A_963, %get3A_964] {strides = array<i32>} : memref<16x384xf32, #tpu.memory_space<vmem>>, vector<1x16xf32>,
          %get3A_966 = vector.shape_cast %get3A_965 : vector<1x16xf32> to vector<16xf32>
          %get3A_967 = arith.index_cast %scan3A_934 : i32 to index
          %get3A_968 = arith.constant 256 : index
          %get3A_969 = tpu.vector_load %arg28[%get3A_967, %get3A_968] {strides = array<i32>} : memref<16x384xf32, #tpu.memory_space<vmem>>, vector<1x16xf32>,
          %get3A_970 = vector.shape_cast %get3A_969 : vector<1x16xf32> to vector<16xf32>
          %get3A_971 = arith.index_cast %scan3A_934 : i32 to index
          %get3A_972 = arith.constant 0 : index
          %get3A_973 = tpu.vector_load %arg12[%get3A_971, %get3A_972] {strides = array<i32>} : memref<16x128xf32, #tpu.memory_space<vmem>>, vector<1x16xf32>,
          %get3A_974 = vector.shape_cast %get3A_973 : vector<1x16xf32> to vector<16xf32>
          %mul3A_975 = arith.mulf %get3A_962, %get3A_950 : vector<16xf32>
          %mul3A_976 = arith.mulf %get3A_966, %get3A_954 : vector<16xf32>
          %add3A_977 = arith.addf %mul3A_975, %mul3A_976 : vector<16xf32>
          %mul3A_978 = arith.mulf %get3A_970, %get3A_958 : vector<16xf32>
          %add3A_979 = arith.addf %add3A_977, %mul3A_978 : vector<16xf32>
          %mul3A_980 = arith.mulf %get3A_938, %get3A_950 : vector<16xf32>
          %mul3A_981 = arith.mulf %get3A_942, %get3A_954 : vector<16xf32>
          %add3A_982 = arith.addf %mul3A_980, %mul3A_981 : vector<16xf32>
          %mul3A_983 = arith.mulf %get3A_946, %get3A_958 : vector<16xf32>
          %add3A_984 = arith.addf %add3A_982, %mul3A_983 : vector<16xf32>
          %mul3A_985 = arith.mulf %get3A_938, %get3A_962 : vector<16xf32>
          %mul3A_986 = arith.mulf %get3A_942, %get3A_966 : vector<16xf32>
          %add3A_987 = arith.addf %mul3A_985, %mul3A_986 : vector<16xf32>
          %mul3A_988 = arith.mulf %get3A_946, %get3A_970 : vector<16xf32>
          %add3A_989 = arith.addf %add3A_987, %mul3A_988 : vector<16xf32>
          %mul3A_990 = arith.mulf %add3A_989, %add3A_984 : vector<16xf32>
          %sub3A = arith.subf %add3A_979, %mul3A_990 : vector<16xf32>
          %mul3A_991 = arith.mulf %get3A_974, %sub3A : vector<16xf32>
          %swap3A_992 = arith.index_cast %scan3A_934 : i32 to index
          %swap3A_993 = arith.constant 0 : index
          %swap3A_994 = tpu.vector_load %arg30[%swap3A_992, %swap3A_993] {strides = array<i32>} : memref<16x128xf32, #tpu.memory_space<vmem>>, vector<1x16xf32>,
          %swap3A_995 = vector.shape_cast %swap3A_994 : vector<1x16xf32> to vector<16xf32>
          %swap3A_996 = vector.shape_cast %mul3A_991 : vector<16xf32> to vector<1x16xf32>
          tpu.vector_store %arg30[%swap3A_992, %swap3A_993], %swap3A_996 {strides = array<i32>} : memref<16x128xf32, #tpu.memory_space<vmem>>, vector<1x16xf32>,
          %get3A_997 = arith.index_cast %scan3A_934 : i32 to index
          %get3A_998 = arith.constant 16 : index
          %get3A_999 = tpu.vector_load %arg27[%get3A_997, %get3A_998] {strides = array<i32>} : memref<16x384xf32, #tpu.memory_space<vmem>>, vector<1x16xf32>,
          %get3A_1000 = vector.shape_cast %get3A_999 : vector<1x16xf32> to vector<16xf32>
          %get3A_1001 = arith.index_cast %scan3A_934 : i32 to index
          %get3A_1002 = arith.constant 144 : index
          %get3A_1003 = tpu.vector_load %arg27[%get3A_1001, %get3A_1002] {strides = array<i32>} : memref<16x384xf32, #tpu.memory_space<vmem>>, vector<1x16xf32>,
          %get3A_1004 = vector.shape_cast %get3A_1003 : vector<1x16xf32> to vector<16xf32>
          %get3A_1005 = arith.index_cast %scan3A_934 : i32 to index
          %get3A_1006 = arith.constant 272 : index
          %get3A_1007 = tpu.vector_load %arg27[%get3A_1005, %get3A_1006] {strides = array<i32>} : memref<16x384xf32, #tpu.memory_space<vmem>>, vector<1x16xf32>,
          %get3A_1008 = vector.shape_cast %get3A_1007 : vector<1x16xf32> to vector<16xf32>
          %get3A_1009 = arith.index_cast %scan3A_934 : i32 to index
          %get3A_1010 = arith.constant 16 : index
          %get3A_1011 = tpu.vector_load %arg28[%get3A_1009, %get3A_1010] {strides = array<i32>} : memref<16x384xf32, #tpu.memory_space<vmem>>, vector<1x16xf32>,
          %get3A_1012 = vector.shape_cast %get3A_1011 : vector<1x16xf32> to vector<16xf32>
          %get3A_1013 = arith.index_cast %scan3A_934 : i32 to index
          %get3A_1014 = arith.constant 144 : index
          %get3A_1015 = tpu.vector_load %arg28[%get3A_1013, %get3A_1014] {strides = array<i32>} : memref<16x384xf32, #tpu.memory_space<vmem>>, vector<1x16xf32>,
          %get3A_1016 = vector.shape_cast %get3A_1015 : vector<1x16xf32> to vector<16xf32>
          %get3A_1017 = arith.index_cast %scan3A_934 : i32 to index
          %get3A_1018 = arith.constant 272 : index
          %get3A_1019 = tpu.vector_load %arg28[%get3A_1017, %get3A_1018] {strides = array<i32>} : memref<16x384xf32, #tpu.memory_space<vmem>>, vector<1x16xf32>,
          %get3A_1020 = vector.shape_cast %get3A_1019 : vector<1x16xf32> to vector<16xf32>
          %get3A_1021 = arith.index_cast %scan3A_934 : i32 to index
          %get3A_1022 = arith.constant 16 : index
          %get3A_1023 = tpu.vector_load %arg12[%get3A_1021, %get3A_1022] {strides = array<i32>} : memref<16x128xf32, #tpu.memory_space<vmem>>, vector<1x16xf32>,
          %get3A_1024 = vector.shape_cast %get3A_1023 : vector<1x16xf32> to vector<16xf32>
          %mul3A_1025 = arith.mulf %get3A_1012, %get3A_1000 : vector<16xf32>
          %mul3A_1026 = arith.mulf %get3A_1016, %get3A_1004 : vector<16xf32>
          %add3A_1027 = arith.addf %mul3A_1025, %mul3A_1026 : vector<16xf32>
          %mul3A_1028 = arith.mulf %get3A_1020, %get3A_1008 : vector<16xf32>
          %add3A_1029 = arith.addf %add3A_1027, %mul3A_1028 : vector<16xf32>
          %mul3A_1030 = arith.mulf %get3A_938, %get3A_1000 : vector<16xf32>
          %mul3A_1031 = arith.mulf %get3A_942, %get3A_1004 : vector<16xf32>
          %add3A_1032 = arith.addf %mul3A_1030, %mul3A_1031 : vector<16xf32>
          %mul3A_1033 = arith.mulf %get3A_946, %get3A_1008 : vector<16xf32>
          %add3A_1034 = arith.addf %add3A_1032, %mul3A_1033 : vector<16xf32>
          %mul3A_1035 = arith.mulf %get3A_938, %get3A_1012 : vector<16xf32>
          %mul3A_1036 = arith.mulf %get3A_942, %get3A_1016 : vector<16xf32>
          %add3A_1037 = arith.addf %mul3A_1035, %mul3A_1036 : vector<16xf32>
          %mul3A_1038 = arith.mulf %get3A_946, %get3A_1020 : vector<16xf32>
          %add3A_1039 = arith.addf %add3A_1037, %mul3A_1038 : vector<16xf32>
          %mul3A_1040 = arith.mulf %add3A_1039, %add3A_1034 : vector<16xf32>
          %sub3A_1041 = arith.subf %add3A_1029, %mul3A_1040 : vector<16xf32>
          %mul3A_1042 = arith.mulf %get3A_1024, %sub3A_1041 : vector<16xf32>
          %swap3A_1043 = arith.index_cast %scan3A_934 : i32 to index
          %swap3A_1044 = arith.constant 16 : index
          %swap3A_1045 = tpu.vector_load %arg30[%swap3A_1043, %swap3A_1044] {strides = array<i32>} : memref<16x128xf32, #tpu.memory_space<vmem>>, vector<1x16xf32>,
          %swap3A_1046 = vector.shape_cast %swap3A_1045 : vector<1x16xf32> to vector<16xf32>
          %swap3A_1047 = vector.shape_cast %mul3A_1042 : vector<16xf32> to vector<1x16xf32>
          tpu.vector_store %arg30[%swap3A_1043, %swap3A_1044], %swap3A_1047 {strides = array<i32>} : memref<16x128xf32, #tpu.memory_space<vmem>>, vector<1x16xf32>,
          %get3A_1048 = arith.index_cast %scan3A_934 : i32 to index
          %get3A_1049 = arith.constant 32 : index
          %get3A_1050 = tpu.vector_load %arg27[%get3A_1048, %get3A_1049] {strides = array<i32>} : memref<16x384xf32, #tpu.memory_space<vmem>>, vector<1x16xf32>,
          %get3A_1051 = vector.shape_cast %get3A_1050 : vector<1x16xf32> to vector<16xf32>
          %get3A_1052 = arith.index_cast %scan3A_934 : i32 to index
          %get3A_1053 = arith.constant 160 : index
          %get3A_1054 = tpu.vector_load %arg27[%get3A_1052, %get3A_1053] {strides = array<i32>} : memref<16x384xf32, #tpu.memory_space<vmem>>, vector<1x16xf32>,
          %get3A_1055 = vector.shape_cast %get3A_1054 : vector<1x16xf32> to vector<16xf32>
          %get3A_1056 = arith.index_cast %scan3A_934 : i32 to index
          %get3A_1057 = arith.constant 288 : index
          %get3A_1058 = tpu.vector_load %arg27[%get3A_1056, %get3A_1057] {strides = array<i32>} : memref<16x384xf32, #tpu.memory_space<vmem>>, vector<1x16xf32>,
          %get3A_1059 = vector.shape_cast %get3A_1058 : vector<1x16xf32> to vector<16xf32>
          %get3A_1060 = arith.index_cast %scan3A_934 : i32 to index
          %get3A_1061 = arith.constant 32 : index
          %get3A_1062 = tpu.vector_load %arg28[%get3A_1060, %get3A_1061] {strides = array<i32>} : memref<16x384xf32, #tpu.memory_space<vmem>>, vector<1x16xf32>,
          %get3A_1063 = vector.shape_cast %get3A_1062 : vector<1x16xf32> to vector<16xf32>
          %get3A_1064 = arith.index_cast %scan3A_934 : i32 to index
          %get3A_1065 = arith.constant 160 : index
          %get3A_1066 = tpu.vector_load %arg28[%get3A_1064, %get3A_1065] {strides = array<i32>} : memref<16x384xf32, #tpu.memory_space<vmem>>, vector<1x16xf32>,
          %get3A_1067 = vector.shape_cast %get3A_1066 : vector<1x16xf32> to vector<16xf32>
          %get3A_1068 = arith.index_cast %scan3A_934 : i32 to index
          %get3A_1069 = arith.constant 288 : index
          %get3A_1070 = tpu.vector_load %arg28[%get3A_1068, %get3A_1069] {strides = array<i32>} : memref<16x384xf32, #tpu.memory_space<vmem>>, vector<1x16xf32>,
          %get3A_1071 = vector.shape_cast %get3A_1070 : vector<1x16xf32> to vector<16xf32>
          %get3A_1072 = arith.index_cast %scan3A_934 : i32 to index
          %get3A_1073 = arith.constant 32 : index
          %get3A_1074 = tpu.vector_load %arg12[%get3A_1072, %get3A_1073] {strides = array<i32>} : memref<16x128xf32, #tpu.memory_space<vmem>>, vector<1x16xf32>,
          %get3A_1075 = vector.shape_cast %get3A_1074 : vector<1x16xf32> to vector<16xf32>
          %mul3A_1076 = arith.mulf %get3A_1063, %get3A_1051 : vector<16xf32>
          %mul3A_1077 = arith.mulf %get3A_1067, %get3A_1055 : vector<16xf32>
          %add3A_1078 = arith.addf %mul3A_1076, %mul3A_1077 : vector<16xf32>
          %mul3A_1079 = arith.mulf %get3A_1071, %get3A_1059 : vector<16xf32>
          %add3A_1080 = arith.addf %add3A_1078, %mul3A_1079 : vector<16xf32>
          %mul3A_1081 = arith.mulf %get3A_938, %get3A_1051 : vector<16xf32>
          %mul3A_1082 = arith.mulf %get3A_942, %get3A_1055 : vector<16xf32>
          %add3A_1083 = arith.addf %mul3A_1081, %mul3A_1082 : vector<16xf32>
          %mul3A_1084 = arith.mulf %get3A_946, %get3A_1059 : vector<16xf32>
          %add3A_1085 = arith.addf %add3A_1083, %mul3A_1084 : vector<16xf32>
          %mul3A_1086 = arith.mulf %get3A_938, %get3A_1063 : vector<16xf32>
          %mul3A_1087 = arith.mulf %get3A_942, %get3A_1067 : vector<16xf32>
          %add3A_1088 = arith.addf %mul3A_1086, %mul3A_1087 : vector<16xf32>
          %mul3A_1089 = arith.mulf %get3A_946, %get3A_1071 : vector<16xf32>
          %add3A_1090 = arith.addf %add3A_1088, %mul3A_1089 : vector<16xf32>
          %mul3A_1091 = arith.mulf %add3A_1090, %add3A_1085 : vector<16xf32>
          %sub3A_1092 = arith.subf %add3A_1080, %mul3A_1091 : vector<16xf32>
          %mul3A_1093 = arith.mulf %get3A_1075, %sub3A_1092 : vector<16xf32>
          %swap3A_1094 = arith.index_cast %scan3A_934 : i32 to index
          %swap3A_1095 = arith.constant 32 : index
          %swap3A_1096 = tpu.vector_load %arg30[%swap3A_1094, %swap3A_1095] {strides = array<i32>} : memref<16x128xf32, #tpu.memory_space<vmem>>, vector<1x16xf32>,
          %swap3A_1097 = vector.shape_cast %swap3A_1096 : vector<1x16xf32> to vector<16xf32>
          %swap3A_1098 = vector.shape_cast %mul3A_1093 : vector<16xf32> to vector<1x16xf32>
          tpu.vector_store %arg30[%swap3A_1094, %swap3A_1095], %swap3A_1098 {strides = array<i32>} : memref<16x128xf32, #tpu.memory_space<vmem>>, vector<1x16xf32>,
          %get3A_1099 = arith.index_cast %scan3A_934 : i32 to index
          %get3A_1100 = arith.constant 48 : index
          %get3A_1101 = tpu.vector_load %arg27[%get3A_1099, %get3A_1100] {strides = array<i32>} : memref<16x384xf32, #tpu.memory_space<vmem>>, vector<1x16xf32>,
          %get3A_1102 = vector.shape_cast %get3A_1101 : vector<1x16xf32> to vector<16xf32>
          %get3A_1103 = arith.index_cast %scan3A_934 : i32 to index
          %get3A_1104 = arith.constant 176 : index
          %get3A_1105 = tpu.vector_load %arg27[%get3A_1103, %get3A_1104] {strides = array<i32>} : memref<16x384xf32, #tpu.memory_space<vmem>>, vector<1x16xf32>,
          %get3A_1106 = vector.shape_cast %get3A_1105 : vector<1x16xf32> to vector<16xf32>
          %get3A_1107 = arith.index_cast %scan3A_934 : i32 to index
          %get3A_1108 = arith.constant 304 : index
          %get3A_1109 = tpu.vector_load %arg27[%get3A_1107, %get3A_1108] {strides = array<i32>} : memref<16x384xf32, #tpu.memory_space<vmem>>, vector<1x16xf32>,
          %get3A_1110 = vector.shape_cast %get3A_1109 : vector<1x16xf32> to vector<16xf32>
          %get3A_1111 = arith.index_cast %scan3A_934 : i32 to index
          %get3A_1112 = arith.constant 48 : index
          %get3A_1113 = tpu.vector_load %arg28[%get3A_1111, %get3A_1112] {strides = array<i32>} : memref<16x384xf32, #tpu.memory_space<vmem>>, vector<1x16xf32>,
          %get3A_1114 = vector.shape_cast %get3A_1113 : vector<1x16xf32> to vector<16xf32>
          %get3A_1115 = arith.index_cast %scan3A_934 : i32 to index
          %get3A_1116 = arith.constant 176 : index
          %get3A_1117 = tpu.vector_load %arg28[%get3A_1115, %get3A_1116] {strides = array<i32>} : memref<16x384xf32, #tpu.memory_space<vmem>>, vector<1x16xf32>,
          %get3A_1118 = vector.shape_cast %get3A_1117 : vector<1x16xf32> to vector<16xf32>
          %get3A_1119 = arith.index_cast %scan3A_934 : i32 to index
          %get3A_1120 = arith.constant 304 : index
          %get3A_1121 = tpu.vector_load %arg28[%get3A_1119, %get3A_1120] {strides = array<i32>} : memref<16x384xf32, #tpu.memory_space<vmem>>, vector<1x16xf32>,
          %get3A_1122 = vector.shape_cast %get3A_1121 : vector<1x16xf32> to vector<16xf32>
          %get3A_1123 = arith.index_cast %scan3A_934 : i32 to index
          %get3A_1124 = arith.constant 48 : index
          %get3A_1125 = tpu.vector_load %arg12[%get3A_1123, %get3A_1124] {strides = array<i32>} : memref<16x128xf32, #tpu.memory_space<vmem>>, vector<1x16xf32>,
          %get3A_1126 = vector.shape_cast %get3A_1125 : vector<1x16xf32> to vector<16xf32>
          %mul3A_1127 = arith.mulf %get3A_1114, %get3A_1102 : vector<16xf32>
          %mul3A_1128 = arith.mulf %get3A_1118, %get3A_1106 : vector<16xf32>
          %add3A_1129 = arith.addf %mul3A_1127, %mul3A_1128 : vector<16xf32>
          %mul3A_1130 = arith.mulf %get3A_1122, %get3A_1110 : vector<16xf32>
          %add3A_1131 = arith.addf %add3A_1129, %mul3A_1130 : vector<16xf32>
          %mul3A_1132 = arith.mulf %get3A_938, %get3A_1102 : vector<16xf32>
          %mul3A_1133 = arith.mulf %get3A_942, %get3A_1106 : vector<16xf32>
          %add3A_1134 = arith.addf %mul3A_1132, %mul3A_1133 : vector<16xf32>
          %mul3A_1135 = arith.mulf %get3A_946, %get3A_1110 : vector<16xf32>
          %add3A_1136 = arith.addf %add3A_1134, %mul3A_1135 : vector<16xf32>
          %mul3A_1137 = arith.mulf %get3A_938, %get3A_1114 : vector<16xf32>
          %mul3A_1138 = arith.mulf %get3A_942, %get3A_1118 : vector<16xf32>
          %add3A_1139 = arith.addf %mul3A_1137, %mul3A_1138 : vector<16xf32>
          %mul3A_1140 = arith.mulf %get3A_946, %get3A_1122 : vector<16xf32>
          %add3A_1141 = arith.addf %add3A_1139, %mul3A_1140 : vector<16xf32>
          %mul3A_1142 = arith.mulf %add3A_1141, %add3A_1136 : vector<16xf32>
          %sub3A_1143 = arith.subf %add3A_1131, %mul3A_1142 : vector<16xf32>
          %mul3A_1144 = arith.mulf %get3A_1126, %sub3A_1143 : vector<16xf32>
          %swap3A_1145 = arith.index_cast %scan3A_934 : i32 to index
          %swap3A_1146 = arith.constant 48 : index
          %swap3A_1147 = tpu.vector_load %arg30[%swap3A_1145, %swap3A_1146] {strides = array<i32>} : memref<16x128xf32, #tpu.memory_space<vmem>>, vector<1x16xf32>,
          %swap3A_1148 = vector.shape_cast %swap3A_1147 : vector<1x16xf32> to vector<16xf32>
          %swap3A_1149 = vector.shape_cast %mul3A_1144 : vector<16xf32> to vector<1x16xf32>
          tpu.vector_store %arg30[%swap3A_1145, %swap3A_1146], %swap3A_1149 {strides = array<i32>} : memref<16x128xf32, #tpu.memory_space<vmem>>, vector<1x16xf32>,
          %get3A_1150 = arith.index_cast %scan3A_934 : i32 to index
          %get3A_1151 = arith.constant 64 : index
          %get3A_1152 = tpu.vector_load %arg27[%get3A_1150, %get3A_1151] {strides = array<i32>} : memref<16x384xf32, #tpu.memory_space<vmem>>, vector<1x16xf32>,
          %get3A_1153 = vector.shape_cast %get3A_1152 : vector<1x16xf32> to vector<16xf32>
          %get3A_1154 = arith.index_cast %scan3A_934 : i32 to index
          %get3A_1155 = arith.constant 192 : index
          %get3A_1156 = tpu.vector_load %arg27[%get3A_1154, %get3A_1155] {strides = array<i32>} : memref<16x384xf32, #tpu.memory_space<vmem>>, vector<1x16xf32>,
          %get3A_1157 = vector.shape_cast %get3A_1156 : vector<1x16xf32> to vector<16xf32>
          %get3A_1158 = arith.index_cast %scan3A_934 : i32 to index
          %get3A_1159 = arith.constant 320 : index
          %get3A_1160 = tpu.vector_load %arg27[%get3A_1158, %get3A_1159] {strides = array<i32>} : memref<16x384xf32, #tpu.memory_space<vmem>>, vector<1x16xf32>,
          %get3A_1161 = vector.shape_cast %get3A_1160 : vector<1x16xf32> to vector<16xf32>
          %get3A_1162 = arith.index_cast %scan3A_934 : i32 to index
          %get3A_1163 = arith.constant 64 : index
          %get3A_1164 = tpu.vector_load %arg28[%get3A_1162, %get3A_1163] {strides = array<i32>} : memref<16x384xf32, #tpu.memory_space<vmem>>, vector<1x16xf32>,
          %get3A_1165 = vector.shape_cast %get3A_1164 : vector<1x16xf32> to vector<16xf32>
          %get3A_1166 = arith.index_cast %scan3A_934 : i32 to index
          %get3A_1167 = arith.constant 192 : index
          %get3A_1168 = tpu.vector_load %arg28[%get3A_1166, %get3A_1167] {strides = array<i32>} : memref<16x384xf32, #tpu.memory_space<vmem>>, vector<1x16xf32>,
          %get3A_1169 = vector.shape_cast %get3A_1168 : vector<1x16xf32> to vector<16xf32>
          %get3A_1170 = arith.index_cast %scan3A_934 : i32 to index
          %get3A_1171 = arith.constant 320 : index
          %get3A_1172 = tpu.vector_load %arg28[%get3A_1170, %get3A_1171] {strides = array<i32>} : memref<16x384xf32, #tpu.memory_space<vmem>>, vector<1x16xf32>,
          %get3A_1173 = vector.shape_cast %get3A_1172 : vector<1x16xf32> to vector<16xf32>
          %get3A_1174 = arith.index_cast %scan3A_934 : i32 to index
          %get3A_1175 = arith.constant 64 : index
          %get3A_1176 = tpu.vector_load %arg12[%get3A_1174, %get3A_1175] {strides = array<i32>} : memref<16x128xf32, #tpu.memory_space<vmem>>, vector<1x16xf32>,
          %get3A_1177 = vector.shape_cast %get3A_1176 : vector<1x16xf32> to vector<16xf32>
          %mul3A_1178 = arith.mulf %get3A_1165, %get3A_1153 : vector<16xf32>
          %mul3A_1179 = arith.mulf %get3A_1169, %get3A_1157 : vector<16xf32>
          %add3A_1180 = arith.addf %mul3A_1178, %mul3A_1179 : vector<16xf32>
          %mul3A_1181 = arith.mulf %get3A_1173, %get3A_1161 : vector<16xf32>
          %add3A_1182 = arith.addf %add3A_1180, %mul3A_1181 : vector<16xf32>
          %mul3A_1183 = arith.mulf %get3A_938, %get3A_1153 : vector<16xf32>
          %mul3A_1184 = arith.mulf %get3A_942, %get3A_1157 : vector<16xf32>
          %add3A_1185 = arith.addf %mul3A_1183, %mul3A_1184 : vector<16xf32>
          %mul3A_1186 = arith.mulf %get3A_946, %get3A_1161 : vector<16xf32>
          %add3A_1187 = arith.addf %add3A_1185, %mul3A_1186 : vector<16xf32>
          %mul3A_1188 = arith.mulf %get3A_938, %get3A_1165 : vector<16xf32>
          %mul3A_1189 = arith.mulf %get3A_942, %get3A_1169 : vector<16xf32>
          %add3A_1190 = arith.addf %mul3A_1188, %mul3A_1189 : vector<16xf32>
          %mul3A_1191 = arith.mulf %get3A_946, %get3A_1173 : vector<16xf32>
          %add3A_1192 = arith.addf %add3A_1190, %mul3A_1191 : vector<16xf32>
          %mul3A_1193 = arith.mulf %add3A_1192, %add3A_1187 : vector<16xf32>
          %sub3A_1194 = arith.subf %add3A_1182, %mul3A_1193 : vector<16xf32>
          %mul3A_1195 = arith.mulf %get3A_1177, %sub3A_1194 : vector<16xf32>
          %swap3A_1196 = arith.index_cast %scan3A_934 : i32 to index
          %swap3A_1197 = arith.constant 64 : index
          %swap3A_1198 = tpu.vector_load %arg30[%swap3A_1196, %swap3A_1197] {strides = array<i32>} : memref<16x128xf32, #tpu.memory_space<vmem>>, vector<1x16xf32>,
          %swap3A_1199 = vector.shape_cast %swap3A_1198 : vector<1x16xf32> to vector<16xf32>
          %swap3A_1200 = vector.shape_cast %mul3A_1195 : vector<16xf32> to vector<1x16xf32>
          tpu.vector_store %arg30[%swap3A_1196, %swap3A_1197], %swap3A_1200 {strides = array<i32>} : memref<16x128xf32, #tpu.memory_space<vmem>>, vector<1x16xf32>,
          %get3A_1201 = arith.index_cast %scan3A_934 : i32 to index
          %get3A_1202 = arith.constant 80 : index
          %get3A_1203 = tpu.vector_load %arg27[%get3A_1201, %get3A_1202] {strides = array<i32>} : memref<16x384xf32, #tpu.memory_space<vmem>>, vector<1x16xf32>,
          %get3A_1204 = vector.shape_cast %get3A_1203 : vector<1x16xf32> to vector<16xf32>
          %get3A_1205 = arith.index_cast %scan3A_934 : i32 to index
          %get3A_1206 = arith.constant 208 : index
          %get3A_1207 = tpu.vector_load %arg27[%get3A_1205, %get3A_1206] {strides = array<i32>} : memref<16x384xf32, #tpu.memory_space<vmem>>, vector<1x16xf32>,
          %get3A_1208 = vector.shape_cast %get3A_1207 : vector<1x16xf32> to vector<16xf32>
          %get3A_1209 = arith.index_cast %scan3A_934 : i32 to index
          %get3A_1210 = arith.constant 336 : index
          %get3A_1211 = tpu.vector_load %arg27[%get3A_1209, %get3A_1210] {strides = array<i32>} : memref<16x384xf32, #tpu.memory_space<vmem>>, vector<1x16xf32>,
          %get3A_1212 = vector.shape_cast %get3A_1211 : vector<1x16xf32> to vector<16xf32>
          %get3A_1213 = arith.index_cast %scan3A_934 : i32 to index
          %get3A_1214 = arith.constant 80 : index
          %get3A_1215 = tpu.vector_load %arg28[%get3A_1213, %get3A_1214] {strides = array<i32>} : memref<16x384xf32, #tpu.memory_space<vmem>>, vector<1x16xf32>,
          %get3A_1216 = vector.shape_cast %get3A_1215 : vector<1x16xf32> to vector<16xf32>
          %get3A_1217 = arith.index_cast %scan3A_934 : i32 to index
          %get3A_1218 = arith.constant 208 : index
          %get3A_1219 = tpu.vector_load %arg28[%get3A_1217, %get3A_1218] {strides = array<i32>} : memref<16x384xf32, #tpu.memory_space<vmem>>, vector<1x16xf32>,
          %get3A_1220 = vector.shape_cast %get3A_1219 : vector<1x16xf32> to vector<16xf32>
          %get3A_1221 = arith.index_cast %scan3A_934 : i32 to index
          %get3A_1222 = arith.constant 336 : index
          %get3A_1223 = tpu.vector_load %arg28[%get3A_1221, %get3A_1222] {strides = array<i32>} : memref<16x384xf32, #tpu.memory_space<vmem>>, vector<1x16xf32>,
          %get3A_1224 = vector.shape_cast %get3A_1223 : vector<1x16xf32> to vector<16xf32>
          %get3A_1225 = arith.index_cast %scan3A_934 : i32 to index
          %get3A_1226 = arith.constant 80 : index
          %get3A_1227 = tpu.vector_load %arg12[%get3A_1225, %get3A_1226] {strides = array<i32>} : memref<16x128xf32, #tpu.memory_space<vmem>>, vector<1x16xf32>,
          %get3A_1228 = vector.shape_cast %get3A_1227 : vector<1x16xf32> to vector<16xf32>
          %mul3A_1229 = arith.mulf %get3A_1216, %get3A_1204 : vector<16xf32>
          %mul3A_1230 = arith.mulf %get3A_1220, %get3A_1208 : vector<16xf32>
          %add3A_1231 = arith.addf %mul3A_1229, %mul3A_1230 : vector<16xf32>
          %mul3A_1232 = arith.mulf %get3A_1224, %get3A_1212 : vector<16xf32>
          %add3A_1233 = arith.addf %add3A_1231, %mul3A_1232 : vector<16xf32>
          %mul3A_1234 = arith.mulf %get3A_938, %get3A_1204 : vector<16xf32>
          %mul3A_1235 = arith.mulf %get3A_942, %get3A_1208 : vector<16xf32>
          %add3A_1236 = arith.addf %mul3A_1234, %mul3A_1235 : vector<16xf32>
          %mul3A_1237 = arith.mulf %get3A_946, %get3A_1212 : vector<16xf32>
          %add3A_1238 = arith.addf %add3A_1236, %mul3A_1237 : vector<16xf32>
          %mul3A_1239 = arith.mulf %get3A_938, %get3A_1216 : vector<16xf32>
          %mul3A_1240 = arith.mulf %get3A_942, %get3A_1220 : vector<16xf32>
          %add3A_1241 = arith.addf %mul3A_1239, %mul3A_1240 : vector<16xf32>
          %mul3A_1242 = arith.mulf %get3A_946, %get3A_1224 : vector<16xf32>
          %add3A_1243 = arith.addf %add3A_1241, %mul3A_1242 : vector<16xf32>
          %mul3A_1244 = arith.mulf %add3A_1243, %add3A_1238 : vector<16xf32>
          %sub3A_1245 = arith.subf %add3A_1233, %mul3A_1244 : vector<16xf32>
          %mul3A_1246 = arith.mulf %get3A_1228, %sub3A_1245 : vector<16xf32>
          %swap3A_1247 = arith.index_cast %scan3A_934 : i32 to index
          %swap3A_1248 = arith.constant 80 : index
          %swap3A_1249 = tpu.vector_load %arg30[%swap3A_1247, %swap3A_1248] {strides = array<i32>} : memref<16x128xf32, #tpu.memory_space<vmem>>, vector<1x16xf32>,
          %swap3A_1250 = vector.shape_cast %swap3A_1249 : vector<1x16xf32> to vector<16xf32>
          %swap3A_1251 = vector.shape_cast %mul3A_1246 : vector<16xf32> to vector<1x16xf32>
          tpu.vector_store %arg30[%swap3A_1247, %swap3A_1248], %swap3A_1251 {strides = array<i32>} : memref<16x128xf32, #tpu.memory_space<vmem>>, vector<1x16xf32>,
          %get3A_1252 = arith.index_cast %scan3A_934 : i32 to index
          %get3A_1253 = arith.constant 96 : index
          %get3A_1254 = tpu.vector_load %arg27[%get3A_1252, %get3A_1253] {strides = array<i32>} : memref<16x384xf32, #tpu.memory_space<vmem>>, vector<1x16xf32>,
          %get3A_1255 = vector.shape_cast %get3A_1254 : vector<1x16xf32> to vector<16xf32>
          %get3A_1256 = arith.index_cast %scan3A_934 : i32 to index
          %get3A_1257 = arith.constant 224 : index
          %get3A_1258 = tpu.vector_load %arg27[%get3A_1256, %get3A_1257] {strides = array<i32>} : memref<16x384xf32, #tpu.memory_space<vmem>>, vector<1x16xf32>,
          %get3A_1259 = vector.shape_cast %get3A_1258 : vector<1x16xf32> to vector<16xf32>
          %get3A_1260 = arith.index_cast %scan3A_934 : i32 to index
          %get3A_1261 = arith.constant 352 : index
          %get3A_1262 = tpu.vector_load %arg27[%get3A_1260, %get3A_1261] {strides = array<i32>} : memref<16x384xf32, #tpu.memory_space<vmem>>, vector<1x16xf32>,
          %get3A_1263 = vector.shape_cast %get3A_1262 : vector<1x16xf32> to vector<16xf32>
          %get3A_1264 = arith.index_cast %scan3A_934 : i32 to index
          %get3A_1265 = arith.constant 96 : index
          %get3A_1266 = tpu.vector_load %arg28[%get3A_1264, %get3A_1265] {strides = array<i32>} : memref<16x384xf32, #tpu.memory_space<vmem>>, vector<1x16xf32>,
          %get3A_1267 = vector.shape_cast %get3A_1266 : vector<1x16xf32> to vector<16xf32>
          %get3A_1268 = arith.index_cast %scan3A_934 : i32 to index
          %get3A_1269 = arith.constant 224 : index
          %get3A_1270 = tpu.vector_load %arg28[%get3A_1268, %get3A_1269] {strides = array<i32>} : memref<16x384xf32, #tpu.memory_space<vmem>>, vector<1x16xf32>,
          %get3A_1271 = vector.shape_cast %get3A_1270 : vector<1x16xf32> to vector<16xf32>
          %get3A_1272 = arith.index_cast %scan3A_934 : i32 to index
          %get3A_1273 = arith.constant 352 : index
          %get3A_1274 = tpu.vector_load %arg28[%get3A_1272, %get3A_1273] {strides = array<i32>} : memref<16x384xf32, #tpu.memory_space<vmem>>, vector<1x16xf32>,
          %get3A_1275 = vector.shape_cast %get3A_1274 : vector<1x16xf32> to vector<16xf32>
          %get3A_1276 = arith.index_cast %scan3A_934 : i32 to index
          %get3A_1277 = arith.constant 96 : index
          %get3A_1278 = tpu.vector_load %arg12[%get3A_1276, %get3A_1277] {strides = array<i32>} : memref<16x128xf32, #tpu.memory_space<vmem>>, vector<1x16xf32>,
          %get3A_1279 = vector.shape_cast %get3A_1278 : vector<1x16xf32> to vector<16xf32>
          %mul3A_1280 = arith.mulf %get3A_1267, %get3A_1255 : vector<16xf32>
          %mul3A_1281 = arith.mulf %get3A_1271, %get3A_1259 : vector<16xf32>
          %add3A_1282 = arith.addf %mul3A_1280, %mul3A_1281 : vector<16xf32>
          %mul3A_1283 = arith.mulf %get3A_1275, %get3A_1263 : vector<16xf32>
          %add3A_1284 = arith.addf %add3A_1282, %mul3A_1283 : vector<16xf32>
          %mul3A_1285 = arith.mulf %get3A_938, %get3A_1255 : vector<16xf32>
          %mul3A_1286 = arith.mulf %get3A_942, %get3A_1259 : vector<16xf32>
          %add3A_1287 = arith.addf %mul3A_1285, %mul3A_1286 : vector<16xf32>
          %mul3A_1288 = arith.mulf %get3A_946, %get3A_1263 : vector<16xf32>
          %add3A_1289 = arith.addf %add3A_1287, %mul3A_1288 : vector<16xf32>
          %mul3A_1290 = arith.mulf %get3A_938, %get3A_1267 : vector<16xf32>
          %mul3A_1291 = arith.mulf %get3A_942, %get3A_1271 : vector<16xf32>
          %add3A_1292 = arith.addf %mul3A_1290, %mul3A_1291 : vector<16xf32>
          %mul3A_1293 = arith.mulf %get3A_946, %get3A_1275 : vector<16xf32>
          %add3A_1294 = arith.addf %add3A_1292, %mul3A_1293 : vector<16xf32>
          %mul3A_1295 = arith.mulf %add3A_1294, %add3A_1289 : vector<16xf32>
          %sub3A_1296 = arith.subf %add3A_1284, %mul3A_1295 : vector<16xf32>
          %mul3A_1297 = arith.mulf %get3A_1279, %sub3A_1296 : vector<16xf32>
          %swap3A_1298 = arith.index_cast %scan3A_934 : i32 to index
          %swap3A_1299 = arith.constant 96 : index
          %swap3A_1300 = tpu.vector_load %arg30[%swap3A_1298, %swap3A_1299] {strides = array<i32>} : memref<16x128xf32, #tpu.memory_space<vmem>>, vector<1x16xf32>,
          %swap3A_1301 = vector.shape_cast %swap3A_1300 : vector<1x16xf32> to vector<16xf32>
          %swap3A_1302 = vector.shape_cast %mul3A_1297 : vector<16xf32> to vector<1x16xf32>
          tpu.vector_store %arg30[%swap3A_1298, %swap3A_1299], %swap3A_1302 {strides = array<i32>} : memref<16x128xf32, #tpu.memory_space<vmem>>, vector<1x16xf32>,
          %get3A_1303 = arith.index_cast %scan3A_934 : i32 to index
          %get3A_1304 = arith.constant 112 : index
          %get3A_1305 = tpu.vector_load %arg27[%get3A_1303, %get3A_1304] {strides = array<i32>} : memref<16x384xf32, #tpu.memory_space<vmem>>, vector<1x16xf32>,
          %get3A_1306 = vector.shape_cast %get3A_1305 : vector<1x16xf32> to vector<16xf32>
          %get3A_1307 = arith.index_cast %scan3A_934 : i32 to index
          %get3A_1308 = arith.constant 240 : index
          %get3A_1309 = tpu.vector_load %arg27[%get3A_1307, %get3A_1308] {strides = array<i32>} : memref<16x384xf32, #tpu.memory_space<vmem>>, vector<1x16xf32>,
          %get3A_1310 = vector.shape_cast %get3A_1309 : vector<1x16xf32> to vector<16xf32>
          %get3A_1311 = arith.index_cast %scan3A_934 : i32 to index
          %get3A_1312 = arith.constant 368 : index
          %get3A_1313 = tpu.vector_load %arg27[%get3A_1311, %get3A_1312] {strides = array<i32>} : memref<16x384xf32, #tpu.memory_space<vmem>>, vector<1x16xf32>,
          %get3A_1314 = vector.shape_cast %get3A_1313 : vector<1x16xf32> to vector<16xf32>
          %get3A_1315 = arith.index_cast %scan3A_934 : i32 to index
          %get3A_1316 = arith.constant 112 : index
          %get3A_1317 = tpu.vector_load %arg28[%get3A_1315, %get3A_1316] {strides = array<i32>} : memref<16x384xf32, #tpu.memory_space<vmem>>, vector<1x16xf32>,
          %get3A_1318 = vector.shape_cast %get3A_1317 : vector<1x16xf32> to vector<16xf32>
          %get3A_1319 = arith.index_cast %scan3A_934 : i32 to index
          %get3A_1320 = arith.constant 240 : index
          %get3A_1321 = tpu.vector_load %arg28[%get3A_1319, %get3A_1320] {strides = array<i32>} : memref<16x384xf32, #tpu.memory_space<vmem>>, vector<1x16xf32>,
          %get3A_1322 = vector.shape_cast %get3A_1321 : vector<1x16xf32> to vector<16xf32>
          %get3A_1323 = arith.index_cast %scan3A_934 : i32 to index
          %get3A_1324 = arith.constant 368 : index
          %get3A_1325 = tpu.vector_load %arg28[%get3A_1323, %get3A_1324] {strides = array<i32>} : memref<16x384xf32, #tpu.memory_space<vmem>>, vector<1x16xf32>,
          %get3A_1326 = vector.shape_cast %get3A_1325 : vector<1x16xf32> to vector<16xf32>
          %get3A_1327 = arith.index_cast %scan3A_934 : i32 to index
          %get3A_1328 = arith.constant 112 : index
          %get3A_1329 = tpu.vector_load %arg12[%get3A_1327, %get3A_1328] {strides = array<i32>} : memref<16x128xf32, #tpu.memory_space<vmem>>, vector<1x16xf32>,
          %get3A_1330 = vector.shape_cast %get3A_1329 : vector<1x16xf32> to vector<16xf32>
          %mul3A_1331 = arith.mulf %get3A_1318, %get3A_1306 : vector<16xf32>
          %mul3A_1332 = arith.mulf %get3A_1322, %get3A_1310 : vector<16xf32>
          %add3A_1333 = arith.addf %mul3A_1331, %mul3A_1332 : vector<16xf32>
          %mul3A_1334 = arith.mulf %get3A_1326, %get3A_1314 : vector<16xf32>
          %add3A_1335 = arith.addf %add3A_1333, %mul3A_1334 : vector<16xf32>
          %mul3A_1336 = arith.mulf %get3A_938, %get3A_1306 : vector<16xf32>
          %mul3A_1337 = arith.mulf %get3A_942, %get3A_1310 : vector<16xf32>
          %add3A_1338 = arith.addf %mul3A_1336, %mul3A_1337 : vector<16xf32>
          %mul3A_1339 = arith.mulf %get3A_946, %get3A_1314 : vector<16xf32>
          %add3A_1340 = arith.addf %add3A_1338, %mul3A_1339 : vector<16xf32>
          %mul3A_1341 = arith.mulf %get3A_938, %get3A_1318 : vector<16xf32>
          %mul3A_1342 = arith.mulf %get3A_942, %get3A_1322 : vector<16xf32>
          %add3A_1343 = arith.addf %mul3A_1341, %mul3A_1342 : vector<16xf32>
          %mul3A_1344 = arith.mulf %get3A_946, %get3A_1326 : vector<16xf32>
          %add3A_1345 = arith.addf %add3A_1343, %mul3A_1344 : vector<16xf32>
          %mul3A_1346 = arith.mulf %add3A_1345, %add3A_1340 : vector<16xf32>
          %sub3A_1347 = arith.subf %add3A_1335, %mul3A_1346 : vector<16xf32>
          %mul3A_1348 = arith.mulf %get3A_1330, %sub3A_1347 : vector<16xf32>
          %swap3A_1349 = arith.index_cast %scan3A_934 : i32 to index
          %swap3A_1350 = arith.constant 112 : index
          %swap3A_1351 = tpu.vector_load %arg30[%swap3A_1349, %swap3A_1350] {strides = array<i32>} : memref<16x128xf32, #tpu.memory_space<vmem>>, vector<1x16xf32>,
          %swap3A_1352 = vector.shape_cast %swap3A_1351 : vector<1x16xf32> to vector<16xf32>
          %swap3A_1353 = vector.shape_cast %mul3A_1348 : vector<16xf32> to vector<1x16xf32>
          tpu.vector_store %arg30[%swap3A_1349, %swap3A_1350], %swap3A_1353 {strides = array<i32>} : memref<16x128xf32, #tpu.memory_space<vmem>>, vector<1x16xf32>,
        }
        %scan3A_909 = arith.constant 16 : i32
        %get3A_910 = arith.constant 0 : index
        %get3A_911 = tpu.vector_load %arg9[%get3A_910] {strides = array<i32>} : memref<16xi32, #tpu.memory_space<vmem>>, vector<16xi32>,
        %get3A_912 = vector.shape_cast %get3A_911 : vector<16xi32> to vector<16xi32>
        %swap3A_913 = arith.constant 0 : index
        %swap3A_914 = tpu.vector_load %arg29[%swap3A_913] {strides = array<i32>} : memref<16xi32, #tpu.memory_space<vmem>>, vector<16xi32>,
        %swap3A_915 = vector.shape_cast %swap3A_914 : vector<16xi32> to vector<16xi32>
        %swap3A_916 = vector.shape_cast %get3A_912 : vector<16xi32> to vector<16xi32>
        tpu.vector_store %arg29[%swap3A_913], %swap3A_916 {strides = array<i32>} : memref<16xi32, #tpu.memory_space<vmem>>, vector<16xi32>,
        %dma_start3A_917 = arith.constant 0 : i32
        %dma_start3A_918 = arith.constant 0 : i32
        %dma_start3A_919 = tpu.memref_slice %arg8[%dma_start3A_917, %dma_start3A_918] : memref<10240x128xf32, #tpu.memory_space<vmem_shared>> -> memref<10240x128xf32, #tpu.memory_space<vmem_shared>>
        tpu.enqueue_indirect_dma source(%arg30 : memref<16x128xf32, #tpu.memory_space<vmem>>) target(%dma_start3A_919 : memref<10240x128xf32, #tpu.memory_space<vmem_shared>>) offsets(%arg29 : memref<16xi32, #tpu.memory_space<vmem>>) semaphore(%arg43 : memref<!tpu.dma_semaphore, #tpu.memory_space<semaphore_mem>>) {add = true}
        %add3A_920 = arith.constant 2 : i32
        %add3A_921 = arith.addi %add3A_864, %add3A_920 : i32
        %lt3A_922 = arith.constant 1250 : i32
        %lt3A_923 = arith.cmpi slt, %add3A_921, %lt3A_922 : i32
        %convert_element_type3A_924 = arith.extui %lt3A_923 : i1 to i32
        %cond3A_925 = arith.constant 0 : i32
        %cond3A_926 = arith.cmpi ne, %convert_element_type3A_924, %cond3A_925 : i32
        scf.if %cond3A_926 {
          %dma_wait3A_934 = arith.constant 0 : i32
          %dma_wait3A_935 = tpu.memref_slice %arg5[%dma_wait3A_934] : memref<320000xi32, #tpu.memory_space<hbm>> -> memref<16xi32, #tpu.memory_space<hbm>>
          %dma_wait3A_936 = arith.constant 0 : i32
          %dma_wait3A_937 = tpu.memref_slice %arg5[%dma_wait3A_936] : memref<320000xi32, #tpu.memory_space<hbm>> -> memref<16xi32, #tpu.memory_space<hbm>>
          tpu.wait_dma2 semaphore(%arg39 : memref<!tpu.dma_semaphore, #tpu.memory_space<semaphore_mem>>) src(%dma_wait3A_937 : memref<16xi32, #tpu.memory_space<hbm>>) dst(%arg17 : memref<16xi32, #tpu.memory_space<vmem>>)
          %dma_wait3A_938 = arith.constant 0 : i32
          %dma_wait3A_939 = tpu.memref_slice %arg6[%dma_wait3A_938] : memref<320000xi32, #tpu.memory_space<hbm>> -> memref<16xi32, #tpu.memory_space<hbm>>
          %dma_wait3A_940 = arith.constant 0 : i32
          %dma_wait3A_941 = tpu.memref_slice %arg6[%dma_wait3A_940] : memref<320000xi32, #tpu.memory_space<hbm>> -> memref<16xi32, #tpu.memory_space<hbm>>
          tpu.wait_dma2 semaphore(%arg39 : memref<!tpu.dma_semaphore, #tpu.memory_space<semaphore_mem>>) src(%dma_wait3A_941 : memref<16xi32, #tpu.memory_space<hbm>>) dst(%arg18 : memref<16xi32, #tpu.memory_space<vmem>>)
          %dma_wait3A_942 = arith.constant 0 : i32
          %dma_wait3A_943 = arith.constant 0 : i32
          %dma_wait3A_944 = tpu.memref_slice %arg4[%dma_wait3A_942, %dma_wait3A_943] : memref<320000x48xf32, #tpu.memory_space<hbm>> -> memref<16x48xf32, #tpu.memory_space<hbm>>
          %dma_wait3A_945 = arith.constant 0 : i32
          %dma_wait3A_946 = arith.constant 0 : i32
          %dma_wait3A_947 = tpu.memref_slice %arg4[%dma_wait3A_945, %dma_wait3A_946] : memref<320000x48xf32, #tpu.memory_space<hbm>> -> memref<16x48xf32, #tpu.memory_space<hbm>>
          tpu.wait_dma2 semaphore(%arg39 : memref<!tpu.dma_semaphore, #tpu.memory_space<semaphore_mem>>) src(%dma_wait3A_947 : memref<16x48xf32, #tpu.memory_space<hbm>>) dst(%arg19 : memref<16x48xf32, #tpu.memory_space<vmem>>)
          %dma_wait3A_948 = arith.constant 0 : i32
          %dma_wait3A_949 = arith.constant 0 : i32
          %dma_wait3A_950 = tpu.memref_slice %arg3[%dma_wait3A_948, %dma_wait3A_949] : memref<640000x128xf32, #tpu.memory_space<hbm>> -> memref<16x128xf32, #tpu.memory_space<hbm>>
          %dma_wait3A_951 = arith.constant 0 : i32
          %dma_wait3A_952 = arith.constant 0 : i32
          %dma_wait3A_953 = tpu.memref_slice %arg3[%dma_wait3A_951, %dma_wait3A_952] : memref<640000x128xf32, #tpu.memory_space<hbm>> -> memref<16x128xf32, #tpu.memory_space<hbm>>
          tpu.wait_dma2 semaphore(%arg39 : memref<!tpu.dma_semaphore, #tpu.memory_space<semaphore_mem>>) src(%dma_wait3A_953 : memref<16x128xf32, #tpu.memory_space<hbm>>) dst(%arg20 : memref<16x128xf32, #tpu.memory_space<vmem>>)
          %get3A_954 = arith.constant 0 : index
          %get3A_955 = tpu.vector_load %arg18[%get3A_954] {strides = array<i32>} : memref<16xi32, #tpu.memory_space<vmem>>, vector<16xi32>,
          %get3A_956 = vector.shape_cast %get3A_955 : vector<16xi32> to vector<16xi32>
          %add3A_957 = vector.broadcast %mul3A_0 : i32 to vector<16xi32>
          %add3A_958 = arith.addi %get3A_956, %add3A_957 : vector<16xi32>
          %swap3A_959 = arith.constant 0 : index
          %swap3A_960 = tpu.vector_load %arg26[%swap3A_959] {strides = array<i32>} : memref<16xi32, #tpu.memory_space<vmem>>, vector<16xi32>,
          %swap3A_961 = vector.shape_cast %swap3A_960 : vector<16xi32> to vector<16xi32>
          %swap3A_962 = vector.shape_cast %add3A_958 : vector<16xi32> to vector<16xi32>
          tpu.vector_store %arg26[%swap3A_959], %swap3A_962 {strides = array<i32>} : memref<16xi32, #tpu.memory_space<vmem>>, vector<16xi32>,
          %get3A_963 = arith.constant 0 : index
          %get3A_964 = tpu.vector_load %arg17[%get3A_963] {strides = array<i32>} : memref<16xi32, #tpu.memory_space<vmem>>, vector<16xi32>,
          %get3A_965 = vector.shape_cast %get3A_964 : vector<16xi32> to vector<16xi32>
          %add3A_966 = vector.broadcast %mul3A_0 : i32 to vector<16xi32>
          %add3A_967 = arith.addi %get3A_965, %add3A_966 : vector<16xi32>
          %swap3A_968 = arith.constant 0 : index
          %swap3A_969 = tpu.vector_load %arg25[%swap3A_968] {strides = array<i32>} : memref<16xi32, #tpu.memory_space<vmem>>, vector<16xi32>,
          %swap3A_970 = vector.shape_cast %swap3A_969 : vector<16xi32> to vector<16xi32>
          %swap3A_971 = vector.shape_cast %add3A_967 : vector<16xi32> to vector<16xi32>
          tpu.vector_store %arg25[%swap3A_968], %swap3A_971 {strides = array<i32>} : memref<16xi32, #tpu.memory_space<vmem>>, vector<16xi32>,
          %dma_start3A_972 = arith.constant 0 : i32
          %dma_start3A_973 = arith.constant 0 : i32
          %dma_start3A_974 = tpu.memref_slice %arg2[%dma_start3A_972, %dma_start3A_973] : memref<20000x384xf32, #tpu.memory_space<hbm>> -> memref<20000x384xf32, #tpu.memory_space<hbm>>
          tpu.enqueue_indirect_dma source(%dma_start3A_974 : memref<20000x384xf32, #tpu.memory_space<hbm>>) target(%arg27 : memref<16x384xf32, #tpu.memory_space<vmem>>) offsets(%arg26 : memref<16xi32, #tpu.memory_space<vmem>>) semaphore(%arg41 : memref<!tpu.dma_semaphore, #tpu.memory_space<semaphore_mem>>)
          %dma_start3A_975 = arith.constant 0 : i32
          %dma_start3A_976 = arith.constant 0 : i32
          %dma_start3A_977 = tpu.memref_slice %arg2[%dma_start3A_975, %dma_start3A_976] : memref<20000x384xf32, #tpu.memory_space<hbm>> -> memref<20000x384xf32, #tpu.memory_space<hbm>>
          tpu.enqueue_indirect_dma source(%dma_start3A_977 : memref<20000x384xf32, #tpu.memory_space<hbm>>) target(%arg28 : memref<16x384xf32, #tpu.memory_space<vmem>>) offsets(%arg25 : memref<16xi32, #tpu.memory_space<vmem>>) semaphore(%arg41 : memref<!tpu.dma_semaphore, #tpu.memory_space<semaphore_mem>>)
        } else {
        }
        %add3A_927 = arith.constant 4 : i32
        %add3A_928 = arith.addi %add3A_864, %add3A_927 : i32
        %lt3A_929 = arith.constant 1250 : i32
        %lt3A_930 = arith.cmpi slt, %add3A_928, %lt3A_929 : i32
        %convert_element_type3A_931 = arith.extui %lt3A_930 : i1 to i32
        %cond3A_932 = arith.constant 0 : i32
        %cond3A_933 = arith.cmpi ne, %convert_element_type3A_931, %cond3A_932 : i32
        scf.if %cond3A_933 {
          %add3A_934 = arith.constant 4 : i32
          %add3A_935 = arith.addi %add3A_864, %add3A_934 : i32
          %mul3A_936 = arith.constant 16 : i32
          %mul3A_937 = arith.muli %add3A_935, %mul3A_936 : i32
          %add3A_938 = arith.addi %mul3A_4, %mul3A_937 : i32
          %dma_start3A_939 = tpu.memref_slice %arg5[%add3A_938] : memref<320000xi32, #tpu.memory_space<hbm>> -> memref<16xi32, #tpu.memory_space<hbm>>
          %dma_start3A_940 = tpu.memref_slice %arg5[%add3A_938] : memref<320000xi32, #tpu.memory_space<hbm>> -> memref<16xi32, #tpu.memory_space<hbm>>
          tpu.enqueue_dma source(%dma_start3A_940 : memref<16xi32, #tpu.memory_space<hbm>>) target(%arg9 : memref<16xi32, #tpu.memory_space<vmem>>) target_semaphore(%arg37 : memref<!tpu.dma_semaphore, #tpu.memory_space<semaphore_mem>>)
          %dma_start3A_941 = tpu.memref_slice %arg6[%add3A_938] : memref<320000xi32, #tpu.memory_space<hbm>> -> memref<16xi32, #tpu.memory_space<hbm>>
          %dma_start3A_942 = tpu.memref_slice %arg6[%add3A_938] : memref<320000xi32, #tpu.memory_space<hbm>> -> memref<16xi32, #tpu.memory_space<hbm>>
          tpu.enqueue_dma source(%dma_start3A_942 : memref<16xi32, #tpu.memory_space<hbm>>) target(%arg10 : memref<16xi32, #tpu.memory_space<vmem>>) target_semaphore(%arg37 : memref<!tpu.dma_semaphore, #tpu.memory_space<semaphore_mem>>)
          %dma_start3A_943 = arith.constant 0 : i32
          %dma_start3A_944 = tpu.memref_slice %arg4[%add3A_938, %dma_start3A_943] : memref<320000x48xf32, #tpu.memory_space<hbm>> -> memref<16x48xf32, #tpu.memory_space<hbm>>
          %dma_start3A_945 = arith.constant 0 : i32
          %dma_start3A_946 = tpu.memref_slice %arg4[%add3A_938, %dma_start3A_945] : memref<320000x48xf32, #tpu.memory_space<hbm>> -> memref<16x48xf32, #tpu.memory_space<hbm>>
          tpu.enqueue_dma source(%dma_start3A_946 : memref<16x48xf32, #tpu.memory_space<hbm>>) target(%arg11 : memref<16x48xf32, #tpu.memory_space<vmem>>) target_semaphore(%arg37 : memref<!tpu.dma_semaphore, #tpu.memory_space<semaphore_mem>>)
          %add3A_947 = arith.addi %mul3A_2, %add3A_938 : i32
          %dma_start3A_948 = arith.constant 0 : i32
          %dma_start3A_949 = tpu.memref_slice %arg3[%add3A_947, %dma_start3A_948] : memref<640000x128xf32, #tpu.memory_space<hbm>> -> memref<16x128xf32, #tpu.memory_space<hbm>>
          %dma_start3A_950 = arith.constant 0 : i32
          %dma_start3A_951 = tpu.memref_slice %arg3[%add3A_947, %dma_start3A_950] : memref<640000x128xf32, #tpu.memory_space<hbm>> -> memref<16x128xf32, #tpu.memory_space<hbm>>
          tpu.enqueue_dma source(%dma_start3A_951 : memref<16x128xf32, #tpu.memory_space<hbm>>) target(%arg12 : memref<16x128xf32, #tpu.memory_space<vmem>>) target_semaphore(%arg37 : memref<!tpu.dma_semaphore, #tpu.memory_space<semaphore_mem>>)
        } else {
        }
      } else {
      }
      %add3A_867 = arith.constant 1 : i32
      %add3A_868 = arith.addi %mul3A_862, %add3A_867 : i32
      %lt3A_869 = arith.constant 1250 : i32
      %lt3A_870 = arith.cmpi slt, %add3A_868, %lt3A_869 : i32
      %convert_element_type3A_871 = arith.extui %lt3A_870 : i1 to i32
      %cond3A_872 = arith.constant 0 : i32
      %cond3A_873 = arith.cmpi ne, %convert_element_type3A_871, %cond3A_872 : i32
      scf.if %cond3A_873 {
        %dma_wait3A_888 = arith.constant 0 : i32
        %dma_wait3A_889 = arith.constant 0 : i32
        %dma_wait3A_890 = tpu.memref_slice %arg2[%dma_wait3A_888, %dma_wait3A_889] : memref<20000x384xf32, #tpu.memory_space<hbm>> -> memref<16x384xf32, #tpu.memory_space<hbm>>
        %dma_wait3A_891 = arith.constant 0 : i32
        %dma_wait3A_892 = arith.constant 0 : i32
        %dma_wait3A_893 = tpu.memref_slice %arg2[%dma_wait3A_891, %dma_wait3A_892] : memref<20000x384xf32, #tpu.memory_space<hbm>> -> memref<16x384xf32, #tpu.memory_space<hbm>>
        tpu.wait_dma2 semaphore(%arg42 : memref<!tpu.dma_semaphore, #tpu.memory_space<semaphore_mem>>) src(%dma_wait3A_893 : memref<16x384xf32, #tpu.memory_space<hbm>>) dst(%arg33 : memref<16x384xf32, #tpu.memory_space<vmem>>)
        %dma_wait3A_894 = arith.constant 0 : i32
        %dma_wait3A_895 = arith.constant 0 : i32
        %dma_wait3A_896 = tpu.memref_slice %arg2[%dma_wait3A_894, %dma_wait3A_895] : memref<20000x384xf32, #tpu.memory_space<hbm>> -> memref<16x384xf32, #tpu.memory_space<hbm>>
        %dma_wait3A_897 = arith.constant 0 : i32
        %dma_wait3A_898 = arith.constant 0 : i32
        %dma_wait3A_899 = tpu.memref_slice %arg2[%dma_wait3A_897, %dma_wait3A_898] : memref<20000x384xf32, #tpu.memory_space<hbm>> -> memref<16x384xf32, #tpu.memory_space<hbm>>
        tpu.wait_dma2 semaphore(%arg42 : memref<!tpu.dma_semaphore, #tpu.memory_space<semaphore_mem>>) src(%dma_wait3A_899 : memref<16x384xf32, #tpu.memory_space<hbm>>) dst(%arg34 : memref<16x384xf32, #tpu.memory_space<vmem>>)
        %ge3A = arith.constant 2 : i32
        %ge3A_900 = arith.cmpi sge, %add3A_868, %ge3A : i32
        %convert_element_type3A_901 = arith.extui %ge3A_900 : i1 to i32
        %cond3A_902 = arith.constant 0 : i32
        %cond3A_903 = arith.cmpi ne, %convert_element_type3A_901, %cond3A_902 : i32
        scf.if %cond3A_903 {
          %dma_wait3A_934 = arith.constant 0 : i32
          %dma_wait3A_935 = arith.constant 0 : i32
          %dma_wait3A_936 = tpu.memref_slice %arg3[%dma_wait3A_934, %dma_wait3A_935] : memref<640000x128xf32, #tpu.memory_space<hbm>> -> memref<16x128xf32, #tpu.memory_space<hbm>>
          %dma_wait3A_937 = arith.constant 0 : i32
          %dma_wait3A_938 = arith.constant 0 : i32
          %dma_wait3A_939 = tpu.memref_slice %arg3[%dma_wait3A_937, %dma_wait3A_938] : memref<640000x128xf32, #tpu.memory_space<hbm>> -> memref<16x128xf32, #tpu.memory_space<hbm>>
          tpu.wait_dma2 semaphore(%arg44 : memref<!tpu.dma_semaphore, #tpu.memory_space<semaphore_mem>>) src(%dma_wait3A_939 : memref<16x128xf32, #tpu.memory_space<hbm>>) dst(%arg36 : memref<16x128xf32, #tpu.memory_space<vmem>>)
        } else {
        }
        %scan3A_904 = arith.constant 0 : i32
        %scan3A_905 = arith.constant 0 : i32
        %scan3A_906 = arith.constant 16 : i32
        %scan3A_907 = arith.addi %scan3A_905, %scan3A_906 : i32
        %scan3A_908 = arith.constant 1 : i32
        scf.for %scan3A_934 = %scan3A_905 to %scan3A_907 step %scan3A_908  : i32 {
          %get3A_935 = arith.index_cast %scan3A_934 : i32 to index
          %get3A_936 = arith.constant 0 : index
          %get3A_937 = tpu.vector_load %arg15[%get3A_935, %get3A_936] {strides = array<i32>} : memref<16x48xf32, #tpu.memory_space<vmem>>, vector<1x16xf32>,
          %get3A_938 = vector.shape_cast %get3A_937 : vector<1x16xf32> to vector<16xf32>
          %get3A_939 = arith.index_cast %scan3A_934 : i32 to index
          %get3A_940 = arith.constant 16 : index
          %get3A_941 = tpu.vector_load %arg15[%get3A_939, %get3A_940] {strides = array<i32>} : memref<16x48xf32, #tpu.memory_space<vmem>>, vector<1x16xf32>,
          %get3A_942 = vector.shape_cast %get3A_941 : vector<1x16xf32> to vector<16xf32>
          %get3A_943 = arith.index_cast %scan3A_934 : i32 to index
          %get3A_944 = arith.constant 32 : index
          %get3A_945 = tpu.vector_load %arg15[%get3A_943, %get3A_944] {strides = array<i32>} : memref<16x48xf32, #tpu.memory_space<vmem>>, vector<1x16xf32>,
          %get3A_946 = vector.shape_cast %get3A_945 : vector<1x16xf32> to vector<16xf32>
          %get3A_947 = arith.index_cast %scan3A_934 : i32 to index
          %get3A_948 = arith.constant 0 : index
          %get3A_949 = tpu.vector_load %arg33[%get3A_947, %get3A_948] {strides = array<i32>} : memref<16x384xf32, #tpu.memory_space<vmem>>, vector<1x16xf32>,
          %get3A_950 = vector.shape_cast %get3A_949 : vector<1x16xf32> to vector<16xf32>
          %get3A_951 = arith.index_cast %scan3A_934 : i32 to index
          %get3A_952 = arith.constant 128 : index
          %get3A_953 = tpu.vector_load %arg33[%get3A_951, %get3A_952] {strides = array<i32>} : memref<16x384xf32, #tpu.memory_space<vmem>>, vector<1x16xf32>,
          %get3A_954 = vector.shape_cast %get3A_953 : vector<1x16xf32> to vector<16xf32>
          %get3A_955 = arith.index_cast %scan3A_934 : i32 to index
          %get3A_956 = arith.constant 256 : index
          %get3A_957 = tpu.vector_load %arg33[%get3A_955, %get3A_956] {strides = array<i32>} : memref<16x384xf32, #tpu.memory_space<vmem>>, vector<1x16xf32>,
          %get3A_958 = vector.shape_cast %get3A_957 : vector<1x16xf32> to vector<16xf32>
          %get3A_959 = arith.index_cast %scan3A_934 : i32 to index
          %get3A_960 = arith.constant 0 : index
          %get3A_961 = tpu.vector_load %arg34[%get3A_959, %get3A_960] {strides = array<i32>} : memref<16x384xf32, #tpu.memory_space<vmem>>, vector<1x16xf32>,
          %get3A_962 = vector.shape_cast %get3A_961 : vector<1x16xf32> to vector<16xf32>
          %get3A_963 = arith.index_cast %scan3A_934 : i32 to index
          %get3A_964 = arith.constant 128 : index
          %get3A_965 = tpu.vector_load %arg34[%get3A_963, %get3A_964] {strides = array<i32>} : memref<16x384xf32, #tpu.memory_space<vmem>>, vector<1x16xf32>,
          %get3A_966 = vector.shape_cast %get3A_965 : vector<1x16xf32> to vector<16xf32>
          %get3A_967 = arith.index_cast %scan3A_934 : i32 to index
          %get3A_968 = arith.constant 256 : index
          %get3A_969 = tpu.vector_load %arg34[%get3A_967, %get3A_968] {strides = array<i32>} : memref<16x384xf32, #tpu.memory_space<vmem>>, vector<1x16xf32>,
          %get3A_970 = vector.shape_cast %get3A_969 : vector<1x16xf32> to vector<16xf32>
          %get3A_971 = arith.index_cast %scan3A_934 : i32 to index
          %get3A_972 = arith.constant 0 : index
          %get3A_973 = tpu.vector_load %arg16[%get3A_971, %get3A_972] {strides = array<i32>} : memref<16x128xf32, #tpu.memory_space<vmem>>, vector<1x16xf32>,
          %get3A_974 = vector.shape_cast %get3A_973 : vector<1x16xf32> to vector<16xf32>
          %mul3A_975 = arith.mulf %get3A_962, %get3A_950 : vector<16xf32>
          %mul3A_976 = arith.mulf %get3A_966, %get3A_954 : vector<16xf32>
          %add3A_977 = arith.addf %mul3A_975, %mul3A_976 : vector<16xf32>
          %mul3A_978 = arith.mulf %get3A_970, %get3A_958 : vector<16xf32>
          %add3A_979 = arith.addf %add3A_977, %mul3A_978 : vector<16xf32>
          %mul3A_980 = arith.mulf %get3A_938, %get3A_950 : vector<16xf32>
          %mul3A_981 = arith.mulf %get3A_942, %get3A_954 : vector<16xf32>
          %add3A_982 = arith.addf %mul3A_980, %mul3A_981 : vector<16xf32>
          %mul3A_983 = arith.mulf %get3A_946, %get3A_958 : vector<16xf32>
          %add3A_984 = arith.addf %add3A_982, %mul3A_983 : vector<16xf32>
          %mul3A_985 = arith.mulf %get3A_938, %get3A_962 : vector<16xf32>
          %mul3A_986 = arith.mulf %get3A_942, %get3A_966 : vector<16xf32>
          %add3A_987 = arith.addf %mul3A_985, %mul3A_986 : vector<16xf32>
          %mul3A_988 = arith.mulf %get3A_946, %get3A_970 : vector<16xf32>
          %add3A_989 = arith.addf %add3A_987, %mul3A_988 : vector<16xf32>
          %mul3A_990 = arith.mulf %add3A_989, %add3A_984 : vector<16xf32>
          %sub3A = arith.subf %add3A_979, %mul3A_990 : vector<16xf32>
          %mul3A_991 = arith.mulf %get3A_974, %sub3A : vector<16xf32>
          %swap3A_992 = arith.index_cast %scan3A_934 : i32 to index
          %swap3A_993 = arith.constant 0 : index
          %swap3A_994 = tpu.vector_load %arg36[%swap3A_992, %swap3A_993] {strides = array<i32>} : memref<16x128xf32, #tpu.memory_space<vmem>>, vector<1x16xf32>,
          %swap3A_995 = vector.shape_cast %swap3A_994 : vector<1x16xf32> to vector<16xf32>
          %swap3A_996 = vector.shape_cast %mul3A_991 : vector<16xf32> to vector<1x16xf32>
          tpu.vector_store %arg36[%swap3A_992, %swap3A_993], %swap3A_996 {strides = array<i32>} : memref<16x128xf32, #tpu.memory_space<vmem>>, vector<1x16xf32>,
          %get3A_997 = arith.index_cast %scan3A_934 : i32 to index
          %get3A_998 = arith.constant 16 : index
          %get3A_999 = tpu.vector_load %arg33[%get3A_997, %get3A_998] {strides = array<i32>} : memref<16x384xf32, #tpu.memory_space<vmem>>, vector<1x16xf32>,
          %get3A_1000 = vector.shape_cast %get3A_999 : vector<1x16xf32> to vector<16xf32>
          %get3A_1001 = arith.index_cast %scan3A_934 : i32 to index
          %get3A_1002 = arith.constant 144 : index
          %get3A_1003 = tpu.vector_load %arg33[%get3A_1001, %get3A_1002] {strides = array<i32>} : memref<16x384xf32, #tpu.memory_space<vmem>>, vector<1x16xf32>,
          %get3A_1004 = vector.shape_cast %get3A_1003 : vector<1x16xf32> to vector<16xf32>
          %get3A_1005 = arith.index_cast %scan3A_934 : i32 to index
          %get3A_1006 = arith.constant 272 : index
          %get3A_1007 = tpu.vector_load %arg33[%get3A_1005, %get3A_1006] {strides = array<i32>} : memref<16x384xf32, #tpu.memory_space<vmem>>, vector<1x16xf32>,
          %get3A_1008 = vector.shape_cast %get3A_1007 : vector<1x16xf32> to vector<16xf32>
          %get3A_1009 = arith.index_cast %scan3A_934 : i32 to index
          %get3A_1010 = arith.constant 16 : index
          %get3A_1011 = tpu.vector_load %arg34[%get3A_1009, %get3A_1010] {strides = array<i32>} : memref<16x384xf32, #tpu.memory_space<vmem>>, vector<1x16xf32>,
          %get3A_1012 = vector.shape_cast %get3A_1011 : vector<1x16xf32> to vector<16xf32>
          %get3A_1013 = arith.index_cast %scan3A_934 : i32 to index
          %get3A_1014 = arith.constant 144 : index
          %get3A_1015 = tpu.vector_load %arg34[%get3A_1013, %get3A_1014] {strides = array<i32>} : memref<16x384xf32, #tpu.memory_space<vmem>>, vector<1x16xf32>,
          %get3A_1016 = vector.shape_cast %get3A_1015 : vector<1x16xf32> to vector<16xf32>
          %get3A_1017 = arith.index_cast %scan3A_934 : i32 to index
          %get3A_1018 = arith.constant 272 : index
          %get3A_1019 = tpu.vector_load %arg34[%get3A_1017, %get3A_1018] {strides = array<i32>} : memref<16x384xf32, #tpu.memory_space<vmem>>, vector<1x16xf32>,
          %get3A_1020 = vector.shape_cast %get3A_1019 : vector<1x16xf32> to vector<16xf32>
          %get3A_1021 = arith.index_cast %scan3A_934 : i32 to index
          %get3A_1022 = arith.constant 16 : index
          %get3A_1023 = tpu.vector_load %arg16[%get3A_1021, %get3A_1022] {strides = array<i32>} : memref<16x128xf32, #tpu.memory_space<vmem>>, vector<1x16xf32>,
          %get3A_1024 = vector.shape_cast %get3A_1023 : vector<1x16xf32> to vector<16xf32>
          %mul3A_1025 = arith.mulf %get3A_1012, %get3A_1000 : vector<16xf32>
          %mul3A_1026 = arith.mulf %get3A_1016, %get3A_1004 : vector<16xf32>
          %add3A_1027 = arith.addf %mul3A_1025, %mul3A_1026 : vector<16xf32>
          %mul3A_1028 = arith.mulf %get3A_1020, %get3A_1008 : vector<16xf32>
          %add3A_1029 = arith.addf %add3A_1027, %mul3A_1028 : vector<16xf32>
          %mul3A_1030 = arith.mulf %get3A_938, %get3A_1000 : vector<16xf32>
          %mul3A_1031 = arith.mulf %get3A_942, %get3A_1004 : vector<16xf32>
          %add3A_1032 = arith.addf %mul3A_1030, %mul3A_1031 : vector<16xf32>
          %mul3A_1033 = arith.mulf %get3A_946, %get3A_1008 : vector<16xf32>
          %add3A_1034 = arith.addf %add3A_1032, %mul3A_1033 : vector<16xf32>
          %mul3A_1035 = arith.mulf %get3A_938, %get3A_1012 : vector<16xf32>
          %mul3A_1036 = arith.mulf %get3A_942, %get3A_1016 : vector<16xf32>
          %add3A_1037 = arith.addf %mul3A_1035, %mul3A_1036 : vector<16xf32>
          %mul3A_1038 = arith.mulf %get3A_946, %get3A_1020 : vector<16xf32>
          %add3A_1039 = arith.addf %add3A_1037, %mul3A_1038 : vector<16xf32>
          %mul3A_1040 = arith.mulf %add3A_1039, %add3A_1034 : vector<16xf32>
          %sub3A_1041 = arith.subf %add3A_1029, %mul3A_1040 : vector<16xf32>
          %mul3A_1042 = arith.mulf %get3A_1024, %sub3A_1041 : vector<16xf32>
          %swap3A_1043 = arith.index_cast %scan3A_934 : i32 to index
          %swap3A_1044 = arith.constant 16 : index
          %swap3A_1045 = tpu.vector_load %arg36[%swap3A_1043, %swap3A_1044] {strides = array<i32>} : memref<16x128xf32, #tpu.memory_space<vmem>>, vector<1x16xf32>,
          %swap3A_1046 = vector.shape_cast %swap3A_1045 : vector<1x16xf32> to vector<16xf32>
          %swap3A_1047 = vector.shape_cast %mul3A_1042 : vector<16xf32> to vector<1x16xf32>
          tpu.vector_store %arg36[%swap3A_1043, %swap3A_1044], %swap3A_1047 {strides = array<i32>} : memref<16x128xf32, #tpu.memory_space<vmem>>, vector<1x16xf32>,
          %get3A_1048 = arith.index_cast %scan3A_934 : i32 to index
          %get3A_1049 = arith.constant 32 : index
          %get3A_1050 = tpu.vector_load %arg33[%get3A_1048, %get3A_1049] {strides = array<i32>} : memref<16x384xf32, #tpu.memory_space<vmem>>, vector<1x16xf32>,
          %get3A_1051 = vector.shape_cast %get3A_1050 : vector<1x16xf32> to vector<16xf32>
          %get3A_1052 = arith.index_cast %scan3A_934 : i32 to index
          %get3A_1053 = arith.constant 160 : index
          %get3A_1054 = tpu.vector_load %arg33[%get3A_1052, %get3A_1053] {strides = array<i32>} : memref<16x384xf32, #tpu.memory_space<vmem>>, vector<1x16xf32>,
          %get3A_1055 = vector.shape_cast %get3A_1054 : vector<1x16xf32> to vector<16xf32>
          %get3A_1056 = arith.index_cast %scan3A_934 : i32 to index
          %get3A_1057 = arith.constant 288 : index
          %get3A_1058 = tpu.vector_load %arg33[%get3A_1056, %get3A_1057] {strides = array<i32>} : memref<16x384xf32, #tpu.memory_space<vmem>>, vector<1x16xf32>,
          %get3A_1059 = vector.shape_cast %get3A_1058 : vector<1x16xf32> to vector<16xf32>
          %get3A_1060 = arith.index_cast %scan3A_934 : i32 to index
          %get3A_1061 = arith.constant 32 : index
          %get3A_1062 = tpu.vector_load %arg34[%get3A_1060, %get3A_1061] {strides = array<i32>} : memref<16x384xf32, #tpu.memory_space<vmem>>, vector<1x16xf32>,
          %get3A_1063 = vector.shape_cast %get3A_1062 : vector<1x16xf32> to vector<16xf32>
          %get3A_1064 = arith.index_cast %scan3A_934 : i32 to index
          %get3A_1065 = arith.constant 160 : index
          %get3A_1066 = tpu.vector_load %arg34[%get3A_1064, %get3A_1065] {strides = array<i32>} : memref<16x384xf32, #tpu.memory_space<vmem>>, vector<1x16xf32>,
          %get3A_1067 = vector.shape_cast %get3A_1066 : vector<1x16xf32> to vector<16xf32>
          %get3A_1068 = arith.index_cast %scan3A_934 : i32 to index
          %get3A_1069 = arith.constant 288 : index
          %get3A_1070 = tpu.vector_load %arg34[%get3A_1068, %get3A_1069] {strides = array<i32>} : memref<16x384xf32, #tpu.memory_space<vmem>>, vector<1x16xf32>,
          %get3A_1071 = vector.shape_cast %get3A_1070 : vector<1x16xf32> to vector<16xf32>
          %get3A_1072 = arith.index_cast %scan3A_934 : i32 to index
          %get3A_1073 = arith.constant 32 : index
          %get3A_1074 = tpu.vector_load %arg16[%get3A_1072, %get3A_1073] {strides = array<i32>} : memref<16x128xf32, #tpu.memory_space<vmem>>, vector<1x16xf32>,
          %get3A_1075 = vector.shape_cast %get3A_1074 : vector<1x16xf32> to vector<16xf32>
          %mul3A_1076 = arith.mulf %get3A_1063, %get3A_1051 : vector<16xf32>
          %mul3A_1077 = arith.mulf %get3A_1067, %get3A_1055 : vector<16xf32>
          %add3A_1078 = arith.addf %mul3A_1076, %mul3A_1077 : vector<16xf32>
          %mul3A_1079 = arith.mulf %get3A_1071, %get3A_1059 : vector<16xf32>
          %add3A_1080 = arith.addf %add3A_1078, %mul3A_1079 : vector<16xf32>
          %mul3A_1081 = arith.mulf %get3A_938, %get3A_1051 : vector<16xf32>
          %mul3A_1082 = arith.mulf %get3A_942, %get3A_1055 : vector<16xf32>
          %add3A_1083 = arith.addf %mul3A_1081, %mul3A_1082 : vector<16xf32>
          %mul3A_1084 = arith.mulf %get3A_946, %get3A_1059 : vector<16xf32>
          %add3A_1085 = arith.addf %add3A_1083, %mul3A_1084 : vector<16xf32>
          %mul3A_1086 = arith.mulf %get3A_938, %get3A_1063 : vector<16xf32>
          %mul3A_1087 = arith.mulf %get3A_942, %get3A_1067 : vector<16xf32>
          %add3A_1088 = arith.addf %mul3A_1086, %mul3A_1087 : vector<16xf32>
          %mul3A_1089 = arith.mulf %get3A_946, %get3A_1071 : vector<16xf32>
          %add3A_1090 = arith.addf %add3A_1088, %mul3A_1089 : vector<16xf32>
          %mul3A_1091 = arith.mulf %add3A_1090, %add3A_1085 : vector<16xf32>
          %sub3A_1092 = arith.subf %add3A_1080, %mul3A_1091 : vector<16xf32>
          %mul3A_1093 = arith.mulf %get3A_1075, %sub3A_1092 : vector<16xf32>
          %swap3A_1094 = arith.index_cast %scan3A_934 : i32 to index
          %swap3A_1095 = arith.constant 32 : index
          %swap3A_1096 = tpu.vector_load %arg36[%swap3A_1094, %swap3A_1095] {strides = array<i32>} : memref<16x128xf32, #tpu.memory_space<vmem>>, vector<1x16xf32>,
          %swap3A_1097 = vector.shape_cast %swap3A_1096 : vector<1x16xf32> to vector<16xf32>
          %swap3A_1098 = vector.shape_cast %mul3A_1093 : vector<16xf32> to vector<1x16xf32>
          tpu.vector_store %arg36[%swap3A_1094, %swap3A_1095], %swap3A_1098 {strides = array<i32>} : memref<16x128xf32, #tpu.memory_space<vmem>>, vector<1x16xf32>,
          %get3A_1099 = arith.index_cast %scan3A_934 : i32 to index
          %get3A_1100 = arith.constant 48 : index
          %get3A_1101 = tpu.vector_load %arg33[%get3A_1099, %get3A_1100] {strides = array<i32>} : memref<16x384xf32, #tpu.memory_space<vmem>>, vector<1x16xf32>,
          %get3A_1102 = vector.shape_cast %get3A_1101 : vector<1x16xf32> to vector<16xf32>
          %get3A_1103 = arith.index_cast %scan3A_934 : i32 to index
          %get3A_1104 = arith.constant 176 : index
          %get3A_1105 = tpu.vector_load %arg33[%get3A_1103, %get3A_1104] {strides = array<i32>} : memref<16x384xf32, #tpu.memory_space<vmem>>, vector<1x16xf32>,
          %get3A_1106 = vector.shape_cast %get3A_1105 : vector<1x16xf32> to vector<16xf32>
          %get3A_1107 = arith.index_cast %scan3A_934 : i32 to index
          %get3A_1108 = arith.constant 304 : index
          %get3A_1109 = tpu.vector_load %arg33[%get3A_1107, %get3A_1108] {strides = array<i32>} : memref<16x384xf32, #tpu.memory_space<vmem>>, vector<1x16xf32>,
          %get3A_1110 = vector.shape_cast %get3A_1109 : vector<1x16xf32> to vector<16xf32>
          %get3A_1111 = arith.index_cast %scan3A_934 : i32 to index
          %get3A_1112 = arith.constant 48 : index
          %get3A_1113 = tpu.vector_load %arg34[%get3A_1111, %get3A_1112] {strides = array<i32>} : memref<16x384xf32, #tpu.memory_space<vmem>>, vector<1x16xf32>,
          %get3A_1114 = vector.shape_cast %get3A_1113 : vector<1x16xf32> to vector<16xf32>
          %get3A_1115 = arith.index_cast %scan3A_934 : i32 to index
          %get3A_1116 = arith.constant 176 : index
          %get3A_1117 = tpu.vector_load %arg34[%get3A_1115, %get3A_1116] {strides = array<i32>} : memref<16x384xf32, #tpu.memory_space<vmem>>, vector<1x16xf32>,
          %get3A_1118 = vector.shape_cast %get3A_1117 : vector<1x16xf32> to vector<16xf32>
          %get3A_1119 = arith.index_cast %scan3A_934 : i32 to index
          %get3A_1120 = arith.constant 304 : index
          %get3A_1121 = tpu.vector_load %arg34[%get3A_1119, %get3A_1120] {strides = array<i32>} : memref<16x384xf32, #tpu.memory_space<vmem>>, vector<1x16xf32>,
          %get3A_1122 = vector.shape_cast %get3A_1121 : vector<1x16xf32> to vector<16xf32>
          %get3A_1123 = arith.index_cast %scan3A_934 : i32 to index
          %get3A_1124 = arith.constant 48 : index
          %get3A_1125 = tpu.vector_load %arg16[%get3A_1123, %get3A_1124] {strides = array<i32>} : memref<16x128xf32, #tpu.memory_space<vmem>>, vector<1x16xf32>,
          %get3A_1126 = vector.shape_cast %get3A_1125 : vector<1x16xf32> to vector<16xf32>
          %mul3A_1127 = arith.mulf %get3A_1114, %get3A_1102 : vector<16xf32>
          %mul3A_1128 = arith.mulf %get3A_1118, %get3A_1106 : vector<16xf32>
          %add3A_1129 = arith.addf %mul3A_1127, %mul3A_1128 : vector<16xf32>
          %mul3A_1130 = arith.mulf %get3A_1122, %get3A_1110 : vector<16xf32>
          %add3A_1131 = arith.addf %add3A_1129, %mul3A_1130 : vector<16xf32>
          %mul3A_1132 = arith.mulf %get3A_938, %get3A_1102 : vector<16xf32>
          %mul3A_1133 = arith.mulf %get3A_942, %get3A_1106 : vector<16xf32>
          %add3A_1134 = arith.addf %mul3A_1132, %mul3A_1133 : vector<16xf32>
          %mul3A_1135 = arith.mulf %get3A_946, %get3A_1110 : vector<16xf32>
          %add3A_1136 = arith.addf %add3A_1134, %mul3A_1135 : vector<16xf32>
          %mul3A_1137 = arith.mulf %get3A_938, %get3A_1114 : vector<16xf32>
          %mul3A_1138 = arith.mulf %get3A_942, %get3A_1118 : vector<16xf32>
          %add3A_1139 = arith.addf %mul3A_1137, %mul3A_1138 : vector<16xf32>
          %mul3A_1140 = arith.mulf %get3A_946, %get3A_1122 : vector<16xf32>
          %add3A_1141 = arith.addf %add3A_1139, %mul3A_1140 : vector<16xf32>
          %mul3A_1142 = arith.mulf %add3A_1141, %add3A_1136 : vector<16xf32>
          %sub3A_1143 = arith.subf %add3A_1131, %mul3A_1142 : vector<16xf32>
          %mul3A_1144 = arith.mulf %get3A_1126, %sub3A_1143 : vector<16xf32>
          %swap3A_1145 = arith.index_cast %scan3A_934 : i32 to index
          %swap3A_1146 = arith.constant 48 : index
          %swap3A_1147 = tpu.vector_load %arg36[%swap3A_1145, %swap3A_1146] {strides = array<i32>} : memref<16x128xf32, #tpu.memory_space<vmem>>, vector<1x16xf32>,
          %swap3A_1148 = vector.shape_cast %swap3A_1147 : vector<1x16xf32> to vector<16xf32>
          %swap3A_1149 = vector.shape_cast %mul3A_1144 : vector<16xf32> to vector<1x16xf32>
          tpu.vector_store %arg36[%swap3A_1145, %swap3A_1146], %swap3A_1149 {strides = array<i32>} : memref<16x128xf32, #tpu.memory_space<vmem>>, vector<1x16xf32>,
          %get3A_1150 = arith.index_cast %scan3A_934 : i32 to index
          %get3A_1151 = arith.constant 64 : index
          %get3A_1152 = tpu.vector_load %arg33[%get3A_1150, %get3A_1151] {strides = array<i32>} : memref<16x384xf32, #tpu.memory_space<vmem>>, vector<1x16xf32>,
          %get3A_1153 = vector.shape_cast %get3A_1152 : vector<1x16xf32> to vector<16xf32>
          %get3A_1154 = arith.index_cast %scan3A_934 : i32 to index
          %get3A_1155 = arith.constant 192 : index
          %get3A_1156 = tpu.vector_load %arg33[%get3A_1154, %get3A_1155] {strides = array<i32>} : memref<16x384xf32, #tpu.memory_space<vmem>>, vector<1x16xf32>,
          %get3A_1157 = vector.shape_cast %get3A_1156 : vector<1x16xf32> to vector<16xf32>
          %get3A_1158 = arith.index_cast %scan3A_934 : i32 to index
          %get3A_1159 = arith.constant 320 : index
          %get3A_1160 = tpu.vector_load %arg33[%get3A_1158, %get3A_1159] {strides = array<i32>} : memref<16x384xf32, #tpu.memory_space<vmem>>, vector<1x16xf32>,
          %get3A_1161 = vector.shape_cast %get3A_1160 : vector<1x16xf32> to vector<16xf32>
          %get3A_1162 = arith.index_cast %scan3A_934 : i32 to index
          %get3A_1163 = arith.constant 64 : index
          %get3A_1164 = tpu.vector_load %arg34[%get3A_1162, %get3A_1163] {strides = array<i32>} : memref<16x384xf32, #tpu.memory_space<vmem>>, vector<1x16xf32>,
          %get3A_1165 = vector.shape_cast %get3A_1164 : vector<1x16xf32> to vector<16xf32>
          %get3A_1166 = arith.index_cast %scan3A_934 : i32 to index
          %get3A_1167 = arith.constant 192 : index
          %get3A_1168 = tpu.vector_load %arg34[%get3A_1166, %get3A_1167] {strides = array<i32>} : memref<16x384xf32, #tpu.memory_space<vmem>>, vector<1x16xf32>,
          %get3A_1169 = vector.shape_cast %get3A_1168 : vector<1x16xf32> to vector<16xf32>
          %get3A_1170 = arith.index_cast %scan3A_934 : i32 to index
          %get3A_1171 = arith.constant 320 : index
          %get3A_1172 = tpu.vector_load %arg34[%get3A_1170, %get3A_1171] {strides = array<i32>} : memref<16x384xf32, #tpu.memory_space<vmem>>, vector<1x16xf32>,
          %get3A_1173 = vector.shape_cast %get3A_1172 : vector<1x16xf32> to vector<16xf32>
          %get3A_1174 = arith.index_cast %scan3A_934 : i32 to index
          %get3A_1175 = arith.constant 64 : index
          %get3A_1176 = tpu.vector_load %arg16[%get3A_1174, %get3A_1175] {strides = array<i32>} : memref<16x128xf32, #tpu.memory_space<vmem>>, vector<1x16xf32>,
          %get3A_1177 = vector.shape_cast %get3A_1176 : vector<1x16xf32> to vector<16xf32>
          %mul3A_1178 = arith.mulf %get3A_1165, %get3A_1153 : vector<16xf32>
          %mul3A_1179 = arith.mulf %get3A_1169, %get3A_1157 : vector<16xf32>
          %add3A_1180 = arith.addf %mul3A_1178, %mul3A_1179 : vector<16xf32>
          %mul3A_1181 = arith.mulf %get3A_1173, %get3A_1161 : vector<16xf32>
          %add3A_1182 = arith.addf %add3A_1180, %mul3A_1181 : vector<16xf32>
          %mul3A_1183 = arith.mulf %get3A_938, %get3A_1153 : vector<16xf32>
          %mul3A_1184 = arith.mulf %get3A_942, %get3A_1157 : vector<16xf32>
          %add3A_1185 = arith.addf %mul3A_1183, %mul3A_1184 : vector<16xf32>
          %mul3A_1186 = arith.mulf %get3A_946, %get3A_1161 : vector<16xf32>
          %add3A_1187 = arith.addf %add3A_1185, %mul3A_1186 : vector<16xf32>
          %mul3A_1188 = arith.mulf %get3A_938, %get3A_1165 : vector<16xf32>
          %mul3A_1189 = arith.mulf %get3A_942, %get3A_1169 : vector<16xf32>
          %add3A_1190 = arith.addf %mul3A_1188, %mul3A_1189 : vector<16xf32>
          %mul3A_1191 = arith.mulf %get3A_946, %get3A_1173 : vector<16xf32>
          %add3A_1192 = arith.addf %add3A_1190, %mul3A_1191 : vector<16xf32>
          %mul3A_1193 = arith.mulf %add3A_1192, %add3A_1187 : vector<16xf32>
          %sub3A_1194 = arith.subf %add3A_1182, %mul3A_1193 : vector<16xf32>
          %mul3A_1195 = arith.mulf %get3A_1177, %sub3A_1194 : vector<16xf32>
          %swap3A_1196 = arith.index_cast %scan3A_934 : i32 to index
          %swap3A_1197 = arith.constant 64 : index
          %swap3A_1198 = tpu.vector_load %arg36[%swap3A_1196, %swap3A_1197] {strides = array<i32>} : memref<16x128xf32, #tpu.memory_space<vmem>>, vector<1x16xf32>,
          %swap3A_1199 = vector.shape_cast %swap3A_1198 : vector<1x16xf32> to vector<16xf32>
          %swap3A_1200 = vector.shape_cast %mul3A_1195 : vector<16xf32> to vector<1x16xf32>
          tpu.vector_store %arg36[%swap3A_1196, %swap3A_1197], %swap3A_1200 {strides = array<i32>} : memref<16x128xf32, #tpu.memory_space<vmem>>, vector<1x16xf32>,
          %get3A_1201 = arith.index_cast %scan3A_934 : i32 to index
          %get3A_1202 = arith.constant 80 : index
          %get3A_1203 = tpu.vector_load %arg33[%get3A_1201, %get3A_1202] {strides = array<i32>} : memref<16x384xf32, #tpu.memory_space<vmem>>, vector<1x16xf32>,
          %get3A_1204 = vector.shape_cast %get3A_1203 : vector<1x16xf32> to vector<16xf32>
          %get3A_1205 = arith.index_cast %scan3A_934 : i32 to index
          %get3A_1206 = arith.constant 208 : index
          %get3A_1207 = tpu.vector_load %arg33[%get3A_1205, %get3A_1206] {strides = array<i32>} : memref<16x384xf32, #tpu.memory_space<vmem>>, vector<1x16xf32>,
          %get3A_1208 = vector.shape_cast %get3A_1207 : vector<1x16xf32> to vector<16xf32>
          %get3A_1209 = arith.index_cast %scan3A_934 : i32 to index
          %get3A_1210 = arith.constant 336 : index
          %get3A_1211 = tpu.vector_load %arg33[%get3A_1209, %get3A_1210] {strides = array<i32>} : memref<16x384xf32, #tpu.memory_space<vmem>>, vector<1x16xf32>,
          %get3A_1212 = vector.shape_cast %get3A_1211 : vector<1x16xf32> to vector<16xf32>
          %get3A_1213 = arith.index_cast %scan3A_934 : i32 to index
          %get3A_1214 = arith.constant 80 : index
          %get3A_1215 = tpu.vector_load %arg34[%get3A_1213, %get3A_1214] {strides = array<i32>} : memref<16x384xf32, #tpu.memory_space<vmem>>, vector<1x16xf32>,
          %get3A_1216 = vector.shape_cast %get3A_1215 : vector<1x16xf32> to vector<16xf32>
          %get3A_1217 = arith.index_cast %scan3A_934 : i32 to index
          %get3A_1218 = arith.constant 208 : index
          %get3A_1219 = tpu.vector_load %arg34[%get3A_1217, %get3A_1218] {strides = array<i32>} : memref<16x384xf32, #tpu.memory_space<vmem>>, vector<1x16xf32>,
          %get3A_1220 = vector.shape_cast %get3A_1219 : vector<1x16xf32> to vector<16xf32>
          %get3A_1221 = arith.index_cast %scan3A_934 : i32 to index
          %get3A_1222 = arith.constant 336 : index
          %get3A_1223 = tpu.vector_load %arg34[%get3A_1221, %get3A_1222] {strides = array<i32>} : memref<16x384xf32, #tpu.memory_space<vmem>>, vector<1x16xf32>,
          %get3A_1224 = vector.shape_cast %get3A_1223 : vector<1x16xf32> to vector<16xf32>
          %get3A_1225 = arith.index_cast %scan3A_934 : i32 to index
          %get3A_1226 = arith.constant 80 : index
          %get3A_1227 = tpu.vector_load %arg16[%get3A_1225, %get3A_1226] {strides = array<i32>} : memref<16x128xf32, #tpu.memory_space<vmem>>, vector<1x16xf32>,
          %get3A_1228 = vector.shape_cast %get3A_1227 : vector<1x16xf32> to vector<16xf32>
          %mul3A_1229 = arith.mulf %get3A_1216, %get3A_1204 : vector<16xf32>
          %mul3A_1230 = arith.mulf %get3A_1220, %get3A_1208 : vector<16xf32>
          %add3A_1231 = arith.addf %mul3A_1229, %mul3A_1230 : vector<16xf32>
          %mul3A_1232 = arith.mulf %get3A_1224, %get3A_1212 : vector<16xf32>
          %add3A_1233 = arith.addf %add3A_1231, %mul3A_1232 : vector<16xf32>
          %mul3A_1234 = arith.mulf %get3A_938, %get3A_1204 : vector<16xf32>
          %mul3A_1235 = arith.mulf %get3A_942, %get3A_1208 : vector<16xf32>
          %add3A_1236 = arith.addf %mul3A_1234, %mul3A_1235 : vector<16xf32>
          %mul3A_1237 = arith.mulf %get3A_946, %get3A_1212 : vector<16xf32>
          %add3A_1238 = arith.addf %add3A_1236, %mul3A_1237 : vector<16xf32>
          %mul3A_1239 = arith.mulf %get3A_938, %get3A_1216 : vector<16xf32>
          %mul3A_1240 = arith.mulf %get3A_942, %get3A_1220 : vector<16xf32>
          %add3A_1241 = arith.addf %mul3A_1239, %mul3A_1240 : vector<16xf32>
          %mul3A_1242 = arith.mulf %get3A_946, %get3A_1224 : vector<16xf32>
          %add3A_1243 = arith.addf %add3A_1241, %mul3A_1242 : vector<16xf32>
          %mul3A_1244 = arith.mulf %add3A_1243, %add3A_1238 : vector<16xf32>
          %sub3A_1245 = arith.subf %add3A_1233, %mul3A_1244 : vector<16xf32>
          %mul3A_1246 = arith.mulf %get3A_1228, %sub3A_1245 : vector<16xf32>
          %swap3A_1247 = arith.index_cast %scan3A_934 : i32 to index
          %swap3A_1248 = arith.constant 80 : index
          %swap3A_1249 = tpu.vector_load %arg36[%swap3A_1247, %swap3A_1248] {strides = array<i32>} : memref<16x128xf32, #tpu.memory_space<vmem>>, vector<1x16xf32>,
          %swap3A_1250 = vector.shape_cast %swap3A_1249 : vector<1x16xf32> to vector<16xf32>
          %swap3A_1251 = vector.shape_cast %mul3A_1246 : vector<16xf32> to vector<1x16xf32>
          tpu.vector_store %arg36[%swap3A_1247, %swap3A_1248], %swap3A_1251 {strides = array<i32>} : memref<16x128xf32, #tpu.memory_space<vmem>>, vector<1x16xf32>,
          %get3A_1252 = arith.index_cast %scan3A_934 : i32 to index
          %get3A_1253 = arith.constant 96 : index
          %get3A_1254 = tpu.vector_load %arg33[%get3A_1252, %get3A_1253] {strides = array<i32>} : memref<16x384xf32, #tpu.memory_space<vmem>>, vector<1x16xf32>,
          %get3A_1255 = vector.shape_cast %get3A_1254 : vector<1x16xf32> to vector<16xf32>
          %get3A_1256 = arith.index_cast %scan3A_934 : i32 to index
          %get3A_1257 = arith.constant 224 : index
          %get3A_1258 = tpu.vector_load %arg33[%get3A_1256, %get3A_1257] {strides = array<i32>} : memref<16x384xf32, #tpu.memory_space<vmem>>, vector<1x16xf32>,
          %get3A_1259 = vector.shape_cast %get3A_1258 : vector<1x16xf32> to vector<16xf32>
          %get3A_1260 = arith.index_cast %scan3A_934 : i32 to index
          %get3A_1261 = arith.constant 352 : index
          %get3A_1262 = tpu.vector_load %arg33[%get3A_1260, %get3A_1261] {strides = array<i32>} : memref<16x384xf32, #tpu.memory_space<vmem>>, vector<1x16xf32>,
          %get3A_1263 = vector.shape_cast %get3A_1262 : vector<1x16xf32> to vector<16xf32>
          %get3A_1264 = arith.index_cast %scan3A_934 : i32 to index
          %get3A_1265 = arith.constant 96 : index
          %get3A_1266 = tpu.vector_load %arg34[%get3A_1264, %get3A_1265] {strides = array<i32>} : memref<16x384xf32, #tpu.memory_space<vmem>>, vector<1x16xf32>,
          %get3A_1267 = vector.shape_cast %get3A_1266 : vector<1x16xf32> to vector<16xf32>
          %get3A_1268 = arith.index_cast %scan3A_934 : i32 to index
          %get3A_1269 = arith.constant 224 : index
          %get3A_1270 = tpu.vector_load %arg34[%get3A_1268, %get3A_1269] {strides = array<i32>} : memref<16x384xf32, #tpu.memory_space<vmem>>, vector<1x16xf32>,
          %get3A_1271 = vector.shape_cast %get3A_1270 : vector<1x16xf32> to vector<16xf32>
          %get3A_1272 = arith.index_cast %scan3A_934 : i32 to index
          %get3A_1273 = arith.constant 352 : index
          %get3A_1274 = tpu.vector_load %arg34[%get3A_1272, %get3A_1273] {strides = array<i32>} : memref<16x384xf32, #tpu.memory_space<vmem>>, vector<1x16xf32>,
          %get3A_1275 = vector.shape_cast %get3A_1274 : vector<1x16xf32> to vector<16xf32>
          %get3A_1276 = arith.index_cast %scan3A_934 : i32 to index
          %get3A_1277 = arith.constant 96 : index
          %get3A_1278 = tpu.vector_load %arg16[%get3A_1276, %get3A_1277] {strides = array<i32>} : memref<16x128xf32, #tpu.memory_space<vmem>>, vector<1x16xf32>,
          %get3A_1279 = vector.shape_cast %get3A_1278 : vector<1x16xf32> to vector<16xf32>
          %mul3A_1280 = arith.mulf %get3A_1267, %get3A_1255 : vector<16xf32>
          %mul3A_1281 = arith.mulf %get3A_1271, %get3A_1259 : vector<16xf32>
          %add3A_1282 = arith.addf %mul3A_1280, %mul3A_1281 : vector<16xf32>
          %mul3A_1283 = arith.mulf %get3A_1275, %get3A_1263 : vector<16xf32>
          %add3A_1284 = arith.addf %add3A_1282, %mul3A_1283 : vector<16xf32>
          %mul3A_1285 = arith.mulf %get3A_938, %get3A_1255 : vector<16xf32>
          %mul3A_1286 = arith.mulf %get3A_942, %get3A_1259 : vector<16xf32>
          %add3A_1287 = arith.addf %mul3A_1285, %mul3A_1286 : vector<16xf32>
          %mul3A_1288 = arith.mulf %get3A_946, %get3A_1263 : vector<16xf32>
          %add3A_1289 = arith.addf %add3A_1287, %mul3A_1288 : vector<16xf32>
          %mul3A_1290 = arith.mulf %get3A_938, %get3A_1267 : vector<16xf32>
          %mul3A_1291 = arith.mulf %get3A_942, %get3A_1271 : vector<16xf32>
          %add3A_1292 = arith.addf %mul3A_1290, %mul3A_1291 : vector<16xf32>
          %mul3A_1293 = arith.mulf %get3A_946, %get3A_1275 : vector<16xf32>
          %add3A_1294 = arith.addf %add3A_1292, %mul3A_1293 : vector<16xf32>
          %mul3A_1295 = arith.mulf %add3A_1294, %add3A_1289 : vector<16xf32>
          %sub3A_1296 = arith.subf %add3A_1284, %mul3A_1295 : vector<16xf32>
          %mul3A_1297 = arith.mulf %get3A_1279, %sub3A_1296 : vector<16xf32>
          %swap3A_1298 = arith.index_cast %scan3A_934 : i32 to index
          %swap3A_1299 = arith.constant 96 : index
          %swap3A_1300 = tpu.vector_load %arg36[%swap3A_1298, %swap3A_1299] {strides = array<i32>} : memref<16x128xf32, #tpu.memory_space<vmem>>, vector<1x16xf32>,
          %swap3A_1301 = vector.shape_cast %swap3A_1300 : vector<1x16xf32> to vector<16xf32>
          %swap3A_1302 = vector.shape_cast %mul3A_1297 : vector<16xf32> to vector<1x16xf32>
          tpu.vector_store %arg36[%swap3A_1298, %swap3A_1299], %swap3A_1302 {strides = array<i32>} : memref<16x128xf32, #tpu.memory_space<vmem>>, vector<1x16xf32>,
          %get3A_1303 = arith.index_cast %scan3A_934 : i32 to index
          %get3A_1304 = arith.constant 112 : index
          %get3A_1305 = tpu.vector_load %arg33[%get3A_1303, %get3A_1304] {strides = array<i32>} : memref<16x384xf32, #tpu.memory_space<vmem>>, vector<1x16xf32>,
          %get3A_1306 = vector.shape_cast %get3A_1305 : vector<1x16xf32> to vector<16xf32>
          %get3A_1307 = arith.index_cast %scan3A_934 : i32 to index
          %get3A_1308 = arith.constant 240 : index
          %get3A_1309 = tpu.vector_load %arg33[%get3A_1307, %get3A_1308] {strides = array<i32>} : memref<16x384xf32, #tpu.memory_space<vmem>>, vector<1x16xf32>,
          %get3A_1310 = vector.shape_cast %get3A_1309 : vector<1x16xf32> to vector<16xf32>
          %get3A_1311 = arith.index_cast %scan3A_934 : i32 to index
          %get3A_1312 = arith.constant 368 : index
          %get3A_1313 = tpu.vector_load %arg33[%get3A_1311, %get3A_1312] {strides = array<i32>} : memref<16x384xf32, #tpu.memory_space<vmem>>, vector<1x16xf32>,
          %get3A_1314 = vector.shape_cast %get3A_1313 : vector<1x16xf32> to vector<16xf32>
          %get3A_1315 = arith.index_cast %scan3A_934 : i32 to index
          %get3A_1316 = arith.constant 112 : index
          %get3A_1317 = tpu.vector_load %arg34[%get3A_1315, %get3A_1316] {strides = array<i32>} : memref<16x384xf32, #tpu.memory_space<vmem>>, vector<1x16xf32>,
          %get3A_1318 = vector.shape_cast %get3A_1317 : vector<1x16xf32> to vector<16xf32>
          %get3A_1319 = arith.index_cast %scan3A_934 : i32 to index
          %get3A_1320 = arith.constant 240 : index
          %get3A_1321 = tpu.vector_load %arg34[%get3A_1319, %get3A_1320] {strides = array<i32>} : memref<16x384xf32, #tpu.memory_space<vmem>>, vector<1x16xf32>,
          %get3A_1322 = vector.shape_cast %get3A_1321 : vector<1x16xf32> to vector<16xf32>
          %get3A_1323 = arith.index_cast %scan3A_934 : i32 to index
          %get3A_1324 = arith.constant 368 : index
          %get3A_1325 = tpu.vector_load %arg34[%get3A_1323, %get3A_1324] {strides = array<i32>} : memref<16x384xf32, #tpu.memory_space<vmem>>, vector<1x16xf32>,
          %get3A_1326 = vector.shape_cast %get3A_1325 : vector<1x16xf32> to vector<16xf32>
          %get3A_1327 = arith.index_cast %scan3A_934 : i32 to index
          %get3A_1328 = arith.constant 112 : index
          %get3A_1329 = tpu.vector_load %arg16[%get3A_1327, %get3A_1328] {strides = array<i32>} : memref<16x128xf32, #tpu.memory_space<vmem>>, vector<1x16xf32>,
          %get3A_1330 = vector.shape_cast %get3A_1329 : vector<1x16xf32> to vector<16xf32>
          %mul3A_1331 = arith.mulf %get3A_1318, %get3A_1306 : vector<16xf32>
          %mul3A_1332 = arith.mulf %get3A_1322, %get3A_1310 : vector<16xf32>
          %add3A_1333 = arith.addf %mul3A_1331, %mul3A_1332 : vector<16xf32>
          %mul3A_1334 = arith.mulf %get3A_1326, %get3A_1314 : vector<16xf32>
          %add3A_1335 = arith.addf %add3A_1333, %mul3A_1334 : vector<16xf32>
          %mul3A_1336 = arith.mulf %get3A_938, %get3A_1306 : vector<16xf32>
          %mul3A_1337 = arith.mulf %get3A_942, %get3A_1310 : vector<16xf32>
          %add3A_1338 = arith.addf %mul3A_1336, %mul3A_1337 : vector<16xf32>
          %mul3A_1339 = arith.mulf %get3A_946, %get3A_1314 : vector<16xf32>
          %add3A_1340 = arith.addf %add3A_1338, %mul3A_1339 : vector<16xf32>
          %mul3A_1341 = arith.mulf %get3A_938, %get3A_1318 : vector<16xf32>
          %mul3A_1342 = arith.mulf %get3A_942, %get3A_1322 : vector<16xf32>
          %add3A_1343 = arith.addf %mul3A_1341, %mul3A_1342 : vector<16xf32>
          %mul3A_1344 = arith.mulf %get3A_946, %get3A_1326 : vector<16xf32>
          %add3A_1345 = arith.addf %add3A_1343, %mul3A_1344 : vector<16xf32>
          %mul3A_1346 = arith.mulf %add3A_1345, %add3A_1340 : vector<16xf32>
          %sub3A_1347 = arith.subf %add3A_1335, %mul3A_1346 : vector<16xf32>
          %mul3A_1348 = arith.mulf %get3A_1330, %sub3A_1347 : vector<16xf32>
          %swap3A_1349 = arith.index_cast %scan3A_934 : i32 to index
          %swap3A_1350 = arith.constant 112 : index
          %swap3A_1351 = tpu.vector_load %arg36[%swap3A_1349, %swap3A_1350] {strides = array<i32>} : memref<16x128xf32, #tpu.memory_space<vmem>>, vector<1x16xf32>,
          %swap3A_1352 = vector.shape_cast %swap3A_1351 : vector<1x16xf32> to vector<16xf32>
          %swap3A_1353 = vector.shape_cast %mul3A_1348 : vector<16xf32> to vector<1x16xf32>
          tpu.vector_store %arg36[%swap3A_1349, %swap3A_1350], %swap3A_1353 {strides = array<i32>} : memref<16x128xf32, #tpu.memory_space<vmem>>, vector<1x16xf32>,
        }
        %scan3A_909 = arith.constant 16 : i32
        %get3A_910 = arith.constant 0 : index
        %get3A_911 = tpu.vector_load %arg13[%get3A_910] {strides = array<i32>} : memref<16xi32, #tpu.memory_space<vmem>>, vector<16xi32>,
        %get3A_912 = vector.shape_cast %get3A_911 : vector<16xi32> to vector<16xi32>
        %swap3A_913 = arith.constant 0 : index
        %swap3A_914 = tpu.vector_load %arg35[%swap3A_913] {strides = array<i32>} : memref<16xi32, #tpu.memory_space<vmem>>, vector<16xi32>,
        %swap3A_915 = vector.shape_cast %swap3A_914 : vector<16xi32> to vector<16xi32>
        %swap3A_916 = vector.shape_cast %get3A_912 : vector<16xi32> to vector<16xi32>
        tpu.vector_store %arg35[%swap3A_913], %swap3A_916 {strides = array<i32>} : memref<16xi32, #tpu.memory_space<vmem>>, vector<16xi32>,
        %dma_start3A_917 = arith.constant 0 : i32
        %dma_start3A_918 = arith.constant 0 : i32
        %dma_start3A_919 = tpu.memref_slice %arg8[%dma_start3A_917, %dma_start3A_918] : memref<10240x128xf32, #tpu.memory_space<vmem_shared>> -> memref<10240x128xf32, #tpu.memory_space<vmem_shared>>
        tpu.enqueue_indirect_dma source(%arg36 : memref<16x128xf32, #tpu.memory_space<vmem>>) target(%dma_start3A_919 : memref<10240x128xf32, #tpu.memory_space<vmem_shared>>) offsets(%arg35 : memref<16xi32, #tpu.memory_space<vmem>>) semaphore(%arg44 : memref<!tpu.dma_semaphore, #tpu.memory_space<semaphore_mem>>) {add = true}
        %add3A_920 = arith.constant 2 : i32
        %add3A_921 = arith.addi %add3A_868, %add3A_920 : i32
        %lt3A_922 = arith.constant 1250 : i32
        %lt3A_923 = arith.cmpi slt, %add3A_921, %lt3A_922 : i32
        %convert_element_type3A_924 = arith.extui %lt3A_923 : i1 to i32
        %cond3A_925 = arith.constant 0 : i32
        %cond3A_926 = arith.cmpi ne, %convert_element_type3A_924, %cond3A_925 : i32
        scf.if %cond3A_926 {
          %dma_wait3A_934 = arith.constant 0 : i32
          %dma_wait3A_935 = tpu.memref_slice %arg5[%dma_wait3A_934] : memref<320000xi32, #tpu.memory_space<hbm>> -> memref<16xi32, #tpu.memory_space<hbm>>
          %dma_wait3A_936 = arith.constant 0 : i32
          %dma_wait3A_937 = tpu.memref_slice %arg5[%dma_wait3A_936] : memref<320000xi32, #tpu.memory_space<hbm>> -> memref<16xi32, #tpu.memory_space<hbm>>
          tpu.wait_dma2 semaphore(%arg40 : memref<!tpu.dma_semaphore, #tpu.memory_space<semaphore_mem>>) src(%dma_wait3A_937 : memref<16xi32, #tpu.memory_space<hbm>>) dst(%arg21 : memref<16xi32, #tpu.memory_space<vmem>>)
          %dma_wait3A_938 = arith.constant 0 : i32
          %dma_wait3A_939 = tpu.memref_slice %arg6[%dma_wait3A_938] : memref<320000xi32, #tpu.memory_space<hbm>> -> memref<16xi32, #tpu.memory_space<hbm>>
          %dma_wait3A_940 = arith.constant 0 : i32
          %dma_wait3A_941 = tpu.memref_slice %arg6[%dma_wait3A_940] : memref<320000xi32, #tpu.memory_space<hbm>> -> memref<16xi32, #tpu.memory_space<hbm>>
          tpu.wait_dma2 semaphore(%arg40 : memref<!tpu.dma_semaphore, #tpu.memory_space<semaphore_mem>>) src(%dma_wait3A_941 : memref<16xi32, #tpu.memory_space<hbm>>) dst(%arg22 : memref<16xi32, #tpu.memory_space<vmem>>)
          %dma_wait3A_942 = arith.constant 0 : i32
          %dma_wait3A_943 = arith.constant 0 : i32
          %dma_wait3A_944 = tpu.memref_slice %arg4[%dma_wait3A_942, %dma_wait3A_943] : memref<320000x48xf32, #tpu.memory_space<hbm>> -> memref<16x48xf32, #tpu.memory_space<hbm>>
          %dma_wait3A_945 = arith.constant 0 : i32
          %dma_wait3A_946 = arith.constant 0 : i32
          %dma_wait3A_947 = tpu.memref_slice %arg4[%dma_wait3A_945, %dma_wait3A_946] : memref<320000x48xf32, #tpu.memory_space<hbm>> -> memref<16x48xf32, #tpu.memory_space<hbm>>
          tpu.wait_dma2 semaphore(%arg40 : memref<!tpu.dma_semaphore, #tpu.memory_space<semaphore_mem>>) src(%dma_wait3A_947 : memref<16x48xf32, #tpu.memory_space<hbm>>) dst(%arg23 : memref<16x48xf32, #tpu.memory_space<vmem>>)
          %dma_wait3A_948 = arith.constant 0 : i32
          %dma_wait3A_949 = arith.constant 0 : i32
          %dma_wait3A_950 = tpu.memref_slice %arg3[%dma_wait3A_948, %dma_wait3A_949] : memref<640000x128xf32, #tpu.memory_space<hbm>> -> memref<16x128xf32, #tpu.memory_space<hbm>>
          %dma_wait3A_951 = arith.constant 0 : i32
          %dma_wait3A_952 = arith.constant 0 : i32
          %dma_wait3A_953 = tpu.memref_slice %arg3[%dma_wait3A_951, %dma_wait3A_952] : memref<640000x128xf32, #tpu.memory_space<hbm>> -> memref<16x128xf32, #tpu.memory_space<hbm>>
          tpu.wait_dma2 semaphore(%arg40 : memref<!tpu.dma_semaphore, #tpu.memory_space<semaphore_mem>>) src(%dma_wait3A_953 : memref<16x128xf32, #tpu.memory_space<hbm>>) dst(%arg24 : memref<16x128xf32, #tpu.memory_space<vmem>>)
          %get3A_954 = arith.constant 0 : index
          %get3A_955 = tpu.vector_load %arg22[%get3A_954] {strides = array<i32>} : memref<16xi32, #tpu.memory_space<vmem>>, vector<16xi32>,
          %get3A_956 = vector.shape_cast %get3A_955 : vector<16xi32> to vector<16xi32>
          %add3A_957 = vector.broadcast %mul3A_0 : i32 to vector<16xi32>
          %add3A_958 = arith.addi %get3A_956, %add3A_957 : vector<16xi32>
          %swap3A_959 = arith.constant 0 : index
          %swap3A_960 = tpu.vector_load %arg32[%swap3A_959] {strides = array<i32>} : memref<16xi32, #tpu.memory_space<vmem>>, vector<16xi32>,
          %swap3A_961 = vector.shape_cast %swap3A_960 : vector<16xi32> to vector<16xi32>
          %swap3A_962 = vector.shape_cast %add3A_958 : vector<16xi32> to vector<16xi32>
          tpu.vector_store %arg32[%swap3A_959], %swap3A_962 {strides = array<i32>} : memref<16xi32, #tpu.memory_space<vmem>>, vector<16xi32>,
          %get3A_963 = arith.constant 0 : index
          %get3A_964 = tpu.vector_load %arg21[%get3A_963] {strides = array<i32>} : memref<16xi32, #tpu.memory_space<vmem>>, vector<16xi32>,
          %get3A_965 = vector.shape_cast %get3A_964 : vector<16xi32> to vector<16xi32>
          %add3A_966 = vector.broadcast %mul3A_0 : i32 to vector<16xi32>
          %add3A_967 = arith.addi %get3A_965, %add3A_966 : vector<16xi32>
          %swap3A_968 = arith.constant 0 : index
          %swap3A_969 = tpu.vector_load %arg31[%swap3A_968] {strides = array<i32>} : memref<16xi32, #tpu.memory_space<vmem>>, vector<16xi32>,
          %swap3A_970 = vector.shape_cast %swap3A_969 : vector<16xi32> to vector<16xi32>
          %swap3A_971 = vector.shape_cast %add3A_967 : vector<16xi32> to vector<16xi32>
          tpu.vector_store %arg31[%swap3A_968], %swap3A_971 {strides = array<i32>} : memref<16xi32, #tpu.memory_space<vmem>>, vector<16xi32>,
          %dma_start3A_972 = arith.constant 0 : i32
          %dma_start3A_973 = arith.constant 0 : i32
          %dma_start3A_974 = tpu.memref_slice %arg2[%dma_start3A_972, %dma_start3A_973] : memref<20000x384xf32, #tpu.memory_space<hbm>> -> memref<20000x384xf32, #tpu.memory_space<hbm>>
          tpu.enqueue_indirect_dma source(%dma_start3A_974 : memref<20000x384xf32, #tpu.memory_space<hbm>>) target(%arg33 : memref<16x384xf32, #tpu.memory_space<vmem>>) offsets(%arg32 : memref<16xi32, #tpu.memory_space<vmem>>) semaphore(%arg42 : memref<!tpu.dma_semaphore, #tpu.memory_space<semaphore_mem>>)
          %dma_start3A_975 = arith.constant 0 : i32
          %dma_start3A_976 = arith.constant 0 : i32
          %dma_start3A_977 = tpu.memref_slice %arg2[%dma_start3A_975, %dma_start3A_976] : memref<20000x384xf32, #tpu.memory_space<hbm>> -> memref<20000x384xf32, #tpu.memory_space<hbm>>
          tpu.enqueue_indirect_dma source(%dma_start3A_977 : memref<20000x384xf32, #tpu.memory_space<hbm>>) target(%arg34 : memref<16x384xf32, #tpu.memory_space<vmem>>) offsets(%arg31 : memref<16xi32, #tpu.memory_space<vmem>>) semaphore(%arg42 : memref<!tpu.dma_semaphore, #tpu.memory_space<semaphore_mem>>)
        } else {
        }
        %add3A_927 = arith.constant 4 : i32
        %add3A_928 = arith.addi %add3A_868, %add3A_927 : i32
        %lt3A_929 = arith.constant 1250 : i32
        %lt3A_930 = arith.cmpi slt, %add3A_928, %lt3A_929 : i32
        %convert_element_type3A_931 = arith.extui %lt3A_930 : i1 to i32
        %cond3A_932 = arith.constant 0 : i32
        %cond3A_933 = arith.cmpi ne, %convert_element_type3A_931, %cond3A_932 : i32
        scf.if %cond3A_933 {
          %add3A_934 = arith.constant 4 : i32
          %add3A_935 = arith.addi %add3A_868, %add3A_934 : i32
          %mul3A_936 = arith.constant 16 : i32
          %mul3A_937 = arith.muli %add3A_935, %mul3A_936 : i32
          %add3A_938 = arith.addi %mul3A_4, %mul3A_937 : i32
          %dma_start3A_939 = tpu.memref_slice %arg5[%add3A_938] : memref<320000xi32, #tpu.memory_space<hbm>> -> memref<16xi32, #tpu.memory_space<hbm>>
          %dma_start3A_940 = tpu.memref_slice %arg5[%add3A_938] : memref<320000xi32, #tpu.memory_space<hbm>> -> memref<16xi32, #tpu.memory_space<hbm>>
          tpu.enqueue_dma source(%dma_start3A_940 : memref<16xi32, #tpu.memory_space<hbm>>) target(%arg13 : memref<16xi32, #tpu.memory_space<vmem>>) target_semaphore(%arg38 : memref<!tpu.dma_semaphore, #tpu.memory_space<semaphore_mem>>)
          %dma_start3A_941 = tpu.memref_slice %arg6[%add3A_938] : memref<320000xi32, #tpu.memory_space<hbm>> -> memref<16xi32, #tpu.memory_space<hbm>>
          %dma_start3A_942 = tpu.memref_slice %arg6[%add3A_938] : memref<320000xi32, #tpu.memory_space<hbm>> -> memref<16xi32, #tpu.memory_space<hbm>>
          tpu.enqueue_dma source(%dma_start3A_942 : memref<16xi32, #tpu.memory_space<hbm>>) target(%arg14 : memref<16xi32, #tpu.memory_space<vmem>>) target_semaphore(%arg38 : memref<!tpu.dma_semaphore, #tpu.memory_space<semaphore_mem>>)
          %dma_start3A_943 = arith.constant 0 : i32
          %dma_start3A_944 = tpu.memref_slice %arg4[%add3A_938, %dma_start3A_943] : memref<320000x48xf32, #tpu.memory_space<hbm>> -> memref<16x48xf32, #tpu.memory_space<hbm>>
          %dma_start3A_945 = arith.constant 0 : i32
          %dma_start3A_946 = tpu.memref_slice %arg4[%add3A_938, %dma_start3A_945] : memref<320000x48xf32, #tpu.memory_space<hbm>> -> memref<16x48xf32, #tpu.memory_space<hbm>>
          tpu.enqueue_dma source(%dma_start3A_946 : memref<16x48xf32, #tpu.memory_space<hbm>>) target(%arg15 : memref<16x48xf32, #tpu.memory_space<vmem>>) target_semaphore(%arg38 : memref<!tpu.dma_semaphore, #tpu.memory_space<semaphore_mem>>)
          %add3A_947 = arith.addi %mul3A_2, %add3A_938 : i32
          %dma_start3A_948 = arith.constant 0 : i32
          %dma_start3A_949 = tpu.memref_slice %arg3[%add3A_947, %dma_start3A_948] : memref<640000x128xf32, #tpu.memory_space<hbm>> -> memref<16x128xf32, #tpu.memory_space<hbm>>
          %dma_start3A_950 = arith.constant 0 : i32
          %dma_start3A_951 = tpu.memref_slice %arg3[%add3A_947, %dma_start3A_950] : memref<640000x128xf32, #tpu.memory_space<hbm>> -> memref<16x128xf32, #tpu.memory_space<hbm>>
          tpu.enqueue_dma source(%dma_start3A_951 : memref<16x128xf32, #tpu.memory_space<hbm>>) target(%arg16 : memref<16x128xf32, #tpu.memory_space<vmem>>) target_semaphore(%arg38 : memref<!tpu.dma_semaphore, #tpu.memory_space<semaphore_mem>>)
        } else {
        }
      } else {
      }
      %add3A_874 = arith.constant 2 : i32
      %add3A_875 = arith.addi %mul3A_862, %add3A_874 : i32
      %lt3A_876 = arith.constant 1250 : i32
      %lt3A_877 = arith.cmpi slt, %add3A_875, %lt3A_876 : i32
      %convert_element_type3A_878 = arith.extui %lt3A_877 : i1 to i32
      %cond3A_879 = arith.constant 0 : i32
      %cond3A_880 = arith.cmpi ne, %convert_element_type3A_878, %cond3A_879 : i32
      scf.if %cond3A_880 {
        %dma_wait3A_888 = arith.constant 0 : i32
        %dma_wait3A_889 = arith.constant 0 : i32
        %dma_wait3A_890 = tpu.memref_slice %arg2[%dma_wait3A_888, %dma_wait3A_889] : memref<20000x384xf32, #tpu.memory_space<hbm>> -> memref<16x384xf32, #tpu.memory_space<hbm>>
        %dma_wait3A_891 = arith.constant 0 : i32
        %dma_wait3A_892 = arith.constant 0 : i32
        %dma_wait3A_893 = tpu.memref_slice %arg2[%dma_wait3A_891, %dma_wait3A_892] : memref<20000x384xf32, #tpu.memory_space<hbm>> -> memref<16x384xf32, #tpu.memory_space<hbm>>
        tpu.wait_dma2 semaphore(%arg41 : memref<!tpu.dma_semaphore, #tpu.memory_space<semaphore_mem>>) src(%dma_wait3A_893 : memref<16x384xf32, #tpu.memory_space<hbm>>) dst(%arg27 : memref<16x384xf32, #tpu.memory_space<vmem>>)
        %dma_wait3A_894 = arith.constant 0 : i32
        %dma_wait3A_895 = arith.constant 0 : i32
        %dma_wait3A_896 = tpu.memref_slice %arg2[%dma_wait3A_894, %dma_wait3A_895] : memref<20000x384xf32, #tpu.memory_space<hbm>> -> memref<16x384xf32, #tpu.memory_space<hbm>>
        %dma_wait3A_897 = arith.constant 0 : i32
        %dma_wait3A_898 = arith.constant 0 : i32
        %dma_wait3A_899 = tpu.memref_slice %arg2[%dma_wait3A_897, %dma_wait3A_898] : memref<20000x384xf32, #tpu.memory_space<hbm>> -> memref<16x384xf32, #tpu.memory_space<hbm>>
        tpu.wait_dma2 semaphore(%arg41 : memref<!tpu.dma_semaphore, #tpu.memory_space<semaphore_mem>>) src(%dma_wait3A_899 : memref<16x384xf32, #tpu.memory_space<hbm>>) dst(%arg28 : memref<16x384xf32, #tpu.memory_space<vmem>>)
        %ge3A = arith.constant 2 : i32
        %ge3A_900 = arith.cmpi sge, %add3A_875, %ge3A : i32
        %convert_element_type3A_901 = arith.extui %ge3A_900 : i1 to i32
        %cond3A_902 = arith.constant 0 : i32
        %cond3A_903 = arith.cmpi ne, %convert_element_type3A_901, %cond3A_902 : i32
        scf.if %cond3A_903 {
          %dma_wait3A_934 = arith.constant 0 : i32
          %dma_wait3A_935 = arith.constant 0 : i32
          %dma_wait3A_936 = tpu.memref_slice %arg3[%dma_wait3A_934, %dma_wait3A_935] : memref<640000x128xf32, #tpu.memory_space<hbm>> -> memref<16x128xf32, #tpu.memory_space<hbm>>
          %dma_wait3A_937 = arith.constant 0 : i32
          %dma_wait3A_938 = arith.constant 0 : i32
          %dma_wait3A_939 = tpu.memref_slice %arg3[%dma_wait3A_937, %dma_wait3A_938] : memref<640000x128xf32, #tpu.memory_space<hbm>> -> memref<16x128xf32, #tpu.memory_space<hbm>>
          tpu.wait_dma2 semaphore(%arg43 : memref<!tpu.dma_semaphore, #tpu.memory_space<semaphore_mem>>) src(%dma_wait3A_939 : memref<16x128xf32, #tpu.memory_space<hbm>>) dst(%arg30 : memref<16x128xf32, #tpu.memory_space<vmem>>)
        } else {
        }
        %scan3A_904 = arith.constant 0 : i32
        %scan3A_905 = arith.constant 0 : i32
        %scan3A_906 = arith.constant 16 : i32
        %scan3A_907 = arith.addi %scan3A_905, %scan3A_906 : i32
        %scan3A_908 = arith.constant 1 : i32
        scf.for %scan3A_934 = %scan3A_905 to %scan3A_907 step %scan3A_908  : i32 {
          %get3A_935 = arith.index_cast %scan3A_934 : i32 to index
          %get3A_936 = arith.constant 0 : index
          %get3A_937 = tpu.vector_load %arg19[%get3A_935, %get3A_936] {strides = array<i32>} : memref<16x48xf32, #tpu.memory_space<vmem>>, vector<1x16xf32>,
          %get3A_938 = vector.shape_cast %get3A_937 : vector<1x16xf32> to vector<16xf32>
          %get3A_939 = arith.index_cast %scan3A_934 : i32 to index
          %get3A_940 = arith.constant 16 : index
          %get3A_941 = tpu.vector_load %arg19[%get3A_939, %get3A_940] {strides = array<i32>} : memref<16x48xf32, #tpu.memory_space<vmem>>, vector<1x16xf32>,
          %get3A_942 = vector.shape_cast %get3A_941 : vector<1x16xf32> to vector<16xf32>
          %get3A_943 = arith.index_cast %scan3A_934 : i32 to index
          %get3A_944 = arith.constant 32 : index
          %get3A_945 = tpu.vector_load %arg19[%get3A_943, %get3A_944] {strides = array<i32>} : memref<16x48xf32, #tpu.memory_space<vmem>>, vector<1x16xf32>,
          %get3A_946 = vector.shape_cast %get3A_945 : vector<1x16xf32> to vector<16xf32>
          %get3A_947 = arith.index_cast %scan3A_934 : i32 to index
          %get3A_948 = arith.constant 0 : index
          %get3A_949 = tpu.vector_load %arg27[%get3A_947, %get3A_948] {strides = array<i32>} : memref<16x384xf32, #tpu.memory_space<vmem>>, vector<1x16xf32>,
          %get3A_950 = vector.shape_cast %get3A_949 : vector<1x16xf32> to vector<16xf32>
          %get3A_951 = arith.index_cast %scan3A_934 : i32 to index
          %get3A_952 = arith.constant 128 : index
          %get3A_953 = tpu.vector_load %arg27[%get3A_951, %get3A_952] {strides = array<i32>} : memref<16x384xf32, #tpu.memory_space<vmem>>, vector<1x16xf32>,
          %get3A_954 = vector.shape_cast %get3A_953 : vector<1x16xf32> to vector<16xf32>
          %get3A_955 = arith.index_cast %scan3A_934 : i32 to index
          %get3A_956 = arith.constant 256 : index
          %get3A_957 = tpu.vector_load %arg27[%get3A_955, %get3A_956] {strides = array<i32>} : memref<16x384xf32, #tpu.memory_space<vmem>>, vector<1x16xf32>,
          %get3A_958 = vector.shape_cast %get3A_957 : vector<1x16xf32> to vector<16xf32>
          %get3A_959 = arith.index_cast %scan3A_934 : i32 to index
          %get3A_960 = arith.constant 0 : index
          %get3A_961 = tpu.vector_load %arg28[%get3A_959, %get3A_960] {strides = array<i32>} : memref<16x384xf32, #tpu.memory_space<vmem>>, vector<1x16xf32>,
          %get3A_962 = vector.shape_cast %get3A_961 : vector<1x16xf32> to vector<16xf32>
          %get3A_963 = arith.index_cast %scan3A_934 : i32 to index
          %get3A_964 = arith.constant 128 : index
          %get3A_965 = tpu.vector_load %arg28[%get3A_963, %get3A_964] {strides = array<i32>} : memref<16x384xf32, #tpu.memory_space<vmem>>, vector<1x16xf32>,
          %get3A_966 = vector.shape_cast %get3A_965 : vector<1x16xf32> to vector<16xf32>
          %get3A_967 = arith.index_cast %scan3A_934 : i32 to index
          %get3A_968 = arith.constant 256 : index
          %get3A_969 = tpu.vector_load %arg28[%get3A_967, %get3A_968] {strides = array<i32>} : memref<16x384xf32, #tpu.memory_space<vmem>>, vector<1x16xf32>,
          %get3A_970 = vector.shape_cast %get3A_969 : vector<1x16xf32> to vector<16xf32>
          %get3A_971 = arith.index_cast %scan3A_934 : i32 to index
          %get3A_972 = arith.constant 0 : index
          %get3A_973 = tpu.vector_load %arg20[%get3A_971, %get3A_972] {strides = array<i32>} : memref<16x128xf32, #tpu.memory_space<vmem>>, vector<1x16xf32>,
          %get3A_974 = vector.shape_cast %get3A_973 : vector<1x16xf32> to vector<16xf32>
          %mul3A_975 = arith.mulf %get3A_962, %get3A_950 : vector<16xf32>
          %mul3A_976 = arith.mulf %get3A_966, %get3A_954 : vector<16xf32>
          %add3A_977 = arith.addf %mul3A_975, %mul3A_976 : vector<16xf32>
          %mul3A_978 = arith.mulf %get3A_970, %get3A_958 : vector<16xf32>
          %add3A_979 = arith.addf %add3A_977, %mul3A_978 : vector<16xf32>
          %mul3A_980 = arith.mulf %get3A_938, %get3A_950 : vector<16xf32>
          %mul3A_981 = arith.mulf %get3A_942, %get3A_954 : vector<16xf32>
          %add3A_982 = arith.addf %mul3A_980, %mul3A_981 : vector<16xf32>
          %mul3A_983 = arith.mulf %get3A_946, %get3A_958 : vector<16xf32>
          %add3A_984 = arith.addf %add3A_982, %mul3A_983 : vector<16xf32>
          %mul3A_985 = arith.mulf %get3A_938, %get3A_962 : vector<16xf32>
          %mul3A_986 = arith.mulf %get3A_942, %get3A_966 : vector<16xf32>
          %add3A_987 = arith.addf %mul3A_985, %mul3A_986 : vector<16xf32>
          %mul3A_988 = arith.mulf %get3A_946, %get3A_970 : vector<16xf32>
          %add3A_989 = arith.addf %add3A_987, %mul3A_988 : vector<16xf32>
          %mul3A_990 = arith.mulf %add3A_989, %add3A_984 : vector<16xf32>
          %sub3A = arith.subf %add3A_979, %mul3A_990 : vector<16xf32>
          %mul3A_991 = arith.mulf %get3A_974, %sub3A : vector<16xf32>
          %swap3A_992 = arith.index_cast %scan3A_934 : i32 to index
          %swap3A_993 = arith.constant 0 : index
          %swap3A_994 = tpu.vector_load %arg30[%swap3A_992, %swap3A_993] {strides = array<i32>} : memref<16x128xf32, #tpu.memory_space<vmem>>, vector<1x16xf32>,
          %swap3A_995 = vector.shape_cast %swap3A_994 : vector<1x16xf32> to vector<16xf32>
          %swap3A_996 = vector.shape_cast %mul3A_991 : vector<16xf32> to vector<1x16xf32>
          tpu.vector_store %arg30[%swap3A_992, %swap3A_993], %swap3A_996 {strides = array<i32>} : memref<16x128xf32, #tpu.memory_space<vmem>>, vector<1x16xf32>,
          %get3A_997 = arith.index_cast %scan3A_934 : i32 to index
          %get3A_998 = arith.constant 16 : index
          %get3A_999 = tpu.vector_load %arg27[%get3A_997, %get3A_998] {strides = array<i32>} : memref<16x384xf32, #tpu.memory_space<vmem>>, vector<1x16xf32>,
          %get3A_1000 = vector.shape_cast %get3A_999 : vector<1x16xf32> to vector<16xf32>
          %get3A_1001 = arith.index_cast %scan3A_934 : i32 to index
          %get3A_1002 = arith.constant 144 : index
          %get3A_1003 = tpu.vector_load %arg27[%get3A_1001, %get3A_1002] {strides = array<i32>} : memref<16x384xf32, #tpu.memory_space<vmem>>, vector<1x16xf32>,
          %get3A_1004 = vector.shape_cast %get3A_1003 : vector<1x16xf32> to vector<16xf32>
          %get3A_1005 = arith.index_cast %scan3A_934 : i32 to index
          %get3A_1006 = arith.constant 272 : index
          %get3A_1007 = tpu.vector_load %arg27[%get3A_1005, %get3A_1006] {strides = array<i32>} : memref<16x384xf32, #tpu.memory_space<vmem>>, vector<1x16xf32>,
          %get3A_1008 = vector.shape_cast %get3A_1007 : vector<1x16xf32> to vector<16xf32>
          %get3A_1009 = arith.index_cast %scan3A_934 : i32 to index
          %get3A_1010 = arith.constant 16 : index
          %get3A_1011 = tpu.vector_load %arg28[%get3A_1009, %get3A_1010] {strides = array<i32>} : memref<16x384xf32, #tpu.memory_space<vmem>>, vector<1x16xf32>,
          %get3A_1012 = vector.shape_cast %get3A_1011 : vector<1x16xf32> to vector<16xf32>
          %get3A_1013 = arith.index_cast %scan3A_934 : i32 to index
          %get3A_1014 = arith.constant 144 : index
          %get3A_1015 = tpu.vector_load %arg28[%get3A_1013, %get3A_1014] {strides = array<i32>} : memref<16x384xf32, #tpu.memory_space<vmem>>, vector<1x16xf32>,
          %get3A_1016 = vector.shape_cast %get3A_1015 : vector<1x16xf32> to vector<16xf32>
          %get3A_1017 = arith.index_cast %scan3A_934 : i32 to index
          %get3A_1018 = arith.constant 272 : index
          %get3A_1019 = tpu.vector_load %arg28[%get3A_1017, %get3A_1018] {strides = array<i32>} : memref<16x384xf32, #tpu.memory_space<vmem>>, vector<1x16xf32>,
          %get3A_1020 = vector.shape_cast %get3A_1019 : vector<1x16xf32> to vector<16xf32>
          %get3A_1021 = arith.index_cast %scan3A_934 : i32 to index
          %get3A_1022 = arith.constant 16 : index
          %get3A_1023 = tpu.vector_load %arg20[%get3A_1021, %get3A_1022] {strides = array<i32>} : memref<16x128xf32, #tpu.memory_space<vmem>>, vector<1x16xf32>,
          %get3A_1024 = vector.shape_cast %get3A_1023 : vector<1x16xf32> to vector<16xf32>
          %mul3A_1025 = arith.mulf %get3A_1012, %get3A_1000 : vector<16xf32>
          %mul3A_1026 = arith.mulf %get3A_1016, %get3A_1004 : vector<16xf32>
          %add3A_1027 = arith.addf %mul3A_1025, %mul3A_1026 : vector<16xf32>
          %mul3A_1028 = arith.mulf %get3A_1020, %get3A_1008 : vector<16xf32>
          %add3A_1029 = arith.addf %add3A_1027, %mul3A_1028 : vector<16xf32>
          %mul3A_1030 = arith.mulf %get3A_938, %get3A_1000 : vector<16xf32>
          %mul3A_1031 = arith.mulf %get3A_942, %get3A_1004 : vector<16xf32>
          %add3A_1032 = arith.addf %mul3A_1030, %mul3A_1031 : vector<16xf32>
          %mul3A_1033 = arith.mulf %get3A_946, %get3A_1008 : vector<16xf32>
          %add3A_1034 = arith.addf %add3A_1032, %mul3A_1033 : vector<16xf32>
          %mul3A_1035 = arith.mulf %get3A_938, %get3A_1012 : vector<16xf32>
          %mul3A_1036 = arith.mulf %get3A_942, %get3A_1016 : vector<16xf32>
          %add3A_1037 = arith.addf %mul3A_1035, %mul3A_1036 : vector<16xf32>
          %mul3A_1038 = arith.mulf %get3A_946, %get3A_1020 : vector<16xf32>
          %add3A_1039 = arith.addf %add3A_1037, %mul3A_1038 : vector<16xf32>
          %mul3A_1040 = arith.mulf %add3A_1039, %add3A_1034 : vector<16xf32>
          %sub3A_1041 = arith.subf %add3A_1029, %mul3A_1040 : vector<16xf32>
          %mul3A_1042 = arith.mulf %get3A_1024, %sub3A_1041 : vector<16xf32>
          %swap3A_1043 = arith.index_cast %scan3A_934 : i32 to index
          %swap3A_1044 = arith.constant 16 : index
          %swap3A_1045 = tpu.vector_load %arg30[%swap3A_1043, %swap3A_1044] {strides = array<i32>} : memref<16x128xf32, #tpu.memory_space<vmem>>, vector<1x16xf32>,
          %swap3A_1046 = vector.shape_cast %swap3A_1045 : vector<1x16xf32> to vector<16xf32>
          %swap3A_1047 = vector.shape_cast %mul3A_1042 : vector<16xf32> to vector<1x16xf32>
          tpu.vector_store %arg30[%swap3A_1043, %swap3A_1044], %swap3A_1047 {strides = array<i32>} : memref<16x128xf32, #tpu.memory_space<vmem>>, vector<1x16xf32>,
          %get3A_1048 = arith.index_cast %scan3A_934 : i32 to index
          %get3A_1049 = arith.constant 32 : index
          %get3A_1050 = tpu.vector_load %arg27[%get3A_1048, %get3A_1049] {strides = array<i32>} : memref<16x384xf32, #tpu.memory_space<vmem>>, vector<1x16xf32>,
          %get3A_1051 = vector.shape_cast %get3A_1050 : vector<1x16xf32> to vector<16xf32>
          %get3A_1052 = arith.index_cast %scan3A_934 : i32 to index
          %get3A_1053 = arith.constant 160 : index
          %get3A_1054 = tpu.vector_load %arg27[%get3A_1052, %get3A_1053] {strides = array<i32>} : memref<16x384xf32, #tpu.memory_space<vmem>>, vector<1x16xf32>,
          %get3A_1055 = vector.shape_cast %get3A_1054 : vector<1x16xf32> to vector<16xf32>
          %get3A_1056 = arith.index_cast %scan3A_934 : i32 to index
          %get3A_1057 = arith.constant 288 : index
          %get3A_1058 = tpu.vector_load %arg27[%get3A_1056, %get3A_1057] {strides = array<i32>} : memref<16x384xf32, #tpu.memory_space<vmem>>, vector<1x16xf32>,
          %get3A_1059 = vector.shape_cast %get3A_1058 : vector<1x16xf32> to vector<16xf32>
          %get3A_1060 = arith.index_cast %scan3A_934 : i32 to index
          %get3A_1061 = arith.constant 32 : index
          %get3A_1062 = tpu.vector_load %arg28[%get3A_1060, %get3A_1061] {strides = array<i32>} : memref<16x384xf32, #tpu.memory_space<vmem>>, vector<1x16xf32>,
          %get3A_1063 = vector.shape_cast %get3A_1062 : vector<1x16xf32> to vector<16xf32>
          %get3A_1064 = arith.index_cast %scan3A_934 : i32 to index
          %get3A_1065 = arith.constant 160 : index
          %get3A_1066 = tpu.vector_load %arg28[%get3A_1064, %get3A_1065] {strides = array<i32>} : memref<16x384xf32, #tpu.memory_space<vmem>>, vector<1x16xf32>,
          %get3A_1067 = vector.shape_cast %get3A_1066 : vector<1x16xf32> to vector<16xf32>
          %get3A_1068 = arith.index_cast %scan3A_934 : i32 to index
          %get3A_1069 = arith.constant 288 : index
          %get3A_1070 = tpu.vector_load %arg28[%get3A_1068, %get3A_1069] {strides = array<i32>} : memref<16x384xf32, #tpu.memory_space<vmem>>, vector<1x16xf32>,
          %get3A_1071 = vector.shape_cast %get3A_1070 : vector<1x16xf32> to vector<16xf32>
          %get3A_1072 = arith.index_cast %scan3A_934 : i32 to index
          %get3A_1073 = arith.constant 32 : index
          %get3A_1074 = tpu.vector_load %arg20[%get3A_1072, %get3A_1073] {strides = array<i32>} : memref<16x128xf32, #tpu.memory_space<vmem>>, vector<1x16xf32>,
          %get3A_1075 = vector.shape_cast %get3A_1074 : vector<1x16xf32> to vector<16xf32>
          %mul3A_1076 = arith.mulf %get3A_1063, %get3A_1051 : vector<16xf32>
          %mul3A_1077 = arith.mulf %get3A_1067, %get3A_1055 : vector<16xf32>
          %add3A_1078 = arith.addf %mul3A_1076, %mul3A_1077 : vector<16xf32>
          %mul3A_1079 = arith.mulf %get3A_1071, %get3A_1059 : vector<16xf32>
          %add3A_1080 = arith.addf %add3A_1078, %mul3A_1079 : vector<16xf32>
          %mul3A_1081 = arith.mulf %get3A_938, %get3A_1051 : vector<16xf32>
          %mul3A_1082 = arith.mulf %get3A_942, %get3A_1055 : vector<16xf32>
          %add3A_1083 = arith.addf %mul3A_1081, %mul3A_1082 : vector<16xf32>
          %mul3A_1084 = arith.mulf %get3A_946, %get3A_1059 : vector<16xf32>
          %add3A_1085 = arith.addf %add3A_1083, %mul3A_1084 : vector<16xf32>
          %mul3A_1086 = arith.mulf %get3A_938, %get3A_1063 : vector<16xf32>
          %mul3A_1087 = arith.mulf %get3A_942, %get3A_1067 : vector<16xf32>
          %add3A_1088 = arith.addf %mul3A_1086, %mul3A_1087 : vector<16xf32>
          %mul3A_1089 = arith.mulf %get3A_946, %get3A_1071 : vector<16xf32>
          %add3A_1090 = arith.addf %add3A_1088, %mul3A_1089 : vector<16xf32>
          %mul3A_1091 = arith.mulf %add3A_1090, %add3A_1085 : vector<16xf32>
          %sub3A_1092 = arith.subf %add3A_1080, %mul3A_1091 : vector<16xf32>
          %mul3A_1093 = arith.mulf %get3A_1075, %sub3A_1092 : vector<16xf32>
          %swap3A_1094 = arith.index_cast %scan3A_934 : i32 to index
          %swap3A_1095 = arith.constant 32 : index
          %swap3A_1096 = tpu.vector_load %arg30[%swap3A_1094, %swap3A_1095] {strides = array<i32>} : memref<16x128xf32, #tpu.memory_space<vmem>>, vector<1x16xf32>,
          %swap3A_1097 = vector.shape_cast %swap3A_1096 : vector<1x16xf32> to vector<16xf32>
          %swap3A_1098 = vector.shape_cast %mul3A_1093 : vector<16xf32> to vector<1x16xf32>
          tpu.vector_store %arg30[%swap3A_1094, %swap3A_1095], %swap3A_1098 {strides = array<i32>} : memref<16x128xf32, #tpu.memory_space<vmem>>, vector<1x16xf32>,
          %get3A_1099 = arith.index_cast %scan3A_934 : i32 to index
          %get3A_1100 = arith.constant 48 : index
          %get3A_1101 = tpu.vector_load %arg27[%get3A_1099, %get3A_1100] {strides = array<i32>} : memref<16x384xf32, #tpu.memory_space<vmem>>, vector<1x16xf32>,
          %get3A_1102 = vector.shape_cast %get3A_1101 : vector<1x16xf32> to vector<16xf32>
          %get3A_1103 = arith.index_cast %scan3A_934 : i32 to index
          %get3A_1104 = arith.constant 176 : index
          %get3A_1105 = tpu.vector_load %arg27[%get3A_1103, %get3A_1104] {strides = array<i32>} : memref<16x384xf32, #tpu.memory_space<vmem>>, vector<1x16xf32>,
          %get3A_1106 = vector.shape_cast %get3A_1105 : vector<1x16xf32> to vector<16xf32>
          %get3A_1107 = arith.index_cast %scan3A_934 : i32 to index
          %get3A_1108 = arith.constant 304 : index
          %get3A_1109 = tpu.vector_load %arg27[%get3A_1107, %get3A_1108] {strides = array<i32>} : memref<16x384xf32, #tpu.memory_space<vmem>>, vector<1x16xf32>,
          %get3A_1110 = vector.shape_cast %get3A_1109 : vector<1x16xf32> to vector<16xf32>
          %get3A_1111 = arith.index_cast %scan3A_934 : i32 to index
          %get3A_1112 = arith.constant 48 : index
          %get3A_1113 = tpu.vector_load %arg28[%get3A_1111, %get3A_1112] {strides = array<i32>} : memref<16x384xf32, #tpu.memory_space<vmem>>, vector<1x16xf32>,
          %get3A_1114 = vector.shape_cast %get3A_1113 : vector<1x16xf32> to vector<16xf32>
          %get3A_1115 = arith.index_cast %scan3A_934 : i32 to index
          %get3A_1116 = arith.constant 176 : index
          %get3A_1117 = tpu.vector_load %arg28[%get3A_1115, %get3A_1116] {strides = array<i32>} : memref<16x384xf32, #tpu.memory_space<vmem>>, vector<1x16xf32>,
          %get3A_1118 = vector.shape_cast %get3A_1117 : vector<1x16xf32> to vector<16xf32>
          %get3A_1119 = arith.index_cast %scan3A_934 : i32 to index
          %get3A_1120 = arith.constant 304 : index
          %get3A_1121 = tpu.vector_load %arg28[%get3A_1119, %get3A_1120] {strides = array<i32>} : memref<16x384xf32, #tpu.memory_space<vmem>>, vector<1x16xf32>,
          %get3A_1122 = vector.shape_cast %get3A_1121 : vector<1x16xf32> to vector<16xf32>
          %get3A_1123 = arith.index_cast %scan3A_934 : i32 to index
          %get3A_1124 = arith.constant 48 : index
          %get3A_1125 = tpu.vector_load %arg20[%get3A_1123, %get3A_1124] {strides = array<i32>} : memref<16x128xf32, #tpu.memory_space<vmem>>, vector<1x16xf32>,
          %get3A_1126 = vector.shape_cast %get3A_1125 : vector<1x16xf32> to vector<16xf32>
          %mul3A_1127 = arith.mulf %get3A_1114, %get3A_1102 : vector<16xf32>
          %mul3A_1128 = arith.mulf %get3A_1118, %get3A_1106 : vector<16xf32>
          %add3A_1129 = arith.addf %mul3A_1127, %mul3A_1128 : vector<16xf32>
          %mul3A_1130 = arith.mulf %get3A_1122, %get3A_1110 : vector<16xf32>
          %add3A_1131 = arith.addf %add3A_1129, %mul3A_1130 : vector<16xf32>
          %mul3A_1132 = arith.mulf %get3A_938, %get3A_1102 : vector<16xf32>
          %mul3A_1133 = arith.mulf %get3A_942, %get3A_1106 : vector<16xf32>
          %add3A_1134 = arith.addf %mul3A_1132, %mul3A_1133 : vector<16xf32>
          %mul3A_1135 = arith.mulf %get3A_946, %get3A_1110 : vector<16xf32>
          %add3A_1136 = arith.addf %add3A_1134, %mul3A_1135 : vector<16xf32>
          %mul3A_1137 = arith.mulf %get3A_938, %get3A_1114 : vector<16xf32>
          %mul3A_1138 = arith.mulf %get3A_942, %get3A_1118 : vector<16xf32>
          %add3A_1139 = arith.addf %mul3A_1137, %mul3A_1138 : vector<16xf32>
          %mul3A_1140 = arith.mulf %get3A_946, %get3A_1122 : vector<16xf32>
          %add3A_1141 = arith.addf %add3A_1139, %mul3A_1140 : vector<16xf32>
          %mul3A_1142 = arith.mulf %add3A_1141, %add3A_1136 : vector<16xf32>
          %sub3A_1143 = arith.subf %add3A_1131, %mul3A_1142 : vector<16xf32>
          %mul3A_1144 = arith.mulf %get3A_1126, %sub3A_1143 : vector<16xf32>
          %swap3A_1145 = arith.index_cast %scan3A_934 : i32 to index
          %swap3A_1146 = arith.constant 48 : index
          %swap3A_1147 = tpu.vector_load %arg30[%swap3A_1145, %swap3A_1146] {strides = array<i32>} : memref<16x128xf32, #tpu.memory_space<vmem>>, vector<1x16xf32>,
          %swap3A_1148 = vector.shape_cast %swap3A_1147 : vector<1x16xf32> to vector<16xf32>
          %swap3A_1149 = vector.shape_cast %mul3A_1144 : vector<16xf32> to vector<1x16xf32>
          tpu.vector_store %arg30[%swap3A_1145, %swap3A_1146], %swap3A_1149 {strides = array<i32>} : memref<16x128xf32, #tpu.memory_space<vmem>>, vector<1x16xf32>,
          %get3A_1150 = arith.index_cast %scan3A_934 : i32 to index
          %get3A_1151 = arith.constant 64 : index
          %get3A_1152 = tpu.vector_load %arg27[%get3A_1150, %get3A_1151] {strides = array<i32>} : memref<16x384xf32, #tpu.memory_space<vmem>>, vector<1x16xf32>,
          %get3A_1153 = vector.shape_cast %get3A_1152 : vector<1x16xf32> to vector<16xf32>
          %get3A_1154 = arith.index_cast %scan3A_934 : i32 to index
          %get3A_1155 = arith.constant 192 : index
          %get3A_1156 = tpu.vector_load %arg27[%get3A_1154, %get3A_1155] {strides = array<i32>} : memref<16x384xf32, #tpu.memory_space<vmem>>, vector<1x16xf32>,
          %get3A_1157 = vector.shape_cast %get3A_1156 : vector<1x16xf32> to vector<16xf32>
          %get3A_1158 = arith.index_cast %scan3A_934 : i32 to index
          %get3A_1159 = arith.constant 320 : index
          %get3A_1160 = tpu.vector_load %arg27[%get3A_1158, %get3A_1159] {strides = array<i32>} : memref<16x384xf32, #tpu.memory_space<vmem>>, vector<1x16xf32>,
          %get3A_1161 = vector.shape_cast %get3A_1160 : vector<1x16xf32> to vector<16xf32>
          %get3A_1162 = arith.index_cast %scan3A_934 : i32 to index
          %get3A_1163 = arith.constant 64 : index
          %get3A_1164 = tpu.vector_load %arg28[%get3A_1162, %get3A_1163] {strides = array<i32>} : memref<16x384xf32, #tpu.memory_space<vmem>>, vector<1x16xf32>,
          %get3A_1165 = vector.shape_cast %get3A_1164 : vector<1x16xf32> to vector<16xf32>
          %get3A_1166 = arith.index_cast %scan3A_934 : i32 to index
          %get3A_1167 = arith.constant 192 : index
          %get3A_1168 = tpu.vector_load %arg28[%get3A_1166, %get3A_1167] {strides = array<i32>} : memref<16x384xf32, #tpu.memory_space<vmem>>, vector<1x16xf32>,
          %get3A_1169 = vector.shape_cast %get3A_1168 : vector<1x16xf32> to vector<16xf32>
          %get3A_1170 = arith.index_cast %scan3A_934 : i32 to index
          %get3A_1171 = arith.constant 320 : index
          %get3A_1172 = tpu.vector_load %arg28[%get3A_1170, %get3A_1171] {strides = array<i32>} : memref<16x384xf32, #tpu.memory_space<vmem>>, vector<1x16xf32>,
          %get3A_1173 = vector.shape_cast %get3A_1172 : vector<1x16xf32> to vector<16xf32>
          %get3A_1174 = arith.index_cast %scan3A_934 : i32 to index
          %get3A_1175 = arith.constant 64 : index
          %get3A_1176 = tpu.vector_load %arg20[%get3A_1174, %get3A_1175] {strides = array<i32>} : memref<16x128xf32, #tpu.memory_space<vmem>>, vector<1x16xf32>,
          %get3A_1177 = vector.shape_cast %get3A_1176 : vector<1x16xf32> to vector<16xf32>
          %mul3A_1178 = arith.mulf %get3A_1165, %get3A_1153 : vector<16xf32>
          %mul3A_1179 = arith.mulf %get3A_1169, %get3A_1157 : vector<16xf32>
          %add3A_1180 = arith.addf %mul3A_1178, %mul3A_1179 : vector<16xf32>
          %mul3A_1181 = arith.mulf %get3A_1173, %get3A_1161 : vector<16xf32>
          %add3A_1182 = arith.addf %add3A_1180, %mul3A_1181 : vector<16xf32>
          %mul3A_1183 = arith.mulf %get3A_938, %get3A_1153 : vector<16xf32>
          %mul3A_1184 = arith.mulf %get3A_942, %get3A_1157 : vector<16xf32>
          %add3A_1185 = arith.addf %mul3A_1183, %mul3A_1184 : vector<16xf32>
          %mul3A_1186 = arith.mulf %get3A_946, %get3A_1161 : vector<16xf32>
          %add3A_1187 = arith.addf %add3A_1185, %mul3A_1186 : vector<16xf32>
          %mul3A_1188 = arith.mulf %get3A_938, %get3A_1165 : vector<16xf32>
          %mul3A_1189 = arith.mulf %get3A_942, %get3A_1169 : vector<16xf32>
          %add3A_1190 = arith.addf %mul3A_1188, %mul3A_1189 : vector<16xf32>
          %mul3A_1191 = arith.mulf %get3A_946, %get3A_1173 : vector<16xf32>
          %add3A_1192 = arith.addf %add3A_1190, %mul3A_1191 : vector<16xf32>
          %mul3A_1193 = arith.mulf %add3A_1192, %add3A_1187 : vector<16xf32>
          %sub3A_1194 = arith.subf %add3A_1182, %mul3A_1193 : vector<16xf32>
          %mul3A_1195 = arith.mulf %get3A_1177, %sub3A_1194 : vector<16xf32>
          %swap3A_1196 = arith.index_cast %scan3A_934 : i32 to index
          %swap3A_1197 = arith.constant 64 : index
          %swap3A_1198 = tpu.vector_load %arg30[%swap3A_1196, %swap3A_1197] {strides = array<i32>} : memref<16x128xf32, #tpu.memory_space<vmem>>, vector<1x16xf32>,
          %swap3A_1199 = vector.shape_cast %swap3A_1198 : vector<1x16xf32> to vector<16xf32>
          %swap3A_1200 = vector.shape_cast %mul3A_1195 : vector<16xf32> to vector<1x16xf32>
          tpu.vector_store %arg30[%swap3A_1196, %swap3A_1197], %swap3A_1200 {strides = array<i32>} : memref<16x128xf32, #tpu.memory_space<vmem>>, vector<1x16xf32>,
          %get3A_1201 = arith.index_cast %scan3A_934 : i32 to index
          %get3A_1202 = arith.constant 80 : index
          %get3A_1203 = tpu.vector_load %arg27[%get3A_1201, %get3A_1202] {strides = array<i32>} : memref<16x384xf32, #tpu.memory_space<vmem>>, vector<1x16xf32>,
          %get3A_1204 = vector.shape_cast %get3A_1203 : vector<1x16xf32> to vector<16xf32>
          %get3A_1205 = arith.index_cast %scan3A_934 : i32 to index
          %get3A_1206 = arith.constant 208 : index
          %get3A_1207 = tpu.vector_load %arg27[%get3A_1205, %get3A_1206] {strides = array<i32>} : memref<16x384xf32, #tpu.memory_space<vmem>>, vector<1x16xf32>,
          %get3A_1208 = vector.shape_cast %get3A_1207 : vector<1x16xf32> to vector<16xf32>
          %get3A_1209 = arith.index_cast %scan3A_934 : i32 to index
          %get3A_1210 = arith.constant 336 : index
          %get3A_1211 = tpu.vector_load %arg27[%get3A_1209, %get3A_1210] {strides = array<i32>} : memref<16x384xf32, #tpu.memory_space<vmem>>, vector<1x16xf32>,
          %get3A_1212 = vector.shape_cast %get3A_1211 : vector<1x16xf32> to vector<16xf32>
          %get3A_1213 = arith.index_cast %scan3A_934 : i32 to index
          %get3A_1214 = arith.constant 80 : index
          %get3A_1215 = tpu.vector_load %arg28[%get3A_1213, %get3A_1214] {strides = array<i32>} : memref<16x384xf32, #tpu.memory_space<vmem>>, vector<1x16xf32>,
          %get3A_1216 = vector.shape_cast %get3A_1215 : vector<1x16xf32> to vector<16xf32>
          %get3A_1217 = arith.index_cast %scan3A_934 : i32 to index
          %get3A_1218 = arith.constant 208 : index
          %get3A_1219 = tpu.vector_load %arg28[%get3A_1217, %get3A_1218] {strides = array<i32>} : memref<16x384xf32, #tpu.memory_space<vmem>>, vector<1x16xf32>,
          %get3A_1220 = vector.shape_cast %get3A_1219 : vector<1x16xf32> to vector<16xf32>
          %get3A_1221 = arith.index_cast %scan3A_934 : i32 to index
          %get3A_1222 = arith.constant 336 : index
          %get3A_1223 = tpu.vector_load %arg28[%get3A_1221, %get3A_1222] {strides = array<i32>} : memref<16x384xf32, #tpu.memory_space<vmem>>, vector<1x16xf32>,
          %get3A_1224 = vector.shape_cast %get3A_1223 : vector<1x16xf32> to vector<16xf32>
          %get3A_1225 = arith.index_cast %scan3A_934 : i32 to index
          %get3A_1226 = arith.constant 80 : index
          %get3A_1227 = tpu.vector_load %arg20[%get3A_1225, %get3A_1226] {strides = array<i32>} : memref<16x128xf32, #tpu.memory_space<vmem>>, vector<1x16xf32>,
          %get3A_1228 = vector.shape_cast %get3A_1227 : vector<1x16xf32> to vector<16xf32>
          %mul3A_1229 = arith.mulf %get3A_1216, %get3A_1204 : vector<16xf32>
          %mul3A_1230 = arith.mulf %get3A_1220, %get3A_1208 : vector<16xf32>
          %add3A_1231 = arith.addf %mul3A_1229, %mul3A_1230 : vector<16xf32>
          %mul3A_1232 = arith.mulf %get3A_1224, %get3A_1212 : vector<16xf32>
          %add3A_1233 = arith.addf %add3A_1231, %mul3A_1232 : vector<16xf32>
          %mul3A_1234 = arith.mulf %get3A_938, %get3A_1204 : vector<16xf32>
          %mul3A_1235 = arith.mulf %get3A_942, %get3A_1208 : vector<16xf32>
          %add3A_1236 = arith.addf %mul3A_1234, %mul3A_1235 : vector<16xf32>
          %mul3A_1237 = arith.mulf %get3A_946, %get3A_1212 : vector<16xf32>
          %add3A_1238 = arith.addf %add3A_1236, %mul3A_1237 : vector<16xf32>
          %mul3A_1239 = arith.mulf %get3A_938, %get3A_1216 : vector<16xf32>
          %mul3A_1240 = arith.mulf %get3A_942, %get3A_1220 : vector<16xf32>
          %add3A_1241 = arith.addf %mul3A_1239, %mul3A_1240 : vector<16xf32>
          %mul3A_1242 = arith.mulf %get3A_946, %get3A_1224 : vector<16xf32>
          %add3A_1243 = arith.addf %add3A_1241, %mul3A_1242 : vector<16xf32>
          %mul3A_1244 = arith.mulf %add3A_1243, %add3A_1238 : vector<16xf32>
          %sub3A_1245 = arith.subf %add3A_1233, %mul3A_1244 : vector<16xf32>
          %mul3A_1246 = arith.mulf %get3A_1228, %sub3A_1245 : vector<16xf32>
          %swap3A_1247 = arith.index_cast %scan3A_934 : i32 to index
          %swap3A_1248 = arith.constant 80 : index
          %swap3A_1249 = tpu.vector_load %arg30[%swap3A_1247, %swap3A_1248] {strides = array<i32>} : memref<16x128xf32, #tpu.memory_space<vmem>>, vector<1x16xf32>,
          %swap3A_1250 = vector.shape_cast %swap3A_1249 : vector<1x16xf32> to vector<16xf32>
          %swap3A_1251 = vector.shape_cast %mul3A_1246 : vector<16xf32> to vector<1x16xf32>
          tpu.vector_store %arg30[%swap3A_1247, %swap3A_1248], %swap3A_1251 {strides = array<i32>} : memref<16x128xf32, #tpu.memory_space<vmem>>, vector<1x16xf32>,
          %get3A_1252 = arith.index_cast %scan3A_934 : i32 to index
          %get3A_1253 = arith.constant 96 : index
          %get3A_1254 = tpu.vector_load %arg27[%get3A_1252, %get3A_1253] {strides = array<i32>} : memref<16x384xf32, #tpu.memory_space<vmem>>, vector<1x16xf32>,
          %get3A_1255 = vector.shape_cast %get3A_1254 : vector<1x16xf32> to vector<16xf32>
          %get3A_1256 = arith.index_cast %scan3A_934 : i32 to index
          %get3A_1257 = arith.constant 224 : index
          %get3A_1258 = tpu.vector_load %arg27[%get3A_1256, %get3A_1257] {strides = array<i32>} : memref<16x384xf32, #tpu.memory_space<vmem>>, vector<1x16xf32>,
          %get3A_1259 = vector.shape_cast %get3A_1258 : vector<1x16xf32> to vector<16xf32>
          %get3A_1260 = arith.index_cast %scan3A_934 : i32 to index
          %get3A_1261 = arith.constant 352 : index
          %get3A_1262 = tpu.vector_load %arg27[%get3A_1260, %get3A_1261] {strides = array<i32>} : memref<16x384xf32, #tpu.memory_space<vmem>>, vector<1x16xf32>,
          %get3A_1263 = vector.shape_cast %get3A_1262 : vector<1x16xf32> to vector<16xf32>
          %get3A_1264 = arith.index_cast %scan3A_934 : i32 to index
          %get3A_1265 = arith.constant 96 : index
          %get3A_1266 = tpu.vector_load %arg28[%get3A_1264, %get3A_1265] {strides = array<i32>} : memref<16x384xf32, #tpu.memory_space<vmem>>, vector<1x16xf32>,
          %get3A_1267 = vector.shape_cast %get3A_1266 : vector<1x16xf32> to vector<16xf32>
          %get3A_1268 = arith.index_cast %scan3A_934 : i32 to index
          %get3A_1269 = arith.constant 224 : index
          %get3A_1270 = tpu.vector_load %arg28[%get3A_1268, %get3A_1269] {strides = array<i32>} : memref<16x384xf32, #tpu.memory_space<vmem>>, vector<1x16xf32>,
          %get3A_1271 = vector.shape_cast %get3A_1270 : vector<1x16xf32> to vector<16xf32>
          %get3A_1272 = arith.index_cast %scan3A_934 : i32 to index
          %get3A_1273 = arith.constant 352 : index
          %get3A_1274 = tpu.vector_load %arg28[%get3A_1272, %get3A_1273] {strides = array<i32>} : memref<16x384xf32, #tpu.memory_space<vmem>>, vector<1x16xf32>,
          %get3A_1275 = vector.shape_cast %get3A_1274 : vector<1x16xf32> to vector<16xf32>
          %get3A_1276 = arith.index_cast %scan3A_934 : i32 to index
          %get3A_1277 = arith.constant 96 : index
          %get3A_1278 = tpu.vector_load %arg20[%get3A_1276, %get3A_1277] {strides = array<i32>} : memref<16x128xf32, #tpu.memory_space<vmem>>, vector<1x16xf32>,
          %get3A_1279 = vector.shape_cast %get3A_1278 : vector<1x16xf32> to vector<16xf32>
          %mul3A_1280 = arith.mulf %get3A_1267, %get3A_1255 : vector<16xf32>
          %mul3A_1281 = arith.mulf %get3A_1271, %get3A_1259 : vector<16xf32>
          %add3A_1282 = arith.addf %mul3A_1280, %mul3A_1281 : vector<16xf32>
          %mul3A_1283 = arith.mulf %get3A_1275, %get3A_1263 : vector<16xf32>
          %add3A_1284 = arith.addf %add3A_1282, %mul3A_1283 : vector<16xf32>
          %mul3A_1285 = arith.mulf %get3A_938, %get3A_1255 : vector<16xf32>
          %mul3A_1286 = arith.mulf %get3A_942, %get3A_1259 : vector<16xf32>
          %add3A_1287 = arith.addf %mul3A_1285, %mul3A_1286 : vector<16xf32>
          %mul3A_1288 = arith.mulf %get3A_946, %get3A_1263 : vector<16xf32>
          %add3A_1289 = arith.addf %add3A_1287, %mul3A_1288 : vector<16xf32>
          %mul3A_1290 = arith.mulf %get3A_938, %get3A_1267 : vector<16xf32>
          %mul3A_1291 = arith.mulf %get3A_942, %get3A_1271 : vector<16xf32>
          %add3A_1292 = arith.addf %mul3A_1290, %mul3A_1291 : vector<16xf32>
          %mul3A_1293 = arith.mulf %get3A_946, %get3A_1275 : vector<16xf32>
          %add3A_1294 = arith.addf %add3A_1292, %mul3A_1293 : vector<16xf32>
          %mul3A_1295 = arith.mulf %add3A_1294, %add3A_1289 : vector<16xf32>
          %sub3A_1296 = arith.subf %add3A_1284, %mul3A_1295 : vector<16xf32>
          %mul3A_1297 = arith.mulf %get3A_1279, %sub3A_1296 : vector<16xf32>
          %swap3A_1298 = arith.index_cast %scan3A_934 : i32 to index
          %swap3A_1299 = arith.constant 96 : index
          %swap3A_1300 = tpu.vector_load %arg30[%swap3A_1298, %swap3A_1299] {strides = array<i32>} : memref<16x128xf32, #tpu.memory_space<vmem>>, vector<1x16xf32>,
          %swap3A_1301 = vector.shape_cast %swap3A_1300 : vector<1x16xf32> to vector<16xf32>
          %swap3A_1302 = vector.shape_cast %mul3A_1297 : vector<16xf32> to vector<1x16xf32>
          tpu.vector_store %arg30[%swap3A_1298, %swap3A_1299], %swap3A_1302 {strides = array<i32>} : memref<16x128xf32, #tpu.memory_space<vmem>>, vector<1x16xf32>,
          %get3A_1303 = arith.index_cast %scan3A_934 : i32 to index
          %get3A_1304 = arith.constant 112 : index
          %get3A_1305 = tpu.vector_load %arg27[%get3A_1303, %get3A_1304] {strides = array<i32>} : memref<16x384xf32, #tpu.memory_space<vmem>>, vector<1x16xf32>,
          %get3A_1306 = vector.shape_cast %get3A_1305 : vector<1x16xf32> to vector<16xf32>
          %get3A_1307 = arith.index_cast %scan3A_934 : i32 to index
          %get3A_1308 = arith.constant 240 : index
          %get3A_1309 = tpu.vector_load %arg27[%get3A_1307, %get3A_1308] {strides = array<i32>} : memref<16x384xf32, #tpu.memory_space<vmem>>, vector<1x16xf32>,
          %get3A_1310 = vector.shape_cast %get3A_1309 : vector<1x16xf32> to vector<16xf32>
          %get3A_1311 = arith.index_cast %scan3A_934 : i32 to index
          %get3A_1312 = arith.constant 368 : index
          %get3A_1313 = tpu.vector_load %arg27[%get3A_1311, %get3A_1312] {strides = array<i32>} : memref<16x384xf32, #tpu.memory_space<vmem>>, vector<1x16xf32>,
          %get3A_1314 = vector.shape_cast %get3A_1313 : vector<1x16xf32> to vector<16xf32>
          %get3A_1315 = arith.index_cast %scan3A_934 : i32 to index
          %get3A_1316 = arith.constant 112 : index
          %get3A_1317 = tpu.vector_load %arg28[%get3A_1315, %get3A_1316] {strides = array<i32>} : memref<16x384xf32, #tpu.memory_space<vmem>>, vector<1x16xf32>,
          %get3A_1318 = vector.shape_cast %get3A_1317 : vector<1x16xf32> to vector<16xf32>
          %get3A_1319 = arith.index_cast %scan3A_934 : i32 to index
          %get3A_1320 = arith.constant 240 : index
          %get3A_1321 = tpu.vector_load %arg28[%get3A_1319, %get3A_1320] {strides = array<i32>} : memref<16x384xf32, #tpu.memory_space<vmem>>, vector<1x16xf32>,
          %get3A_1322 = vector.shape_cast %get3A_1321 : vector<1x16xf32> to vector<16xf32>
          %get3A_1323 = arith.index_cast %scan3A_934 : i32 to index
          %get3A_1324 = arith.constant 368 : index
          %get3A_1325 = tpu.vector_load %arg28[%get3A_1323, %get3A_1324] {strides = array<i32>} : memref<16x384xf32, #tpu.memory_space<vmem>>, vector<1x16xf32>,
          %get3A_1326 = vector.shape_cast %get3A_1325 : vector<1x16xf32> to vector<16xf32>
          %get3A_1327 = arith.index_cast %scan3A_934 : i32 to index
          %get3A_1328 = arith.constant 112 : index
          %get3A_1329 = tpu.vector_load %arg20[%get3A_1327, %get3A_1328] {strides = array<i32>} : memref<16x128xf32, #tpu.memory_space<vmem>>, vector<1x16xf32>,
          %get3A_1330 = vector.shape_cast %get3A_1329 : vector<1x16xf32> to vector<16xf32>
          %mul3A_1331 = arith.mulf %get3A_1318, %get3A_1306 : vector<16xf32>
          %mul3A_1332 = arith.mulf %get3A_1322, %get3A_1310 : vector<16xf32>
          %add3A_1333 = arith.addf %mul3A_1331, %mul3A_1332 : vector<16xf32>
          %mul3A_1334 = arith.mulf %get3A_1326, %get3A_1314 : vector<16xf32>
          %add3A_1335 = arith.addf %add3A_1333, %mul3A_1334 : vector<16xf32>
          %mul3A_1336 = arith.mulf %get3A_938, %get3A_1306 : vector<16xf32>
          %mul3A_1337 = arith.mulf %get3A_942, %get3A_1310 : vector<16xf32>
          %add3A_1338 = arith.addf %mul3A_1336, %mul3A_1337 : vector<16xf32>
          %mul3A_1339 = arith.mulf %get3A_946, %get3A_1314 : vector<16xf32>
          %add3A_1340 = arith.addf %add3A_1338, %mul3A_1339 : vector<16xf32>
          %mul3A_1341 = arith.mulf %get3A_938, %get3A_1318 : vector<16xf32>
          %mul3A_1342 = arith.mulf %get3A_942, %get3A_1322 : vector<16xf32>
          %add3A_1343 = arith.addf %mul3A_1341, %mul3A_1342 : vector<16xf32>
          %mul3A_1344 = arith.mulf %get3A_946, %get3A_1326 : vector<16xf32>
          %add3A_1345 = arith.addf %add3A_1343, %mul3A_1344 : vector<16xf32>
          %mul3A_1346 = arith.mulf %add3A_1345, %add3A_1340 : vector<16xf32>
          %sub3A_1347 = arith.subf %add3A_1335, %mul3A_1346 : vector<16xf32>
          %mul3A_1348 = arith.mulf %get3A_1330, %sub3A_1347 : vector<16xf32>
          %swap3A_1349 = arith.index_cast %scan3A_934 : i32 to index
          %swap3A_1350 = arith.constant 112 : index
          %swap3A_1351 = tpu.vector_load %arg30[%swap3A_1349, %swap3A_1350] {strides = array<i32>} : memref<16x128xf32, #tpu.memory_space<vmem>>, vector<1x16xf32>,
          %swap3A_1352 = vector.shape_cast %swap3A_1351 : vector<1x16xf32> to vector<16xf32>
          %swap3A_1353 = vector.shape_cast %mul3A_1348 : vector<16xf32> to vector<1x16xf32>
          tpu.vector_store %arg30[%swap3A_1349, %swap3A_1350], %swap3A_1353 {strides = array<i32>} : memref<16x128xf32, #tpu.memory_space<vmem>>, vector<1x16xf32>,
        }
        %scan3A_909 = arith.constant 16 : i32
        %get3A_910 = arith.constant 0 : index
        %get3A_911 = tpu.vector_load %arg17[%get3A_910] {strides = array<i32>} : memref<16xi32, #tpu.memory_space<vmem>>, vector<16xi32>,
        %get3A_912 = vector.shape_cast %get3A_911 : vector<16xi32> to vector<16xi32>
        %swap3A_913 = arith.constant 0 : index
        %swap3A_914 = tpu.vector_load %arg29[%swap3A_913] {strides = array<i32>} : memref<16xi32, #tpu.memory_space<vmem>>, vector<16xi32>,
        %swap3A_915 = vector.shape_cast %swap3A_914 : vector<16xi32> to vector<16xi32>
        %swap3A_916 = vector.shape_cast %get3A_912 : vector<16xi32> to vector<16xi32>
        tpu.vector_store %arg29[%swap3A_913], %swap3A_916 {strides = array<i32>} : memref<16xi32, #tpu.memory_space<vmem>>, vector<16xi32>,
        %dma_start3A_917 = arith.constant 0 : i32
        %dma_start3A_918 = arith.constant 0 : i32
        %dma_start3A_919 = tpu.memref_slice %arg8[%dma_start3A_917, %dma_start3A_918] : memref<10240x128xf32, #tpu.memory_space<vmem_shared>> -> memref<10240x128xf32, #tpu.memory_space<vmem_shared>>
        tpu.enqueue_indirect_dma source(%arg30 : memref<16x128xf32, #tpu.memory_space<vmem>>) target(%dma_start3A_919 : memref<10240x128xf32, #tpu.memory_space<vmem_shared>>) offsets(%arg29 : memref<16xi32, #tpu.memory_space<vmem>>) semaphore(%arg43 : memref<!tpu.dma_semaphore, #tpu.memory_space<semaphore_mem>>) {add = true}
        %add3A_920 = arith.constant 2 : i32
        %add3A_921 = arith.addi %add3A_875, %add3A_920 : i32
        %lt3A_922 = arith.constant 1250 : i32
        %lt3A_923 = arith.cmpi slt, %add3A_921, %lt3A_922 : i32
        %convert_element_type3A_924 = arith.extui %lt3A_923 : i1 to i32
        %cond3A_925 = arith.constant 0 : i32
        %cond3A_926 = arith.cmpi ne, %convert_element_type3A_924, %cond3A_925 : i32
        scf.if %cond3A_926 {
          %dma_wait3A_934 = arith.constant 0 : i32
          %dma_wait3A_935 = tpu.memref_slice %arg5[%dma_wait3A_934] : memref<320000xi32, #tpu.memory_space<hbm>> -> memref<16xi32, #tpu.memory_space<hbm>>
          %dma_wait3A_936 = arith.constant 0 : i32
          %dma_wait3A_937 = tpu.memref_slice %arg5[%dma_wait3A_936] : memref<320000xi32, #tpu.memory_space<hbm>> -> memref<16xi32, #tpu.memory_space<hbm>>
          tpu.wait_dma2 semaphore(%arg37 : memref<!tpu.dma_semaphore, #tpu.memory_space<semaphore_mem>>) src(%dma_wait3A_937 : memref<16xi32, #tpu.memory_space<hbm>>) dst(%arg9 : memref<16xi32, #tpu.memory_space<vmem>>)
          %dma_wait3A_938 = arith.constant 0 : i32
          %dma_wait3A_939 = tpu.memref_slice %arg6[%dma_wait3A_938] : memref<320000xi32, #tpu.memory_space<hbm>> -> memref<16xi32, #tpu.memory_space<hbm>>
          %dma_wait3A_940 = arith.constant 0 : i32
          %dma_wait3A_941 = tpu.memref_slice %arg6[%dma_wait3A_940] : memref<320000xi32, #tpu.memory_space<hbm>> -> memref<16xi32, #tpu.memory_space<hbm>>
          tpu.wait_dma2 semaphore(%arg37 : memref<!tpu.dma_semaphore, #tpu.memory_space<semaphore_mem>>) src(%dma_wait3A_941 : memref<16xi32, #tpu.memory_space<hbm>>) dst(%arg10 : memref<16xi32, #tpu.memory_space<vmem>>)
          %dma_wait3A_942 = arith.constant 0 : i32
          %dma_wait3A_943 = arith.constant 0 : i32
          %dma_wait3A_944 = tpu.memref_slice %arg4[%dma_wait3A_942, %dma_wait3A_943] : memref<320000x48xf32, #tpu.memory_space<hbm>> -> memref<16x48xf32, #tpu.memory_space<hbm>>
          %dma_wait3A_945 = arith.constant 0 : i32
          %dma_wait3A_946 = arith.constant 0 : i32
          %dma_wait3A_947 = tpu.memref_slice %arg4[%dma_wait3A_945, %dma_wait3A_946] : memref<320000x48xf32, #tpu.memory_space<hbm>> -> memref<16x48xf32, #tpu.memory_space<hbm>>
          tpu.wait_dma2 semaphore(%arg37 : memref<!tpu.dma_semaphore, #tpu.memory_space<semaphore_mem>>) src(%dma_wait3A_947 : memref<16x48xf32, #tpu.memory_space<hbm>>) dst(%arg11 : memref<16x48xf32, #tpu.memory_space<vmem>>)
          %dma_wait3A_948 = arith.constant 0 : i32
          %dma_wait3A_949 = arith.constant 0 : i32
          %dma_wait3A_950 = tpu.memref_slice %arg3[%dma_wait3A_948, %dma_wait3A_949] : memref<640000x128xf32, #tpu.memory_space<hbm>> -> memref<16x128xf32, #tpu.memory_space<hbm>>
          %dma_wait3A_951 = arith.constant 0 : i32
          %dma_wait3A_952 = arith.constant 0 : i32
          %dma_wait3A_953 = tpu.memref_slice %arg3[%dma_wait3A_951, %dma_wait3A_952] : memref<640000x128xf32, #tpu.memory_space<hbm>> -> memref<16x128xf32, #tpu.memory_space<hbm>>
          tpu.wait_dma2 semaphore(%arg37 : memref<!tpu.dma_semaphore, #tpu.memory_space<semaphore_mem>>) src(%dma_wait3A_953 : memref<16x128xf32, #tpu.memory_space<hbm>>) dst(%arg12 : memref<16x128xf32, #tpu.memory_space<vmem>>)
          %get3A_954 = arith.constant 0 : index
          %get3A_955 = tpu.vector_load %arg10[%get3A_954] {strides = array<i32>} : memref<16xi32, #tpu.memory_space<vmem>>, vector<16xi32>,
          %get3A_956 = vector.shape_cast %get3A_955 : vector<16xi32> to vector<16xi32>
          %add3A_957 = vector.broadcast %mul3A_0 : i32 to vector<16xi32>
          %add3A_958 = arith.addi %get3A_956, %add3A_957 : vector<16xi32>
          %swap3A_959 = arith.constant 0 : index
          %swap3A_960 = tpu.vector_load %arg26[%swap3A_959] {strides = array<i32>} : memref<16xi32, #tpu.memory_space<vmem>>, vector<16xi32>,
          %swap3A_961 = vector.shape_cast %swap3A_960 : vector<16xi32> to vector<16xi32>
          %swap3A_962 = vector.shape_cast %add3A_958 : vector<16xi32> to vector<16xi32>
          tpu.vector_store %arg26[%swap3A_959], %swap3A_962 {strides = array<i32>} : memref<16xi32, #tpu.memory_space<vmem>>, vector<16xi32>,
          %get3A_963 = arith.constant 0 : index
          %get3A_964 = tpu.vector_load %arg9[%get3A_963] {strides = array<i32>} : memref<16xi32, #tpu.memory_space<vmem>>, vector<16xi32>,
          %get3A_965 = vector.shape_cast %get3A_964 : vector<16xi32> to vector<16xi32>
          %add3A_966 = vector.broadcast %mul3A_0 : i32 to vector<16xi32>
          %add3A_967 = arith.addi %get3A_965, %add3A_966 : vector<16xi32>
          %swap3A_968 = arith.constant 0 : index
          %swap3A_969 = tpu.vector_load %arg25[%swap3A_968] {strides = array<i32>} : memref<16xi32, #tpu.memory_space<vmem>>, vector<16xi32>,
          %swap3A_970 = vector.shape_cast %swap3A_969 : vector<16xi32> to vector<16xi32>
          %swap3A_971 = vector.shape_cast %add3A_967 : vector<16xi32> to vector<16xi32>
          tpu.vector_store %arg25[%swap3A_968], %swap3A_971 {strides = array<i32>} : memref<16xi32, #tpu.memory_space<vmem>>, vector<16xi32>,
          %dma_start3A_972 = arith.constant 0 : i32
          %dma_start3A_973 = arith.constant 0 : i32
          %dma_start3A_974 = tpu.memref_slice %arg2[%dma_start3A_972, %dma_start3A_973] : memref<20000x384xf32, #tpu.memory_space<hbm>> -> memref<20000x384xf32, #tpu.memory_space<hbm>>
          tpu.enqueue_indirect_dma source(%dma_start3A_974 : memref<20000x384xf32, #tpu.memory_space<hbm>>) target(%arg27 : memref<16x384xf32, #tpu.memory_space<vmem>>) offsets(%arg26 : memref<16xi32, #tpu.memory_space<vmem>>) semaphore(%arg41 : memref<!tpu.dma_semaphore, #tpu.memory_space<semaphore_mem>>)
          %dma_start3A_975 = arith.constant 0 : i32
          %dma_start3A_976 = arith.constant 0 : i32
          %dma_start3A_977 = tpu.memref_slice %arg2[%dma_start3A_975, %dma_start3A_976] : memref<20000x384xf32, #tpu.memory_space<hbm>> -> memref<20000x384xf32, #tpu.memory_space<hbm>>
          tpu.enqueue_indirect_dma source(%dma_start3A_977 : memref<20000x384xf32, #tpu.memory_space<hbm>>) target(%arg28 : memref<16x384xf32, #tpu.memory_space<vmem>>) offsets(%arg25 : memref<16xi32, #tpu.memory_space<vmem>>) semaphore(%arg41 : memref<!tpu.dma_semaphore, #tpu.memory_space<semaphore_mem>>)
        } else {
        }
        %add3A_927 = arith.constant 4 : i32
        %add3A_928 = arith.addi %add3A_875, %add3A_927 : i32
        %lt3A_929 = arith.constant 1250 : i32
        %lt3A_930 = arith.cmpi slt, %add3A_928, %lt3A_929 : i32
        %convert_element_type3A_931 = arith.extui %lt3A_930 : i1 to i32
        %cond3A_932 = arith.constant 0 : i32
        %cond3A_933 = arith.cmpi ne, %convert_element_type3A_931, %cond3A_932 : i32
        scf.if %cond3A_933 {
          %add3A_934 = arith.constant 4 : i32
          %add3A_935 = arith.addi %add3A_875, %add3A_934 : i32
          %mul3A_936 = arith.constant 16 : i32
          %mul3A_937 = arith.muli %add3A_935, %mul3A_936 : i32
          %add3A_938 = arith.addi %mul3A_4, %mul3A_937 : i32
          %dma_start3A_939 = tpu.memref_slice %arg5[%add3A_938] : memref<320000xi32, #tpu.memory_space<hbm>> -> memref<16xi32, #tpu.memory_space<hbm>>
          %dma_start3A_940 = tpu.memref_slice %arg5[%add3A_938] : memref<320000xi32, #tpu.memory_space<hbm>> -> memref<16xi32, #tpu.memory_space<hbm>>
          tpu.enqueue_dma source(%dma_start3A_940 : memref<16xi32, #tpu.memory_space<hbm>>) target(%arg17 : memref<16xi32, #tpu.memory_space<vmem>>) target_semaphore(%arg39 : memref<!tpu.dma_semaphore, #tpu.memory_space<semaphore_mem>>)
          %dma_start3A_941 = tpu.memref_slice %arg6[%add3A_938] : memref<320000xi32, #tpu.memory_space<hbm>> -> memref<16xi32, #tpu.memory_space<hbm>>
          %dma_start3A_942 = tpu.memref_slice %arg6[%add3A_938] : memref<320000xi32, #tpu.memory_space<hbm>> -> memref<16xi32, #tpu.memory_space<hbm>>
          tpu.enqueue_dma source(%dma_start3A_942 : memref<16xi32, #tpu.memory_space<hbm>>) target(%arg18 : memref<16xi32, #tpu.memory_space<vmem>>) target_semaphore(%arg39 : memref<!tpu.dma_semaphore, #tpu.memory_space<semaphore_mem>>)
          %dma_start3A_943 = arith.constant 0 : i32
          %dma_start3A_944 = tpu.memref_slice %arg4[%add3A_938, %dma_start3A_943] : memref<320000x48xf32, #tpu.memory_space<hbm>> -> memref<16x48xf32, #tpu.memory_space<hbm>>
          %dma_start3A_945 = arith.constant 0 : i32
          %dma_start3A_946 = tpu.memref_slice %arg4[%add3A_938, %dma_start3A_945] : memref<320000x48xf32, #tpu.memory_space<hbm>> -> memref<16x48xf32, #tpu.memory_space<hbm>>
          tpu.enqueue_dma source(%dma_start3A_946 : memref<16x48xf32, #tpu.memory_space<hbm>>) target(%arg19 : memref<16x48xf32, #tpu.memory_space<vmem>>) target_semaphore(%arg39 : memref<!tpu.dma_semaphore, #tpu.memory_space<semaphore_mem>>)
          %add3A_947 = arith.addi %mul3A_2, %add3A_938 : i32
          %dma_start3A_948 = arith.constant 0 : i32
          %dma_start3A_949 = tpu.memref_slice %arg3[%add3A_947, %dma_start3A_948] : memref<640000x128xf32, #tpu.memory_space<hbm>> -> memref<16x128xf32, #tpu.memory_space<hbm>>
          %dma_start3A_950 = arith.constant 0 : i32
          %dma_start3A_951 = tpu.memref_slice %arg3[%add3A_947, %dma_start3A_950] : memref<640000x128xf32, #tpu.memory_space<hbm>> -> memref<16x128xf32, #tpu.memory_space<hbm>>
          tpu.enqueue_dma source(%dma_start3A_951 : memref<16x128xf32, #tpu.memory_space<hbm>>) target(%arg20 : memref<16x128xf32, #tpu.memory_space<vmem>>) target_semaphore(%arg39 : memref<!tpu.dma_semaphore, #tpu.memory_space<semaphore_mem>>)
        } else {
        }
      } else {
      }
      %add3A_881 = arith.constant 3 : i32
      %add3A_882 = arith.addi %mul3A_862, %add3A_881 : i32
      %lt3A_883 = arith.constant 1250 : i32
      %lt3A_884 = arith.cmpi slt, %add3A_882, %lt3A_883 : i32
      %convert_element_type3A_885 = arith.extui %lt3A_884 : i1 to i32
      %cond3A_886 = arith.constant 0 : i32
      %cond3A_887 = arith.cmpi ne, %convert_element_type3A_885, %cond3A_886 : i32
      scf.if %cond3A_887 {
        %dma_wait3A_888 = arith.constant 0 : i32
        %dma_wait3A_889 = arith.constant 0 : i32
        %dma_wait3A_890 = tpu.memref_slice %arg2[%dma_wait3A_888, %dma_wait3A_889] : memref<20000x384xf32, #tpu.memory_space<hbm>> -> memref<16x384xf32, #tpu.memory_space<hbm>>
        %dma_wait3A_891 = arith.constant 0 : i32
        %dma_wait3A_892 = arith.constant 0 : i32
        %dma_wait3A_893 = tpu.memref_slice %arg2[%dma_wait3A_891, %dma_wait3A_892] : memref<20000x384xf32, #tpu.memory_space<hbm>> -> memref<16x384xf32, #tpu.memory_space<hbm>>
        tpu.wait_dma2 semaphore(%arg42 : memref<!tpu.dma_semaphore, #tpu.memory_space<semaphore_mem>>) src(%dma_wait3A_893 : memref<16x384xf32, #tpu.memory_space<hbm>>) dst(%arg33 : memref<16x384xf32, #tpu.memory_space<vmem>>)
        %dma_wait3A_894 = arith.constant 0 : i32
        %dma_wait3A_895 = arith.constant 0 : i32
        %dma_wait3A_896 = tpu.memref_slice %arg2[%dma_wait3A_894, %dma_wait3A_895] : memref<20000x384xf32, #tpu.memory_space<hbm>> -> memref<16x384xf32, #tpu.memory_space<hbm>>
        %dma_wait3A_897 = arith.constant 0 : i32
        %dma_wait3A_898 = arith.constant 0 : i32
        %dma_wait3A_899 = tpu.memref_slice %arg2[%dma_wait3A_897, %dma_wait3A_898] : memref<20000x384xf32, #tpu.memory_space<hbm>> -> memref<16x384xf32, #tpu.memory_space<hbm>>
        tpu.wait_dma2 semaphore(%arg42 : memref<!tpu.dma_semaphore, #tpu.memory_space<semaphore_mem>>) src(%dma_wait3A_899 : memref<16x384xf32, #tpu.memory_space<hbm>>) dst(%arg34 : memref<16x384xf32, #tpu.memory_space<vmem>>)
        %ge3A = arith.constant 2 : i32
        %ge3A_900 = arith.cmpi sge, %add3A_882, %ge3A : i32
        %convert_element_type3A_901 = arith.extui %ge3A_900 : i1 to i32
        %cond3A_902 = arith.constant 0 : i32
        %cond3A_903 = arith.cmpi ne, %convert_element_type3A_901, %cond3A_902 : i32
        scf.if %cond3A_903 {
          %dma_wait3A_934 = arith.constant 0 : i32
          %dma_wait3A_935 = arith.constant 0 : i32
          %dma_wait3A_936 = tpu.memref_slice %arg3[%dma_wait3A_934, %dma_wait3A_935] : memref<640000x128xf32, #tpu.memory_space<hbm>> -> memref<16x128xf32, #tpu.memory_space<hbm>>
          %dma_wait3A_937 = arith.constant 0 : i32
          %dma_wait3A_938 = arith.constant 0 : i32
          %dma_wait3A_939 = tpu.memref_slice %arg3[%dma_wait3A_937, %dma_wait3A_938] : memref<640000x128xf32, #tpu.memory_space<hbm>> -> memref<16x128xf32, #tpu.memory_space<hbm>>
          tpu.wait_dma2 semaphore(%arg44 : memref<!tpu.dma_semaphore, #tpu.memory_space<semaphore_mem>>) src(%dma_wait3A_939 : memref<16x128xf32, #tpu.memory_space<hbm>>) dst(%arg36 : memref<16x128xf32, #tpu.memory_space<vmem>>)
        } else {
        }
        %scan3A_904 = arith.constant 0 : i32
        %scan3A_905 = arith.constant 0 : i32
        %scan3A_906 = arith.constant 16 : i32
        %scan3A_907 = arith.addi %scan3A_905, %scan3A_906 : i32
        %scan3A_908 = arith.constant 1 : i32
        scf.for %scan3A_934 = %scan3A_905 to %scan3A_907 step %scan3A_908  : i32 {
          %get3A_935 = arith.index_cast %scan3A_934 : i32 to index
          %get3A_936 = arith.constant 0 : index
          %get3A_937 = tpu.vector_load %arg23[%get3A_935, %get3A_936] {strides = array<i32>} : memref<16x48xf32, #tpu.memory_space<vmem>>, vector<1x16xf32>,
          %get3A_938 = vector.shape_cast %get3A_937 : vector<1x16xf32> to vector<16xf32>
          %get3A_939 = arith.index_cast %scan3A_934 : i32 to index
          %get3A_940 = arith.constant 16 : index
          %get3A_941 = tpu.vector_load %arg23[%get3A_939, %get3A_940] {strides = array<i32>} : memref<16x48xf32, #tpu.memory_space<vmem>>, vector<1x16xf32>,
          %get3A_942 = vector.shape_cast %get3A_941 : vector<1x16xf32> to vector<16xf32>
          %get3A_943 = arith.index_cast %scan3A_934 : i32 to index
          %get3A_944 = arith.constant 32 : index
          %get3A_945 = tpu.vector_load %arg23[%get3A_943, %get3A_944] {strides = array<i32>} : memref<16x48xf32, #tpu.memory_space<vmem>>, vector<1x16xf32>,
          %get3A_946 = vector.shape_cast %get3A_945 : vector<1x16xf32> to vector<16xf32>
          %get3A_947 = arith.index_cast %scan3A_934 : i32 to index
          %get3A_948 = arith.constant 0 : index
          %get3A_949 = tpu.vector_load %arg33[%get3A_947, %get3A_948] {strides = array<i32>} : memref<16x384xf32, #tpu.memory_space<vmem>>, vector<1x16xf32>,
          %get3A_950 = vector.shape_cast %get3A_949 : vector<1x16xf32> to vector<16xf32>
          %get3A_951 = arith.index_cast %scan3A_934 : i32 to index
          %get3A_952 = arith.constant 128 : index
          %get3A_953 = tpu.vector_load %arg33[%get3A_951, %get3A_952] {strides = array<i32>} : memref<16x384xf32, #tpu.memory_space<vmem>>, vector<1x16xf32>,
          %get3A_954 = vector.shape_cast %get3A_953 : vector<1x16xf32> to vector<16xf32>
          %get3A_955 = arith.index_cast %scan3A_934 : i32 to index
          %get3A_956 = arith.constant 256 : index
          %get3A_957 = tpu.vector_load %arg33[%get3A_955, %get3A_956] {strides = array<i32>} : memref<16x384xf32, #tpu.memory_space<vmem>>, vector<1x16xf32>,
          %get3A_958 = vector.shape_cast %get3A_957 : vector<1x16xf32> to vector<16xf32>
          %get3A_959 = arith.index_cast %scan3A_934 : i32 to index
          %get3A_960 = arith.constant 0 : index
          %get3A_961 = tpu.vector_load %arg34[%get3A_959, %get3A_960] {strides = array<i32>} : memref<16x384xf32, #tpu.memory_space<vmem>>, vector<1x16xf32>,
          %get3A_962 = vector.shape_cast %get3A_961 : vector<1x16xf32> to vector<16xf32>
          %get3A_963 = arith.index_cast %scan3A_934 : i32 to index
          %get3A_964 = arith.constant 128 : index
          %get3A_965 = tpu.vector_load %arg34[%get3A_963, %get3A_964] {strides = array<i32>} : memref<16x384xf32, #tpu.memory_space<vmem>>, vector<1x16xf32>,
          %get3A_966 = vector.shape_cast %get3A_965 : vector<1x16xf32> to vector<16xf32>
          %get3A_967 = arith.index_cast %scan3A_934 : i32 to index
          %get3A_968 = arith.constant 256 : index
          %get3A_969 = tpu.vector_load %arg34[%get3A_967, %get3A_968] {strides = array<i32>} : memref<16x384xf32, #tpu.memory_space<vmem>>, vector<1x16xf32>,
          %get3A_970 = vector.shape_cast %get3A_969 : vector<1x16xf32> to vector<16xf32>
          %get3A_971 = arith.index_cast %scan3A_934 : i32 to index
          %get3A_972 = arith.constant 0 : index
          %get3A_973 = tpu.vector_load %arg24[%get3A_971, %get3A_972] {strides = array<i32>} : memref<16x128xf32, #tpu.memory_space<vmem>>, vector<1x16xf32>,
          %get3A_974 = vector.shape_cast %get3A_973 : vector<1x16xf32> to vector<16xf32>
          %mul3A_975 = arith.mulf %get3A_962, %get3A_950 : vector<16xf32>
          %mul3A_976 = arith.mulf %get3A_966, %get3A_954 : vector<16xf32>
          %add3A_977 = arith.addf %mul3A_975, %mul3A_976 : vector<16xf32>
          %mul3A_978 = arith.mulf %get3A_970, %get3A_958 : vector<16xf32>
          %add3A_979 = arith.addf %add3A_977, %mul3A_978 : vector<16xf32>
          %mul3A_980 = arith.mulf %get3A_938, %get3A_950 : vector<16xf32>
          %mul3A_981 = arith.mulf %get3A_942, %get3A_954 : vector<16xf32>
          %add3A_982 = arith.addf %mul3A_980, %mul3A_981 : vector<16xf32>
          %mul3A_983 = arith.mulf %get3A_946, %get3A_958 : vector<16xf32>
          %add3A_984 = arith.addf %add3A_982, %mul3A_983 : vector<16xf32>
          %mul3A_985 = arith.mulf %get3A_938, %get3A_962 : vector<16xf32>
          %mul3A_986 = arith.mulf %get3A_942, %get3A_966 : vector<16xf32>
          %add3A_987 = arith.addf %mul3A_985, %mul3A_986 : vector<16xf32>
          %mul3A_988 = arith.mulf %get3A_946, %get3A_970 : vector<16xf32>
          %add3A_989 = arith.addf %add3A_987, %mul3A_988 : vector<16xf32>
          %mul3A_990 = arith.mulf %add3A_989, %add3A_984 : vector<16xf32>
          %sub3A = arith.subf %add3A_979, %mul3A_990 : vector<16xf32>
          %mul3A_991 = arith.mulf %get3A_974, %sub3A : vector<16xf32>
          %swap3A_992 = arith.index_cast %scan3A_934 : i32 to index
          %swap3A_993 = arith.constant 0 : index
          %swap3A_994 = tpu.vector_load %arg36[%swap3A_992, %swap3A_993] {strides = array<i32>} : memref<16x128xf32, #tpu.memory_space<vmem>>, vector<1x16xf32>,
          %swap3A_995 = vector.shape_cast %swap3A_994 : vector<1x16xf32> to vector<16xf32>
          %swap3A_996 = vector.shape_cast %mul3A_991 : vector<16xf32> to vector<1x16xf32>
          tpu.vector_store %arg36[%swap3A_992, %swap3A_993], %swap3A_996 {strides = array<i32>} : memref<16x128xf32, #tpu.memory_space<vmem>>, vector<1x16xf32>,
          %get3A_997 = arith.index_cast %scan3A_934 : i32 to index
          %get3A_998 = arith.constant 16 : index
          %get3A_999 = tpu.vector_load %arg33[%get3A_997, %get3A_998] {strides = array<i32>} : memref<16x384xf32, #tpu.memory_space<vmem>>, vector<1x16xf32>,
          %get3A_1000 = vector.shape_cast %get3A_999 : vector<1x16xf32> to vector<16xf32>
          %get3A_1001 = arith.index_cast %scan3A_934 : i32 to index
          %get3A_1002 = arith.constant 144 : index
          %get3A_1003 = tpu.vector_load %arg33[%get3A_1001, %get3A_1002] {strides = array<i32>} : memref<16x384xf32, #tpu.memory_space<vmem>>, vector<1x16xf32>,
          %get3A_1004 = vector.shape_cast %get3A_1003 : vector<1x16xf32> to vector<16xf32>
          %get3A_1005 = arith.index_cast %scan3A_934 : i32 to index
          %get3A_1006 = arith.constant 272 : index
          %get3A_1007 = tpu.vector_load %arg33[%get3A_1005, %get3A_1006] {strides = array<i32>} : memref<16x384xf32, #tpu.memory_space<vmem>>, vector<1x16xf32>,
          %get3A_1008 = vector.shape_cast %get3A_1007 : vector<1x16xf32> to vector<16xf32>
          %get3A_1009 = arith.index_cast %scan3A_934 : i32 to index
          %get3A_1010 = arith.constant 16 : index
          %get3A_1011 = tpu.vector_load %arg34[%get3A_1009, %get3A_1010] {strides = array<i32>} : memref<16x384xf32, #tpu.memory_space<vmem>>, vector<1x16xf32>,
          %get3A_1012 = vector.shape_cast %get3A_1011 : vector<1x16xf32> to vector<16xf32>
          %get3A_1013 = arith.index_cast %scan3A_934 : i32 to index
          %get3A_1014 = arith.constant 144 : index
          %get3A_1015 = tpu.vector_load %arg34[%get3A_1013, %get3A_1014] {strides = array<i32>} : memref<16x384xf32, #tpu.memory_space<vmem>>, vector<1x16xf32>,
          %get3A_1016 = vector.shape_cast %get3A_1015 : vector<1x16xf32> to vector<16xf32>
          %get3A_1017 = arith.index_cast %scan3A_934 : i32 to index
          %get3A_1018 = arith.constant 272 : index
          %get3A_1019 = tpu.vector_load %arg34[%get3A_1017, %get3A_1018] {strides = array<i32>} : memref<16x384xf32, #tpu.memory_space<vmem>>, vector<1x16xf32>,
          %get3A_1020 = vector.shape_cast %get3A_1019 : vector<1x16xf32> to vector<16xf32>
          %get3A_1021 = arith.index_cast %scan3A_934 : i32 to index
          %get3A_1022 = arith.constant 16 : index
          %get3A_1023 = tpu.vector_load %arg24[%get3A_1021, %get3A_1022] {strides = array<i32>} : memref<16x128xf32, #tpu.memory_space<vmem>>, vector<1x16xf32>,
          %get3A_1024 = vector.shape_cast %get3A_1023 : vector<1x16xf32> to vector<16xf32>
          %mul3A_1025 = arith.mulf %get3A_1012, %get3A_1000 : vector<16xf32>
          %mul3A_1026 = arith.mulf %get3A_1016, %get3A_1004 : vector<16xf32>
          %add3A_1027 = arith.addf %mul3A_1025, %mul3A_1026 : vector<16xf32>
          %mul3A_1028 = arith.mulf %get3A_1020, %get3A_1008 : vector<16xf32>
          %add3A_1029 = arith.addf %add3A_1027, %mul3A_1028 : vector<16xf32>
          %mul3A_1030 = arith.mulf %get3A_938, %get3A_1000 : vector<16xf32>
          %mul3A_1031 = arith.mulf %get3A_942, %get3A_1004 : vector<16xf32>
          %add3A_1032 = arith.addf %mul3A_1030, %mul3A_1031 : vector<16xf32>
          %mul3A_1033 = arith.mulf %get3A_946, %get3A_1008 : vector<16xf32>
          %add3A_1034 = arith.addf %add3A_1032, %mul3A_1033 : vector<16xf32>
          %mul3A_1035 = arith.mulf %get3A_938, %get3A_1012 : vector<16xf32>
          %mul3A_1036 = arith.mulf %get3A_942, %get3A_1016 : vector<16xf32>
          %add3A_1037 = arith.addf %mul3A_1035, %mul3A_1036 : vector<16xf32>
          %mul3A_1038 = arith.mulf %get3A_946, %get3A_1020 : vector<16xf32>
          %add3A_1039 = arith.addf %add3A_1037, %mul3A_1038 : vector<16xf32>
          %mul3A_1040 = arith.mulf %add3A_1039, %add3A_1034 : vector<16xf32>
          %sub3A_1041 = arith.subf %add3A_1029, %mul3A_1040 : vector<16xf32>
          %mul3A_1042 = arith.mulf %get3A_1024, %sub3A_1041 : vector<16xf32>
          %swap3A_1043 = arith.index_cast %scan3A_934 : i32 to index
          %swap3A_1044 = arith.constant 16 : index
          %swap3A_1045 = tpu.vector_load %arg36[%swap3A_1043, %swap3A_1044] {strides = array<i32>} : memref<16x128xf32, #tpu.memory_space<vmem>>, vector<1x16xf32>,
          %swap3A_1046 = vector.shape_cast %swap3A_1045 : vector<1x16xf32> to vector<16xf32>
          %swap3A_1047 = vector.shape_cast %mul3A_1042 : vector<16xf32> to vector<1x16xf32>
          tpu.vector_store %arg36[%swap3A_1043, %swap3A_1044], %swap3A_1047 {strides = array<i32>} : memref<16x128xf32, #tpu.memory_space<vmem>>, vector<1x16xf32>,
          %get3A_1048 = arith.index_cast %scan3A_934 : i32 to index
          %get3A_1049 = arith.constant 32 : index
          %get3A_1050 = tpu.vector_load %arg33[%get3A_1048, %get3A_1049] {strides = array<i32>} : memref<16x384xf32, #tpu.memory_space<vmem>>, vector<1x16xf32>,
          %get3A_1051 = vector.shape_cast %get3A_1050 : vector<1x16xf32> to vector<16xf32>
          %get3A_1052 = arith.index_cast %scan3A_934 : i32 to index
          %get3A_1053 = arith.constant 160 : index
          %get3A_1054 = tpu.vector_load %arg33[%get3A_1052, %get3A_1053] {strides = array<i32>} : memref<16x384xf32, #tpu.memory_space<vmem>>, vector<1x16xf32>,
          %get3A_1055 = vector.shape_cast %get3A_1054 : vector<1x16xf32> to vector<16xf32>
          %get3A_1056 = arith.index_cast %scan3A_934 : i32 to index
          %get3A_1057 = arith.constant 288 : index
          %get3A_1058 = tpu.vector_load %arg33[%get3A_1056, %get3A_1057] {strides = array<i32>} : memref<16x384xf32, #tpu.memory_space<vmem>>, vector<1x16xf32>,
          %get3A_1059 = vector.shape_cast %get3A_1058 : vector<1x16xf32> to vector<16xf32>
          %get3A_1060 = arith.index_cast %scan3A_934 : i32 to index
          %get3A_1061 = arith.constant 32 : index
          %get3A_1062 = tpu.vector_load %arg34[%get3A_1060, %get3A_1061] {strides = array<i32>} : memref<16x384xf32, #tpu.memory_space<vmem>>, vector<1x16xf32>,
          %get3A_1063 = vector.shape_cast %get3A_1062 : vector<1x16xf32> to vector<16xf32>
          %get3A_1064 = arith.index_cast %scan3A_934 : i32 to index
          %get3A_1065 = arith.constant 160 : index
          %get3A_1066 = tpu.vector_load %arg34[%get3A_1064, %get3A_1065] {strides = array<i32>} : memref<16x384xf32, #tpu.memory_space<vmem>>, vector<1x16xf32>,
          %get3A_1067 = vector.shape_cast %get3A_1066 : vector<1x16xf32> to vector<16xf32>
          %get3A_1068 = arith.index_cast %scan3A_934 : i32 to index
          %get3A_1069 = arith.constant 288 : index
          %get3A_1070 = tpu.vector_load %arg34[%get3A_1068, %get3A_1069] {strides = array<i32>} : memref<16x384xf32, #tpu.memory_space<vmem>>, vector<1x16xf32>,
          %get3A_1071 = vector.shape_cast %get3A_1070 : vector<1x16xf32> to vector<16xf32>
          %get3A_1072 = arith.index_cast %scan3A_934 : i32 to index
          %get3A_1073 = arith.constant 32 : index
          %get3A_1074 = tpu.vector_load %arg24[%get3A_1072, %get3A_1073] {strides = array<i32>} : memref<16x128xf32, #tpu.memory_space<vmem>>, vector<1x16xf32>,
          %get3A_1075 = vector.shape_cast %get3A_1074 : vector<1x16xf32> to vector<16xf32>
          %mul3A_1076 = arith.mulf %get3A_1063, %get3A_1051 : vector<16xf32>
          %mul3A_1077 = arith.mulf %get3A_1067, %get3A_1055 : vector<16xf32>
          %add3A_1078 = arith.addf %mul3A_1076, %mul3A_1077 : vector<16xf32>
          %mul3A_1079 = arith.mulf %get3A_1071, %get3A_1059 : vector<16xf32>
          %add3A_1080 = arith.addf %add3A_1078, %mul3A_1079 : vector<16xf32>
          %mul3A_1081 = arith.mulf %get3A_938, %get3A_1051 : vector<16xf32>
          %mul3A_1082 = arith.mulf %get3A_942, %get3A_1055 : vector<16xf32>
          %add3A_1083 = arith.addf %mul3A_1081, %mul3A_1082 : vector<16xf32>
          %mul3A_1084 = arith.mulf %get3A_946, %get3A_1059 : vector<16xf32>
          %add3A_1085 = arith.addf %add3A_1083, %mul3A_1084 : vector<16xf32>
          %mul3A_1086 = arith.mulf %get3A_938, %get3A_1063 : vector<16xf32>
          %mul3A_1087 = arith.mulf %get3A_942, %get3A_1067 : vector<16xf32>
          %add3A_1088 = arith.addf %mul3A_1086, %mul3A_1087 : vector<16xf32>
          %mul3A_1089 = arith.mulf %get3A_946, %get3A_1071 : vector<16xf32>
          %add3A_1090 = arith.addf %add3A_1088, %mul3A_1089 : vector<16xf32>
          %mul3A_1091 = arith.mulf %add3A_1090, %add3A_1085 : vector<16xf32>
          %sub3A_1092 = arith.subf %add3A_1080, %mul3A_1091 : vector<16xf32>
          %mul3A_1093 = arith.mulf %get3A_1075, %sub3A_1092 : vector<16xf32>
          %swap3A_1094 = arith.index_cast %scan3A_934 : i32 to index
          %swap3A_1095 = arith.constant 32 : index
          %swap3A_1096 = tpu.vector_load %arg36[%swap3A_1094, %swap3A_1095] {strides = array<i32>} : memref<16x128xf32, #tpu.memory_space<vmem>>, vector<1x16xf32>,
          %swap3A_1097 = vector.shape_cast %swap3A_1096 : vector<1x16xf32> to vector<16xf32>
          %swap3A_1098 = vector.shape_cast %mul3A_1093 : vector<16xf32> to vector<1x16xf32>
          tpu.vector_store %arg36[%swap3A_1094, %swap3A_1095], %swap3A_1098 {strides = array<i32>} : memref<16x128xf32, #tpu.memory_space<vmem>>, vector<1x16xf32>,
          %get3A_1099 = arith.index_cast %scan3A_934 : i32 to index
          %get3A_1100 = arith.constant 48 : index
          %get3A_1101 = tpu.vector_load %arg33[%get3A_1099, %get3A_1100] {strides = array<i32>} : memref<16x384xf32, #tpu.memory_space<vmem>>, vector<1x16xf32>,
          %get3A_1102 = vector.shape_cast %get3A_1101 : vector<1x16xf32> to vector<16xf32>
          %get3A_1103 = arith.index_cast %scan3A_934 : i32 to index
          %get3A_1104 = arith.constant 176 : index
          %get3A_1105 = tpu.vector_load %arg33[%get3A_1103, %get3A_1104] {strides = array<i32>} : memref<16x384xf32, #tpu.memory_space<vmem>>, vector<1x16xf32>,
          %get3A_1106 = vector.shape_cast %get3A_1105 : vector<1x16xf32> to vector<16xf32>
          %get3A_1107 = arith.index_cast %scan3A_934 : i32 to index
          %get3A_1108 = arith.constant 304 : index
          %get3A_1109 = tpu.vector_load %arg33[%get3A_1107, %get3A_1108] {strides = array<i32>} : memref<16x384xf32, #tpu.memory_space<vmem>>, vector<1x16xf32>,
          %get3A_1110 = vector.shape_cast %get3A_1109 : vector<1x16xf32> to vector<16xf32>
          %get3A_1111 = arith.index_cast %scan3A_934 : i32 to index
          %get3A_1112 = arith.constant 48 : index
          %get3A_1113 = tpu.vector_load %arg34[%get3A_1111, %get3A_1112] {strides = array<i32>} : memref<16x384xf32, #tpu.memory_space<vmem>>, vector<1x16xf32>,
          %get3A_1114 = vector.shape_cast %get3A_1113 : vector<1x16xf32> to vector<16xf32>
          %get3A_1115 = arith.index_cast %scan3A_934 : i32 to index
          %get3A_1116 = arith.constant 176 : index
          %get3A_1117 = tpu.vector_load %arg34[%get3A_1115, %get3A_1116] {strides = array<i32>} : memref<16x384xf32, #tpu.memory_space<vmem>>, vector<1x16xf32>,
          %get3A_1118 = vector.shape_cast %get3A_1117 : vector<1x16xf32> to vector<16xf32>
          %get3A_1119 = arith.index_cast %scan3A_934 : i32 to index
          %get3A_1120 = arith.constant 304 : index
          %get3A_1121 = tpu.vector_load %arg34[%get3A_1119, %get3A_1120] {strides = array<i32>} : memref<16x384xf32, #tpu.memory_space<vmem>>, vector<1x16xf32>,
          %get3A_1122 = vector.shape_cast %get3A_1121 : vector<1x16xf32> to vector<16xf32>
          %get3A_1123 = arith.index_cast %scan3A_934 : i32 to index
          %get3A_1124 = arith.constant 48 : index
          %get3A_1125 = tpu.vector_load %arg24[%get3A_1123, %get3A_1124] {strides = array<i32>} : memref<16x128xf32, #tpu.memory_space<vmem>>, vector<1x16xf32>,
          %get3A_1126 = vector.shape_cast %get3A_1125 : vector<1x16xf32> to vector<16xf32>
          %mul3A_1127 = arith.mulf %get3A_1114, %get3A_1102 : vector<16xf32>
          %mul3A_1128 = arith.mulf %get3A_1118, %get3A_1106 : vector<16xf32>
          %add3A_1129 = arith.addf %mul3A_1127, %mul3A_1128 : vector<16xf32>
          %mul3A_1130 = arith.mulf %get3A_1122, %get3A_1110 : vector<16xf32>
          %add3A_1131 = arith.addf %add3A_1129, %mul3A_1130 : vector<16xf32>
          %mul3A_1132 = arith.mulf %get3A_938, %get3A_1102 : vector<16xf32>
          %mul3A_1133 = arith.mulf %get3A_942, %get3A_1106 : vector<16xf32>
          %add3A_1134 = arith.addf %mul3A_1132, %mul3A_1133 : vector<16xf32>
          %mul3A_1135 = arith.mulf %get3A_946, %get3A_1110 : vector<16xf32>
          %add3A_1136 = arith.addf %add3A_1134, %mul3A_1135 : vector<16xf32>
          %mul3A_1137 = arith.mulf %get3A_938, %get3A_1114 : vector<16xf32>
          %mul3A_1138 = arith.mulf %get3A_942, %get3A_1118 : vector<16xf32>
          %add3A_1139 = arith.addf %mul3A_1137, %mul3A_1138 : vector<16xf32>
          %mul3A_1140 = arith.mulf %get3A_946, %get3A_1122 : vector<16xf32>
          %add3A_1141 = arith.addf %add3A_1139, %mul3A_1140 : vector<16xf32>
          %mul3A_1142 = arith.mulf %add3A_1141, %add3A_1136 : vector<16xf32>
          %sub3A_1143 = arith.subf %add3A_1131, %mul3A_1142 : vector<16xf32>
          %mul3A_1144 = arith.mulf %get3A_1126, %sub3A_1143 : vector<16xf32>
          %swap3A_1145 = arith.index_cast %scan3A_934 : i32 to index
          %swap3A_1146 = arith.constant 48 : index
          %swap3A_1147 = tpu.vector_load %arg36[%swap3A_1145, %swap3A_1146] {strides = array<i32>} : memref<16x128xf32, #tpu.memory_space<vmem>>, vector<1x16xf32>,
          %swap3A_1148 = vector.shape_cast %swap3A_1147 : vector<1x16xf32> to vector<16xf32>
          %swap3A_1149 = vector.shape_cast %mul3A_1144 : vector<16xf32> to vector<1x16xf32>
          tpu.vector_store %arg36[%swap3A_1145, %swap3A_1146], %swap3A_1149 {strides = array<i32>} : memref<16x128xf32, #tpu.memory_space<vmem>>, vector<1x16xf32>,
          %get3A_1150 = arith.index_cast %scan3A_934 : i32 to index
          %get3A_1151 = arith.constant 64 : index
          %get3A_1152 = tpu.vector_load %arg33[%get3A_1150, %get3A_1151] {strides = array<i32>} : memref<16x384xf32, #tpu.memory_space<vmem>>, vector<1x16xf32>,
          %get3A_1153 = vector.shape_cast %get3A_1152 : vector<1x16xf32> to vector<16xf32>
          %get3A_1154 = arith.index_cast %scan3A_934 : i32 to index
          %get3A_1155 = arith.constant 192 : index
          %get3A_1156 = tpu.vector_load %arg33[%get3A_1154, %get3A_1155] {strides = array<i32>} : memref<16x384xf32, #tpu.memory_space<vmem>>, vector<1x16xf32>,
          %get3A_1157 = vector.shape_cast %get3A_1156 : vector<1x16xf32> to vector<16xf32>
          %get3A_1158 = arith.index_cast %scan3A_934 : i32 to index
          %get3A_1159 = arith.constant 320 : index
          %get3A_1160 = tpu.vector_load %arg33[%get3A_1158, %get3A_1159] {strides = array<i32>} : memref<16x384xf32, #tpu.memory_space<vmem>>, vector<1x16xf32>,
          %get3A_1161 = vector.shape_cast %get3A_1160 : vector<1x16xf32> to vector<16xf32>
          %get3A_1162 = arith.index_cast %scan3A_934 : i32 to index
          %get3A_1163 = arith.constant 64 : index
          %get3A_1164 = tpu.vector_load %arg34[%get3A_1162, %get3A_1163] {strides = array<i32>} : memref<16x384xf32, #tpu.memory_space<vmem>>, vector<1x16xf32>,
          %get3A_1165 = vector.shape_cast %get3A_1164 : vector<1x16xf32> to vector<16xf32>
          %get3A_1166 = arith.index_cast %scan3A_934 : i32 to index
          %get3A_1167 = arith.constant 192 : index
          %get3A_1168 = tpu.vector_load %arg34[%get3A_1166, %get3A_1167] {strides = array<i32>} : memref<16x384xf32, #tpu.memory_space<vmem>>, vector<1x16xf32>,
          %get3A_1169 = vector.shape_cast %get3A_1168 : vector<1x16xf32> to vector<16xf32>
          %get3A_1170 = arith.index_cast %scan3A_934 : i32 to index
          %get3A_1171 = arith.constant 320 : index
          %get3A_1172 = tpu.vector_load %arg34[%get3A_1170, %get3A_1171] {strides = array<i32>} : memref<16x384xf32, #tpu.memory_space<vmem>>, vector<1x16xf32>,
          %get3A_1173 = vector.shape_cast %get3A_1172 : vector<1x16xf32> to vector<16xf32>
          %get3A_1174 = arith.index_cast %scan3A_934 : i32 to index
          %get3A_1175 = arith.constant 64 : index
          %get3A_1176 = tpu.vector_load %arg24[%get3A_1174, %get3A_1175] {strides = array<i32>} : memref<16x128xf32, #tpu.memory_space<vmem>>, vector<1x16xf32>,
          %get3A_1177 = vector.shape_cast %get3A_1176 : vector<1x16xf32> to vector<16xf32>
          %mul3A_1178 = arith.mulf %get3A_1165, %get3A_1153 : vector<16xf32>
          %mul3A_1179 = arith.mulf %get3A_1169, %get3A_1157 : vector<16xf32>
          %add3A_1180 = arith.addf %mul3A_1178, %mul3A_1179 : vector<16xf32>
          %mul3A_1181 = arith.mulf %get3A_1173, %get3A_1161 : vector<16xf32>
          %add3A_1182 = arith.addf %add3A_1180, %mul3A_1181 : vector<16xf32>
          %mul3A_1183 = arith.mulf %get3A_938, %get3A_1153 : vector<16xf32>
          %mul3A_1184 = arith.mulf %get3A_942, %get3A_1157 : vector<16xf32>
          %add3A_1185 = arith.addf %mul3A_1183, %mul3A_1184 : vector<16xf32>
          %mul3A_1186 = arith.mulf %get3A_946, %get3A_1161 : vector<16xf32>
          %add3A_1187 = arith.addf %add3A_1185, %mul3A_1186 : vector<16xf32>
          %mul3A_1188 = arith.mulf %get3A_938, %get3A_1165 : vector<16xf32>
          %mul3A_1189 = arith.mulf %get3A_942, %get3A_1169 : vector<16xf32>
          %add3A_1190 = arith.addf %mul3A_1188, %mul3A_1189 : vector<16xf32>
          %mul3A_1191 = arith.mulf %get3A_946, %get3A_1173 : vector<16xf32>
          %add3A_1192 = arith.addf %add3A_1190, %mul3A_1191 : vector<16xf32>
          %mul3A_1193 = arith.mulf %add3A_1192, %add3A_1187 : vector<16xf32>
          %sub3A_1194 = arith.subf %add3A_1182, %mul3A_1193 : vector<16xf32>
          %mul3A_1195 = arith.mulf %get3A_1177, %sub3A_1194 : vector<16xf32>
          %swap3A_1196 = arith.index_cast %scan3A_934 : i32 to index
          %swap3A_1197 = arith.constant 64 : index
          %swap3A_1198 = tpu.vector_load %arg36[%swap3A_1196, %swap3A_1197] {strides = array<i32>} : memref<16x128xf32, #tpu.memory_space<vmem>>, vector<1x16xf32>,
          %swap3A_1199 = vector.shape_cast %swap3A_1198 : vector<1x16xf32> to vector<16xf32>
          %swap3A_1200 = vector.shape_cast %mul3A_1195 : vector<16xf32> to vector<1x16xf32>
          tpu.vector_store %arg36[%swap3A_1196, %swap3A_1197], %swap3A_1200 {strides = array<i32>} : memref<16x128xf32, #tpu.memory_space<vmem>>, vector<1x16xf32>,
          %get3A_1201 = arith.index_cast %scan3A_934 : i32 to index
          %get3A_1202 = arith.constant 80 : index
          %get3A_1203 = tpu.vector_load %arg33[%get3A_1201, %get3A_1202] {strides = array<i32>} : memref<16x384xf32, #tpu.memory_space<vmem>>, vector<1x16xf32>,
          %get3A_1204 = vector.shape_cast %get3A_1203 : vector<1x16xf32> to vector<16xf32>
          %get3A_1205 = arith.index_cast %scan3A_934 : i32 to index
          %get3A_1206 = arith.constant 208 : index
          %get3A_1207 = tpu.vector_load %arg33[%get3A_1205, %get3A_1206] {strides = array<i32>} : memref<16x384xf32, #tpu.memory_space<vmem>>, vector<1x16xf32>,
          %get3A_1208 = vector.shape_cast %get3A_1207 : vector<1x16xf32> to vector<16xf32>
          %get3A_1209 = arith.index_cast %scan3A_934 : i32 to index
          %get3A_1210 = arith.constant 336 : index
          %get3A_1211 = tpu.vector_load %arg33[%get3A_1209, %get3A_1210] {strides = array<i32>} : memref<16x384xf32, #tpu.memory_space<vmem>>, vector<1x16xf32>,
          %get3A_1212 = vector.shape_cast %get3A_1211 : vector<1x16xf32> to vector<16xf32>
          %get3A_1213 = arith.index_cast %scan3A_934 : i32 to index
          %get3A_1214 = arith.constant 80 : index
          %get3A_1215 = tpu.vector_load %arg34[%get3A_1213, %get3A_1214] {strides = array<i32>} : memref<16x384xf32, #tpu.memory_space<vmem>>, vector<1x16xf32>,
          %get3A_1216 = vector.shape_cast %get3A_1215 : vector<1x16xf32> to vector<16xf32>
          %get3A_1217 = arith.index_cast %scan3A_934 : i32 to index
          %get3A_1218 = arith.constant 208 : index
          %get3A_1219 = tpu.vector_load %arg34[%get3A_1217, %get3A_1218] {strides = array<i32>} : memref<16x384xf32, #tpu.memory_space<vmem>>, vector<1x16xf32>,
          %get3A_1220 = vector.shape_cast %get3A_1219 : vector<1x16xf32> to vector<16xf32>
          %get3A_1221 = arith.index_cast %scan3A_934 : i32 to index
          %get3A_1222 = arith.constant 336 : index
          %get3A_1223 = tpu.vector_load %arg34[%get3A_1221, %get3A_1222] {strides = array<i32>} : memref<16x384xf32, #tpu.memory_space<vmem>>, vector<1x16xf32>,
          %get3A_1224 = vector.shape_cast %get3A_1223 : vector<1x16xf32> to vector<16xf32>
          %get3A_1225 = arith.index_cast %scan3A_934 : i32 to index
          %get3A_1226 = arith.constant 80 : index
          %get3A_1227 = tpu.vector_load %arg24[%get3A_1225, %get3A_1226] {strides = array<i32>} : memref<16x128xf32, #tpu.memory_space<vmem>>, vector<1x16xf32>,
          %get3A_1228 = vector.shape_cast %get3A_1227 : vector<1x16xf32> to vector<16xf32>
          %mul3A_1229 = arith.mulf %get3A_1216, %get3A_1204 : vector<16xf32>
          %mul3A_1230 = arith.mulf %get3A_1220, %get3A_1208 : vector<16xf32>
          %add3A_1231 = arith.addf %mul3A_1229, %mul3A_1230 : vector<16xf32>
          %mul3A_1232 = arith.mulf %get3A_1224, %get3A_1212 : vector<16xf32>
          %add3A_1233 = arith.addf %add3A_1231, %mul3A_1232 : vector<16xf32>
          %mul3A_1234 = arith.mulf %get3A_938, %get3A_1204 : vector<16xf32>
          %mul3A_1235 = arith.mulf %get3A_942, %get3A_1208 : vector<16xf32>
          %add3A_1236 = arith.addf %mul3A_1234, %mul3A_1235 : vector<16xf32>
          %mul3A_1237 = arith.mulf %get3A_946, %get3A_1212 : vector<16xf32>
          %add3A_1238 = arith.addf %add3A_1236, %mul3A_1237 : vector<16xf32>
          %mul3A_1239 = arith.mulf %get3A_938, %get3A_1216 : vector<16xf32>
          %mul3A_1240 = arith.mulf %get3A_942, %get3A_1220 : vector<16xf32>
          %add3A_1241 = arith.addf %mul3A_1239, %mul3A_1240 : vector<16xf32>
          %mul3A_1242 = arith.mulf %get3A_946, %get3A_1224 : vector<16xf32>
          %add3A_1243 = arith.addf %add3A_1241, %mul3A_1242 : vector<16xf32>
          %mul3A_1244 = arith.mulf %add3A_1243, %add3A_1238 : vector<16xf32>
          %sub3A_1245 = arith.subf %add3A_1233, %mul3A_1244 : vector<16xf32>
          %mul3A_1246 = arith.mulf %get3A_1228, %sub3A_1245 : vector<16xf32>
          %swap3A_1247 = arith.index_cast %scan3A_934 : i32 to index
          %swap3A_1248 = arith.constant 80 : index
          %swap3A_1249 = tpu.vector_load %arg36[%swap3A_1247, %swap3A_1248] {strides = array<i32>} : memref<16x128xf32, #tpu.memory_space<vmem>>, vector<1x16xf32>,
          %swap3A_1250 = vector.shape_cast %swap3A_1249 : vector<1x16xf32> to vector<16xf32>
          %swap3A_1251 = vector.shape_cast %mul3A_1246 : vector<16xf32> to vector<1x16xf32>
          tpu.vector_store %arg36[%swap3A_1247, %swap3A_1248], %swap3A_1251 {strides = array<i32>} : memref<16x128xf32, #tpu.memory_space<vmem>>, vector<1x16xf32>,
          %get3A_1252 = arith.index_cast %scan3A_934 : i32 to index
          %get3A_1253 = arith.constant 96 : index
          %get3A_1254 = tpu.vector_load %arg33[%get3A_1252, %get3A_1253] {strides = array<i32>} : memref<16x384xf32, #tpu.memory_space<vmem>>, vector<1x16xf32>,
          %get3A_1255 = vector.shape_cast %get3A_1254 : vector<1x16xf32> to vector<16xf32>
          %get3A_1256 = arith.index_cast %scan3A_934 : i32 to index
          %get3A_1257 = arith.constant 224 : index
          %get3A_1258 = tpu.vector_load %arg33[%get3A_1256, %get3A_1257] {strides = array<i32>} : memref<16x384xf32, #tpu.memory_space<vmem>>, vector<1x16xf32>,
          %get3A_1259 = vector.shape_cast %get3A_1258 : vector<1x16xf32> to vector<16xf32>
          %get3A_1260 = arith.index_cast %scan3A_934 : i32 to index
          %get3A_1261 = arith.constant 352 : index
          %get3A_1262 = tpu.vector_load %arg33[%get3A_1260, %get3A_1261] {strides = array<i32>} : memref<16x384xf32, #tpu.memory_space<vmem>>, vector<1x16xf32>,
          %get3A_1263 = vector.shape_cast %get3A_1262 : vector<1x16xf32> to vector<16xf32>
          %get3A_1264 = arith.index_cast %scan3A_934 : i32 to index
          %get3A_1265 = arith.constant 96 : index
          %get3A_1266 = tpu.vector_load %arg34[%get3A_1264, %get3A_1265] {strides = array<i32>} : memref<16x384xf32, #tpu.memory_space<vmem>>, vector<1x16xf32>,
          %get3A_1267 = vector.shape_cast %get3A_1266 : vector<1x16xf32> to vector<16xf32>
          %get3A_1268 = arith.index_cast %scan3A_934 : i32 to index
          %get3A_1269 = arith.constant 224 : index
          %get3A_1270 = tpu.vector_load %arg34[%get3A_1268, %get3A_1269] {strides = array<i32>} : memref<16x384xf32, #tpu.memory_space<vmem>>, vector<1x16xf32>,
          %get3A_1271 = vector.shape_cast %get3A_1270 : vector<1x16xf32> to vector<16xf32>
          %get3A_1272 = arith.index_cast %scan3A_934 : i32 to index
          %get3A_1273 = arith.constant 352 : index
          %get3A_1274 = tpu.vector_load %arg34[%get3A_1272, %get3A_1273] {strides = array<i32>} : memref<16x384xf32, #tpu.memory_space<vmem>>, vector<1x16xf32>,
          %get3A_1275 = vector.shape_cast %get3A_1274 : vector<1x16xf32> to vector<16xf32>
          %get3A_1276 = arith.index_cast %scan3A_934 : i32 to index
          %get3A_1277 = arith.constant 96 : index
          %get3A_1278 = tpu.vector_load %arg24[%get3A_1276, %get3A_1277] {strides = array<i32>} : memref<16x128xf32, #tpu.memory_space<vmem>>, vector<1x16xf32>,
          %get3A_1279 = vector.shape_cast %get3A_1278 : vector<1x16xf32> to vector<16xf32>
          %mul3A_1280 = arith.mulf %get3A_1267, %get3A_1255 : vector<16xf32>
          %mul3A_1281 = arith.mulf %get3A_1271, %get3A_1259 : vector<16xf32>
          %add3A_1282 = arith.addf %mul3A_1280, %mul3A_1281 : vector<16xf32>
          %mul3A_1283 = arith.mulf %get3A_1275, %get3A_1263 : vector<16xf32>
          %add3A_1284 = arith.addf %add3A_1282, %mul3A_1283 : vector<16xf32>
          %mul3A_1285 = arith.mulf %get3A_938, %get3A_1255 : vector<16xf32>
          %mul3A_1286 = arith.mulf %get3A_942, %get3A_1259 : vector<16xf32>
          %add3A_1287 = arith.addf %mul3A_1285, %mul3A_1286 : vector<16xf32>
          %mul3A_1288 = arith.mulf %get3A_946, %get3A_1263 : vector<16xf32>
          %add3A_1289 = arith.addf %add3A_1287, %mul3A_1288 : vector<16xf32>
          %mul3A_1290 = arith.mulf %get3A_938, %get3A_1267 : vector<16xf32>
          %mul3A_1291 = arith.mulf %get3A_942, %get3A_1271 : vector<16xf32>
          %add3A_1292 = arith.addf %mul3A_1290, %mul3A_1291 : vector<16xf32>
          %mul3A_1293 = arith.mulf %get3A_946, %get3A_1275 : vector<16xf32>
          %add3A_1294 = arith.addf %add3A_1292, %mul3A_1293 : vector<16xf32>
          %mul3A_1295 = arith.mulf %add3A_1294, %add3A_1289 : vector<16xf32>
          %sub3A_1296 = arith.subf %add3A_1284, %mul3A_1295 : vector<16xf32>
          %mul3A_1297 = arith.mulf %get3A_1279, %sub3A_1296 : vector<16xf32>
          %swap3A_1298 = arith.index_cast %scan3A_934 : i32 to index
          %swap3A_1299 = arith.constant 96 : index
          %swap3A_1300 = tpu.vector_load %arg36[%swap3A_1298, %swap3A_1299] {strides = array<i32>} : memref<16x128xf32, #tpu.memory_space<vmem>>, vector<1x16xf32>,
          %swap3A_1301 = vector.shape_cast %swap3A_1300 : vector<1x16xf32> to vector<16xf32>
          %swap3A_1302 = vector.shape_cast %mul3A_1297 : vector<16xf32> to vector<1x16xf32>
          tpu.vector_store %arg36[%swap3A_1298, %swap3A_1299], %swap3A_1302 {strides = array<i32>} : memref<16x128xf32, #tpu.memory_space<vmem>>, vector<1x16xf32>,
          %get3A_1303 = arith.index_cast %scan3A_934 : i32 to index
          %get3A_1304 = arith.constant 112 : index
          %get3A_1305 = tpu.vector_load %arg33[%get3A_1303, %get3A_1304] {strides = array<i32>} : memref<16x384xf32, #tpu.memory_space<vmem>>, vector<1x16xf32>,
          %get3A_1306 = vector.shape_cast %get3A_1305 : vector<1x16xf32> to vector<16xf32>
          %get3A_1307 = arith.index_cast %scan3A_934 : i32 to index
          %get3A_1308 = arith.constant 240 : index
          %get3A_1309 = tpu.vector_load %arg33[%get3A_1307, %get3A_1308] {strides = array<i32>} : memref<16x384xf32, #tpu.memory_space<vmem>>, vector<1x16xf32>,
          %get3A_1310 = vector.shape_cast %get3A_1309 : vector<1x16xf32> to vector<16xf32>
          %get3A_1311 = arith.index_cast %scan3A_934 : i32 to index
          %get3A_1312 = arith.constant 368 : index
          %get3A_1313 = tpu.vector_load %arg33[%get3A_1311, %get3A_1312] {strides = array<i32>} : memref<16x384xf32, #tpu.memory_space<vmem>>, vector<1x16xf32>,
          %get3A_1314 = vector.shape_cast %get3A_1313 : vector<1x16xf32> to vector<16xf32>
          %get3A_1315 = arith.index_cast %scan3A_934 : i32 to index
          %get3A_1316 = arith.constant 112 : index
          %get3A_1317 = tpu.vector_load %arg34[%get3A_1315, %get3A_1316] {strides = array<i32>} : memref<16x384xf32, #tpu.memory_space<vmem>>, vector<1x16xf32>,
          %get3A_1318 = vector.shape_cast %get3A_1317 : vector<1x16xf32> to vector<16xf32>
          %get3A_1319 = arith.index_cast %scan3A_934 : i32 to index
          %get3A_1320 = arith.constant 240 : index
          %get3A_1321 = tpu.vector_load %arg34[%get3A_1319, %get3A_1320] {strides = array<i32>} : memref<16x384xf32, #tpu.memory_space<vmem>>, vector<1x16xf32>,
          %get3A_1322 = vector.shape_cast %get3A_1321 : vector<1x16xf32> to vector<16xf32>
          %get3A_1323 = arith.index_cast %scan3A_934 : i32 to index
          %get3A_1324 = arith.constant 368 : index
          %get3A_1325 = tpu.vector_load %arg34[%get3A_1323, %get3A_1324] {strides = array<i32>} : memref<16x384xf32, #tpu.memory_space<vmem>>, vector<1x16xf32>,
          %get3A_1326 = vector.shape_cast %get3A_1325 : vector<1x16xf32> to vector<16xf32>
          %get3A_1327 = arith.index_cast %scan3A_934 : i32 to index
          %get3A_1328 = arith.constant 112 : index
          %get3A_1329 = tpu.vector_load %arg24[%get3A_1327, %get3A_1328] {strides = array<i32>} : memref<16x128xf32, #tpu.memory_space<vmem>>, vector<1x16xf32>,
          %get3A_1330 = vector.shape_cast %get3A_1329 : vector<1x16xf32> to vector<16xf32>
          %mul3A_1331 = arith.mulf %get3A_1318, %get3A_1306 : vector<16xf32>
          %mul3A_1332 = arith.mulf %get3A_1322, %get3A_1310 : vector<16xf32>
          %add3A_1333 = arith.addf %mul3A_1331, %mul3A_1332 : vector<16xf32>
          %mul3A_1334 = arith.mulf %get3A_1326, %get3A_1314 : vector<16xf32>
          %add3A_1335 = arith.addf %add3A_1333, %mul3A_1334 : vector<16xf32>
          %mul3A_1336 = arith.mulf %get3A_938, %get3A_1306 : vector<16xf32>
          %mul3A_1337 = arith.mulf %get3A_942, %get3A_1310 : vector<16xf32>
          %add3A_1338 = arith.addf %mul3A_1336, %mul3A_1337 : vector<16xf32>
          %mul3A_1339 = arith.mulf %get3A_946, %get3A_1314 : vector<16xf32>
          %add3A_1340 = arith.addf %add3A_1338, %mul3A_1339 : vector<16xf32>
          %mul3A_1341 = arith.mulf %get3A_938, %get3A_1318 : vector<16xf32>
          %mul3A_1342 = arith.mulf %get3A_942, %get3A_1322 : vector<16xf32>
          %add3A_1343 = arith.addf %mul3A_1341, %mul3A_1342 : vector<16xf32>
          %mul3A_1344 = arith.mulf %get3A_946, %get3A_1326 : vector<16xf32>
          %add3A_1345 = arith.addf %add3A_1343, %mul3A_1344 : vector<16xf32>
          %mul3A_1346 = arith.mulf %add3A_1345, %add3A_1340 : vector<16xf32>
          %sub3A_1347 = arith.subf %add3A_1335, %mul3A_1346 : vector<16xf32>
          %mul3A_1348 = arith.mulf %get3A_1330, %sub3A_1347 : vector<16xf32>
          %swap3A_1349 = arith.index_cast %scan3A_934 : i32 to index
          %swap3A_1350 = arith.constant 112 : index
          %swap3A_1351 = tpu.vector_load %arg36[%swap3A_1349, %swap3A_1350] {strides = array<i32>} : memref<16x128xf32, #tpu.memory_space<vmem>>, vector<1x16xf32>,
          %swap3A_1352 = vector.shape_cast %swap3A_1351 : vector<1x16xf32> to vector<16xf32>
          %swap3A_1353 = vector.shape_cast %mul3A_1348 : vector<16xf32> to vector<1x16xf32>
          tpu.vector_store %arg36[%swap3A_1349, %swap3A_1350], %swap3A_1353 {strides = array<i32>} : memref<16x128xf32, #tpu.memory_space<vmem>>, vector<1x16xf32>,
        }
        %scan3A_909 = arith.constant 16 : i32
        %get3A_910 = arith.constant 0 : index
        %get3A_911 = tpu.vector_load %arg21[%get3A_910] {strides = array<i32>} : memref<16xi32, #tpu.memory_space<vmem>>, vector<16xi32>,
        %get3A_912 = vector.shape_cast %get3A_911 : vector<16xi32> to vector<16xi32>
        %swap3A_913 = arith.constant 0 : index
        %swap3A_914 = tpu.vector_load %arg35[%swap3A_913] {strides = array<i32>} : memref<16xi32, #tpu.memory_space<vmem>>, vector<16xi32>,
        %swap3A_915 = vector.shape_cast %swap3A_914 : vector<16xi32> to vector<16xi32>
        %swap3A_916 = vector.shape_cast %get3A_912 : vector<16xi32> to vector<16xi32>
        tpu.vector_store %arg35[%swap3A_913], %swap3A_916 {strides = array<i32>} : memref<16xi32, #tpu.memory_space<vmem>>, vector<16xi32>,
        %dma_start3A_917 = arith.constant 0 : i32
        %dma_start3A_918 = arith.constant 0 : i32
        %dma_start3A_919 = tpu.memref_slice %arg8[%dma_start3A_917, %dma_start3A_918] : memref<10240x128xf32, #tpu.memory_space<vmem_shared>> -> memref<10240x128xf32, #tpu.memory_space<vmem_shared>>
        tpu.enqueue_indirect_dma source(%arg36 : memref<16x128xf32, #tpu.memory_space<vmem>>) target(%dma_start3A_919 : memref<10240x128xf32, #tpu.memory_space<vmem_shared>>) offsets(%arg35 : memref<16xi32, #tpu.memory_space<vmem>>) semaphore(%arg44 : memref<!tpu.dma_semaphore, #tpu.memory_space<semaphore_mem>>) {add = true}
        %add3A_920 = arith.constant 2 : i32
        %add3A_921 = arith.addi %add3A_882, %add3A_920 : i32
        %lt3A_922 = arith.constant 1250 : i32
        %lt3A_923 = arith.cmpi slt, %add3A_921, %lt3A_922 : i32
        %convert_element_type3A_924 = arith.extui %lt3A_923 : i1 to i32
        %cond3A_925 = arith.constant 0 : i32
        %cond3A_926 = arith.cmpi ne, %convert_element_type3A_924, %cond3A_925 : i32
        scf.if %cond3A_926 {
          %dma_wait3A_934 = arith.constant 0 : i32
          %dma_wait3A_935 = tpu.memref_slice %arg5[%dma_wait3A_934] : memref<320000xi32, #tpu.memory_space<hbm>> -> memref<16xi32, #tpu.memory_space<hbm>>
          %dma_wait3A_936 = arith.constant 0 : i32
          %dma_wait3A_937 = tpu.memref_slice %arg5[%dma_wait3A_936] : memref<320000xi32, #tpu.memory_space<hbm>> -> memref<16xi32, #tpu.memory_space<hbm>>
          tpu.wait_dma2 semaphore(%arg38 : memref<!tpu.dma_semaphore, #tpu.memory_space<semaphore_mem>>) src(%dma_wait3A_937 : memref<16xi32, #tpu.memory_space<hbm>>) dst(%arg13 : memref<16xi32, #tpu.memory_space<vmem>>)
          %dma_wait3A_938 = arith.constant 0 : i32
          %dma_wait3A_939 = tpu.memref_slice %arg6[%dma_wait3A_938] : memref<320000xi32, #tpu.memory_space<hbm>> -> memref<16xi32, #tpu.memory_space<hbm>>
          %dma_wait3A_940 = arith.constant 0 : i32
          %dma_wait3A_941 = tpu.memref_slice %arg6[%dma_wait3A_940] : memref<320000xi32, #tpu.memory_space<hbm>> -> memref<16xi32, #tpu.memory_space<hbm>>
          tpu.wait_dma2 semaphore(%arg38 : memref<!tpu.dma_semaphore, #tpu.memory_space<semaphore_mem>>) src(%dma_wait3A_941 : memref<16xi32, #tpu.memory_space<hbm>>) dst(%arg14 : memref<16xi32, #tpu.memory_space<vmem>>)
          %dma_wait3A_942 = arith.constant 0 : i32
          %dma_wait3A_943 = arith.constant 0 : i32
          %dma_wait3A_944 = tpu.memref_slice %arg4[%dma_wait3A_942, %dma_wait3A_943] : memref<320000x48xf32, #tpu.memory_space<hbm>> -> memref<16x48xf32, #tpu.memory_space<hbm>>
          %dma_wait3A_945 = arith.constant 0 : i32
          %dma_wait3A_946 = arith.constant 0 : i32
          %dma_wait3A_947 = tpu.memref_slice %arg4[%dma_wait3A_945, %dma_wait3A_946] : memref<320000x48xf32, #tpu.memory_space<hbm>> -> memref<16x48xf32, #tpu.memory_space<hbm>>
          tpu.wait_dma2 semaphore(%arg38 : memref<!tpu.dma_semaphore, #tpu.memory_space<semaphore_mem>>) src(%dma_wait3A_947 : memref<16x48xf32, #tpu.memory_space<hbm>>) dst(%arg15 : memref<16x48xf32, #tpu.memory_space<vmem>>)
          %dma_wait3A_948 = arith.constant 0 : i32
          %dma_wait3A_949 = arith.constant 0 : i32
          %dma_wait3A_950 = tpu.memref_slice %arg3[%dma_wait3A_948, %dma_wait3A_949] : memref<640000x128xf32, #tpu.memory_space<hbm>> -> memref<16x128xf32, #tpu.memory_space<hbm>>
          %dma_wait3A_951 = arith.constant 0 : i32
          %dma_wait3A_952 = arith.constant 0 : i32
          %dma_wait3A_953 = tpu.memref_slice %arg3[%dma_wait3A_951, %dma_wait3A_952] : memref<640000x128xf32, #tpu.memory_space<hbm>> -> memref<16x128xf32, #tpu.memory_space<hbm>>
          tpu.wait_dma2 semaphore(%arg38 : memref<!tpu.dma_semaphore, #tpu.memory_space<semaphore_mem>>) src(%dma_wait3A_953 : memref<16x128xf32, #tpu.memory_space<hbm>>) dst(%arg16 : memref<16x128xf32, #tpu.memory_space<vmem>>)
          %get3A_954 = arith.constant 0 : index
          %get3A_955 = tpu.vector_load %arg14[%get3A_954] {strides = array<i32>} : memref<16xi32, #tpu.memory_space<vmem>>, vector<16xi32>,
          %get3A_956 = vector.shape_cast %get3A_955 : vector<16xi32> to vector<16xi32>
          %add3A_957 = vector.broadcast %mul3A_0 : i32 to vector<16xi32>
          %add3A_958 = arith.addi %get3A_956, %add3A_957 : vector<16xi32>
          %swap3A_959 = arith.constant 0 : index
          %swap3A_960 = tpu.vector_load %arg32[%swap3A_959] {strides = array<i32>} : memref<16xi32, #tpu.memory_space<vmem>>, vector<16xi32>,
          %swap3A_961 = vector.shape_cast %swap3A_960 : vector<16xi32> to vector<16xi32>
          %swap3A_962 = vector.shape_cast %add3A_958 : vector<16xi32> to vector<16xi32>
          tpu.vector_store %arg32[%swap3A_959], %swap3A_962 {strides = array<i32>} : memref<16xi32, #tpu.memory_space<vmem>>, vector<16xi32>,
          %get3A_963 = arith.constant 0 : index
          %get3A_964 = tpu.vector_load %arg13[%get3A_963] {strides = array<i32>} : memref<16xi32, #tpu.memory_space<vmem>>, vector<16xi32>,
          %get3A_965 = vector.shape_cast %get3A_964 : vector<16xi32> to vector<16xi32>
          %add3A_966 = vector.broadcast %mul3A_0 : i32 to vector<16xi32>
          %add3A_967 = arith.addi %get3A_965, %add3A_966 : vector<16xi32>
          %swap3A_968 = arith.constant 0 : index
          %swap3A_969 = tpu.vector_load %arg31[%swap3A_968] {strides = array<i32>} : memref<16xi32, #tpu.memory_space<vmem>>, vector<16xi32>,
          %swap3A_970 = vector.shape_cast %swap3A_969 : vector<16xi32> to vector<16xi32>
          %swap3A_971 = vector.shape_cast %add3A_967 : vector<16xi32> to vector<16xi32>
          tpu.vector_store %arg31[%swap3A_968], %swap3A_971 {strides = array<i32>} : memref<16xi32, #tpu.memory_space<vmem>>, vector<16xi32>,
          %dma_start3A_972 = arith.constant 0 : i32
          %dma_start3A_973 = arith.constant 0 : i32
          %dma_start3A_974 = tpu.memref_slice %arg2[%dma_start3A_972, %dma_start3A_973] : memref<20000x384xf32, #tpu.memory_space<hbm>> -> memref<20000x384xf32, #tpu.memory_space<hbm>>
          tpu.enqueue_indirect_dma source(%dma_start3A_974 : memref<20000x384xf32, #tpu.memory_space<hbm>>) target(%arg33 : memref<16x384xf32, #tpu.memory_space<vmem>>) offsets(%arg32 : memref<16xi32, #tpu.memory_space<vmem>>) semaphore(%arg42 : memref<!tpu.dma_semaphore, #tpu.memory_space<semaphore_mem>>)
          %dma_start3A_975 = arith.constant 0 : i32
          %dma_start3A_976 = arith.constant 0 : i32
          %dma_start3A_977 = tpu.memref_slice %arg2[%dma_start3A_975, %dma_start3A_976] : memref<20000x384xf32, #tpu.memory_space<hbm>> -> memref<20000x384xf32, #tpu.memory_space<hbm>>
          tpu.enqueue_indirect_dma source(%dma_start3A_977 : memref<20000x384xf32, #tpu.memory_space<hbm>>) target(%arg34 : memref<16x384xf32, #tpu.memory_space<vmem>>) offsets(%arg31 : memref<16xi32, #tpu.memory_space<vmem>>) semaphore(%arg42 : memref<!tpu.dma_semaphore, #tpu.memory_space<semaphore_mem>>)
        } else {
        }
        %add3A_927 = arith.constant 4 : i32
        %add3A_928 = arith.addi %add3A_882, %add3A_927 : i32
        %lt3A_929 = arith.constant 1250 : i32
        %lt3A_930 = arith.cmpi slt, %add3A_928, %lt3A_929 : i32
        %convert_element_type3A_931 = arith.extui %lt3A_930 : i1 to i32
        %cond3A_932 = arith.constant 0 : i32
        %cond3A_933 = arith.cmpi ne, %convert_element_type3A_931, %cond3A_932 : i32
        scf.if %cond3A_933 {
          %add3A_934 = arith.constant 4 : i32
          %add3A_935 = arith.addi %add3A_882, %add3A_934 : i32
          %mul3A_936 = arith.constant 16 : i32
          %mul3A_937 = arith.muli %add3A_935, %mul3A_936 : i32
          %add3A_938 = arith.addi %mul3A_4, %mul3A_937 : i32
          %dma_start3A_939 = tpu.memref_slice %arg5[%add3A_938] : memref<320000xi32, #tpu.memory_space<hbm>> -> memref<16xi32, #tpu.memory_space<hbm>>
          %dma_start3A_940 = tpu.memref_slice %arg5[%add3A_938] : memref<320000xi32, #tpu.memory_space<hbm>> -> memref<16xi32, #tpu.memory_space<hbm>>
          tpu.enqueue_dma source(%dma_start3A_940 : memref<16xi32, #tpu.memory_space<hbm>>) target(%arg21 : memref<16xi32, #tpu.memory_space<vmem>>) target_semaphore(%arg40 : memref<!tpu.dma_semaphore, #tpu.memory_space<semaphore_mem>>)
          %dma_start3A_941 = tpu.memref_slice %arg6[%add3A_938] : memref<320000xi32, #tpu.memory_space<hbm>> -> memref<16xi32, #tpu.memory_space<hbm>>
          %dma_start3A_942 = tpu.memref_slice %arg6[%add3A_938] : memref<320000xi32, #tpu.memory_space<hbm>> -> memref<16xi32, #tpu.memory_space<hbm>>
          tpu.enqueue_dma source(%dma_start3A_942 : memref<16xi32, #tpu.memory_space<hbm>>) target(%arg22 : memref<16xi32, #tpu.memory_space<vmem>>) target_semaphore(%arg40 : memref<!tpu.dma_semaphore, #tpu.memory_space<semaphore_mem>>)
          %dma_start3A_943 = arith.constant 0 : i32
          %dma_start3A_944 = tpu.memref_slice %arg4[%add3A_938, %dma_start3A_943] : memref<320000x48xf32, #tpu.memory_space<hbm>> -> memref<16x48xf32, #tpu.memory_space<hbm>>
          %dma_start3A_945 = arith.constant 0 : i32
          %dma_start3A_946 = tpu.memref_slice %arg4[%add3A_938, %dma_start3A_945] : memref<320000x48xf32, #tpu.memory_space<hbm>> -> memref<16x48xf32, #tpu.memory_space<hbm>>
          tpu.enqueue_dma source(%dma_start3A_946 : memref<16x48xf32, #tpu.memory_space<hbm>>) target(%arg23 : memref<16x48xf32, #tpu.memory_space<vmem>>) target_semaphore(%arg40 : memref<!tpu.dma_semaphore, #tpu.memory_space<semaphore_mem>>)
          %add3A_947 = arith.addi %mul3A_2, %add3A_938 : i32
          %dma_start3A_948 = arith.constant 0 : i32
          %dma_start3A_949 = tpu.memref_slice %arg3[%add3A_947, %dma_start3A_948] : memref<640000x128xf32, #tpu.memory_space<hbm>> -> memref<16x128xf32, #tpu.memory_space<hbm>>
          %dma_start3A_950 = arith.constant 0 : i32
          %dma_start3A_951 = tpu.memref_slice %arg3[%add3A_947, %dma_start3A_950] : memref<640000x128xf32, #tpu.memory_space<hbm>> -> memref<16x128xf32, #tpu.memory_space<hbm>>
          tpu.enqueue_dma source(%dma_start3A_951 : memref<16x128xf32, #tpu.memory_space<hbm>>) target(%arg24 : memref<16x128xf32, #tpu.memory_space<vmem>>) target_semaphore(%arg40 : memref<!tpu.dma_semaphore, #tpu.memory_space<semaphore_mem>>)
        } else {
        }
      } else {
      }
    }
    %scan3A_839 = arith.constant 313 : i32
    %dma_wait3A_840 = arith.constant 0 : i32
    %dma_wait3A_841 = arith.constant 0 : i32
    %dma_wait3A_842 = tpu.memref_slice %arg3[%dma_wait3A_840, %dma_wait3A_841] : memref<640000x128xf32, #tpu.memory_space<hbm>> -> memref<16x128xf32, #tpu.memory_space<hbm>>
    %dma_wait3A_843 = arith.constant 0 : i32
    %dma_wait3A_844 = arith.constant 0 : i32
    %dma_wait3A_845 = tpu.memref_slice %arg3[%dma_wait3A_843, %dma_wait3A_844] : memref<640000x128xf32, #tpu.memory_space<hbm>> -> memref<16x128xf32, #tpu.memory_space<hbm>>
    tpu.wait_dma2 semaphore(%arg43 : memref<!tpu.dma_semaphore, #tpu.memory_space<semaphore_mem>>) src(%dma_wait3A_845 : memref<16x128xf32, #tpu.memory_space<hbm>>) dst(%arg30 : memref<16x128xf32, #tpu.memory_space<vmem>>)
    %dma_wait3A_846 = arith.constant 0 : i32
    %dma_wait3A_847 = arith.constant 0 : i32
    %dma_wait3A_848 = tpu.memref_slice %arg3[%dma_wait3A_846, %dma_wait3A_847] : memref<640000x128xf32, #tpu.memory_space<hbm>> -> memref<16x128xf32, #tpu.memory_space<hbm>>
    %dma_wait3A_849 = arith.constant 0 : i32
    %dma_wait3A_850 = arith.constant 0 : i32
    %dma_wait3A_851 = tpu.memref_slice %arg3[%dma_wait3A_849, %dma_wait3A_850] : memref<640000x128xf32, #tpu.memory_space<hbm>> -> memref<16x128xf32, #tpu.memory_space<hbm>>
    tpu.wait_dma2 semaphore(%arg44 : memref<!tpu.dma_semaphore, #tpu.memory_space<semaphore_mem>>) src(%dma_wait3A_851 : memref<16x128xf32, #tpu.memory_space<hbm>>) dst(%arg36 : memref<16x128xf32, #tpu.memory_space<vmem>>)
    %barrier3A_852 = arith.constant 0 : index
    tpu.barrier barrier_id(%barrier3A_852)
    %mul3A_853 = arith.constant 640 : i32
    %mul3A_854 = arith.muli %arg1, %mul3A_853 : i32
    %mul3A_855 = arith.constant 10240 : i32
    %mul3A_856 = arith.muli %arg0, %mul3A_855 : i32
    %mul3A_857 = arith.constant 640 : i32
    %mul3A_858 = arith.muli %arg1, %mul3A_857 : i32
    %add3A_859 = arith.addi %mul3A_856, %mul3A_858 : i32
    "tpu.region"() ({
      %run_scoped3A = tpu.sem_alloc : memref<!tpu.dma_semaphore, #tpu.memory_space<semaphore_mem>>
      %dma_start3A_860 = arith.constant 0 : i32
      %dma_start3A_861 = tpu.memref_slice %arg7[%add3A_859, %dma_start3A_860] : memref<20480x128xf32, #tpu.memory_space<hbm>> -> memref<640x128xf32, #tpu.memory_space<hbm>>
      %dma_start3A_862 = arith.constant 0 : i32
      %dma_start3A_863 = tpu.memref_slice %arg8[%mul3A_854, %dma_start3A_862] : memref<10240x128xf32, #tpu.memory_space<vmem_shared>> -> memref<640x128xf32, #tpu.memory_space<vmem_shared>>
      tpu.enqueue_dma source(%dma_start3A_863 : memref<640x128xf32, #tpu.memory_space<vmem_shared>>) target(%dma_start3A_861 : memref<640x128xf32, #tpu.memory_space<hbm>>) target_semaphore(%run_scoped3A : memref<!tpu.dma_semaphore, #tpu.memory_space<semaphore_mem>>)
      %dma_wait3A_864 = arith.constant 0 : i32
      %dma_wait3A_865 = tpu.memref_slice %arg7[%add3A_859, %dma_wait3A_864] : memref<20480x128xf32, #tpu.memory_space<hbm>> -> memref<640x128xf32, #tpu.memory_space<hbm>>
      %dma_wait3A_866 = arith.constant 0 : i32
      %dma_wait3A_867 = tpu.memref_slice %arg8[%mul3A_854, %dma_wait3A_866] : memref<10240x128xf32, #tpu.memory_space<vmem_shared>> -> memref<640x128xf32, #tpu.memory_space<vmem_shared>>
      tpu.wait_dma2 semaphore(%run_scoped3A : memref<!tpu.dma_semaphore, #tpu.memory_space<semaphore_mem>>) src(%dma_wait3A_867 : memref<640x128xf32, #tpu.memory_space<vmem_shared>>) dst(%dma_wait3A_865 : memref<640x128xf32, #tpu.memory_space<hbm>>)
      tpu.yield
    }) : () -> ()
    return
  }
}

module attributes {stable_mosaic.version = 14 : i64} {
  func.func @_node_transform_body(%arg0: i32, %arg1: memref<80x128xf32, #tpu.memory_space<vmem>>, %arg2: memref<80x128xf32, #tpu.memory_space<vmem>>, %arg3: memref<128x128xf32, #tpu.memory_space<vmem>>, %arg4: memref<1x128xf32, #tpu.memory_space<vmem>>, %arg5: memref<128x128xf32, #tpu.memory_space<vmem>>, %arg6: memref<1x128xf32, #tpu.memory_space<vmem>>, %arg7: memref<80x128xf32, #tpu.memory_space<vmem>>) attributes {dimension_semantics = [#tpu.dimension_semantics<arbitrary>], iteration_bounds = array<i64: 125>, scalar_prefetch = 0 : i64, scratch_operands = 0 : i64, tpu.core_type = #tpu.core_type<tc>, window_params = [{transform_indices = @transform_0, window_bounds = array<i64: 80, 128>}, {transform_indices = @transform_1, window_bounds = array<i64: 80, 128>}, {pipeline_mode = #tpu.pipeline_mode<synchronous>, transform_indices = @transform_2, window_bounds = array<i64: 128, 128>}, {pipeline_mode = #tpu.pipeline_mode<synchronous>, transform_indices = @transform_3, window_bounds = array<i64: 1, 128>}, {pipeline_mode = #tpu.pipeline_mode<synchronous>, transform_indices = @transform_4, window_bounds = array<i64: 128, 128>}, {pipeline_mode = #tpu.pipeline_mode<synchronous>, transform_indices = @transform_5, window_bounds = array<i64: 1, 128>}, {transform_indices = @transform_6, window_bounds = array<i64: 80, 128>}]} {
    %get3A = arith.constant 0 : index
    %get3A_0 = arith.constant 0 : index
    %get3A_1 = vector.load %arg1[%get3A, %get3A_0] : memref<80x128xf32, #tpu.memory_space<vmem>>, vector<80x128xf32>
    %get3A_2 = arith.constant 0 : index
    %get3A_3 = arith.constant 0 : index
    %get3A_4 = vector.load %arg3[%get3A_2, %get3A_3] : memref<128x128xf32, #tpu.memory_space<vmem>>, vector<128x128xf32>
    %dot_general3A = arith.constant dense<0.000000e+00> : vector<80x128xf32>
    %dot_general3A_5 = tpu.matmul %get3A_1, %get3A_4, %dot_general3A {dimension_numbers = #tpu.dot_dimension_numbers<[1], [0], [0], [1], [0, 0, 1, 1], [], []>, transpose_lhs_hint = false} : vector<80x128xf32>, vector<128x128xf32>, vector<80x128xf32> -> vector<80x128xf32>
    %get3A_6 = arith.constant 0 : index
    %get3A_7 = arith.constant 0 : index
    %get3A_8 = vector.load %arg4[%get3A_6, %get3A_7] : memref<1x128xf32, #tpu.memory_space<vmem>>, vector<1x128xf32>
    %add3A = vector.broadcast %get3A_8 : vector<1x128xf32> to vector<80x128xf32>
    %add3A_9 = arith.addf %dot_general3A_5, %add3A : vector<80x128xf32>
    %max3A = arith.constant 0.000000e+00 : f32
    %max3A_10 = vector.broadcast %max3A : f32 to vector<80x128xf32>
    %max3A_11 = arith.maximumf %add3A_9, %max3A_10 : vector<80x128xf32>
    %abs3A = math.absf %add3A_9 : vector<80x128xf32>
    %neg3A = arith.constant 0.000000e+00 : f32
    %neg3A_12 = vector.broadcast %neg3A : f32 to vector<80x128xf32>
    %neg3A_13 = arith.subf %neg3A_12, %abs3A : vector<80x128xf32>
    %exp3A = math.exp %neg3A_13 : vector<80x128xf32>
    %log1p3A = math.log1p %exp3A : vector<80x128xf32>
    %add3A_14 = arith.addf %max3A_11, %log1p3A : vector<80x128xf32>
    %sub3A = arith.constant 0.693147182 : f32
    %sub3A_15 = vector.broadcast %sub3A : f32 to vector<80x128xf32>
    %sub3A_16 = arith.subf %add3A_14, %sub3A_15 : vector<80x128xf32>
    %get3A_17 = arith.constant 0 : index
    %get3A_18 = arith.constant 0 : index
    %get3A_19 = vector.load %arg2[%get3A_17, %get3A_18] : memref<80x128xf32, #tpu.memory_space<vmem>>, vector<80x128xf32>
    %get3A_20 = arith.constant 0 : index
    %get3A_21 = arith.constant 0 : index
    %get3A_22 = vector.load %arg5[%get3A_20, %get3A_21] : memref<128x128xf32, #tpu.memory_space<vmem>>, vector<128x128xf32>
    %dot_general3A_23 = arith.constant dense<0.000000e+00> : vector<80x128xf32>
    %dot_general3A_24 = tpu.matmul %get3A_19, %get3A_22, %dot_general3A_23 {dimension_numbers = #tpu.dot_dimension_numbers<[1], [0], [0], [1], [0, 0, 1, 1], [], []>, transpose_lhs_hint = false} : vector<80x128xf32>, vector<128x128xf32>, vector<80x128xf32> -> vector<80x128xf32>
    %get3A_25 = arith.constant 0 : index
    %get3A_26 = arith.constant 0 : index
    %get3A_27 = vector.load %arg6[%get3A_25, %get3A_26] : memref<1x128xf32, #tpu.memory_space<vmem>>, vector<1x128xf32>
    %add3A_28 = vector.broadcast %get3A_27 : vector<1x128xf32> to vector<80x128xf32>
    %add3A_29 = arith.addf %dot_general3A_24, %add3A_28 : vector<80x128xf32>
    %max3A_30 = arith.constant 0.000000e+00 : f32
    %max3A_31 = vector.broadcast %max3A_30 : f32 to vector<80x128xf32>
    %max3A_32 = arith.maximumf %add3A_29, %max3A_31 : vector<80x128xf32>
    %abs3A_33 = math.absf %add3A_29 : vector<80x128xf32>
    %neg3A_34 = arith.constant 0.000000e+00 : f32
    %neg3A_35 = vector.broadcast %neg3A_34 : f32 to vector<80x128xf32>
    %neg3A_36 = arith.subf %neg3A_35, %abs3A_33 : vector<80x128xf32>
    %exp3A_37 = math.exp %neg3A_36 : vector<80x128xf32>
    %log1p3A_38 = math.log1p %exp3A_37 : vector<80x128xf32>
    %add3A_39 = arith.addf %max3A_32, %log1p3A_38 : vector<80x128xf32>
    %sub3A_40 = arith.constant 0.693147182 : f32
    %sub3A_41 = vector.broadcast %sub3A_40 : f32 to vector<80x128xf32>
    %sub3A_42 = arith.subf %add3A_39, %sub3A_41 : vector<80x128xf32>
    %add3A_43 = arith.addf %sub3A_16, %sub3A_42 : vector<80x128xf32>
    %swap3A = arith.constant 0 : index
    %swap3A_44 = arith.constant 0 : index
    %swap3A_45 = vector.load %arg7[%swap3A, %swap3A_44] : memref<80x128xf32, #tpu.memory_space<vmem>>, vector<80x128xf32>
    tpu.vector_store %arg7[%swap3A, %swap3A_44], %add3A_43 {strides = array<i32>} : memref<80x128xf32, #tpu.memory_space<vmem>>, vector<80x128xf32>,
    return
  }
  func.func @transform_0(%arg0: i32) -> (i32, i32) {
    %c0_i32 = arith.constant 0 : i32
    %c0_i32_0 = arith.constant 0 : i32
    return %arg0, %c0_i32 : i32, i32
  }
  func.func @transform_1(%arg0: i32) -> (i32, i32) {
    %add3A = arith.constant 128 : i32
    %add3A_0 = arith.addi %add3A, %arg0 : i32
    %c0_i32 = arith.constant 0 : i32
    %c0_i32_1 = arith.constant 0 : i32
    return %add3A_0, %c0_i32 : i32, i32
  }
  func.func @transform_2(%arg0: i32) -> (i32, i32) {
    %c0_i32 = arith.constant 0 : i32
    %c0_i32_0 = arith.constant 0 : i32
    %c0_i32_1 = arith.constant 0 : i32
    return %c0_i32, %c0_i32_0 : i32, i32
  }
  func.func @transform_3(%arg0: i32) -> (i32, i32) {
    %c0_i32 = arith.constant 0 : i32
    %c0_i32_0 = arith.constant 0 : i32
    %c0_i32_1 = arith.constant 0 : i32
    return %c0_i32, %c0_i32_0 : i32, i32
  }
  func.func @transform_4(%arg0: i32) -> (i32, i32) {
    %c0_i32 = arith.constant 0 : i32
    %c0_i32_0 = arith.constant 0 : i32
    %c0_i32_1 = arith.constant 0 : i32
    return %c0_i32, %c0_i32_0 : i32, i32
  }
  func.func @transform_5(%arg0: i32) -> (i32, i32) {
    %c0_i32 = arith.constant 0 : i32
    %c0_i32_0 = arith.constant 0 : i32
    %c0_i32_1 = arith.constant 0 : i32
    return %c0_i32, %c0_i32_0 : i32, i32
  }
  func.func @transform_6(%arg0: i32) -> (i32, i32) {
    %c0_i32 = arith.constant 0 : i32
    %c0_i32_0 = arith.constant 0 : i32
    return %arg0, %c0_i32 : i32, i32
  }
}

module attributes {stable_mosaic.version = 14 : i64} {
  func.func @_edge_weights_body(%arg0: i32, %arg1: i32, %arg2: memref<640x20xf32, #tpu.memory_space<vmem>>, %arg3: memref<640x1xf32, #tpu.memory_space<vmem>>, %arg4: memref<640x1xf32, #tpu.memory_space<vmem>>, %arg5: memref<640x3xf32, #tpu.memory_space<vmem>>, %arg6: memref<1x20x128xf32, #tpu.memory_space<vmem>>, %arg7: memref<1x1x128xf32, #tpu.memory_space<vmem>>, %arg8: memref<1x128x128xf32, #tpu.memory_space<vmem>>, %arg9: memref<1x1x128xf32, #tpu.memory_space<vmem>>, %arg10: memref<640x128xf32, #tpu.memory_space<vmem>>, %arg11: memref<640x48xf32, #tpu.memory_space<vmem>>) attributes {dimension_semantics = [#tpu.dimension_semantics<arbitrary>, #tpu.dimension_semantics<arbitrary>], iteration_bounds = array<i64: 2, 500>, scalar_prefetch = 0 : i64, scratch_operands = 0 : i64, tpu.core_type = #tpu.core_type<tc>, window_params = [{transform_indices = @transform_0, window_bounds = array<i64: 640, 20>}, {transform_indices = @transform_1, window_bounds = array<i64: 640, 1>}, {transform_indices = @transform_2, window_bounds = array<i64: 640, 1>}, {transform_indices = @transform_3, window_bounds = array<i64: 640, 3>}, {transform_indices = @transform_4, window_bounds = array<i64: 1, 20, 128>}, {transform_indices = @transform_5, window_bounds = array<i64: 1, 1, 128>}, {transform_indices = @transform_6, window_bounds = array<i64: 1, 128, 128>}, {transform_indices = @transform_7, window_bounds = array<i64: 1, 1, 128>}, {transform_indices = @transform_8, window_bounds = array<i64: 640, 128>}, {transform_indices = @transform_9, window_bounds = array<i64: 640, 48>}]} {
    %get3A = arith.constant 0 : index
    %get3A_0 = arith.constant 0 : index
    %get3A_1 = vector.load %arg2[%get3A, %get3A_0] : memref<640x20xf32, #tpu.memory_space<vmem>>, vector<640x20xf32>
    %get3A_2 = arith.constant 0 : index
    %get3A_3 = arith.constant 0 : index
    %get3A_4 = vector.load %arg3[%get3A_2, %get3A_3] : memref<640x1xf32, #tpu.memory_space<vmem>>, vector<640x1xf32>
    %get3A_5 = arith.constant 0 : index
    %get3A_6 = arith.constant 0 : index
    %get3A_7 = vector.load %arg4[%get3A_5, %get3A_6] : memref<640x1xf32, #tpu.memory_space<vmem>>, vector<640x1xf32>
    %div3A = arith.constant 1.000000e+00 : f32
    %div3A_8 = vector.broadcast %div3A : f32 to vector<640x1xf32>
    %div3A_9 = arith.divf %div3A_8, %get3A_4 : vector<640x1xf32>
    %mul3A = arith.mulf %get3A_7, %div3A_9 : vector<640x1xf32>
    %mul3A_10 = arith.mulf %mul3A, %div3A_9 : vector<640x1xf32>
    %mul3A_11 = arith.mulf %mul3A_10, %div3A_9 : vector<640x1xf32>
    %get3A_12 = arith.constant 0 : index
    %get3A_13 = arith.constant 0 : index
    %get3A_14 = arith.constant 0 : index
    %get3A_15 = vector.load %arg6[%get3A_12, %get3A_13, %get3A_14] : memref<1x20x128xf32, #tpu.memory_space<vmem>>, vector<1x20x128xf32>
    %get3A_16 = vector.shape_cast %get3A_15 : vector<1x20x128xf32> to vector<20x128xf32>
    %get3A_17 = arith.constant 0 : index
    %get3A_18 = arith.constant 0 : index
    %get3A_19 = arith.constant 0 : index
    %get3A_20 = vector.load %arg7[%get3A_17, %get3A_18, %get3A_19] : memref<1x1x128xf32, #tpu.memory_space<vmem>>, vector<1x1x128xf32>
    %get3A_21 = vector.shape_cast %get3A_20 : vector<1x1x128xf32> to vector<1x128xf32>
    %get3A_22 = arith.constant 0 : index
    %get3A_23 = arith.constant 0 : index
    %get3A_24 = arith.constant 0 : index
    %get3A_25 = vector.load %arg8[%get3A_22, %get3A_23, %get3A_24] : memref<1x128x128xf32, #tpu.memory_space<vmem>>, vector<1x128x128xf32>
    %get3A_26 = vector.shape_cast %get3A_25 : vector<1x128x128xf32> to vector<128x128xf32>
    %get3A_27 = arith.constant 0 : index
    %get3A_28 = arith.constant 0 : index
    %get3A_29 = arith.constant 0 : index
    %get3A_30 = vector.load %arg9[%get3A_27, %get3A_28, %get3A_29] : memref<1x1x128xf32, #tpu.memory_space<vmem>>, vector<1x1x128xf32>
    %get3A_31 = vector.shape_cast %get3A_30 : vector<1x1x128xf32> to vector<1x128xf32>
    %dot_general3A = arith.constant dense<0.000000e+00> : vector<640x128xf32>
    %dot_general3A_32 = tpu.matmul %get3A_1, %get3A_16, %dot_general3A {dimension_numbers = #tpu.dot_dimension_numbers<[1], [0], [0], [1], [0, 0, 1, 1], [], []>, transpose_lhs_hint = false} : vector<640x20xf32>, vector<20x128xf32>, vector<640x128xf32> -> vector<640x128xf32>
    %add3A = vector.broadcast %get3A_21 : vector<1x128xf32> to vector<640x128xf32>
    %add3A_33 = arith.addf %dot_general3A_32, %add3A : vector<640x128xf32>
    %max3A = arith.constant 0.000000e+00 : f32
    %max3A_34 = vector.broadcast %max3A : f32 to vector<640x128xf32>
    %max3A_35 = arith.maximumf %add3A_33, %max3A_34 : vector<640x128xf32>
    %abs3A = math.absf %add3A_33 : vector<640x128xf32>
    %neg3A = arith.constant 0.000000e+00 : f32
    %neg3A_36 = vector.broadcast %neg3A : f32 to vector<640x128xf32>
    %neg3A_37 = arith.subf %neg3A_36, %abs3A : vector<640x128xf32>
    %exp3A = math.exp %neg3A_37 : vector<640x128xf32>
    %log1p3A = math.log1p %exp3A : vector<640x128xf32>
    %add3A_38 = arith.addf %max3A_35, %log1p3A : vector<640x128xf32>
    %sub3A = arith.constant 0.693147182 : f32
    %sub3A_39 = vector.broadcast %sub3A : f32 to vector<640x128xf32>
    %sub3A_40 = arith.subf %add3A_38, %sub3A_39 : vector<640x128xf32>
    %dot_general3A_41 = arith.constant dense<0.000000e+00> : vector<640x128xf32>
    %dot_general3A_42 = tpu.matmul %sub3A_40, %get3A_26, %dot_general3A_41 {dimension_numbers = #tpu.dot_dimension_numbers<[1], [0], [0], [1], [0, 0, 1, 1], [], []>, transpose_lhs_hint = false} : vector<640x128xf32>, vector<128x128xf32>, vector<640x128xf32> -> vector<640x128xf32>
    %add3A_43 = vector.broadcast %get3A_31 : vector<1x128xf32> to vector<640x128xf32>
    %add3A_44 = arith.addf %dot_general3A_42, %add3A_43 : vector<640x128xf32>
    %mul3A_45 = vector.broadcast %mul3A_11 : vector<640x1xf32> to vector<640x128xf32>
    %mul3A_46 = arith.mulf %add3A_44, %mul3A_45 : vector<640x128xf32>
    %swap3A = arith.constant 0 : index
    %swap3A_47 = arith.constant 0 : index
    %swap3A_48 = vector.load %arg10[%swap3A, %swap3A_47] : memref<640x128xf32, #tpu.memory_space<vmem>>, vector<640x128xf32>
    tpu.vector_store %arg10[%swap3A, %swap3A_47], %mul3A_46 {strides = array<i32>} : memref<640x128xf32, #tpu.memory_space<vmem>>, vector<640x128xf32>,
    %mul3A_49 = arith.constant 1.73205078 : f32
    %mul3A_50 = vector.broadcast %mul3A_49 : f32 to vector<640x1xf32>
    %mul3A_51 = arith.mulf %mul3A_50, %div3A_9 : vector<640x1xf32>
    %get3A_52 = arith.constant 0 : index
    %get3A_53 = arith.constant 0 : index
    %get3A_54 = vector.load %arg5[%get3A_52, %get3A_53] : memref<640x3xf32, #tpu.memory_space<vmem>>, vector<640x3xf32>
    %slice3A = vector.extract_strided_slice %get3A_54 {offsets = [0, 0], sizes = [640, 1], strides = [1, 1]} : vector<640x3xf32> to vector<640x1xf32>
    %mul3A_55 = arith.mulf %slice3A, %mul3A_51 : vector<640x1xf32>
    %broadcast_in_dim3A = vector.shape_cast %mul3A_55 : vector<640x1xf32> to vector<640x1xf32>
    %broadcast_in_dim3A_56 = vector.broadcast %broadcast_in_dim3A : vector<640x1xf32> to vector<640x16xf32>
    %slice3A_57 = vector.extract_strided_slice %get3A_54 {offsets = [0, 1], sizes = [640, 1], strides = [1, 1]} : vector<640x3xf32> to vector<640x1xf32>
    %mul3A_58 = arith.mulf %slice3A_57, %mul3A_51 : vector<640x1xf32>
    %broadcast_in_dim3A_59 = vector.shape_cast %mul3A_58 : vector<640x1xf32> to vector<640x1xf32>
    %broadcast_in_dim3A_60 = vector.broadcast %broadcast_in_dim3A_59 : vector<640x1xf32> to vector<640x16xf32>
    %slice3A_61 = vector.extract_strided_slice %get3A_54 {offsets = [0, 2], sizes = [640, 1], strides = [1, 1]} : vector<640x3xf32> to vector<640x1xf32>
    %mul3A_62 = arith.mulf %slice3A_61, %mul3A_51 : vector<640x1xf32>
    %broadcast_in_dim3A_63 = vector.shape_cast %mul3A_62 : vector<640x1xf32> to vector<640x1xf32>
    %broadcast_in_dim3A_64 = vector.broadcast %broadcast_in_dim3A_63 : vector<640x1xf32> to vector<640x16xf32>
    %concatenate3A = tpu.concatenate %broadcast_in_dim3A_56, %broadcast_in_dim3A_60, %broadcast_in_dim3A_64 in 1 : vector<640x16xf32>, vector<640x16xf32>, vector<640x16xf32> -> vector<640x48xf32>
    %swap3A_65 = arith.constant 0 : index
    %swap3A_66 = arith.constant 0 : index
    %swap3A_67 = vector.load %arg11[%swap3A_65, %swap3A_66] : memref<640x48xf32, #tpu.memory_space<vmem>>, vector<640x48xf32>
    tpu.vector_store %arg11[%swap3A_65, %swap3A_66], %concatenate3A {strides = array<i32>} : memref<640x48xf32, #tpu.memory_space<vmem>>, vector<640x48xf32>,
    return
  }
  func.func @transform_0(%arg0: i32, %arg1: i32) -> (i32, i32) {
    %c0_i32 = arith.constant 0 : i32
    %c0_i32_0 = arith.constant 0 : i32
    return %arg1, %c0_i32 : i32, i32
  }
  func.func @transform_1(%arg0: i32, %arg1: i32) -> (i32, i32) {
    %c0_i32 = arith.constant 0 : i32
    %c0_i32_0 = arith.constant 0 : i32
    return %arg1, %c0_i32 : i32, i32
  }
  func.func @transform_2(%arg0: i32, %arg1: i32) -> (i32, i32) {
    %c0_i32 = arith.constant 0 : i32
    %c0_i32_0 = arith.constant 0 : i32
    return %arg1, %c0_i32 : i32, i32
  }
  func.func @transform_3(%arg0: i32, %arg1: i32) -> (i32, i32) {
    %c0_i32 = arith.constant 0 : i32
    %c0_i32_0 = arith.constant 0 : i32
    return %arg1, %c0_i32 : i32, i32
  }
  func.func @transform_4(%arg0: i32, %arg1: i32) -> (i32, i32, i32) {
    %c0_i32 = arith.constant 0 : i32
    %c0_i32_0 = arith.constant 0 : i32
    %c0_i32_1 = arith.constant 0 : i32
    return %arg0, %c0_i32, %c0_i32_0 : i32, i32, i32
  }
  func.func @transform_5(%arg0: i32, %arg1: i32) -> (i32, i32, i32) {
    %c0_i32 = arith.constant 0 : i32
    %c0_i32_0 = arith.constant 0 : i32
    %c0_i32_1 = arith.constant 0 : i32
    return %arg0, %c0_i32, %c0_i32_0 : i32, i32, i32
  }
  func.func @transform_6(%arg0: i32, %arg1: i32) -> (i32, i32, i32) {
    %c0_i32 = arith.constant 0 : i32
    %c0_i32_0 = arith.constant 0 : i32
    %c0_i32_1 = arith.constant 0 : i32
    return %arg0, %c0_i32, %c0_i32_0 : i32, i32, i32
  }
  func.func @transform_7(%arg0: i32, %arg1: i32) -> (i32, i32, i32) {
    %c0_i32 = arith.constant 0 : i32
    %c0_i32_0 = arith.constant 0 : i32
    %c0_i32_1 = arith.constant 0 : i32
    return %arg0, %c0_i32, %c0_i32_0 : i32, i32, i32
  }
  func.func @transform_8(%arg0: i32, %arg1: i32) -> (i32, i32) {
    %mul3A = arith.constant 500 : i32
    %mul3A_0 = arith.muli %arg0, %mul3A : i32
    %add3A = arith.addi %mul3A_0, %arg1 : i32
    %c0_i32 = arith.constant 0 : i32
    %c0_i32_1 = arith.constant 0 : i32
    return %add3A, %c0_i32 : i32, i32
  }
  func.func @transform_9(%arg0: i32, %arg1: i32) -> (i32, i32) {
    %c0_i32 = arith.constant 0 : i32
    %c0_i32_0 = arith.constant 0 : i32
    return %arg1, %c0_i32 : i32, i32
  }
}

</mosaic_0001>

<sc_bundles>
// kernel: kernel.5.cloned.1.call-start
scs
__scs_entry_jumppad:
0x0: {  	(pc) =	sbr.rel $0x88, $3  }
0x1: {  	(tag) =	ssettag $0x0;
	lr =	simm.s32 $0x1  }
0x2: {  	[smem:$0x3F8D] =	sst lr;
	_ =	strace $0xD0000000  }
0x3: {  	_ = 	snop  }
0x4: {  	_ = 	snop  }
0x5: {  	_ = 	snop  }
0x6: {  	_ = 	snop  }
0x7: {  	_ = 	snop  }
__scs_overlays_trampoline_lowered:
0x8: {  	[smem:$0x3F9C] =	sst s0  }
0x9: {  	[smem:$0x3F9D] =	sst s1  }
0xa: {  	[smem:$0x3F9E] =	sst s2  }
0xb: {  	[smem:$0x3F9F] =	sst s3  }
0xc: {  	[smem:$0x3FA0] =	sst s4  }
0xd: {  	[smem:$0x3FA1] =	sst s5  }
0xe: {  	[smem:$0x3FA2] =	sst s6  }
0xf: {  	[smem:$0x3FA3] =	sst s7  }
0x10: {  	[smem:$0x3FA4] =	sst s8  }
0x11: {  	[smem:$0x3FA5] =	sst s9;
	s0 =	simm.s32 @!p0 $0x0  }
0x12: {  	s1 =	sld [smem:$0x3F8B];
	s0 =	simm.s32 @p0 $0x1  }
0x13: {  	[smem:$0x3FA6] =	sst s0;
	s0 =	simm.s32 @!p1 $0x0  }
0x14: {  	s2 =	sld [smem:$0x3F8A];
	s0 =	simm.s32 @p1 $0x1  }
0x15: {  	[smem:$0x3FA7] =	sst s0;
	s0 =	simm.s32 @!p2 $0x0  }
0x16: {  	s3 =	sld [smem:$0x3FDB];
	s0 =	simm.s32 @p2 $0x1  }
0x17: {  	s4 =	simm.s32 $0x1BF5;
	[smem:$0x3FA9] =	sst s0  }
0x18: {  	s0 =	sld [smem:$0x3F8C];
	_ =	swait.ge [sflag:s4], $0x0  }
0x19: {  	s7 =	sld [smem:$0x3F8D]  }
0x1a: {  	s8 =	sadd.s32 $0xFFFFE003, lr  }
0x1b: {  	s9 =	sadd.s32 $0xFFFFFEF7, lr;
	s5 =	simm.s32 $0xFFFFFFFF;
	p2 =	slt.u32 s8, $0xFFFFF086  }
0x1c: {  	p1 =	slt.u32 s9, $0xF7A;
	s5 =	simm.s32 @!p2 $0x0  }
0x1d: {  	s5 =	simm.s32 @p1 $0x1;
	p0 =	seq.s32 s7, s2  }
0x1e: {  	s7 =	smul.u32 @!p0 $0xF7A, s2;
	p2 =	seq.s32 @!p0 s5, $0x0  }
0x1f: {  	s9 =	smul.u32 $0xF7A, s1;
	s8 =	simm.s32 @!p0 $0x1BF5;
	p2 =	por !p2, p0  }
0x20: {  	[sflag:s8] =	ssyncset.s32 @!p0 $0xFFFFF086;
	s6 =	sadd.s32 @!p0 s3, s7;
	s7 =	simm.s32 @!p0 $0x108  }
0x21: {  	s3 =	sadd.s32 s3, s9;
	s6 =	sadd.s32 @!p0 $0x88, s6;
	s7 =	simm.s32 @p2 $0x1082  }
0x22: {  	[simem:s7], [sflag:s8] =	dma.local @!p0 [hbm:s6], $0xF7A  }
0x23: {  	s9 =	sor.u32 $0xD0000000, s2;
	s6 =	simm.s32 $0x108;
	_ =	swait.ge @!p0 [sflag:s8], $0x0  }
0x24: {  	s3 =	sadd.s32 $0x88, s3;
	s6 =	simm.s32 @!p1 $0x1082;
	[sflag:s4] =	ssyncset.s32 $0xFFFFF086  }
0x25: {  	[simem:s6], [sflag:s4] =	dma.local [hbm:s3], $0xF7A  }
0x26: {  	[smem:$0x3F8D] =	sst s1;
	(tag) =	ssettag s2;
	_ =	strace s9  }
0x27: {  	s1 =	sld [smem:$0x3F9D]  }
0x28: {  	s2 =	sld [smem:$0x3F9E]  }
0x29: {  	s4 =	sld [smem:$0x3FA0]  }
0x2a: {  	p0 =	seq.s32 s5, $0x0;
	s5 =	sld [smem:$0x3FA1]  }
0x2b: {  	s6 =	sld [smem:$0x3FA2]  }
0x2c: {  	s7 =	sld [smem:$0x3FA3]  }
0x2d: {  	s3 =	simm.s32 $0x108;
	s8 =	sld [smem:$0x3FA4]  }
0x2e: {  	s3 =	simm.s32 @!p0 $0x1082;
	s9 =	sld [smem:$0x3FA5]  }
0x2f: {  	lr =	sadd.s32 s0, s3;
	s0 =	sld [smem:$0x3F9C]  }
0x30: {  	s3 =	sld [smem:$0x3F9F]  }
0x31: {  	[smem:$0x3FA8] =	sst s10  }
0x32: {  	s10 =	sld [smem:$0x3FA6];
	_ =	sdelay $0x3  }
0x33: {  	p0 =	seq.s32 s10, $0x1;
	s10 =	sld [smem:$0x3FA8];
	_ =	sdelay $0x3  }
0x34: {  	[smem:$0x3FA8] =	sst s10  }
0x35: {  	s10 =	sld [smem:$0x3FA7];
	_ =	sdelay $0x3  }
0x36: {  	p1 =	seq.s32 s10, $0x1;
	s10 =	sld [smem:$0x3FA8];
	_ =	sdelay $0x3  }
0x37: {  	[smem:$0x3FA8] =	sst s10  }
0x38: {  	s10 =	sld [smem:$0x3FA9]  }
0x39: {  	_ = 	snop;
	(pc) =	sbr.ind lr, $3  }
0x3a: {  	_ = 	snop  }
0x3b: {  	_ = 	snop  }
0x3c: {  	p2 =	seq.s32 s10, $0x1;
	s10 =	sld [smem:$0x3FA8]  }
0x3d: {  	_ =	shalt  }
0x3e: {  	_ =	shalt  }
0x3f: {  	_ =	shalt  }
0x40: {  	_ =	shalt  }
0x41: {  	_ =	shalt  }
0x42: {  	_ =	shalt  }
0x43: {  	_ =	shalt  }
0x44: {  	_ =	shalt  }
0x45: {  	_ =	shalt  }
0x46: {  	_ =	shalt  }
0x47: {  	_ =	shalt  }
0x48: {  	_ =	shalt  }
0x49: {  	_ =	shalt  }
0x4a: {  	_ =	shalt  }
0x4b: {  	_ =	shalt  }
0x4c: {  	_ =	shalt  }
0x4d: {  	_ =	shalt  }
0x4e: {  	_ =	shalt  }
0x4f: {  	_ =	shalt  }
0x50: {  	_ =	shalt  }
0x51: {  	_ =	shalt  }
0x52: {  	_ =	shalt  }
0x53: {  	_ =	shalt  }
0x54: {  	_ =	shalt  }
0x55: {  	_ =	shalt  }
0x56: {  	_ =	shalt  }
0x57: {  	_ =	shalt  }
0x58: {  	_ =	shalt  }
0x59: {  	_ =	shalt  }
0x5a: {  	_ =	shalt  }
0x5b: {  	_ =	shalt  }
0x5c: {  	_ =	shalt  }
0x5d: {  	_ =	shalt  }
0x5e: {  	_ =	shalt  }
0x5f: {  	_ =	shalt  }
0x60: {  	_ =	shalt  }
0x61: {  	_ =	shalt  }
0x62: {  	_ =	shalt  }
0x63: {  	_ =	shalt  }
0x64: {  	_ =	shalt  }
0x65: {  	_ =	shalt  }
0x66: {  	_ =	shalt  }
0x67: {  	_ =	shalt  }
0x68: {  	_ =	shalt  }
0x69: {  	_ =	shalt  }
0x6a: {  	_ =	shalt  }
0x6b: {  	_ =	shalt  }
0x6c: {  	_ =	shalt  }
0x6d: {  	_ =	shalt  }
0x6e: {  	_ =	shalt  }
0x6f: {  	_ =	shalt  }
0x70: {  	_ =	shalt  }
0x71: {  	_ =	shalt  }
0x72: {  	_ =	shalt  }
0x73: {  	_ =	shalt  }
0x74: {  	_ =	shalt  }
0x75: {  	_ =	shalt  }
0x76: {  	_ =	shalt  }
0x77: {  	_ =	shalt  }
0x78: {  	_ =	shalt  }
0x79: {  	_ =	shalt  }
0x7a: {  	_ =	shalt  }
0x7b: {  	_ =	shalt  }
0x7c: {  	_ =	shalt  }
0x7d: {  	_ =	shalt  }
0x7e: {  	_ =	shalt  }
0x7f: {  	_ =	shalt  }
0x80: {  	_ =	shalt  }
0x81: {  	_ =	shalt  }
0x82: {  	_ =	shalt  }
0x83: {  	_ =	shalt  }
0x84: {  	_ =	shalt  }
0x85: {  	_ =	shalt  }
0x86: {  	_ =	shalt  }
0x87: {  	_ =	shalt  }
.Lfunc_end0:
.L_simem_size_0:
called_computation_lowered:
.L_overlay_start_0:
0x88: {  	s2 =	sld [smem:$0x3FD9]  }
0x89: {  	s3 =	sld [smem:$0x3FFE];
	_ =	sdelay $0x1  }
0x8a: {  	s1 =	srdreg.scid  }
0x8b: {  	s0 =	sand.u32 $0x1, s1  }
0x8c: {  	s17 =	sshll.u32 s0, $0xA;
	s2 =	sadd.s32 s3, s2  }
0x8d: {  	s2 =	sadd.s32 s2, s17  }
0x8e: {  	[smem:$0x3FB4] =	sst s2  }
0x8f: {  	_ = 	snop  }
0x90: {  	s2 =	sld [smem:$0x3FC4]  }
0x91: {  	s18 =	sld [smem:$0x3FC3];
	(tm) =	ssettm $0x1  }
0x92: {  	s4 =	sld [smem:$0x3FFB];
	_ =	sdelay $0x3  }
0x93: {  	_ =	strace s4  }
0x94: {  	s4 =	sld [smem:$0x3FFC];
	_ =	sdelay $0x3  }
0x95: {  	_ =	strace s4  }
0x96: {  	s4 =	sld [smem:$0x3FFD];
	_ =	sdelay $0x3  }
0x97: {  	_ =	strace s4  }
0x98: {  	_ =	strace $0x8FFFFFFF  }
0x99: {  	s19 =	sld [smem:$0x3FDB];
	_ =	sdelay $0x1  }
0x9a: {  	s5 =	simm.s32 $_scs_section_size  }
0x9b: {  	s6 =	simm.s32 $_size__tile_overlayer_lowered;
	s7 =	simm.s32 $_tile_overlayer_lowered  }
0x9c: {  	s22 =	simm.s32 $0x1BFF;
	s21 =	sshll.u32 s7, $0x1;
	s4 =	sadd.s32 s5, s19  }
0x9d: {  	s8 =	simm.s32 $0x0;
	s20 =	sshll.u32 s6, $0x1;
	s6 =	sadd.s32 s21, s4  }
0x9e: {  	[timem:s8], [sflag:s22] =	dma.local [hbm:s6], s20  }
0x9f: {  	_ =	swait.ge [sflag:s22], s20  }
0xa0: {  	s5 =	ssub.s32 $0x0, s20;
	[sflag:s22] =	ssyncset.done $0x0  }
0xa1: {  	[sflag:s22] =	ssyncadd.s32 s5;
	_ =	sdelay $0x1  }
0xa2: {  	s23 =	simm.s32 $0x1B8B  }
0xa3: {  	_ =	swait.ge [sflag:s23], $0x1  }
0xa4: {  	[sflag:s23] =	ssyncset.done $0x0  }
0xa5: {  	s25 =	simm.s32 $0x1B8E;
	s24 =	sld [smem:$0x3FFE];
	[sflag:s23] =	ssyncadd.s32 $0xFFFFFFFF  }
0xa6: {  	s26 =	simm.s32 $execute0_lowered;
	[smem:$0x3FD2] =	sst s25  }
0xa7: {  	s6 =	sshll.u32 s26, $0x1;
	_ =	strace $0x80000046;
	[dreg:$0x1] =	wrdreg $0xFFFFFFFF  }
0xa8: {  	s28 =	simm.s32 $_size_execute0_lowered;
	s4 =	sadd.s32 s4, s6;
	[dreg:$0x0] =	wrdreg $0x0  }
0xa9: {  	s6 =	sshll.u32 s28, $0x1;
	[dreg:$0x2] =	wrdreg s4  }
0xaa: {  	[dreg:$0x3] =	wrdreg s6  }
0xab: {  	[dreg:$0x4] =	wrdreg $0xC0  }
0xac: {  	_ =	task [dreg:s8], $0x5FFFF  }
0xad: {  	[dreg:$0x1] =	wrdreg $0xFFFFFFFF  }
0xae: {  	[dreg:$0x0] =	wrdreg $0x60  }
0xaf: {  	[dreg:$0x2] =	wrdreg s24  }
0xb0: {  	[dreg:$0x3] =	wrdreg s2  }
0xb1: {  	[dreg:$0x4] =	wrdreg s18  }
0xb2: {  	[dreg:$0x5] =	wrdreg $0x0  }
0xb3: {  	[dreg:$0x6] =	wrdreg $0x9  }
0xb4: {  	_ =	task.clear_ibuf [dreg:s8], $0x7FFFF;
	_ =	strace $0x90000046  }
0xb5: {  	s29 =	simm.s32 $0x9;
	_ =	strace $0x80000048  }
0xb6: {  	_ =	swait.ge [sflag:s29], $0x1  }
0xb7: {  	[sflag:s29] =	ssyncadd.s32 $0xFFFFFFFF  }
0xb8: {  	_ =	strace $0x90000048  }
0xb9: {  	_ =	sfence  }
0xba: {  	s30 =	sld [smem:$0x0];
	_ =	sdelay $0x2  }
0xbb: {  	s31 =	sshll.u32 s1, $0xD;
	s1 =	sshrl.u32 s1, $0x2  }
0xbc: {  	s3 =	sand.u32 $0x4000, s31;
	s1 =	sadd.s32 s1, s30  }
0xbd: {  	s0 =	sor.u32 s3, s0;
	s1 =	sshll.u32 s1, $0x11  }
0xbe: {  	s0 =	sor.u32 s1, s0  }
0xbf: {  	s0 =	sadd.s32 $0x8F2B, s0  }
0xc0: {  	[sflag:s0] =	ssyncadd.remote.s32 $0x1  }
0xc1: {  	_ =	sfence.sel $0xFFFF  }
0xc2: {  	[dreg:$0x0] =	wrdreg $0xFFFFFFFF;
	(pc) =	sbr.abs _section_cstart, $3  }
0xc3: {  	[dreg:$0x1] =	wrdreg $0xFFFFFFFF  }
0xc4: {  	_ =	task.clear_ibuf [dreg:s8], $0x2FFFF;
	_ =	strace $0x9FFFFFFF  }
0xc5: {  	(tm) =	ssettm $0x7FFFFFFF  }
tec
execute0_lowered:
.L_overlay_start_1:
0x0: {  	(tag) =	ssettag $0x1  }
0x1: {  	s3 =	rddreg [dreg:$0x0]  }
0x2: {  	s1 =	rddreg [dreg:$0x1]  }
0x3: {  	s2 =	rddreg [dreg:$0x2]  }
0x4: {  	s4 =	rddreg [dreg:$0x3];
	s14 =	stileid.u32  }
0x5: {  	s5 =	simm.s32 $0x0;
	s0 =	srdreg.scid;
	s21 =	smul.u32 $0x2800, s14  }
0x6: {  	[smem:$0x7FF] =	sst s5;
	s11 =	smul.u32 $0x4E20, s14  }
0x7: {  	s8 =	sand.u32 $0x1, s0;
	s7 =	sadd.s32 $0x1EAF000, s3;
	s12 =	smul.u32 $0x50000, s14  }
0x8: {  	s26 =	smul.u32 $0x4E200, s14;
	_ =	strace $0x80000047;
	s10 =	ssub.s32 $0x2, s8  }
0x9: {  	s9 =	smul.u32 $0x28000, s8;
	s22 =	sshrl.u32 s10, $0x1;
	s24 =	sshrl.u32 s11, $0x3  }
0xa: {  	s23 =	sshrl.u32 s12, $0x2;
	s31 =	sor.u32 $0x10, s11;
	s25 =	sadd.s32 s1, s24  }
0xb: {  	s0 =	sadd.s32 s21, s9;
	s12 =	sadd.s32 s2, s24;
	[dreg:$0x6] =	wrdreg s25  }
0xc: {  	s9 =	ssub.s32 s10, s22;
	s10 =	sadd.s32 s7, s26;
	[dreg:$0x7] =	wrdreg s12  }
0xd: {  	s20 =	sadd.s32 s23, s4;
	s15 =	sshrl.u32 s31, $0x3;
	[dreg:$0x8] =	wrdreg s10  }
0xe: {  	s16 =	sadd.s32 s1, s15;
	[dreg:$0x5] =	wrdreg s20  }
0xf: {  	s21 =	sadd.s32 $0x20, s11;
	s17 =	sadd.s32 s2, s15;
	[dreg:$0xa] =	wrdreg s16  }
0x10: {  	s23 =	sshrl.u32 s21, $0x3;
	s14 =	sadd.s32 $0x4800, s20;
	[dreg:$0xb] =	wrdreg s17  }
0x11: {  	s24 =	sadd.s32 s1, s23;
	[smem:$0x7DF] =	sst s14  }
0x12: {  	s13 =	sadd.s32 s0, s3;
	s25 =	sadd.s32 s2, s23;
	[dreg:$0xe] =	wrdreg s24  }
0x13: {  	s23 =	sadd.s32 $0x3600, s13;
	[dreg:$0xf] =	wrdreg s25  }
0x14: {  	s13 =	sadd.s32 $0x4000, s20;
	[dreg:$0x19] =	wrdreg s23  }
0x15: {  	s0 =	smul.u32 $0x2710, s8;
	s14 =	sadd.s32 $0xD800, s20;
	[smem:$0x7DE] =	sst s13  }
0x16: {  	s8 =	smul.u32 $0x4E200, s8;
	s24 =	smax.u32 s9, $0x1;
	[smem:$0x7F1] =	sst s14  }
0x17: {  	s26 =	sshll.u32 s21, $0x4;
	s25 =	sadd.s32 $0x800, s20;
	[dreg:$0x1a] =	wrdreg s24  }
0x18: {  	s29 =	sadd.s32 s11, s8;
	s9 =	sadd.s32 $0x2000, s20;
	[dreg:$0x1b] =	wrdreg s25  }
0x19: {  	s19 =	sadd.s32 s8, s31;
	s23 =	sadd.s32 $0x8800, s20;
	[dreg:$0x1e] =	wrdreg s9  }
0x1a: {  	s13 =	sadd.s32 $0xD000, s20;
	s12 =	sshll.u32 s29, $0x4;
	[smem:$0x7E7] =	sst s23  }
0x1b: {  	s22 =	sshll.u32 s19, $0x4;
	s19 =	sadd.s32 $0x40, s11;
	[smem:$0x7F0] =	sst s13  }
0x1c: {  	s29 =	sadd.s32 s8, s21;
	s21 =	sadd.s32 $0x60, s11;
	[dreg:$0x16] =	wrdreg s19  }
0x1d: {  	s24 =	sadd.s32 $0x9000, s20;
	[dreg:$0x17] =	wrdreg s21  }
0x1e: {  	s6 =	sadd.s32 $0x14EB000, s3;
	s25 =	sadd.s32 $0x9800, s20;
	[smem:$0x7E8] =	sst s24  }
0x1f: {  	s18 =	sshll.u32 s31, $0x4;
	s9 =	sadd.s32 $0xB000, s20;
	[smem:$0x7E9] =	sst s25  }
0x20: {  	s31 =	sadd.s32 $0x30, s11;
	s23 =	sadd.s32 $0x11800, s20;
	[smem:$0x7EC] =	sst s9  }
0x21: {  	s15 =	sshrl.u32 s31, $0x3;
	s10 =	sadd.s32 s6, s12;
	[smem:$0x7F9] =	sst s23  }
0x22: {  	s16 =	sadd.s32 s1, s15;
	[dreg:$0x9] =	wrdreg s10  }
0x23: {  	s12 =	sshll.u32 s29, $0x4;
	s29 =	sadd.s32 $0x1000, s20;
	[dreg:$0x12] =	wrdreg s16  }
0x24: {  	s19 =	sadd.s32 $0x7000, s20;
	[dreg:$0x1c] =	wrdreg s29  }
0x25: {  	s21 =	sadd.s32 $0x7800, s20;
	[smem:$0x7E4] =	sst s19  }
0x26: {  	s24 =	sadd.s32 $0x12000, s20;
	[smem:$0x7E5] =	sst s21  }
0x27: {  	s25 =	sadd.s32 $0x12800, s20;
	[smem:$0x7FA] =	sst s24  }
0x28: {  	s17 =	sadd.s32 s8, s31;
	s10 =	sadd.s32 s7, s18;
	[smem:$0x7FB] =	sst s25  }
0x29: {  	s18 =	sshll.u32 s31, $0x4;
	s31 =	sadd.s32 $0x1800, s20;
	[dreg:$0xc] =	wrdreg s10  }
0x2a: {  	s16 =	sadd.s32 $0x5800, s20;
	[dreg:$0x1d] =	wrdreg s31  }
0x2b: {  	s29 =	sadd.s32 $0xA000, s20;
	[smem:$0x7E1] =	sst s16  }
0x2c: {  	s19 =	sadd.s32 $0x10000, s20;
	[smem:$0x7EA] =	sst s29  }
0x2d: {  	s21 =	sadd.s32 $0x10800, s20;
	[smem:$0x7F6] =	sst s19  }
0x2e: {  	s10 =	sadd.s32 s6, s22;
	[smem:$0x7F7] =	sst s21  }
0x2f: {  	s22 =	sadd.s32 $0x70, s11;
	[dreg:$0xd] =	wrdreg s10  }
0x30: {  	s30 =	sadd.s32 $0x50, s11;
	s11 =	sadd.s32 $0x3000, s20;
	[dreg:$0x18] =	wrdreg s22  }
0x31: {  	s31 =	sadd.s32 $0xA800, s20;
	[smem:$0x7DC] =	sst s11  }
0x32: {  	s16 =	sadd.s32 $0xE800, s20;
	[smem:$0x7EB] =	sst s31  }
0x33: {  	s29 =	sadd.s32 $0x13000, s20;
	[smem:$0x7F3] =	sst s16  }
0x34: {  	s10 =	sadd.s32 s7, s26;
	[smem:$0x7FC] =	sst s29  }
0x35: {  	s22 =	sadd.s32 $0x8000, s20;
	[dreg:$0x10] =	wrdreg s10  }
0x36: {  	s11 =	sadd.s32 $0xC000, s20;
	[smem:$0x7E6] =	sst s22  }
0x37: {  	s31 =	sadd.s32 $0x13800, s20;
	[smem:$0x7EE] =	sst s11  }
0x38: {  	s10 =	sadd.s32 s6, s12;
	[smem:$0x7FD] =	sst s31  }
0x39: {  	s12 =	sadd.s32 s2, s15;
	[dreg:$0x11] =	wrdreg s10  }
0x3a: {  	s15 =	sadd.s32 $0x5000, s20;
	[dreg:$0x13] =	wrdreg s12  }
0x3b: {  	s28 =	sadd.s32 $0x1400B00, s3;
	s22 =	sadd.s32 $0x11000, s20;
	[smem:$0x7E0] =	sst s15  }
0x3c: {  	s25 =	simm.s32 $0x5;
	s12 =	sadd.s32 s7, s18;
	[smem:$0x7F8] =	sst s22  }
0x3d: {  	s10 =	sshll.u32 s17, $0x4;
	s17 =	sadd.s32 $0x6000, s20;
	[dreg:$0x14] =	wrdreg s12  }
0x3e: {  	s19 =	simm.s32 $0x2;
	s18 =	sadd.s32 $0x6800, s20;
	[smem:$0x7E2] =	sst s17  }
0x3f: {  	s26 =	sadd.s32 $0x1400A00, s3;
	s15 =	sadd.s32 $0xE000, s20;
	[smem:$0x7E3] =	sst s18  }
0x40: {  	s16 =	simm.s32 $0x1B580;
	s10 =	sadd.s32 s6, s10;
	[smem:$0x7F2] =	sst s15  }
0x41: {  	s3 =	simm.s32 $0x1;
	s12 =	sadd.s32 $0x3800, s20;
	[dreg:$0x15] =	wrdreg s10  }
0x42: {  	s11 =	simm.s32 $0x0;
	s17 =	sadd.s32 $0xF000, s20;
	[smem:$0x7DD] =	sst s12  }
.Ltmp0:
0x43: {  	s18 =	sadd.s32 $0xF800, s20;
	[smem:$0x7F4] =	sst s17;
	(pc) =	sbr.rel .LBB2_1-.Ltmp0, $4  }
0x44: {  	s15 =	simm.s32 $0x4;
	s10 =	sadd.s32 $0x2800, s20;
	[smem:$0x7F5] =	sst s18  }
0x45: {  	v4 =	vlaneseq.u32;
	v1 =	vimm.f32 $0.0e+00;
	vm0 =	vmmov $0xffff;
	s12 =	sadd.s32 $0xC800, s20;
	s17 =	simm.s32 $0x7;
	[dreg:$0x1f] =	wrdreg s10  }
0x46: {  	vm1 =	vmmov $0xff;
	v3 =	vshrl.u32 v4, $0x3;
	v2 =	vand.u32 $0x7, v4;
	s18 =	simm.s32 $0x3;
	s10 =	sadd.s32 $0xB800, s20;
	[smem:$0x7EF] =	sst s12  }
0x47: {  	v4 =	vor.u32 $0x8, v4;
	v3 =	vmul.u32 $0x8, v3;
	v0 =	vmov s0;
	s12 =	simm.s32 $0x6;
	[smem:$0x7ED] =	sst s10;
	s10 =	simm.s32 $0x10  }
.LBB2_20:
0x48: {  	_ =	swait.ge [sflag:s17], $0x800  }
0x49: {  	[sflag:s17] =	ssyncset.done $0x0  }
0x4a: {  	s0 =	simm.s32 $0x8;
	[sflag:s17] =	ssyncadd.s32 $0xFFFFF800  }
0x4b: {  	_ =	swait.ge [sflag:s0], $0x800  }
0x4c: {  	[sflag:s0] =	ssyncset.done $0x0  }
0x4d: {  	[sflag:s0] =	ssyncadd.s32 $0xFFFFF800  }
0x4e: {  	s23 =	stileid.u32;
	[bflag:$0x0] =	sbarrier.arrive $0xFFFF  }
0x4f: {  	s24 =	simm.s32 $0x9;
	s0 =	sshll.u32 s23, $0x6;
	s20 =	rddreg [dreg:$0x5]  }
0x50: {  	s0 =	sor.u32 $0x1C09, s0;
	s11 =	rddreg [dreg:$0x19];
	s9 =	sshrl.u32 s20, $0x3  }
0x51: {  	[hbm:s11], [sflag:s0] =	dma.local [spmem:s9], $0x2800  }
0x52: {  	_ =	swait.ge [sflag:s24], $0x2800  }
0x53: {  	s29 =	sld [smem:$0x7DB];
	_ =	sdelay $0x2  }
0x54: {  	s31 =	rddreg [dreg:$0x1a];
	s11 =	sadd.s32 $0x1, s29  }
0x55: {  	p0 =	sne.s32 s11, s31  }
.Ltmp1:
0x56: {  	_ = 	snop;
	(pc) =	sbr.rel @!p0 .LBB2_21-.Ltmp1, $3  }
0x57: {  	_ =	sdelay $0x1  }
0x58: {  	[sflag:s24] =	ssyncset.done $0x0  }
0x59: {  	[sflag:s24] =	ssyncadd.s32 $0xFFFFD800  }
.LBB2_1:
0x5a: {  	[smem:$0x7DB] =	sst s11;
	s0 =	simm.s32 $0x0;
	s11 =	simm.s32 $0x200  }
.LBB2_2:
0x5b: {  	p0 =	sne.s32 s11, $0x1E00;
	[tilespmem:s0+$0x1B5F0] =	vst v1  }
0x5c: {  	[tilespmem:s0+$0x1B580] =	vst v1  }
0x5d: {  	[tilespmem:s0+$0x1B590] =	vst v1  }
.Ltmp2:
0x5e: {  	[tilespmem:s0+$0x1B5A0] =	vst v1;
	(pc) =	sbr.rel @p0 .LBB2_2-.Ltmp2, $4  }
0x5f: {  	[tilespmem:s0+$0x1B5B0] =	vst v1  }
0x60: {  	[tilespmem:s0+$0x1B5C0] =	vst v1  }
0x61: {  	[tilespmem:s0+$0x1B5D0] =	vst v1  }
0x62: {  	[tilespmem:s0+$0x1B5E0] =	vst v1;
	s0 =	sshra.s32 s11, $0x2;
	s11 =	sadd.s32 $0x200, s11  }
0x63: {  	[tilespmem:s0+$0x1B5F0] =	vst v1  }
0x64: {  	[tilespmem:s0+$0x1B580] =	vst v1  }
0x65: {  	[tilespmem:s0+$0x1B590] =	vst v1  }
0x66: {  	[tilespmem:s0+$0x1B5A0] =	vst v1  }
0x67: {  	[tilespmem:s0+$0x1B5B0] =	vst v1  }
0x68: {  	[tilespmem:s0+$0x1B5C0] =	vst v1  }
0x69: {  	[tilespmem:s0+$0x1B5D0] =	vst v1  }
0x6a: {  	[tilespmem:s0+$0x1B5E0] =	vst v1;
	s24 =	rddreg [dreg:$0x1b]  }
0x6b: {  	[spmem:s20] =	stream.linear.scatter [tilespmem:s16], [sflag:$0x7], $0x800, $0x38;
	[tilespmem:$0x1F700] =	vst v63  }
0x6c: {  	s29 =	rddreg [dreg:$0x1c]  }
0x6d: {  	[spmem:s24] =	stream.linear.scatter [tilespmem:s16], [sflag:$0x7], $0x800, $0x38;
	[tilespmem:$0x1F700] =	vst v63  }
0x6e: {  	s31 =	rddreg [dreg:$0x1d]  }
0x6f: {  	[spmem:s29] =	stream.linear.scatter [tilespmem:s16], [sflag:$0x7], $0x800, $0x38;
	[tilespmem:$0x1F700] =	vst v63  }
0x70: {  	s9 =	rddreg [dreg:$0x1e]  }
0x71: {  	[spmem:s31] =	stream.linear.scatter [tilespmem:s16], [sflag:$0x7], $0x800, $0x38;
	[tilespmem:$0x1F700] =	vst v63  }
0x72: {  	s11 =	rddreg [dreg:$0x1f]  }
0x73: {  	[spmem:s9] =	stream.linear.scatter [tilespmem:s16], [sflag:$0x7], $0x800, $0x38;
	[tilespmem:$0x1F700] =	vst v63  }
0x74: {  	s13 =	sld [smem:$0x7DC]  }
0x75: {  	[spmem:s11] =	stream.linear.scatter [tilespmem:s16], [sflag:$0x7], $0x800, $0x38;
	[tilespmem:$0x1F700] =	vst v63  }
0x76: {  	s14 =	sld [smem:$0x7DD]  }
0x77: {  	[spmem:s13] =	stream.linear.scatter [tilespmem:s16], [sflag:$0x7], $0x800, $0x38;
	[tilespmem:$0x1F700] =	vst v63  }
0x78: {  	s20 =	sld [smem:$0x7DE]  }
0x79: {  	[spmem:s14] =	stream.linear.scatter [tilespmem:s16], [sflag:$0x7], $0x800, $0x38;
	[tilespmem:$0x1F700] =	vst v63  }
0x7a: {  	s21 =	sld [smem:$0x7DF]  }
0x7b: {  	[spmem:s20] =	stream.linear.scatter [tilespmem:s16], [sflag:$0x7], $0x800, $0x38;
	[tilespmem:$0x1F700] =	vst v63  }
0x7c: {  	s22 =	sld [smem:$0x7E0]  }
0x7d: {  	[spmem:s21] =	stream.linear.scatter [tilespmem:s16], [sflag:$0x7], $0x800, $0x38;
	[tilespmem:$0x1F700] =	vst v63  }
0x7e: {  	s23 =	sld [smem:$0x7E1]  }
0x7f: {  	[spmem:s22] =	stream.linear.scatter [tilespmem:s16], [sflag:$0x7], $0x800, $0x38;
	[tilespmem:$0x1F700] =	vst v63  }
0x80: {  	s24 =	sld [smem:$0x7E2]  }
0x81: {  	[spmem:s23] =	stream.linear.scatter [tilespmem:s16], [sflag:$0x7], $0x800, $0x38;
	[tilespmem:$0x1F700] =	vst v63  }
0x82: {  	s29 =	sld [smem:$0x7E3]  }
0x83: {  	[spmem:s24] =	stream.linear.scatter [tilespmem:s16], [sflag:$0x7], $0x800, $0x38;
	[tilespmem:$0x1F700] =	vst v63  }
0x84: {  	s31 =	sld [smem:$0x7E4]  }
0x85: {  	[spmem:s29] =	stream.linear.scatter [tilespmem:s16], [sflag:$0x7], $0x800, $0x38;
	[tilespmem:$0x1F700] =	vst v63  }
0x86: {  	s9 =	sld [smem:$0x7E5]  }
0x87: {  	[spmem:s31] =	stream.linear.scatter [tilespmem:s16], [sflag:$0x7], $0x800, $0x38;
	[tilespmem:$0x1F700] =	vst v63  }
0x88: {  	s11 =	sld [smem:$0x7E6]  }
0x89: {  	[spmem:s9] =	stream.linear.scatter [tilespmem:s16], [sflag:$0x7], $0x800, $0x38;
	[tilespmem:$0x1F700] =	vst v63  }
0x8a: {  	s13 =	sld [smem:$0x7E7]  }
0x8b: {  	[spmem:s11] =	stream.linear.scatter [tilespmem:s16], [sflag:$0x7], $0x800, $0x38;
	[tilespmem:$0x1F700] =	vst v63  }
0x8c: {  	s14 =	sld [smem:$0x7E8]  }
0x8d: {  	[spmem:s13] =	stream.linear.scatter [tilespmem:s16], [sflag:$0x7], $0x800, $0x38;
	[tilespmem:$0x1F700] =	vst v63  }
0x8e: {  	s20 =	sld [smem:$0x7E9]  }
0x8f: {  	[spmem:s14] =	stream.linear.scatter [tilespmem:s16], [sflag:$0x7], $0x800, $0x38;
	[tilespmem:$0x1F700] =	vst v63  }
0x90: {  	s21 =	sld [smem:$0x7EA]  }
0x91: {  	[spmem:s20] =	stream.linear.scatter [tilespmem:s16], [sflag:$0x7], $0x800, $0x38;
	[tilespmem:$0x1F700] =	vst v63  }
0x92: {  	s22 =	sld [smem:$0x7EB]  }
0x93: {  	[spmem:s21] =	stream.linear.scatter [tilespmem:s16], [sflag:$0x7], $0x800, $0x38;
	[tilespmem:$0x1F700] =	vst v63  }
0x94: {  	s23 =	sld [smem:$0x7EC]  }
0x95: {  	[spmem:s22] =	stream.linear.scatter [tilespmem:s16], [sflag:$0x7], $0x800, $0x38;
	[tilespmem:$0x1F700] =	vst v63  }
0x96: {  	s24 =	sld [smem:$0x7ED]  }
0x97: {  	[spmem:s23] =	stream.linear.scatter [tilespmem:s16], [sflag:$0x7], $0x800, $0x38;
	[tilespmem:$0x1F700] =	vst v63  }
0x98: {  	s29 =	sld [smem:$0x7EE]  }
0x99: {  	[spmem:s24] =	stream.linear.scatter [tilespmem:s16], [sflag:$0x7], $0x800, $0x38;
	[tilespmem:$0x1F700] =	vst v63  }
0x9a: {  	s31 =	sld [smem:$0x7EF]  }
0x9b: {  	[spmem:s29] =	stream.linear.scatter [tilespmem:s16], [sflag:$0x7], $0x800, $0x38;
	[tilespmem:$0x1F700] =	vst v63  }
0x9c: {  	s9 =	sld [smem:$0x7F0]  }
0x9d: {  	[spmem:s31] =	stream.linear.scatter [tilespmem:s16], [sflag:$0x7], $0x800, $0x38;
	[tilespmem:$0x1F700] =	vst v63  }
0x9e: {  	s11 =	sld [smem:$0x7F1]  }
0x9f: {  	[spmem:s9] =	stream.linear.scatter [tilespmem:s16], [sflag:$0x7], $0x800, $0x38;
	[tilespmem:$0x1F700] =	vst v63  }
0xa0: {  	s13 =	sld [smem:$0x7F2]  }
0xa1: {  	[spmem:s11] =	stream.linear.scatter [tilespmem:s16], [sflag:$0x7], $0x800, $0x38;
	[tilespmem:$0x1F700] =	vst v63  }
0xa2: {  	s14 =	sld [smem:$0x7F3]  }
0xa3: {  	[spmem:s13] =	stream.linear.scatter [tilespmem:s16], [sflag:$0x7], $0x800, $0x38;
	[tilespmem:$0x1F700] =	vst v63  }
0xa4: {  	s20 =	sld [smem:$0x7F4]  }
0xa5: {  	[spmem:s14] =	stream.linear.scatter [tilespmem:s16], [sflag:$0x7], $0x800, $0x38;
	[tilespmem:$0x1F700] =	vst v63  }
0xa6: {  	s21 =	sld [smem:$0x7F5]  }
0xa7: {  	[spmem:s20] =	stream.linear.scatter [tilespmem:s16], [sflag:$0x7], $0x800, $0x38;
	[tilespmem:$0x1F700] =	vst v63  }
0xa8: {  	s22 =	sld [smem:$0x7F6]  }
0xa9: {  	[spmem:s21] =	stream.linear.scatter [tilespmem:s16], [sflag:$0x7], $0x800, $0x38;
	[tilespmem:$0x1F700] =	vst v63  }
0xaa: {  	s23 =	sld [smem:$0x7F7]  }
0xab: {  	[spmem:s22] =	stream.linear.scatter [tilespmem:s16], [sflag:$0x7], $0x800, $0x38;
	[tilespmem:$0x1F700] =	vst v63  }
0xac: {  	s24 =	sld [smem:$0x7F8]  }
0xad: {  	[spmem:s23] =	stream.linear.scatter [tilespmem:s16], [sflag:$0x7], $0x800, $0x38;
	[tilespmem:$0x1F700] =	vst v63  }
0xae: {  	s29 =	sld [smem:$0x7F9]  }
0xaf: {  	[spmem:s24] =	stream.linear.scatter [tilespmem:s16], [sflag:$0x7], $0x800, $0x38;
	[tilespmem:$0x1F700] =	vst v63  }
0xb0: {  	s31 =	sld [smem:$0x7FA]  }
0xb1: {  	[spmem:s29] =	stream.linear.scatter [tilespmem:s16], [sflag:$0x7], $0x800, $0x38;
	[tilespmem:$0x1F700] =	vst v63  }
0xb2: {  	s9 =	sld [smem:$0x7FB]  }
0xb3: {  	[spmem:s31] =	stream.linear.scatter [tilespmem:s16], [sflag:$0x7], $0x800, $0x38;
	[tilespmem:$0x1F700] =	vst v63  }
0xb4: {  	s11 =	sld [smem:$0x7FC]  }
0xb5: {  	[spmem:s9] =	stream.linear.scatter [tilespmem:s16], [sflag:$0x7], $0x800, $0x38;
	[tilespmem:$0x1F700] =	vst v63  }
0xb6: {  	s13 =	sld [smem:$0x7FD]  }
0xb7: {  	[spmem:s11] =	stream.linear.scatter [tilespmem:s16], [sflag:$0x7], $0x800, $0x38;
	[tilespmem:$0x1F700] =	vst v63  }
0xb8: {  	_ = 	snop  }
0xb9: {  	[spmem:s13] =	stream.linear.scatter [tilespmem:s16], [sflag:$0x7], $0x800, $0x38;
	[tilespmem:$0x1F700] =	vst v63  }
0xba: {  	_ =	swait.ge [sflag:s17], $0x100  }
0xbb: {  	[sflag:s17] =	ssyncset.done $0x0  }
0xbc: {  	[sflag:s17] =	ssyncadd.s32 $0xFFFFFF00  }
0xbd: {  	_ =	swait.ge [sflag:s17], $0x100  }
0xbe: {  	[sflag:s17] =	ssyncset.done $0x0  }
0xbf: {  	[sflag:s17] =	ssyncadd.s32 $0xFFFFFF00  }
0xc0: {  	_ =	swait.ge [sflag:s17], $0x100  }
0xc1: {  	[sflag:s17] =	ssyncset.done $0x0  }
0xc2: {  	[sflag:s17] =	ssyncadd.s32 $0xFFFFFF00  }
0xc3: {  	_ =	swait.ge [sflag:s17], $0x100  }
0xc4: {  	[sflag:s17] =	ssyncset.done $0x0  }
0xc5: {  	[sflag:s17] =	ssyncadd.s32 $0xFFFFFF00  }
0xc6: {  	_ =	swait.ge [sflag:s17], $0x100  }
0xc7: {  	[sflag:s17] =	ssyncset.done $0x0  }
0xc8: {  	[sflag:s17] =	ssyncadd.s32 $0xFFFFFF00  }
0xc9: {  	_ =	swait.ge [sflag:s17], $0x100  }
0xca: {  	[sflag:s17] =	ssyncset.done $0x0  }
0xcb: {  	[sflag:s17] =	ssyncadd.s32 $0xFFFFFF00  }
0xcc: {  	_ =	swait.ge [sflag:s17], $0x100  }
0xcd: {  	[sflag:s17] =	ssyncset.done $0x0  }
0xce: {  	[sflag:s17] =	ssyncadd.s32 $0xFFFFFF00  }
0xcf: {  	_ =	swait.ge [sflag:s17], $0x100  }
0xd0: {  	[sflag:s17] =	ssyncset.done $0x0  }
0xd1: {  	[sflag:s17] =	ssyncadd.s32 $0xFFFFFF00  }
0xd2: {  	_ =	swait.ge [sflag:s17], $0x100  }
0xd3: {  	[sflag:s17] =	ssyncset.done $0x0  }
0xd4: {  	[sflag:s17] =	ssyncadd.s32 $0xFFFFFF00  }
0xd5: {  	_ =	swait.ge [sflag:s17], $0x100  }
0xd6: {  	[sflag:s17] =	ssyncset.done $0x0  }
0xd7: {  	[sflag:s17] =	ssyncadd.s32 $0xFFFFFF00  }
0xd8: {  	_ =	swait.ge [sflag:s17], $0x100  }
0xd9: {  	[sflag:s17] =	ssyncset.done $0x0  }
0xda: {  	[sflag:s17] =	ssyncadd.s32 $0xFFFFFF00  }
0xdb: {  	_ =	swait.ge [sflag:s17], $0x100  }
0xdc: {  	[sflag:s17] =	ssyncset.done $0x0  }
0xdd: {  	[sflag:s17] =	ssyncadd.s32 $0xFFFFFF00  }
0xde: {  	_ =	swait.ge [sflag:s17], $0x100  }
0xdf: {  	[sflag:s17] =	ssyncset.done $0x0  }
0xe0: {  	[sflag:s17] =	ssyncadd.s32 $0xFFFFFF00  }
0xe1: {  	_ =	swait.ge [sflag:s17], $0x100  }
0xe2: {  	[sflag:s17] =	ssyncset.done $0x0  }
0xe3: {  	[sflag:s17] =	ssyncadd.s32 $0xFFFFFF00  }
0xe4: {  	_ =	swait.ge [sflag:s17], $0x100  }
0xe5: {  	[sflag:s17] =	ssyncset.done $0x0  }
0xe6: {  	[sflag:s17] =	ssyncadd.s32 $0xFFFFFF00  }
0xe7: {  	_ =	swait.ge [sflag:s17], $0x100  }
0xe8: {  	[sflag:s17] =	ssyncset.done $0x0  }
0xe9: {  	[sflag:s17] =	ssyncadd.s32 $0xFFFFFF00  }
0xea: {  	_ =	swait.ge [sflag:s17], $0x100  }
0xeb: {  	[sflag:s17] =	ssyncset.done $0x0  }
0xec: {  	[sflag:s17] =	ssyncadd.s32 $0xFFFFFF00  }
0xed: {  	_ =	swait.ge [sflag:s17], $0x100  }
0xee: {  	[sflag:s17] =	ssyncset.done $0x0  }
0xef: {  	[sflag:s17] =	ssyncadd.s32 $0xFFFFFF00  }
0xf0: {  	_ =	swait.ge [sflag:s17], $0x100  }
0xf1: {  	[sflag:s17] =	ssyncset.done $0x0  }
0xf2: {  	[sflag:s17] =	ssyncadd.s32 $0xFFFFFF00  }
0xf3: {  	_ =	swait.ge [sflag:s17], $0x100  }
0xf4: {  	[sflag:s17] =	ssyncset.done $0x0  }
0xf5: {  	[sflag:s17] =	ssyncadd.s32 $0xFFFFFF00  }
0xf6: {  	_ =	swait.ge [sflag:s17], $0x100  }
0xf7: {  	[sflag:s17] =	ssyncset.done $0x0  }
0xf8: {  	[sflag:s17] =	ssyncadd.s32 $0xFFFFFF00  }
0xf9: {  	_ =	swait.ge [sflag:s17], $0x100  }
0xfa: {  	[sflag:s17] =	ssyncset.done $0x0  }
0xfb: {  	[sflag:s17] =	ssyncadd.s32 $0xFFFFFF00  }
0xfc: {  	_ =	swait.ge [sflag:s17], $0x100  }
0xfd: {  	[sflag:s17] =	ssyncset.done $0x0  }
0xfe: {  	[sflag:s17] =	ssyncadd.s32 $0xFFFFFF00  }
0xff: {  	_ =	swait.ge [sflag:s17], $0x100  }
0x100: {  	[sflag:s17] =	ssyncset.done $0x0  }
0x101: {  	[sflag:s17] =	ssyncadd.s32 $0xFFFFFF00  }
0x102: {  	_ =	swait.ge [sflag:s17], $0x100  }
0x103: {  	[sflag:s17] =	ssyncset.done $0x0  }
0x104: {  	[sflag:s17] =	ssyncadd.s32 $0xFFFFFF00  }
0x105: {  	_ =	swait.ge [sflag:s17], $0x100  }
0x106: {  	[sflag:s17] =	ssyncset.done $0x0  }
0x107: {  	[sflag:s17] =	ssyncadd.s32 $0xFFFFFF00  }
0x108: {  	_ =	swait.ge [sflag:s17], $0x100  }
0x109: {  	[sflag:s17] =	ssyncset.done $0x0  }
0x10a: {  	[sflag:s17] =	ssyncadd.s32 $0xFFFFFF00  }
0x10b: {  	_ =	swait.ge [sflag:s17], $0x100  }
0x10c: {  	[sflag:s17] =	ssyncset.done $0x0  }
0x10d: {  	[sflag:s17] =	ssyncadd.s32 $0xFFFFFF00  }
0x10e: {  	_ =	swait.ge [sflag:s17], $0x100  }
0x10f: {  	[sflag:s17] =	ssyncset.done $0x0  }
0x110: {  	[sflag:s17] =	ssyncadd.s32 $0xFFFFFF00  }
0x111: {  	_ =	swait.ge [sflag:s17], $0x100  }
0x112: {  	[sflag:s17] =	ssyncset.done $0x0  }
0x113: {  	[sflag:s17] =	ssyncadd.s32 $0xFFFFFF00  }
0x114: {  	_ =	swait.ge [sflag:s17], $0x100  }
0x115: {  	[sflag:s17] =	ssyncset.done $0x0  }
0x116: {  	[sflag:s17] =	ssyncadd.s32 $0xFFFFFF00  }
0x117: {  	_ =	swait.ge [sflag:s17], $0x100  }
0x118: {  	[sflag:s17] =	ssyncset.done $0x0  }
0x119: {  	[sflag:s17] =	ssyncadd.s32 $0xFFFFFF00  }
0x11a: {  	_ =	swait.ge [sflag:s17], $0x100  }
0x11b: {  	[sflag:s17] =	ssyncset.done $0x0  }
0x11c: {  	[sflag:s17] =	ssyncadd.s32 $0xFFFFFF00  }
0x11d: {  	_ =	swait.ge [sflag:s17], $0x100  }
0x11e: {  	[sflag:s17] =	ssyncset.done $0x0  }
0x11f: {  	[sflag:s17] =	ssyncadd.s32 $0xFFFFFF00  }
0x120: {  	_ =	swait.ge [sflag:s17], $0x100  }
0x121: {  	[sflag:s17] =	ssyncset.done $0x0  }
0x122: {  	[sflag:s17] =	ssyncadd.s32 $0xFFFFFF00  }
0x123: {  	_ =	swait.ge [sflag:s17], $0x100  }
0x124: {  	[sflag:s17] =	ssyncset.done $0x0  }
0x125: {  	[sflag:s17] =	ssyncadd.s32 $0xFFFFFF00  }
0x126: {  	_ =	swait.ge [sflag:s17], $0x100  }
0x127: {  	[sflag:s17] =	ssyncset.done $0x0  }
0x128: {  	[sflag:s17] =	ssyncadd.s32 $0xFFFFFF00  }
0x129: {  	_ =	swait.ge [sflag:s17], $0x100  }
0x12a: {  	[sflag:s17] =	ssyncset.done $0x0  }
0x12b: {  	[sflag:s17] =	ssyncadd.s32 $0xFFFFFF00  }
0x12c: {  	_ =	swait.ge [sflag:s17], $0x100  }
0x12d: {  	[sflag:s17] =	ssyncset.done $0x0  }
0x12e: {  	[sflag:s17] =	ssyncadd.s32 $0xFFFFFF00  }
0x12f: {  	_ =	swait.ge [sflag:s17], $0x100  }
0x130: {  	[sflag:s17] =	ssyncset.done $0x0  }
0x131: {  	[sflag:s17] =	ssyncadd.s32 $0xFFFFFF00  }
0x132: {  	[bflag:$0x0] =	sbarrier.arrive $0xFFFF  }
0x133: {  	s20 =	simm.s32 $0x0;
	s9 =	simm.s32 $0x14000;
	s14 =	rddreg [dreg:$0x6]  }
0x134: {  	[tilespmem:s9], [sflag:$0x1] =	stream.linear.gather [hbm4b:s14+s20], $0x10, $0x38;
	[tilespmem:$0x1F700] =	vst v63  }
0x135: {  	s22 =	simm.s32 $0x14080;
	s21 =	rddreg [dreg:$0x7]  }
0x136: {  	[tilespmem:s22], [sflag:$0x1] =	stream.linear.gather [hbm4b:s21+s20], $0x10, $0x38;
	[tilespmem:$0x1F700] =	vst v63  }
0x137: {  	s24 =	simm.s32 $0x14100;
	s23 =	rddreg [dreg:$0x8]  }
0x138: {  	[tilespmem:s24], [sflag:$0x1] =	stream.linear.gather [hbm4b:s23+s20], $0x800, $0x38;
	[tilespmem:$0x1F700] =	vst v63  }
0x139: {  	s31 =	simm.s32 $0x14900;
	s29 =	rddreg [dreg:$0x9]  }
0x13a: {  	[tilespmem:s31], [sflag:$0x1] =	stream.linear.gather [hbm4b:s29+s20], $0x800, $0x38;
	[tilespmem:$0x1F700] =	vst v63  }
0x13b: {  	s11 =	simm.s32 $0x15100;
	s9 =	rddreg [dreg:$0xa]  }
0x13c: {  	[tilespmem:s11], [sflag:$0x2] =	stream.linear.gather [hbm4b:s9+s20], $0x10, $0x38;
	[tilespmem:$0x1F700] =	vst v63  }
0x13d: {  	s13 =	rddreg [dreg:$0xb];
	s14 =	simm.s32 $0x15180  }
0x13e: {  	[tilespmem:s14], [sflag:$0x2] =	stream.linear.gather [hbm4b:s13+s20], $0x10, $0x38;
	[tilespmem:$0x1F700] =	vst v63  }
0x13f: {  	s21 =	rddreg [dreg:$0xc];
	s22 =	simm.s32 $0x15200  }
0x140: {  	[tilespmem:s22], [sflag:$0x2] =	stream.linear.gather [hbm4b:s21+s20], $0x800, $0x38;
	[tilespmem:$0x1F700] =	vst v63  }
0x141: {  	s23 =	rddreg [dreg:$0xd];
	s24 =	simm.s32 $0x15A00  }
0x142: {  	[tilespmem:s24], [sflag:$0x2] =	stream.linear.gather [hbm4b:s23+s20], $0x800, $0x38;
	[tilespmem:$0x1F700] =	vst v63  }
0x143: {  	s29 =	rddreg [dreg:$0xe];
	s31 =	simm.s32 $0x16200  }
0x144: {  	[tilespmem:s31], [sflag:$0x3] =	stream.linear.gather [hbm4b:s29+s20], $0x10, $0x38;
	[tilespmem:$0x1F700] =	vst v63  }
0x145: {  	s9 =	rddreg [dreg:$0xf];
	s11 =	simm.s32 $0x16280  }
0x146: {  	[tilespmem:s11], [sflag:$0x3] =	stream.linear.gather [hbm4b:s9+s20], $0x10, $0x38;
	[tilespmem:$0x1F700] =	vst v63  }
0x147: {  	s13 =	rddreg [dreg:$0x10];
	s14 =	simm.s32 $0x16300  }
0x148: {  	[tilespmem:s14], [sflag:$0x3] =	stream.linear.gather [hbm4b:s13+s20], $0x800, $0x38;
	[tilespmem:$0x1F700] =	vst v63  }
0x149: {  	s21 =	rddreg [dreg:$0x11];
	s22 =	simm.s32 $0x16B00  }
0x14a: {  	[tilespmem:s22], [sflag:$0x3] =	stream.linear.gather [hbm4b:s21+s20], $0x800, $0x38;
	[tilespmem:$0x1F700] =	vst v63  }
0x14b: {  	s23 =	rddreg [dreg:$0x12];
	s24 =	simm.s32 $0x17300  }
0x14c: {  	[tilespmem:s24], [sflag:$0x4] =	stream.linear.gather [hbm4b:s23+s20], $0x10, $0x38;
	[tilespmem:$0x1F700] =	vst v63  }
0x14d: {  	s29 =	rddreg [dreg:$0x13];
	s31 =	simm.s32 $0x17380  }
0x14e: {  	[tilespmem:s31], [sflag:$0x4] =	stream.linear.gather [hbm4b:s29+s20], $0x10, $0x38;
	[tilespmem:$0x1F700] =	vst v63  }
0x14f: {  	s9 =	rddreg [dreg:$0x14];
	s11 =	simm.s32 $0x17400  }
0x150: {  	[tilespmem:s11], [sflag:$0x4] =	stream.linear.gather [hbm4b:s9+s20], $0x800, $0x38;
	[tilespmem:$0x1F700] =	vst v63  }
0x151: {  	s13 =	rddreg [dreg:$0x15];
	s14 =	simm.s32 $0x17C00  }
0x152: {  	[tilespmem:s14], [sflag:$0x4] =	stream.linear.gather [hbm4b:s13+s20], $0x800, $0x38;
	[tilespmem:$0x1F700] =	vst v63  }
0x153: {  	_ =	swait.ge [sflag:s3], $0x10  }
0x154: {  	[sflag:s3] =	ssyncset.done $0x0  }
0x155: {  	[sflag:s3] =	ssyncadd.s32 $0xFFFFFFF0  }
0x156: {  	_ =	swait.ge [sflag:s3], $0x10  }
0x157: {  	[sflag:s3] =	ssyncset.done $0x0  }
0x158: {  	[sflag:s3] =	ssyncadd.s32 $0xFFFFFFF0  }
0x159: {  	_ =	swait.ge [sflag:s3], $0x800  }
0x15a: {  	[sflag:s3] =	ssyncset.done $0x0  }
0x15b: {  	[sflag:s3] =	ssyncadd.s32 $0xFFFFF800  }
0x15c: {  	_ =	swait.ge [sflag:s3], $0x800  }
0x15d: {  	[sflag:s3] =	ssyncset.done $0x0  }
0x15e: {  	[sflag:s3] =	ssyncadd.s32 $0xFFFFF800  }
0x15f: {  	v5 =	vld [tilespmem:$0x14080];
	_ =	sdelay $0x4  }
0x160: {  	v5 =	vadd.s32 v0, v5  }
0x161: {  	[tilespmem:$0x18480] =	vst v5  }
0x162: {  	v5 =	vld [tilespmem:$0x18480];
	_ =	sdelay $0x4  }
0x163: {  	v6 =	vshrl.u32 v5, $0x3  }
0x164: {  	v6 =	vmul.u32 $0x18, v6  }
0x165: {  	v5 =	vand.u32 $0x7, v5  }
0x166: {  	v5 =	vor.u32 v5, v6  }
0x167: {  	v6 =	vld [tilespmem:$0x14000];
	v7 =	vperm.xlane v5, v2;
	_ =	sdelay $0x1  }
0x168: {  	v7 =	vadd.s32 v3, v7;
	_ =	sdelay $0x1  }
0x169: {  	v5 =	vperm.xlane v5, v4  }
0x16a: {  	v6 =	vadd.s32 v0, v6  }
0x16b: {  	s21 =	simm.s32 $0x18500;
	v5 =	vadd.s32 v3, v5;
	[tilespmem:$0x18400] =	vst v6  }
0x16c: {  	[tilespmem:s21], [sflag:$0x5] =	stream.indirect_vreg.gather [hbm4b:s26+s20], $0x80, v7, vm0, $0xb8;
	[tilespmem:$0x1F700] =	vst v63  }
0x16d: {  	s22 =	simm.s32 $0x18D00  }
0x16e: {  	[tilespmem:s22], [sflag:$0x5] =	stream.indirect_vreg.gather [hbm4b:s28+s20], $0x80, v7, vm1, $0xb8;
	[tilespmem:$0x1F700] =	vst v63  }
0x16f: {  	s23 =	simm.s32 $0x19100  }
0x170: {  	[tilespmem:s23], [sflag:$0x5] =	stream.indirect_vreg.gather [hbm4b:s26+s20], $0x80, v5, vm0, $0xb8;
	[tilespmem:$0x1F700] =	vst v63  }
0x171: {  	s24 =	simm.s32 $0x19900  }
0x172: {  	[tilespmem:s24], [sflag:$0x5] =	stream.indirect_vreg.gather [hbm4b:s28+s20], $0x80, v5, vm1, $0xb8;
	[tilespmem:$0x1F700] =	vst v63  }
0x173: {  	v5 =	vld [tilespmem:$0x18400];
	_ =	sdelay $0x4  }
0x174: {  	v6 =	vshrl.u32 v5, $0x3  }
0x175: {  	v6 =	vmul.u32 $0x18, v6  }
0x176: {  	v5 =	vand.u32 $0x7, v5  }
0x177: {  	v5 =	vor.u32 v5, v6  }
0x178: {  	v6 =	vperm.xlane v5, v2;
	_ =	sdelay $0x1  }
0x179: {  	v6 =	vadd.s32 v3, v6;
	_ =	sdelay $0x1  }
0x17a: {  	v5 =	vperm.xlane v5, v4;
	_ =	sdelay $0x1  }
0x17b: {  	s29 =	simm.s32 $0x19D00;
	v5 =	vadd.s32 v3, v5  }
0x17c: {  	[tilespmem:s29], [sflag:$0x5] =	stream.indirect_vreg.gather [hbm4b:s26+s20], $0x80, v6, vm0, $0xb8;
	[tilespmem:$0x1F700] =	vst v63  }
0x17d: {  	s31 =	simm.s32 $0x1A500  }
0x17e: {  	[tilespmem:s31], [sflag:$0x5] =	stream.indirect_vreg.gather [hbm4b:s28+s20], $0x80, v6, vm1, $0xb8;
	[tilespmem:$0x1F700] =	vst v63  }
0x17f: {  	s9 =	simm.s32 $0x1A900  }
0x180: {  	[tilespmem:s9], [sflag:$0x5] =	stream.indirect_vreg.gather [hbm4b:s26+s20], $0x80, v5, vm0, $0xb8;
	[tilespmem:$0x1F700] =	vst v63  }
0x181: {  	s11 =	simm.s32 $0x1B100  }
0x182: {  	[tilespmem:s11], [sflag:$0x5] =	stream.indirect_vreg.gather [hbm4b:s28+s20], $0x80, v5, vm1, $0xb8;
	[tilespmem:$0x1F700] =	vst v63  }
0x183: {  	_ =	swait.ge [sflag:s19], $0x10  }
0x184: {  	[sflag:s19] =	ssyncset.done $0x0  }
0x185: {  	[sflag:s19] =	ssyncadd.s32 $0xFFFFFFF0  }
0x186: {  	_ =	swait.ge [sflag:s19], $0x10  }
0x187: {  	[sflag:s19] =	ssyncset.done $0x0  }
0x188: {  	[sflag:s19] =	ssyncadd.s32 $0xFFFFFFF0  }
0x189: {  	_ =	swait.ge [sflag:s19], $0x800  }
0x18a: {  	[sflag:s19] =	ssyncset.done $0x0  }
0x18b: {  	[sflag:s19] =	ssyncadd.s32 $0xFFFFF800  }
0x18c: {  	_ =	swait.ge [sflag:s19], $0x800  }
0x18d: {  	[sflag:s19] =	ssyncset.done $0x0  }
0x18e: {  	[sflag:s19] =	ssyncadd.s32 $0xFFFFF800  }
0x18f: {  	v5 =	vld [tilespmem:$0x15180];
	_ =	sdelay $0x4  }
0x190: {  	v5 =	vadd.s32 v0, v5  }
0x191: {  	[tilespmem:$0x1BE00] =	vst v5  }
0x192: {  	v5 =	vld [tilespmem:$0x1BE00];
	_ =	sdelay $0x4  }
0x193: {  	v6 =	vshrl.u32 v5, $0x3  }
0x194: {  	v6 =	vmul.u32 $0x18, v6  }
0x195: {  	v5 =	vand.u32 $0x7, v5  }
0x196: {  	v5 =	vor.u32 v5, v6  }
0x197: {  	v6 =	vld [tilespmem:$0x15100];
	v7 =	vperm.xlane v5, v2;
	_ =	sdelay $0x1  }
0x198: {  	v7 =	vadd.s32 v3, v7;
	_ =	sdelay $0x1  }
0x199: {  	v5 =	vperm.xlane v5, v4  }
0x19a: {  	v6 =	vadd.s32 v0, v6  }
0x19b: {  	s13 =	simm.s32 $0x1BE80;
	v5 =	vadd.s32 v3, v5;
	[tilespmem:$0x1BD80] =	vst v6  }
0x19c: {  	[tilespmem:s13], [sflag:$0x6] =	stream.indirect_vreg.gather [hbm4b:s26+s20], $0x80, v7, vm0, $0xb8;
	[tilespmem:$0x1F700] =	vst v63  }
0x19d: {  	s14 =	simm.s32 $0x1C680  }
0x19e: {  	[tilespmem:s14], [sflag:$0x6] =	stream.indirect_vreg.gather [hbm4b:s28+s20], $0x80, v7, vm1, $0xb8;
	[tilespmem:$0x1F700] =	vst v63  }
0x19f: {  	s21 =	simm.s32 $0x1CA80  }
0x1a0: {  	[tilespmem:s21], [sflag:$0x6] =	stream.indirect_vreg.gather [hbm4b:s26+s20], $0x80, v5, vm0, $0xb8;
	[tilespmem:$0x1F700] =	vst v63  }
0x1a1: {  	s22 =	simm.s32 $0x1D280  }
0x1a2: {  	[tilespmem:s22], [sflag:$0x6] =	stream.indirect_vreg.gather [hbm4b:s28+s20], $0x80, v5, vm1, $0xb8;
	[tilespmem:$0x1F700] =	vst v63  }
0x1a3: {  	v5 =	vld [tilespmem:$0x1BD80];
	_ =	sdelay $0x4  }
0x1a4: {  	v6 =	vshrl.u32 v5, $0x3  }
0x1a5: {  	v6 =	vmul.u32 $0x18, v6  }
0x1a6: {  	v5 =	vand.u32 $0x7, v5  }
0x1a7: {  	v5 =	vor.u32 v5, v6  }
0x1a8: {  	v6 =	vperm.xlane v5, v2;
	_ =	sdelay $0x1  }
0x1a9: {  	v6 =	vadd.s32 v3, v6;
	_ =	sdelay $0x2  }
0x1aa: {  	v5 =	vperm.xlane v5, v4  }
0x1ab: {  	s23 =	simm.s32 $0x1D680  }
0x1ac: {  	v5 =	vadd.s32 v3, v5;
	[tilespmem:s23], [sflag:$0x6] =	stream.indirect_vreg.gather [hbm4b:s26+s20], $0x80, v6, vm0, $0xb8;
	[tilespmem:$0x1F700] =	vst v63  }
0x1ad: {  	s24 =	simm.s32 $0x1DE80  }
0x1ae: {  	[tilespmem:s24], [sflag:$0x6] =	stream.indirect_vreg.gather [hbm4b:s28+s20], $0x80, v6, vm1, $0xb8;
	[tilespmem:$0x1F700] =	vst v63  }
.Ltmp3:
0x1af: {  	_ = 	snop;
	(pc) =	sbr.rel .LBB2_4-.Ltmp3, $4  }
0x1b0: {  	s29 =	simm.s32 $0x1E280  }
0x1b1: {  	[tilespmem:s29], [sflag:$0x6] =	stream.indirect_vreg.gather [hbm4b:s26+s20], $0x80, v5, vm0, $0xb8;
	[tilespmem:$0x1F700] =	vst v63  }
0x1b2: {  	s31 =	simm.s32 $0x1EA80;
	s21 =	simm.s32 $0x0  }
0x1b3: {  	[tilespmem:s31], [sflag:$0x6] =	stream.indirect_vreg.gather [hbm4b:s28+s20], $0x80, v5, vm1, $0xb8;
	[tilespmem:$0x1F700] =	vst v63  }
.LBB2_19:
0x1b4: {  	s21 =	sadd.s32 $0x1, s21  }
.LBB2_4:
0x1b5: {  	_ =	swait.ge [sflag:s25], $0x1800  }
0x1b6: {  	[sflag:s25] =	ssyncset.done $0x0  }
0x1b7: {  	[sflag:s25] =	ssyncadd.s32 $0xFFFFE800  }
0x1b8: {  	_ =	swait.ge [sflag:s25], $0x1800  }
0x1b9: {  	p0 =	seq.s32 s21, $0x0;
	[sflag:s25] =	ssyncset.done $0x0  }
0x1ba: {  	s0 =	simm.s32 @!p0 $0x7;
	[sflag:s25] =	ssyncadd.s32 $0xFFFFE800  }
0x1bb: {  	_ =	swait.ge @!p0 [sflag:s0], $0x800  }
0x1bc: {  	[sflag:s0] =	ssyncset.done @!p0 $0x0  }
0x1bd: {  	s31 =	simm.s32 $0x14120;
	s24 =	simm.s32 $0x0;
	[sflag:s0] =	ssyncadd.s32 @!p0 $0xFFFFF800  }
0x1be: {  	s0 =	smul.u32 $0xC00, s24;
	v5 =	vld [tilespmem:s31+$0x0]  }
0x1bf: {  	s11 =	sand.u32 $0x380, s20;
	v6 =	vld [tilespmem:s31+$0xFFFFFFE0]  }
0x1c0: {  	v7 =	vld [tilespmem:s31+$0xFFFFFFF0];
	s23 =	sor.u32 s11, s0  }
0x1c1: {  	v8 =	vld [tilespmem:s23+$0x1A100]  }
0x1c2: {  	v9 =	vld [tilespmem:s23+$0x19D00]  }
0x1c3: {  	v10 =	vld [tilespmem:s23+$0x18900]  }
0x1c4: {  	v11 =	vld [tilespmem:s23+$0x18500]  }
0x1c5: {  	v12 =	vld [tilespmem:s23+$0x1A500]  }
0x1c6: {  	v13 =	vld [tilespmem:s23+$0x18D00]  }
0x1c7: {  	v14 =	vmul.f32 v8, v7  }
0x1c8: {  	v15 =	vmul.f32 v9, v6;
	v16 =	vmul.f32 v10, v7  }
0x1c9: {  	v17 =	vmul.f32 v11, v6;
	v9 =	vmul.f32 v9, v11  }
0x1ca: {  	v11 =	vmul.f32 v12, v5;
	v8 =	vmul.f32 v8, v10  }
0x1cb: {  	v14 =	vadd.f32 v14, v15;
	v10 =	vadd.f32 v16, v17;
	v15 =	vmul.f32 v13, v5  }
0x1cc: {  	v8 =	vadd.f32 v8, v9  }
0x1cd: {  	s0 =	simm.s32 $0x14940;
	v9 =	vmul.f32 v12, v13;
	v11 =	vadd.f32 v11, v14;
	v10 =	vadd.f32 v15, v10  }
0x1ce: {  	v12 =	vld [tilespmem:s0+$0xFFFFFFC0]  }
0x1cf: {  	v8 =	vadd.f32 v9, v8;
	v9 =	vmul.f32 v11, v10;
	_ =	sdelay $0x1  }
0x1d0: {  	v8 =	vsub.f32 v8, v9;
	_ =	sdelay $0x1  }
0x1d1: {  	v8 =	vmul.f32 v8, v12  }
0x1d2: {  	s22 =	simm.s32 $0x1B5C0  }
0x1d3: {  	[tilespmem:s22+$0xFFFFFFC0] =	vst v8  }
0x1d4: {  	v8 =	vld [tilespmem:s23+$0x18510]  }
0x1d5: {  	v9 =	vld [tilespmem:s23+$0x18910]  }
0x1d6: {  	v10 =	vld [tilespmem:s23+$0x19D10]  }
0x1d7: {  	v11 =	vld [tilespmem:s23+$0x1A110]  }
0x1d8: {  	v12 =	vld [tilespmem:s23+$0x18D10]  }
0x1d9: {  	v13 =	vld [tilespmem:s23+$0x1A510]  }
0x1da: {  	v14 =	vmul.f32 v8, v6  }
0x1db: {  	v15 =	vmul.f32 v9, v7;
	v51 =	vmul.f32 v10, v6  }
0x1dc: {  	v52 =	vmul.f32 v11, v7;
	v8 =	vmul.f32 v10, v8  }
0x1dd: {  	v9 =	vmul.f32 v11, v9;
	v11 =	vmul.f32 v12, v5  }
0x1de: {  	v10 =	vadd.f32 v15, v14;
	v14 =	vadd.f32 v52, v51;
	v15 =	vmul.f32 v13, v5  }
0x1df: {  	v8 =	vadd.f32 v9, v8  }
0x1e0: {  	v9 =	vmul.f32 v13, v12;
	v10 =	vadd.f32 v11, v10;
	v11 =	vadd.f32 v15, v14  }
0x1e1: {  	v12 =	vld [tilespmem:s0+$0xFFFFFFD0]  }
0x1e2: {  	v8 =	vadd.f32 v9, v8;
	v9 =	vmul.f32 v11, v10;
	_ =	sdelay $0x1  }
0x1e3: {  	v8 =	vsub.f32 v8, v9;
	_ =	sdelay $0x1  }
0x1e4: {  	v8 =	vmul.f32 v8, v12;
	_ =	sdelay $0x1  }
0x1e5: {  	[tilespmem:s22+$0xFFFFFFD0] =	vst v8  }
0x1e6: {  	v8 =	vld [tilespmem:s23+$0x18920]  }
0x1e7: {  	v9 =	vld [tilespmem:s23+$0x1A120]  }
0x1e8: {  	v10 =	vld [tilespmem:s23+$0x19D20]  }
0x1e9: {  	v11 =	vld [tilespmem:s23+$0x18520]  }
0x1ea: {  	v12 =	vld [tilespmem:s23+$0x1A520]  }
0x1eb: {  	v13 =	vld [tilespmem:s23+$0x18D20]  }
0x1ec: {  	v14 =	vmul.f32 v8, v7  }
0x1ed: {  	v15 =	vmul.f32 v9, v7;
	v53 =	vmul.f32 v10, v6  }
0x1ee: {  	v8 =	vmul.f32 v9, v8;
	v9 =	vmul.f32 v11, v6  }
0x1ef: {  	v54 =	vmul.f32 v12, v5;
	v10 =	vmul.f32 v10, v11  }
0x1f0: {  	v11 =	vadd.f32 v15, v53;
	v9 =	vadd.f32 v14, v9;
	v14 =	vmul.f32 v13, v5  }
0x1f1: {  	v8 =	vadd.f32 v8, v10  }
0x1f2: {  	v10 =	vmul.f32 v12, v13;
	v11 =	vadd.f32 v54, v11;
	v9 =	vadd.f32 v14, v9  }
0x1f3: {  	v12 =	vld [tilespmem:s0+$0xFFFFFFE0]  }
0x1f4: {  	v8 =	vadd.f32 v10, v8;
	v9 =	vmul.f32 v11, v9;
	_ =	sdelay $0x1  }
0x1f5: {  	v8 =	vsub.f32 v8, v9;
	_ =	sdelay $0x1  }
0x1f6: {  	v8 =	vmul.f32 v8, v12;
	_ =	sdelay $0x1  }
0x1f7: {  	[tilespmem:s22+$0xFFFFFFE0] =	vst v8  }
0x1f8: {  	v8 =	vld [tilespmem:s23+$0x19D30]  }
0x1f9: {  	v9 =	vld [tilespmem:s23+$0x18930]  }
0x1fa: {  	v10 =	vld [tilespmem:s23+$0x1A130]  }
0x1fb: {  	v11 =	vld [tilespmem:s23+$0x18530]  }
0x1fc: {  	v12 =	vld [tilespmem:s23+$0x1A530]  }
0x1fd: {  	v13 =	vld [tilespmem:s23+$0x18D30]  }
0x1fe: {  	v14 =	vmul.f32 v8, v6  }
0x1ff: {  	v15 =	vmul.f32 v10, v7;
	v55 =	vmul.f32 v9, v7  }
0x200: {  	v56 =	vmul.f32 v11, v6;
	v8 =	vmul.f32 v8, v11  }
0x201: {  	v9 =	vmul.f32 v10, v9;
	v11 =	vmul.f32 v12, v5  }
0x202: {  	v10 =	vadd.f32 v15, v14;
	v14 =	vadd.f32 v55, v56;
	v15 =	vmul.f32 v13, v5  }
0x203: {  	v8 =	vadd.f32 v9, v8  }
0x204: {  	v9 =	vmul.f32 v12, v13;
	v10 =	vadd.f32 v11, v10;
	v11 =	vadd.f32 v15, v14  }
0x205: {  	v12 =	vld [tilespmem:s0+$0xFFFFFFF0]  }
0x206: {  	v8 =	vadd.f32 v9, v8;
	v9 =	vmul.f32 v10, v11;
	_ =	sdelay $0x1  }
0x207: {  	v8 =	vsub.f32 v8, v9;
	_ =	sdelay $0x1  }
0x208: {  	v8 =	vmul.f32 v8, v12;
	_ =	sdelay $0x1  }
0x209: {  	[tilespmem:s22+$0xFFFFFFF0] =	vst v8  }
0x20a: {  	v8 =	vld [tilespmem:s23+$0x18940]  }
0x20b: {  	v9 =	vld [tilespmem:s23+$0x19D40]  }
0x20c: {  	v10 =	vld [tilespmem:s23+$0x18540]  }
0x20d: {  	v11 =	vld [tilespmem:s23+$0x1A140]  }
0x20e: {  	v12 =	vld [tilespmem:s23+$0x18D40]  }
0x20f: {  	v13 =	vld [tilespmem:s23+$0x1A540]  }
0x210: {  	v14 =	vmul.f32 v8, v7  }
0x211: {  	v15 =	vmul.f32 v10, v6;
	v57 =	vmul.f32 v9, v6  }
0x212: {  	v58 =	vmul.f32 v11, v7;
	v9 =	vmul.f32 v9, v10  }
0x213: {  	v8 =	vmul.f32 v11, v8;
	v11 =	vmul.f32 v12, v5  }
0x214: {  	v10 =	vadd.f32 v14, v15;
	v14 =	vadd.f32 v58, v57;
	v15 =	vmul.f32 v13, v5  }
0x215: {  	v8 =	vadd.f32 v8, v9  }
0x216: {  	v9 =	vmul.f32 v13, v12;
	v10 =	vadd.f32 v11, v10;
	v11 =	vadd.f32 v15, v14  }
0x217: {  	v12 =	vld [tilespmem:s0+$0x0]  }
0x218: {  	v8 =	vadd.f32 v9, v8;
	v9 =	vmul.f32 v11, v10;
	_ =	sdelay $0x1  }
0x219: {  	v8 =	vsub.f32 v8, v9;
	_ =	sdelay $0x1  }
0x21a: {  	v8 =	vmul.f32 v8, v12;
	_ =	sdelay $0x1  }
0x21b: {  	[tilespmem:s22+$0x0] =	vst v8  }
0x21c: {  	v8 =	vld [tilespmem:s23+$0x18550]  }
0x21d: {  	v9 =	vld [tilespmem:s23+$0x18950]  }
0x21e: {  	v10 =	vld [tilespmem:s23+$0x19D50]  }
0x21f: {  	v11 =	vld [tilespmem:s23+$0x1A150]  }
0x220: {  	v12 =	vld [tilespmem:s23+$0x18D50]  }
0x221: {  	v13 =	vld [tilespmem:s23+$0x1A550];
	_ =	sdelay $0x1  }
0x222: {  	v14 =	vmul.f32 v8, v6;
	v15 =	vmul.f32 v9, v7  }
0x223: {  	v59 =	vmul.f32 v10, v6;
	v60 =	vmul.f32 v11, v7  }
0x224: {  	v8 =	vmul.f32 v10, v8;
	v9 =	vmul.f32 v11, v9;
	v10 =	vadd.f32 v15, v14  }
0x225: {  	v14 =	vmul.f32 v12, v5;
	v11 =	vadd.f32 v60, v59;
	v15 =	vmul.f32 v13, v5  }
0x226: {  	v8 =	vadd.f32 v9, v8  }
0x227: {  	v9 =	vmul.f32 v13, v12;
	v10 =	vadd.f32 v14, v10;
	v11 =	vadd.f32 v15, v11  }
0x228: {  	v12 =	vld [tilespmem:s0+$0x10]  }
0x229: {  	v8 =	vadd.f32 v9, v8;
	v9 =	vmul.f32 v11, v10;
	_ =	sdelay $0x1  }
0x22a: {  	v8 =	vsub.f32 v8, v9;
	_ =	sdelay $0x1  }
0x22b: {  	v8 =	vmul.f32 v8, v12;
	_ =	sdelay $0x1  }
0x22c: {  	[tilespmem:s22+$0x10] =	vst v8  }
0x22d: {  	v8 =	vld [tilespmem:s23+$0x19D60]  }
0x22e: {  	v9 =	vld [tilespmem:s23+$0x18960]  }
0x22f: {  	v10 =	vld [tilespmem:s23+$0x18560]  }
0x230: {  	v11 =	vld [tilespmem:s23+$0x1A160]  }
0x231: {  	v12 =	vld [tilespmem:s23+$0x1A560]  }
0x232: {  	v13 =	vld [tilespmem:s23+$0x18D60]  }
0x233: {  	v14 =	vmul.f32 v9, v7  }
0x234: {  	v15 =	vmul.f32 v10, v6;
	v61 =	vmul.f32 v8, v6  }
0x235: {  	v62 =	vmul.f32 v11, v7;
	v9 =	vmul.f32 v11, v9  }
0x236: {  	v8 =	vmul.f32 v8, v10;
	v63 =	vmul.f32 v12, v5  }
0x237: {  	v14 =	vadd.f32 v14, v15;
	v15 =	vmul.f32 v13, v5;
	v11 =	vadd.f32 v62, v61  }
0x238: {  	s13 =	simm.s32 $0x149C0;
	v9 =	vadd.f32 v9, v8  }
0x239: {  	s29 =	simm.s32 $0x0;
	s24 =	simm.s32 $0x1B5C0;
	s11 =	simm.s32 $0x1;
	v10 =	vmul.f32 v12, v13;
	v8 =	vld [tilespmem:s0+$0x20];
	v11 =	vadd.f32 v63, v11;
	v12 =	vadd.f32 v15, v14  }
.LBB2_5:
0x23a: {  	s29 =	sadd.s32 $0x80, s29;
	s31 =	sadd.s32 $0x80, s31;
	s22 =	sadd.s32 $0x80, s22  }
0x23b: {  	p1 =	sne.s32 s11, $0xF;
	v9 =	vadd.f32 v10, v9;
	s14 =	smov.u32 s11;
	s11 =	sadd.s32 $0x1, s11;
	v10 =	vmul.f32 v11, v12  }
0x23c: {  	_ = 	snop  }
0x23d: {  	v9 =	vsub.f32 v9, v10;
	_ =	sdelay $0x1  }
0x23e: {  	v8 =	vmul.f32 v9, v8;
	_ =	sdelay $0x1  }
0x23f: {  	[tilespmem:s24+$0x20] =	vst v8  }
0x240: {  	v8 =	vld [tilespmem:s23+$0x18570]  }
0x241: {  	v9 =	vld [tilespmem:s23+$0x18970]  }
0x242: {  	v10 =	vld [tilespmem:s23+$0x1A170]  }
0x243: {  	v11 =	vld [tilespmem:s23+$0x19D70]  }
0x244: {  	v12 =	vld [tilespmem:s23+$0x18D70]  }
0x245: {  	v13 =	vld [tilespmem:s23+$0x1A570]  }
0x246: {  	v15 =	vmul.f32 v8, v6;
	v14 =	vld [tilespmem:s0+$0x30];
	v16 =	vmul.f32 v9, v7;
	s0 =	smov.u32 s13  }
0x247: {  	v9 =	vmul.f32 v10, v9;
	v7 =	vmul.f32 v10, v7  }
0x248: {  	v8 =	vmul.f32 v11, v8;
	v10 =	vadd.f32 v16, v15;
	v6 =	vmul.f32 v11, v6  }
0x249: {  	v11 =	vmul.f32 v12, v5  }
0x24a: {  	v8 =	vadd.f32 v9, v8;
	v6 =	vadd.f32 v7, v6;
	v5 =	vmul.f32 v13, v5  }
0x24b: {  	v7 =	vadd.f32 v11, v10  }
0x24c: {  	v9 =	vmul.f32 v13, v12;
	v5 =	vadd.f32 v5, v6;
	_ =	sdelay $0x1  }
0x24d: {  	v6 =	vadd.f32 v9, v8;
	v5 =	vmul.f32 v5, v7;
	_ =	sdelay $0x1  }
0x24e: {  	v5 =	vsub.f32 v6, v5;
	_ =	sdelay $0x1  }
0x24f: {  	v5 =	vmul.f32 v5, v14;
	_ =	sdelay $0x1  }
0x250: {  	s14 =	sshrl.u32 s14, $0x3;
	[tilespmem:s24+$0x30] =	vst v5;
	s24 =	smov.u32 s22  }
0x251: {  	s14 =	smul.u32 $0xC00, s14;
	v5 =	vld [tilespmem:s31+$0x0]  }
0x252: {  	s23 =	sand.u32 $0x380, s29;
	v6 =	vld [tilespmem:s31+$0xFFFFFFE0]  }
0x253: {  	s23 =	sor.u32 s23, s14;
	v7 =	vld [tilespmem:s31+$0xFFFFFFF0]  }
0x254: {  	v8 =	vld [tilespmem:s23+$0x1A500]  }
0x255: {  	v9 =	vld [tilespmem:s23+$0x1A100]  }
0x256: {  	v10 =	vld [tilespmem:s23+$0x19D00]  }
0x257: {  	v11 =	vld [tilespmem:s23+$0x18900]  }
0x258: {  	v12 =	vld [tilespmem:s23+$0x18500];
	_ =	sdelay $0x1  }
0x259: {  	v13 =	vld [tilespmem:s23+$0x18D00];
	v14 =	vmul.f32 v9, v7  }
0x25a: {  	v15 =	vmul.f32 v10, v6  }
0x25b: {  	v17 =	vmul.f32 v8, v5;
	v16 =	vmul.f32 v11, v7  }
0x25c: {  	v10 =	vmul.f32 v10, v12;
	v12 =	vmul.f32 v12, v6;
	v14 =	vadd.f32 v14, v15  }
0x25d: {  	v9 =	vmul.f32 v9, v11  }
0x25e: {  	v11 =	vadd.f32 v16, v12;
	v12 =	vmul.f32 v13, v5;
	v14 =	vadd.f32 v17, v14  }
0x25f: {  	v9 =	vadd.f32 v9, v10;
	v8 =	vmul.f32 v8, v13  }
0x260: {  	v10 =	vadd.f32 v12, v11  }
0x261: {  	v11 =	vld [tilespmem:s13+$0xFFFFFFC0]  }
0x262: {  	v8 =	vadd.f32 v8, v9;
	v9 =	vmul.f32 v14, v10;
	_ =	sdelay $0x1  }
0x263: {  	v8 =	vsub.f32 v8, v9;
	_ =	sdelay $0x1  }
0x264: {  	v8 =	vmul.f32 v8, v11;
	_ =	sdelay $0x1  }
0x265: {  	[tilespmem:s22+$0xFFFFFFC0] =	vst v8  }
0x266: {  	v8 =	vld [tilespmem:s23+$0x18510]  }
0x267: {  	v9 =	vld [tilespmem:s23+$0x18910]  }
0x268: {  	v10 =	vld [tilespmem:s23+$0x19D10]  }
0x269: {  	v11 =	vld [tilespmem:s23+$0x1A110]  }
0x26a: {  	v12 =	vld [tilespmem:s23+$0x18D10]  }
0x26b: {  	v13 =	vld [tilespmem:s23+$0x1A510]  }
0x26c: {  	v14 =	vmul.f32 v8, v6;
	v15 =	vmul.f32 v9, v7  }
0x26d: {  	v8 =	vmul.f32 v10, v8  }
0x26e: {  	v10 =	vmul.f32 v10, v6;
	v14 =	vadd.f32 v15, v14;
	v15 =	vmul.f32 v11, v7  }
0x26f: {  	v9 =	vmul.f32 v11, v9  }
0x270: {  	v11 =	vmul.f32 v12, v5;
	v10 =	vadd.f32 v15, v10;
	v15 =	vmul.f32 v13, v5  }
0x271: {  	v8 =	vadd.f32 v9, v8;
	v9 =	vmul.f32 v13, v12  }
0x272: {  	v11 =	vadd.f32 v11, v14;
	v10 =	vadd.f32 v15, v10  }
0x273: {  	v12 =	vld [tilespmem:s13+$0xFFFFFFD0]  }
0x274: {  	v8 =	vadd.f32 v9, v8;
	v9 =	vmul.f32 v10, v11;
	_ =	sdelay $0x1  }
0x275: {  	v8 =	vsub.f32 v8, v9;
	_ =	sdelay $0x1  }
0x276: {  	v8 =	vmul.f32 v8, v12;
	_ =	sdelay $0x1  }
0x277: {  	[tilespmem:s22+$0xFFFFFFD0] =	vst v8  }
0x278: {  	v8 =	vld [tilespmem:s23+$0x1A520]  }
0x279: {  	v9 =	vld [tilespmem:s23+$0x18920]  }
0x27a: {  	v10 =	vld [tilespmem:s23+$0x1A120]  }
0x27b: {  	v11 =	vld [tilespmem:s23+$0x19D20]  }
0x27c: {  	v12 =	vld [tilespmem:s23+$0x18520]  }
0x27d: {  	v13 =	vld [tilespmem:s23+$0x18D20];
	_ =	sdelay $0x1  }
0x27e: {  	v14 =	vmul.f32 v9, v7;
	v15 =	vmul.f32 v10, v7  }
0x27f: {  	v17 =	vmul.f32 v8, v5;
	v16 =	vmul.f32 v11, v6  }
0x280: {  	v9 =	vmul.f32 v10, v9;
	v10 =	vmul.f32 v12, v6  }
0x281: {  	v11 =	vmul.f32 v11, v12;
	v8 =	vmul.f32 v8, v13;
	v12 =	vadd.f32 v15, v16  }
0x282: {  	v13 =	vmul.f32 v13, v5;
	v10 =	vadd.f32 v14, v10  }
0x283: {  	v9 =	vadd.f32 v9, v11;
	v11 =	vadd.f32 v17, v12  }
0x284: {  	v10 =	vadd.f32 v13, v10  }
0x285: {  	v12 =	vld [tilespmem:s13+$0xFFFFFFE0]  }
0x286: {  	v8 =	vadd.f32 v8, v9;
	v9 =	vmul.f32 v11, v10;
	_ =	sdelay $0x1  }
0x287: {  	v8 =	vsub.f32 v8, v9;
	_ =	sdelay $0x1  }
0x288: {  	v8 =	vmul.f32 v8, v12;
	_ =	sdelay $0x1  }
0x289: {  	[tilespmem:s22+$0xFFFFFFE0] =	vst v8  }
0x28a: {  	v8 =	vld [tilespmem:s23+$0x19D30]  }
0x28b: {  	v9 =	vld [tilespmem:s23+$0x18930]  }
0x28c: {  	v10 =	vld [tilespmem:s23+$0x18530]  }
0x28d: {  	v11 =	vld [tilespmem:s23+$0x1A130]  }
0x28e: {  	v12 =	vld [tilespmem:s23+$0x1A530]  }
0x28f: {  	v13 =	vld [tilespmem:s23+$0x18D30]  }
0x290: {  	v14 =	vmul.f32 v9, v7  }
0x291: {  	v15 =	vmul.f32 v8, v10;
	v8 =	vmul.f32 v8, v6  }
0x292: {  	v9 =	vmul.f32 v11, v9;
	v11 =	vmul.f32 v11, v7  }
0x293: {  	v10 =	vmul.f32 v10, v6  }
0x294: {  	v9 =	vadd.f32 v9, v15;
	v8 =	vadd.f32 v11, v8;
	v11 =	vmul.f32 v12, v5  }
0x295: {  	v10 =	vadd.f32 v14, v10;
	v14 =	vmul.f32 v13, v5  }
0x296: {  	v12 =	vmul.f32 v12, v13;
	v8 =	vadd.f32 v11, v8  }
0x297: {  	v10 =	vadd.f32 v14, v10  }
0x298: {  	v9 =	vadd.f32 v12, v9;
	v11 =	vld [tilespmem:s13+$0xFFFFFFF0]  }
0x299: {  	v8 =	vmul.f32 v8, v10;
	_ =	sdelay $0x1  }
0x29a: {  	v8 =	vsub.f32 v9, v8;
	_ =	sdelay $0x1  }
0x29b: {  	v8 =	vmul.f32 v8, v11;
	_ =	sdelay $0x1  }
0x29c: {  	[tilespmem:s22+$0xFFFFFFF0] =	vst v8  }
0x29d: {  	v8 =	vld [tilespmem:s23+$0x18940]  }
0x29e: {  	v9 =	vld [tilespmem:s23+$0x19D40]  }
0x29f: {  	v10 =	vld [tilespmem:s23+$0x18540]  }
0x2a0: {  	v11 =	vld [tilespmem:s23+$0x1A140]  }
0x2a1: {  	v12 =	vld [tilespmem:s23+$0x18D40]  }
0x2a2: {  	v13 =	vld [tilespmem:s23+$0x1A540]  }
0x2a3: {  	v14 =	vmul.f32 v8, v7;
	v15 =	vmul.f32 v9, v6  }
0x2a4: {  	v9 =	vmul.f32 v9, v10;
	v10 =	vmul.f32 v10, v6  }
0x2a5: {  	v8 =	vmul.f32 v11, v8;
	v11 =	vmul.f32 v11, v7  }
0x2a6: {  	v10 =	vadd.f32 v14, v10;
	v14 =	vmul.f32 v12, v5  }
0x2a7: {  	v8 =	vadd.f32 v8, v9;
	v9 =	vadd.f32 v11, v15;
	v11 =	vmul.f32 v13, v5  }
0x2a8: {  	v12 =	vmul.f32 v13, v12  }
0x2a9: {  	v10 =	vadd.f32 v14, v10;
	v9 =	vadd.f32 v11, v9  }
0x2aa: {  	v11 =	vld [tilespmem:s13+$0x0]  }
0x2ab: {  	v8 =	vadd.f32 v12, v8;
	v9 =	vmul.f32 v9, v10;
	_ =	sdelay $0x1  }
0x2ac: {  	v8 =	vsub.f32 v8, v9;
	_ =	sdelay $0x1  }
0x2ad: {  	v8 =	vmul.f32 v8, v11;
	_ =	sdelay $0x1  }
0x2ae: {  	[tilespmem:s22+$0x0] =	vst v8  }
0x2af: {  	v8 =	vld [tilespmem:s23+$0x18550]  }
0x2b0: {  	v9 =	vld [tilespmem:s23+$0x18950]  }
0x2b1: {  	v10 =	vld [tilespmem:s23+$0x19D50]  }
0x2b2: {  	v11 =	vld [tilespmem:s23+$0x1A150]  }
0x2b3: {  	v12 =	vld [tilespmem:s23+$0x18D50]  }
0x2b4: {  	v13 =	vld [tilespmem:s23+$0x1A550]  }
0x2b5: {  	v15 =	vmul.f32 v8, v6;
	v14 =	vld [tilespmem:s13+$0x10];
	v16 =	vmul.f32 v9, v7  }
0x2b6: {  	v8 =	vmul.f32 v10, v8  }
0x2b7: {  	v10 =	vmul.f32 v10, v6;
	v15 =	vadd.f32 v16, v15;
	v16 =	vmul.f32 v11, v7  }
0x2b8: {  	v9 =	vmul.f32 v11, v9;
	v11 =	vmul.f32 v12, v5  }
0x2b9: {  	v10 =	vadd.f32 v16, v10;
	v16 =	vmul.f32 v13, v5  }
0x2ba: {  	v11 =	vadd.f32 v11, v15  }
0x2bb: {  	v8 =	vadd.f32 v9, v8;
	v9 =	vmul.f32 v13, v12;
	v10 =	vadd.f32 v16, v10;
	_ =	sdelay $0x1  }
0x2bc: {  	v8 =	vadd.f32 v9, v8;
	v9 =	vmul.f32 v10, v11;
	_ =	sdelay $0x1  }
0x2bd: {  	v8 =	vsub.f32 v8, v9;
	_ =	sdelay $0x1  }
0x2be: {  	v8 =	vmul.f32 v8, v14;
	_ =	sdelay $0x1  }
0x2bf: {  	[tilespmem:s22+$0x10] =	vst v8  }
0x2c0: {  	v9 =	vld [tilespmem:s23+$0x19D60]  }
0x2c1: {  	v10 =	vld [tilespmem:s23+$0x18960]  }
0x2c2: {  	v11 =	vld [tilespmem:s23+$0x18560]  }
0x2c3: {  	v12 =	vld [tilespmem:s23+$0x1A160]  }
0x2c4: {  	v13 =	vld [tilespmem:s23+$0x1A560]  }
0x2c5: {  	v14 =	vld [tilespmem:s23+$0x18D60]  }
0x2c6: {  	v8 =	vld [tilespmem:s13+$0x20];
	v15 =	vmul.f32 v10, v7  }
0x2c7: {  	v17 =	vmul.f32 v9, v6;
	v16 =	vmul.f32 v11, v6  }
0x2c8: {  	v10 =	vmul.f32 v12, v10;
	v12 =	vmul.f32 v12, v7  }
.Ltmp4:
0x2c9: {  	v9 =	vmul.f32 v9, v11;
	v15 =	vadd.f32 v15, v16;
	(pc) =	sbr.rel @p1 .LBB2_5-.Ltmp4, $4  }
0x2ca: {  	v16 =	vmul.f32 v14, v5;
	v11 =	vadd.f32 v12, v17;
	v12 =	vmul.f32 v13, v5  }
0x2cb: {  	v9 =	vadd.f32 v10, v9;
	v10 =	vmul.f32 v13, v14  }
0x2cc: {  	v11 =	vadd.f32 v12, v11  }
0x2cd: {  	s13 =	sadd.s32 $0x80, s13;
	v12 =	vadd.f32 v16, v15  }
0x2ce: {  	_ = 	snop  }
0x2cf: {  	v9 =	vadd.f32 v10, v9;
	v55 =	vmul.f32 v11, v12;
	_ =	sdelay $0x1  }
0x2d0: {  	v9 =	vsub.f32 v9, v55;
	_ =	sdelay $0x1  }
0x2d1: {  	v8 =	vmul.f32 v9, v8;
	_ =	sdelay $0x1  }
0x2d2: {  	[tilespmem:s24+$0x20] =	vst v8  }
0x2d3: {  	v8 =	vld [tilespmem:s23+$0x18570]  }
0x2d4: {  	v56 =	vld [tilespmem:s23+$0x18970]  }
0x2d5: {  	v57 =	vld [tilespmem:s23+$0x1A170]  }
0x2d6: {  	v58 =	vld [tilespmem:s23+$0x19D70]  }
0x2d7: {  	v59 =	vld [tilespmem:s23+$0x18D70]  }
0x2d8: {  	v13 =	vld [tilespmem:s23+$0x1A570]  }
0x2d9: {  	v14 =	vmul.f32 v8, v6  }
0x2da: {  	v15 =	vmul.f32 v56, v7;
	v7 =	vmul.f32 v57, v7  }
0x2db: {  	v6 =	vmul.f32 v58, v6;
	v9 =	vmul.f32 v57, v56  }
0x2dc: {  	v8 =	vmul.f32 v58, v8;
	v61 =	vmul.f32 v59, v5  }
0x2dd: {  	v5 =	vmul.f32 v13, v5;
	v60 =	vadd.f32 v15, v14;
	v6 =	vadd.f32 v7, v6  }
0x2de: {  	v7 =	vadd.f32 v9, v8  }
0x2df: {  	v63 =	vmul.f32 v13, v59;
	v62 =	vadd.f32 v61, v60;
	v5 =	vadd.f32 v5, v6  }
0x2e0: {  	v6 =	vld [tilespmem:s0+$0x30]  }
0x2e1: {  	v7 =	vadd.f32 v63, v7;
	v5 =	vmul.f32 v5, v62;
	_ =	sdelay $0x1  }
0x2e2: {  	v5 =	vsub.f32 v7, v5;
	_ =	sdelay $0x1  }
0x2e3: {  	v5 =	vmul.f32 v5, v6;
	_ =	sdelay $0x1  }
0x2e4: {  	[tilespmem:s24+$0x30] =	vst v5  }
0x2e5: {  	v5 =	vld [tilespmem:$0x14000]  }
0x2e6: {  	p1 =	seq.s32 s21, $0x138  }
.Ltmp5:
0x2e7: {  	_ = 	snop;
	(pc) =	sbr.rel @p1 .LBB2_8-.Ltmp5, $3  }
0x2e8: {  	_ =	sdelay $0x1  }
0x2e9: {  	s31 =	simm.s32 $0x1B500;
	[tilespmem:$0x1B500] =	vst v5  }
0x2ea: {  	[spmem:s4] =	stream.indirect.scatter.add.f32 [tilespmem:s16], [sflag:$0x7], $0x80, s31, s10, $0xb8;
	[tilespmem:$0x1F700] =	vst v63  }
0x2eb: {  	_ =	swait.ge [sflag:s18], $0x10  }
0x2ec: {  	[sflag:s18] =	ssyncset.done $0x0  }
0x2ed: {  	[sflag:s18] =	ssyncadd.s32 $0xFFFFFFF0  }
0x2ee: {  	_ =	swait.ge [sflag:s18], $0x10  }
0x2ef: {  	[sflag:s18] =	ssyncset.done $0x0  }
0x2f0: {  	[sflag:s18] =	ssyncadd.s32 $0xFFFFFFF0  }
0x2f1: {  	_ =	swait.ge [sflag:s18], $0x800  }
0x2f2: {  	[sflag:s18] =	ssyncset.done $0x0  }
0x2f3: {  	[sflag:s18] =	ssyncadd.s32 $0xFFFFF800  }
0x2f4: {  	_ =	swait.ge [sflag:s18], $0x800  }
0x2f5: {  	[sflag:s18] =	ssyncset.done $0x0  }
0x2f6: {  	[sflag:s18] =	ssyncadd.s32 $0xFFFFF800  }
0x2f7: {  	v5 =	vld [tilespmem:$0x16280];
	_ =	sdelay $0x4  }
0x2f8: {  	v5 =	vadd.s32 v0, v5  }
0x2f9: {  	[tilespmem:$0x18480] =	vst v5  }
0x2fa: {  	v5 =	vld [tilespmem:$0x18480];
	_ =	sdelay $0x4  }
0x2fb: {  	v6 =	vshrl.u32 v5, $0x3  }
0x2fc: {  	v6 =	vmul.u32 $0x18, v6  }
0x2fd: {  	v5 =	vand.u32 $0x7, v5  }
0x2fe: {  	v5 =	vor.u32 v5, v6  }
0x2ff: {  	v6 =	vld [tilespmem:$0x16200];
	v7 =	vperm.xlane v5, v2;
	_ =	sdelay $0x1  }
0x300: {  	v7 =	vadd.s32 v3, v7;
	_ =	sdelay $0x1  }
0x301: {  	v5 =	vperm.xlane v5, v4  }
0x302: {  	v6 =	vadd.s32 v0, v6  }
0x303: {  	s0 =	simm.s32 $0x18500;
	v5 =	vadd.s32 v3, v5;
	[tilespmem:$0x18400] =	vst v6  }
0x304: {  	[tilespmem:s0], [sflag:$0x5] =	stream.indirect_vreg.gather [hbm4b:s26+s5], $0x80, v7, vm0, $0xb8;
	[tilespmem:$0x1F700] =	vst v63  }
0x305: {  	s23 =	simm.s32 $0x18D00  }
0x306: {  	[tilespmem:s23], [sflag:$0x5] =	stream.indirect_vreg.gather [hbm4b:s28+s5], $0x80, v7, vm1, $0xb8;
	[tilespmem:$0x1F700] =	vst v63  }
0x307: {  	s24 =	simm.s32 $0x19100  }
0x308: {  	[tilespmem:s24], [sflag:$0x5] =	stream.indirect_vreg.gather [hbm4b:s26+s5], $0x80, v5, vm0, $0xb8;
	[tilespmem:$0x1F700] =	vst v63  }
0x309: {  	s29 =	simm.s32 $0x19900  }
0x30a: {  	[tilespmem:s29], [sflag:$0x5] =	stream.indirect_vreg.gather [hbm4b:s28+s5], $0x80, v5, vm1, $0xb8;
	[tilespmem:$0x1F700] =	vst v63  }
0x30b: {  	v5 =	vld [tilespmem:$0x18400];
	_ =	sdelay $0x4  }
0x30c: {  	v6 =	vshrl.u32 v5, $0x3  }
0x30d: {  	v6 =	vmul.u32 $0x18, v6  }
0x30e: {  	v5 =	vand.u32 $0x7, v5  }
0x30f: {  	v5 =	vor.u32 v5, v6  }
0x310: {  	v6 =	vperm.xlane v5, v2;
	_ =	sdelay $0x1  }
0x311: {  	v6 =	vadd.s32 v3, v6;
	_ =	sdelay $0x2  }
0x312: {  	v5 =	vperm.xlane v5, v4  }
0x313: {  	s31 =	simm.s32 $0x19D00  }
0x314: {  	v5 =	vadd.s32 v3, v5;
	[tilespmem:s31], [sflag:$0x5] =	stream.indirect_vreg.gather [hbm4b:s26+s5], $0x80, v6, vm0, $0xb8;
	[tilespmem:$0x1F700] =	vst v63  }
0x315: {  	s9 =	simm.s32 $0x1A500  }
0x316: {  	[tilespmem:s9], [sflag:$0x5] =	stream.indirect_vreg.gather [hbm4b:s28+s5], $0x80, v6, vm1, $0xb8;
	[tilespmem:$0x1F700] =	vst v63  }
0x317: {  	s14 =	sshll.u32 s21, $0x6;
	s9 =	rddreg [dreg:$0x16]  }
0x318: {  	s11 =	simm.s32 $0x1A900;
	s0 =	sadd.s32 s14, s9  }
0x319: {  	[tilespmem:s11], [sflag:$0x5] =	stream.indirect_vreg.gather [hbm4b:s26+s5], $0x80, v5, vm0, $0xb8;
	[tilespmem:$0x1F700] =	vst v63  }
0x31a: {  	s13 =	simm.s32 $0x1B100;
	s11 =	sshrl.u32 s0, $0x3  }
0x31b: {  	[tilespmem:s13], [sflag:$0x5] =	stream.indirect_vreg.gather [hbm4b:s28+s5], $0x80, v5, vm1, $0xb8;
	[tilespmem:$0x1F700] =	vst v63  }
0x31c: {  	s22 =	simm.s32 $0x14000;
	s23 =	simm.s32 $0x14080;
	s13 =	sadd.s32 s1, s11  }
0x31d: {  	[tilespmem:s22], [sflag:$0x1] =	stream.linear.gather [hbm4b:s13+s5], $0x10, $0x38;
	[tilespmem:$0x1F700] =	vst v63  }
0x31e: {  	s24 =	sshll.u32 s0, $0x4;
	s0 =	sadd.s32 s8, s0;
	s11 =	sadd.s32 s2, s11  }
0x31f: {  	[tilespmem:s23], [sflag:$0x1] =	stream.linear.gather [hbm4b:s11+s5], $0x10, $0x38;
	[tilespmem:$0x1F700] =	vst v63  }
0x320: {  	s29 =	simm.s32 $0x14100;
	s0 =	sshll.u32 s0, $0x4;
	s11 =	sadd.s32 s7, s24  }
0x321: {  	[tilespmem:s29], [sflag:$0x1] =	stream.linear.gather [hbm4b:s11+s5], $0x800, $0x38;
	[tilespmem:$0x1F700] =	vst v63  }
0x322: {  	s31 =	simm.s32 $0x14900;
	s0 =	sadd.s32 s6, s0  }
0x323: {  	[tilespmem:s31], [sflag:$0x1] =	stream.linear.gather [hbm4b:s0+s5], $0x800, $0x38;
	[tilespmem:$0x1F700] =	vst v63  }
.LBB2_8:
0x324: {  	_ =	swait.ge [sflag:s12], $0x1800  }
0x325: {  	[sflag:s12] =	ssyncset.done $0x0  }
0x326: {  	[sflag:s12] =	ssyncadd.s32 $0xFFFFE800  }
0x327: {  	_ =	swait.ge [sflag:s12], $0x1800  }
0x328: {  	[sflag:s12] =	ssyncset.done $0x0  }
0x329: {  	s0 =	simm.s32 @!p0 $0x8;
	[sflag:s12] =	ssyncadd.s32 $0xFFFFE800  }
0x32a: {  	_ =	swait.ge @!p0 [sflag:s0], $0x800  }
0x32b: {  	[sflag:s0] =	ssyncset.done @!p0 $0x0  }
0x32c: {  	s31 =	simm.s32 $0x15220;
	s11 =	simm.s32 $0x0;
	[sflag:s0] =	ssyncadd.s32 @!p0 $0xFFFFF800  }
0x32d: {  	s11 =	smul.u32 $0xC00, s11;
	s0 =	simm.s32 $0x0;
	v5 =	vld [tilespmem:s31+$0x0]  }
0x32e: {  	v6 =	vld [tilespmem:s31+$0xFFFFFFE0];
	s13 =	sand.u32 $0x380, s0  }
0x32f: {  	v7 =	vld [tilespmem:s31+$0xFFFFFFF0];
	s23 =	sor.u32 s13, s11  }
0x330: {  	v8 =	vld [tilespmem:s23+$0x1DA80]  }
0x331: {  	v9 =	vld [tilespmem:s23+$0x1D680]  }
0x332: {  	v10 =	vld [tilespmem:s23+$0x1C280]  }
0x333: {  	v11 =	vld [tilespmem:s23+$0x1BE80]  }
0x334: {  	v12 =	vld [tilespmem:s23+$0x1DE80]  }
0x335: {  	v13 =	vld [tilespmem:s23+$0x1C680]  }
0x336: {  	v14 =	vmul.f32 v8, v7  }
0x337: {  	v15 =	vmul.f32 v9, v6;
	v16 =	vmul.f32 v10, v7  }
0x338: {  	v17 =	vmul.f32 v11, v6;
	v9 =	vmul.f32 v9, v11  }
0x339: {  	v11 =	vmul.f32 v12, v5;
	v8 =	vmul.f32 v8, v10  }
0x33a: {  	v14 =	vadd.f32 v14, v15;
	v10 =	vadd.f32 v16, v17;
	v15 =	vmul.f32 v13, v5  }
0x33b: {  	v8 =	vadd.f32 v8, v9  }
0x33c: {  	s29 =	simm.s32 $0x15A40;
	v9 =	vmul.f32 v12, v13;
	v11 =	vadd.f32 v11, v14;
	v10 =	vadd.f32 v15, v10  }
0x33d: {  	v12 =	vld [tilespmem:s29+$0xFFFFFFC0]  }
0x33e: {  	v8 =	vadd.f32 v9, v8;
	v9 =	vmul.f32 v11, v10;
	_ =	sdelay $0x1  }
0x33f: {  	v8 =	vsub.f32 v8, v9;
	_ =	sdelay $0x1  }
0x340: {  	v8 =	vmul.f32 v8, v12  }
0x341: {  	s22 =	simm.s32 $0x1EF40  }
0x342: {  	[tilespmem:s22+$0xFFFFFFC0] =	vst v8  }
0x343: {  	v8 =	vld [tilespmem:s23+$0x1BE90]  }
0x344: {  	v9 =	vld [tilespmem:s23+$0x1C290]  }
0x345: {  	v10 =	vld [tilespmem:s23+$0x1D690]  }
0x346: {  	v11 =	vld [tilespmem:s23+$0x1DA90]  }
0x347: {  	v12 =	vld [tilespmem:s23+$0x1C690]  }
0x348: {  	v13 =	vld [tilespmem:s23+$0x1DE90]  }
0x349: {  	v14 =	vmul.f32 v8, v6  }
0x34a: {  	v15 =	vmul.f32 v9, v7;
	v51 =	vmul.f32 v10, v6  }
0x34b: {  	v52 =	vmul.f32 v11, v7;
	v8 =	vmul.f32 v10, v8  }
0x34c: {  	v9 =	vmul.f32 v11, v9;
	v11 =	vmul.f32 v12, v5  }
0x34d: {  	v10 =	vadd.f32 v15, v14;
	v14 =	vadd.f32 v52, v51;
	v15 =	vmul.f32 v13, v5  }
0x34e: {  	v8 =	vadd.f32 v9, v8  }
0x34f: {  	v9 =	vmul.f32 v13, v12;
	v10 =	vadd.f32 v11, v10;
	v11 =	vadd.f32 v15, v14  }
0x350: {  	v12 =	vld [tilespmem:s29+$0xFFFFFFD0]  }
0x351: {  	v8 =	vadd.f32 v9, v8;
	v9 =	vmul.f32 v11, v10;
	_ =	sdelay $0x1  }
0x352: {  	v8 =	vsub.f32 v8, v9;
	_ =	sdelay $0x1  }
0x353: {  	v8 =	vmul.f32 v8, v12;
	_ =	sdelay $0x1  }
0x354: {  	[tilespmem:s22+$0xFFFFFFD0] =	vst v8  }
0x355: {  	v8 =	vld [tilespmem:s23+$0x1C2A0]  }
0x356: {  	v9 =	vld [tilespmem:s23+$0x1DAA0]  }
0x357: {  	v10 =	vld [tilespmem:s23+$0x1D6A0]  }
0x358: {  	v11 =	vld [tilespmem:s23+$0x1BEA0]  }
0x359: {  	v12 =	vld [tilespmem:s23+$0x1DEA0]  }
0x35a: {  	v13 =	vld [tilespmem:s23+$0x1C6A0]  }
0x35b: {  	v14 =	vmul.f32 v8, v7  }
0x35c: {  	v15 =	vmul.f32 v9, v7;
	v53 =	vmul.f32 v10, v6  }
0x35d: {  	v8 =	vmul.f32 v9, v8;
	v9 =	vmul.f32 v11, v6  }
0x35e: {  	v54 =	vmul.f32 v12, v5;
	v10 =	vmul.f32 v10, v11  }
0x35f: {  	v11 =	vadd.f32 v15, v53;
	v9 =	vadd.f32 v14, v9;
	v14 =	vmul.f32 v13, v5  }
0x360: {  	v8 =	vadd.f32 v8, v10  }
0x361: {  	v10 =	vmul.f32 v12, v13;
	v11 =	vadd.f32 v54, v11;
	v9 =	vadd.f32 v14, v9  }
0x362: {  	v12 =	vld [tilespmem:s29+$0xFFFFFFE0]  }
0x363: {  	v8 =	vadd.f32 v10, v8;
	v9 =	vmul.f32 v11, v9;
	_ =	sdelay $0x1  }
0x364: {  	v8 =	vsub.f32 v8, v9;
	_ =	sdelay $0x1  }
0x365: {  	v8 =	vmul.f32 v8, v12;
	_ =	sdelay $0x1  }
0x366: {  	[tilespmem:s22+$0xFFFFFFE0] =	vst v8  }
0x367: {  	v8 =	vld [tilespmem:s23+$0x1D6B0]  }
0x368: {  	v9 =	vld [tilespmem:s23+$0x1C2B0]  }
0x369: {  	v10 =	vld [tilespmem:s23+$0x1DAB0]  }
0x36a: {  	v11 =	vld [tilespmem:s23+$0x1BEB0]  }
0x36b: {  	v12 =	vld [tilespmem:s23+$0x1DEB0]  }
0x36c: {  	v13 =	vld [tilespmem:s23+$0x1C6B0]  }
0x36d: {  	v14 =	vmul.f32 v8, v6  }
0x36e: {  	v15 =	vmul.f32 v10, v7;
	v55 =	vmul.f32 v9, v7  }
0x36f: {  	v56 =	vmul.f32 v11, v6;
	v8 =	vmul.f32 v8, v11  }
0x370: {  	v9 =	vmul.f32 v10, v9;
	v11 =	vmul.f32 v12, v5  }
0x371: {  	v10 =	vadd.f32 v15, v14;
	v14 =	vadd.f32 v55, v56;
	v15 =	vmul.f32 v13, v5  }
0x372: {  	v8 =	vadd.f32 v9, v8  }
0x373: {  	v9 =	vmul.f32 v12, v13;
	v10 =	vadd.f32 v11, v10;
	v11 =	vadd.f32 v15, v14  }
0x374: {  	v12 =	vld [tilespmem:s29+$0xFFFFFFF0]  }
0x375: {  	v8 =	vadd.f32 v9, v8;
	v9 =	vmul.f32 v10, v11;
	_ =	sdelay $0x1  }
0x376: {  	v8 =	vsub.f32 v8, v9;
	_ =	sdelay $0x1  }
0x377: {  	v8 =	vmul.f32 v8, v12;
	_ =	sdelay $0x1  }
0x378: {  	[tilespmem:s22+$0xFFFFFFF0] =	vst v8  }
0x379: {  	v8 =	vld [tilespmem:s23+$0x1C2C0]  }
0x37a: {  	v9 =	vld [tilespmem:s23+$0x1D6C0]  }
0x37b: {  	v10 =	vld [tilespmem:s23+$0x1BEC0]  }
0x37c: {  	v11 =	vld [tilespmem:s23+$0x1DAC0]  }
0x37d: {  	v12 =	vld [tilespmem:s23+$0x1C6C0]  }
0x37e: {  	v13 =	vld [tilespmem:s23+$0x1DEC0]  }
0x37f: {  	v14 =	vmul.f32 v8, v7  }
0x380: {  	v15 =	vmul.f32 v10, v6;
	v57 =	vmul.f32 v9, v6  }
0x381: {  	v58 =	vmul.f32 v11, v7;
	v9 =	vmul.f32 v9, v10  }
0x382: {  	v8 =	vmul.f32 v11, v8;
	v11 =	vmul.f32 v12, v5  }
0x383: {  	v10 =	vadd.f32 v14, v15;
	v14 =	vadd.f32 v58, v57;
	v15 =	vmul.f32 v13, v5  }
0x384: {  	v8 =	vadd.f32 v8, v9  }
0x385: {  	v9 =	vmul.f32 v13, v12;
	v10 =	vadd.f32 v11, v10;
	v11 =	vadd.f32 v15, v14  }
0x386: {  	v12 =	vld [tilespmem:s29+$0x0]  }
0x387: {  	v8 =	vadd.f32 v9, v8;
	v9 =	vmul.f32 v11, v10;
	_ =	sdelay $0x1  }
0x388: {  	v8 =	vsub.f32 v8, v9;
	_ =	sdelay $0x1  }
0x389: {  	v8 =	vmul.f32 v8, v12;
	_ =	sdelay $0x1  }
0x38a: {  	[tilespmem:s22+$0x0] =	vst v8  }
0x38b: {  	v8 =	vld [tilespmem:s23+$0x1BED0]  }
0x38c: {  	v9 =	vld [tilespmem:s23+$0x1C2D0]  }
0x38d: {  	v10 =	vld [tilespmem:s23+$0x1D6D0]  }
0x38e: {  	v11 =	vld [tilespmem:s23+$0x1DAD0]  }
0x38f: {  	v12 =	vld [tilespmem:s23+$0x1C6D0]  }
0x390: {  	v13 =	vld [tilespmem:s23+$0x1DED0];
	_ =	sdelay $0x1  }
0x391: {  	v14 =	vmul.f32 v8, v6;
	v15 =	vmul.f32 v9, v7  }
0x392: {  	v59 =	vmul.f32 v10, v6;
	v60 =	vmul.f32 v11, v7  }
0x393: {  	v8 =	vmul.f32 v10, v8;
	v9 =	vmul.f32 v11, v9;
	v10 =	vadd.f32 v15, v14  }
0x394: {  	v14 =	vmul.f32 v12, v5;
	v11 =	vadd.f32 v60, v59;
	v15 =	vmul.f32 v13, v5  }
0x395: {  	v8 =	vadd.f32 v9, v8  }
0x396: {  	v9 =	vmul.f32 v13, v12;
	v10 =	vadd.f32 v14, v10;
	v11 =	vadd.f32 v15, v11  }
0x397: {  	v12 =	vld [tilespmem:s29+$0x10]  }
0x398: {  	v8 =	vadd.f32 v9, v8;
	v9 =	vmul.f32 v11, v10;
	_ =	sdelay $0x1  }
0x399: {  	v8 =	vsub.f32 v8, v9;
	_ =	sdelay $0x1  }
0x39a: {  	v8 =	vmul.f32 v8, v12;
	_ =	sdelay $0x1  }
0x39b: {  	[tilespmem:s22+$0x10] =	vst v8  }
0x39c: {  	v8 =	vld [tilespmem:s23+$0x1D6E0]  }
0x39d: {  	v9 =	vld [tilespmem:s23+$0x1C2E0]  }
0x39e: {  	v10 =	vld [tilespmem:s23+$0x1BEE0]  }
0x39f: {  	v11 =	vld [tilespmem:s23+$0x1DAE0]  }
0x3a0: {  	v12 =	vld [tilespmem:s23+$0x1DEE0]  }
0x3a1: {  	v13 =	vld [tilespmem:s23+$0x1C6E0]  }
0x3a2: {  	v14 =	vmul.f32 v9, v7  }
0x3a3: {  	v15 =	vmul.f32 v10, v6;
	v61 =	vmul.f32 v8, v6  }
0x3a4: {  	v62 =	vmul.f32 v11, v7;
	v9 =	vmul.f32 v11, v9  }
0x3a5: {  	v8 =	vmul.f32 v8, v10;
	v63 =	vmul.f32 v12, v5  }
0x3a6: {  	v14 =	vadd.f32 v14, v15;
	v15 =	vmul.f32 v13, v5;
	v11 =	vadd.f32 v62, v61  }
0x3a7: {  	v9 =	vadd.f32 v9, v8  }
0x3a8: {  	s24 =	simm.s32 $0x1EF40;
	s11 =	simm.s32 $0x1;
	s13 =	simm.s32 $0x15AC0;
	v10 =	vmul.f32 v12, v13;
	v8 =	vld [tilespmem:s29+$0x20];
	v11 =	vadd.f32 v63, v11;
	v12 =	vadd.f32 v15, v14  }
.LBB2_9:
0x3a9: {  	s0 =	sadd.s32 $0x80, s0;
	s31 =	sadd.s32 $0x80, s31;
	s22 =	sadd.s32 $0x80, s22  }
0x3aa: {  	p0 =	sne.s32 s11, $0xF;
	v9 =	vadd.f32 v10, v9;
	s14 =	smov.u32 s11;
	s11 =	sadd.s32 $0x1, s11;
	v10 =	vmul.f32 v11, v12  }
0x3ab: {  	_ = 	snop  }
0x3ac: {  	v9 =	vsub.f32 v9, v10;
	_ =	sdelay $0x1  }
0x3ad: {  	v8 =	vmul.f32 v9, v8;
	_ =	sdelay $0x1  }
0x3ae: {  	[tilespmem:s24+$0x20] =	vst v8  }
0x3af: {  	v8 =	vld [tilespmem:s23+$0x1BEF0]  }
0x3b0: {  	v9 =	vld [tilespmem:s23+$0x1C2F0]  }
0x3b1: {  	v10 =	vld [tilespmem:s23+$0x1DAF0]  }
0x3b2: {  	v11 =	vld [tilespmem:s23+$0x1D6F0]  }
0x3b3: {  	v12 =	vld [tilespmem:s23+$0x1C6F0]  }
0x3b4: {  	v13 =	vld [tilespmem:s23+$0x1DEF0]  }
0x3b5: {  	v15 =	vmul.f32 v8, v6;
	v14 =	vld [tilespmem:s29+$0x30];
	v16 =	vmul.f32 v9, v7;
	s29 =	smov.u32 s13  }
0x3b6: {  	v9 =	vmul.f32 v10, v9;
	v7 =	vmul.f32 v10, v7  }
0x3b7: {  	v8 =	vmul.f32 v11, v8;
	v10 =	vadd.f32 v16, v15;
	v6 =	vmul.f32 v11, v6  }
0x3b8: {  	v11 =	vmul.f32 v12, v5  }
0x3b9: {  	v8 =	vadd.f32 v9, v8;
	v6 =	vadd.f32 v7, v6;
	v5 =	vmul.f32 v13, v5  }
0x3ba: {  	v7 =	vadd.f32 v11, v10  }
0x3bb: {  	v9 =	vmul.f32 v13, v12;
	v5 =	vadd.f32 v5, v6;
	_ =	sdelay $0x1  }
0x3bc: {  	v6 =	vadd.f32 v9, v8;
	v5 =	vmul.f32 v5, v7;
	_ =	sdelay $0x1  }
0x3bd: {  	v5 =	vsub.f32 v6, v5;
	_ =	sdelay $0x1  }
0x3be: {  	v5 =	vmul.f32 v5, v14;
	_ =	sdelay $0x1  }
0x3bf: {  	s14 =	sshrl.u32 s14, $0x3;
	[tilespmem:s24+$0x30] =	vst v5;
	s24 =	smov.u32 s22  }
0x3c0: {  	s14 =	smul.u32 $0xC00, s14;
	v5 =	vld [tilespmem:s31+$0x0]  }
0x3c1: {  	s23 =	sand.u32 $0x380, s0;
	v6 =	vld [tilespmem:s31+$0xFFFFFFE0]  }
0x3c2: {  	s23 =	sor.u32 s23, s14;
	v7 =	vld [tilespmem:s31+$0xFFFFFFF0]  }
0x3c3: {  	v8 =	vld [tilespmem:s23+$0x1DE80]  }
0x3c4: {  	v9 =	vld [tilespmem:s23+$0x1DA80]  }
0x3c5: {  	v10 =	vld [tilespmem:s23+$0x1D680]  }
0x3c6: {  	v11 =	vld [tilespmem:s23+$0x1C280]  }
0x3c7: {  	v12 =	vld [tilespmem:s23+$0x1BE80];
	_ =	sdelay $0x1  }
0x3c8: {  	v13 =	vld [tilespmem:s23+$0x1C680];
	v14 =	vmul.f32 v9, v7  }
0x3c9: {  	v15 =	vmul.f32 v10, v6  }
0x3ca: {  	v17 =	vmul.f32 v8, v5;
	v16 =	vmul.f32 v11, v7  }
0x3cb: {  	v10 =	vmul.f32 v10, v12;
	v12 =	vmul.f32 v12, v6;
	v14 =	vadd.f32 v14, v15  }
0x3cc: {  	v9 =	vmul.f32 v9, v11  }
0x3cd: {  	v11 =	vadd.f32 v16, v12;
	v12 =	vmul.f32 v13, v5;
	v14 =	vadd.f32 v17, v14  }
0x3ce: {  	v9 =	vadd.f32 v9, v10;
	v8 =	vmul.f32 v8, v13  }
0x3cf: {  	v10 =	vadd.f32 v12, v11  }
0x3d0: {  	v11 =	vld [tilespmem:s13+$0xFFFFFFC0]  }
0x3d1: {  	v8 =	vadd.f32 v8, v9;
	v9 =	vmul.f32 v14, v10;
	_ =	sdelay $0x1  }
0x3d2: {  	v8 =	vsub.f32 v8, v9;
	_ =	sdelay $0x1  }
0x3d3: {  	v8 =	vmul.f32 v8, v11;
	_ =	sdelay $0x1  }
0x3d4: {  	[tilespmem:s22+$0xFFFFFFC0] =	vst v8  }
0x3d5: {  	v8 =	vld [tilespmem:s23+$0x1BE90]  }
0x3d6: {  	v9 =	vld [tilespmem:s23+$0x1C290]  }
0x3d7: {  	v10 =	vld [tilespmem:s23+$0x1D690]  }
0x3d8: {  	v11 =	vld [tilespmem:s23+$0x1DA90]  }
0x3d9: {  	v12 =	vld [tilespmem:s23+$0x1C690]  }
0x3da: {  	v13 =	vld [tilespmem:s23+$0x1DE90]  }
0x3db: {  	v14 =	vmul.f32 v8, v6;
	v15 =	vmul.f32 v9, v7  }
0x3dc: {  	v8 =	vmul.f32 v10, v8  }
0x3dd: {  	v10 =	vmul.f32 v10, v6;
	v14 =	vadd.f32 v15, v14;
	v15 =	vmul.f32 v11, v7  }
0x3de: {  	v9 =	vmul.f32 v11, v9  }
0x3df: {  	v11 =	vmul.f32 v12, v5;
	v10 =	vadd.f32 v15, v10;
	v15 =	vmul.f32 v13, v5  }
0x3e0: {  	v8 =	vadd.f32 v9, v8;
	v9 =	vmul.f32 v13, v12  }
0x3e1: {  	v11 =	vadd.f32 v11, v14;
	v10 =	vadd.f32 v15, v10  }
0x3e2: {  	v12 =	vld [tilespmem:s13+$0xFFFFFFD0]  }
0x3e3: {  	v8 =	vadd.f32 v9, v8;
	v9 =	vmul.f32 v10, v11;
	_ =	sdelay $0x1  }
0x3e4: {  	v8 =	vsub.f32 v8, v9;
	_ =	sdelay $0x1  }
0x3e5: {  	v8 =	vmul.f32 v8, v12;
	_ =	sdelay $0x1  }
0x3e6: {  	[tilespmem:s22+$0xFFFFFFD0] =	vst v8  }
0x3e7: {  	v8 =	vld [tilespmem:s23+$0x1DEA0]  }
0x3e8: {  	v9 =	vld [tilespmem:s23+$0x1C2A0]  }
0x3e9: {  	v10 =	vld [tilespmem:s23+$0x1DAA0]  }
0x3ea: {  	v11 =	vld [tilespmem:s23+$0x1D6A0]  }
0x3eb: {  	v12 =	vld [tilespmem:s23+$0x1BEA0]  }
0x3ec: {  	v13 =	vld [tilespmem:s23+$0x1C6A0];
	_ =	sdelay $0x1  }
0x3ed: {  	v14 =	vmul.f32 v9, v7;
	v15 =	vmul.f32 v10, v7  }
0x3ee: {  	v17 =	vmul.f32 v8, v5;
	v16 =	vmul.f32 v11, v6  }
0x3ef: {  	v9 =	vmul.f32 v10, v9;
	v10 =	vmul.f32 v12, v6  }
0x3f0: {  	v11 =	vmul.f32 v11, v12;
	v8 =	vmul.f32 v8, v13;
	v12 =	vadd.f32 v15, v16  }
0x3f1: {  	v13 =	vmul.f32 v13, v5;
	v10 =	vadd.f32 v14, v10  }
0x3f2: {  	v9 =	vadd.f32 v9, v11;
	v11 =	vadd.f32 v17, v12  }
0x3f3: {  	v10 =	vadd.f32 v13, v10  }
0x3f4: {  	v12 =	vld [tilespmem:s13+$0xFFFFFFE0]  }
0x3f5: {  	v8 =	vadd.f32 v8, v9;
	v9 =	vmul.f32 v11, v10;
	_ =	sdelay $0x1  }
0x3f6: {  	v8 =	vsub.f32 v8, v9;
	_ =	sdelay $0x1  }
0x3f7: {  	v8 =	vmul.f32 v8, v12;
	_ =	sdelay $0x1  }
0x3f8: {  	[tilespmem:s22+$0xFFFFFFE0] =	vst v8  }
0x3f9: {  	v8 =	vld [tilespmem:s23+$0x1D6B0]  }
0x3fa: {  	v9 =	vld [tilespmem:s23+$0x1C2B0]  }
0x3fb: {  	v10 =	vld [tilespmem:s23+$0x1BEB0]  }
0x3fc: {  	v11 =	vld [tilespmem:s23+$0x1DAB0]  }
0x3fd: {  	v12 =	vld [tilespmem:s23+$0x1DEB0]  }
0x3fe: {  	v13 =	vld [tilespmem:s23+$0x1C6B0]  }
0x3ff: {  	v14 =	vmul.f32 v9, v7  }
0x400: {  	v15 =	vmul.f32 v8, v10;
	v8 =	vmul.f32 v8, v6  }
0x401: {  	v9 =	vmul.f32 v11, v9;
	v11 =	vmul.f32 v11, v7  }
0x402: {  	v10 =	vmul.f32 v10, v6  }
0x403: {  	v9 =	vadd.f32 v9, v15;
	v8 =	vadd.f32 v11, v8;
	v11 =	vmul.f32 v12, v5  }
0x404: {  	v10 =	vadd.f32 v14, v10;
	v14 =	vmul.f32 v13, v5  }
0x405: {  	v12 =	vmul.f32 v12, v13;
	v8 =	vadd.f32 v11, v8  }
0x406: {  	v10 =	vadd.f32 v14, v10  }
0x407: {  	v9 =	vadd.f32 v12, v9;
	v11 =	vld [tilespmem:s13+$0xFFFFFFF0]  }
0x408: {  	v8 =	vmul.f32 v8, v10;
	_ =	sdelay $0x1  }
0x409: {  	v8 =	vsub.f32 v9, v8;
	_ =	sdelay $0x1  }
0x40a: {  	v8 =	vmul.f32 v8, v11;
	_ =	sdelay $0x1  }
0x40b: {  	[tilespmem:s22+$0xFFFFFFF0] =	vst v8  }
0x40c: {  	v8 =	vld [tilespmem:s23+$0x1C2C0]  }
0x40d: {  	v9 =	vld [tilespmem:s23+$0x1D6C0]  }
0x40e: {  	v10 =	vld [tilespmem:s23+$0x1BEC0]  }
0x40f: {  	v11 =	vld [tilespmem:s23+$0x1DAC0]  }
0x410: {  	v12 =	vld [tilespmem:s23+$0x1C6C0]  }
0x411: {  	v13 =	vld [tilespmem:s23+$0x1DEC0]  }
0x412: {  	v14 =	vmul.f32 v8, v7;
	v15 =	vmul.f32 v9, v6  }
0x413: {  	v9 =	vmul.f32 v9, v10;
	v10 =	vmul.f32 v10, v6  }
0x414: {  	v8 =	vmul.f32 v11, v8;
	v11 =	vmul.f32 v11, v7  }
0x415: {  	v10 =	vadd.f32 v14, v10;
	v14 =	vmul.f32 v12, v5  }
0x416: {  	v8 =	vadd.f32 v8, v9;
	v9 =	vadd.f32 v11, v15;
	v11 =	vmul.f32 v13, v5  }
0x417: {  	v12 =	vmul.f32 v13, v12  }
0x418: {  	v10 =	vadd.f32 v14, v10;
	v9 =	vadd.f32 v11, v9  }
0x419: {  	v11 =	vld [tilespmem:s13+$0x0]  }
0x41a: {  	v8 =	vadd.f32 v12, v8;
	v9 =	vmul.f32 v9, v10;
	_ =	sdelay $0x1  }
0x41b: {  	v8 =	vsub.f32 v8, v9;
	_ =	sdelay $0x1  }
0x41c: {  	v8 =	vmul.f32 v8, v11;
	_ =	sdelay $0x1  }
0x41d: {  	[tilespmem:s22+$0x0] =	vst v8  }
0x41e: {  	v8 =	vld [tilespmem:s23+$0x1BED0]  }
0x41f: {  	v9 =	vld [tilespmem:s23+$0x1C2D0]  }
0x420: {  	v10 =	vld [tilespmem:s23+$0x1D6D0]  }
0x421: {  	v11 =	vld [tilespmem:s23+$0x1DAD0]  }
0x422: {  	v12 =	vld [tilespmem:s23+$0x1C6D0]  }
0x423: {  	v13 =	vld [tilespmem:s23+$0x1DED0]  }
0x424: {  	v15 =	vmul.f32 v8, v6;
	v14 =	vld [tilespmem:s13+$0x10];
	v16 =	vmul.f32 v9, v7  }
0x425: {  	v8 =	vmul.f32 v10, v8  }
0x426: {  	v10 =	vmul.f32 v10, v6;
	v15 =	vadd.f32 v16, v15;
	v16 =	vmul.f32 v11, v7  }
0x427: {  	v9 =	vmul.f32 v11, v9;
	v11 =	vmul.f32 v12, v5  }
0x428: {  	v10 =	vadd.f32 v16, v10;
	v16 =	vmul.f32 v13, v5  }
0x429: {  	v11 =	vadd.f32 v11, v15  }
0x42a: {  	v8 =	vadd.f32 v9, v8;
	v9 =	vmul.f32 v13, v12;
	v10 =	vadd.f32 v16, v10;
	_ =	sdelay $0x1  }
0x42b: {  	v8 =	vadd.f32 v9, v8;
	v9 =	vmul.f32 v10, v11;
	_ =	sdelay $0x1  }
0x42c: {  	v8 =	vsub.f32 v8, v9;
	_ =	sdelay $0x1  }
0x42d: {  	v8 =	vmul.f32 v8, v14;
	_ =	sdelay $0x1  }
0x42e: {  	[tilespmem:s22+$0x10] =	vst v8  }
0x42f: {  	v9 =	vld [tilespmem:s23+$0x1D6E0]  }
0x430: {  	v10 =	vld [tilespmem:s23+$0x1C2E0]  }
0x431: {  	v11 =	vld [tilespmem:s23+$0x1BEE0]  }
0x432: {  	v12 =	vld [tilespmem:s23+$0x1DAE0]  }
0x433: {  	v13 =	vld [tilespmem:s23+$0x1DEE0]  }
0x434: {  	v14 =	vld [tilespmem:s23+$0x1C6E0]  }
0x435: {  	v8 =	vld [tilespmem:s13+$0x20];
	v15 =	vmul.f32 v10, v7  }
0x436: {  	v17 =	vmul.f32 v9, v6;
	v16 =	vmul.f32 v11, v6  }
0x437: {  	v10 =	vmul.f32 v12, v10;
	v12 =	vmul.f32 v12, v7  }
.Ltmp6:
0x438: {  	v9 =	vmul.f32 v9, v11;
	v15 =	vadd.f32 v15, v16;
	(pc) =	sbr.rel @p0 .LBB2_9-.Ltmp6, $4  }
0x439: {  	v16 =	vmul.f32 v14, v5;
	v11 =	vadd.f32 v12, v17;
	v12 =	vmul.f32 v13, v5  }
0x43a: {  	v9 =	vadd.f32 v10, v9;
	v10 =	vmul.f32 v13, v14  }
0x43b: {  	v11 =	vadd.f32 v12, v11  }
0x43c: {  	s13 =	sadd.s32 $0x80, s13;
	v12 =	vadd.f32 v16, v15  }
0x43d: {  	_ = 	snop  }
0x43e: {  	v9 =	vadd.f32 v10, v9;
	v55 =	vmul.f32 v11, v12;
	_ =	sdelay $0x1  }
0x43f: {  	v9 =	vsub.f32 v9, v55;
	_ =	sdelay $0x1  }
0x440: {  	v8 =	vmul.f32 v9, v8;
	_ =	sdelay $0x1  }
0x441: {  	[tilespmem:s24+$0x20] =	vst v8  }
0x442: {  	v8 =	vld [tilespmem:s23+$0x1BEF0]  }
0x443: {  	v56 =	vld [tilespmem:s23+$0x1C2F0]  }
0x444: {  	v57 =	vld [tilespmem:s23+$0x1DAF0]  }
0x445: {  	v58 =	vld [tilespmem:s23+$0x1D6F0]  }
0x446: {  	v59 =	vld [tilespmem:s23+$0x1C6F0]  }
0x447: {  	v13 =	vld [tilespmem:s23+$0x1DEF0]  }
0x448: {  	v14 =	vmul.f32 v8, v6  }
0x449: {  	v15 =	vmul.f32 v56, v7;
	v7 =	vmul.f32 v57, v7  }
0x44a: {  	v6 =	vmul.f32 v58, v6;
	v9 =	vmul.f32 v57, v56  }
0x44b: {  	v8 =	vmul.f32 v58, v8;
	v61 =	vmul.f32 v59, v5  }
0x44c: {  	v5 =	vmul.f32 v13, v5;
	v60 =	vadd.f32 v15, v14;
	v6 =	vadd.f32 v7, v6  }
0x44d: {  	v7 =	vadd.f32 v9, v8  }
0x44e: {  	v63 =	vmul.f32 v13, v59;
	v62 =	vadd.f32 v61, v60;
	v5 =	vadd.f32 v5, v6  }
0x44f: {  	v6 =	vld [tilespmem:s29+$0x30]  }
0x450: {  	v7 =	vadd.f32 v63, v7;
	v5 =	vmul.f32 v5, v62;
	_ =	sdelay $0x1  }
0x451: {  	v5 =	vsub.f32 v7, v5;
	_ =	sdelay $0x1  }
0x452: {  	v5 =	vmul.f32 v5, v6;
	_ =	sdelay $0x1  }
0x453: {  	[tilespmem:s24+$0x30] =	vst v5  }
0x454: {  	v5 =	vld [tilespmem:$0x15100]  }
0x455: {  	p0 =	sgt.u32 s21, $0x137  }
.Ltmp7:
0x456: {  	_ = 	snop;
	(pc) =	sbr.rel @p0 .LBB2_12-.Ltmp7, $3  }
0x457: {  	_ =	sdelay $0x1  }
0x458: {  	s0 =	simm.s32 $0x1EE80;
	s9 =	simm.s32 $0x1EF00;
	[tilespmem:$0x1EE80] =	vst v5  }
0x459: {  	[spmem:s4] =	stream.indirect.scatter.add.f32 [tilespmem:s9], [sflag:$0x8], $0x80, s0, s10, $0xb8;
	[tilespmem:$0x1F700] =	vst v63  }
0x45a: {  	_ =	swait.ge [sflag:s15], $0x10  }
0x45b: {  	[sflag:s15] =	ssyncset.done $0x0  }
0x45c: {  	[sflag:s15] =	ssyncadd.s32 $0xFFFFFFF0  }
0x45d: {  	_ =	swait.ge [sflag:s15], $0x10  }
0x45e: {  	[sflag:s15] =	ssyncset.done $0x0  }
0x45f: {  	[sflag:s15] =	ssyncadd.s32 $0xFFFFFFF0  }
0x460: {  	_ =	swait.ge [sflag:s15], $0x800  }
0x461: {  	[sflag:s15] =	ssyncset.done $0x0  }
0x462: {  	[sflag:s15] =	ssyncadd.s32 $0xFFFFF800  }
0x463: {  	_ =	swait.ge [sflag:s15], $0x800  }
0x464: {  	[sflag:s15] =	ssyncset.done $0x0  }
0x465: {  	[sflag:s15] =	ssyncadd.s32 $0xFFFFF800  }
0x466: {  	v5 =	vld [tilespmem:$0x17380];
	_ =	sdelay $0x4  }
0x467: {  	v5 =	vadd.s32 v0, v5  }
0x468: {  	[tilespmem:$0x1BE00] =	vst v5  }
0x469: {  	v5 =	vld [tilespmem:$0x1BE00];
	_ =	sdelay $0x4  }
0x46a: {  	v6 =	vshrl.u32 v5, $0x3  }
0x46b: {  	v6 =	vmul.u32 $0x18, v6  }
0x46c: {  	v5 =	vand.u32 $0x7, v5  }
0x46d: {  	v5 =	vor.u32 v5, v6  }
0x46e: {  	v6 =	vld [tilespmem:$0x17300];
	v7 =	vperm.xlane v5, v2;
	_ =	sdelay $0x1  }
0x46f: {  	v7 =	vadd.s32 v3, v7;
	_ =	sdelay $0x1  }
0x470: {  	v5 =	vperm.xlane v5, v4  }
0x471: {  	v6 =	vadd.s32 v0, v6  }
0x472: {  	s0 =	simm.s32 $0x1BE80;
	v5 =	vadd.s32 v3, v5;
	[tilespmem:$0x1BD80] =	vst v6  }
0x473: {  	[tilespmem:s0], [sflag:$0x6] =	stream.indirect_vreg.gather [hbm4b:s26+s5], $0x80, v7, vm0, $0xb8;
	[tilespmem:$0x1F700] =	vst v63  }
0x474: {  	s13 =	simm.s32 $0x1C680  }
0x475: {  	[tilespmem:s13], [sflag:$0x6] =	stream.indirect_vreg.gather [hbm4b:s28+s5], $0x80, v7, vm1, $0xb8;
	[tilespmem:$0x1F700] =	vst v63  }
0x476: {  	s14 =	simm.s32 $0x1CA80  }
0x477: {  	[tilespmem:s14], [sflag:$0x6] =	stream.indirect_vreg.gather [hbm4b:s26+s5], $0x80, v5, vm0, $0xb8;
	[tilespmem:$0x1F700] =	vst v63  }
0x478: {  	s22 =	simm.s32 $0x1D280  }
0x479: {  	[tilespmem:s22], [sflag:$0x6] =	stream.indirect_vreg.gather [hbm4b:s28+s5], $0x80, v5, vm1, $0xb8;
	[tilespmem:$0x1F700] =	vst v63  }
0x47a: {  	v5 =	vld [tilespmem:$0x1BD80];
	_ =	sdelay $0x4  }
0x47b: {  	v6 =	vshrl.u32 v5, $0x3  }
0x47c: {  	v6 =	vmul.u32 $0x18, v6  }
0x47d: {  	v5 =	vand.u32 $0x7, v5  }
0x47e: {  	v5 =	vor.u32 v5, v6  }
0x47f: {  	v6 =	vperm.xlane v5, v2;
	_ =	sdelay $0x1  }
0x480: {  	v6 =	vadd.s32 v3, v6;
	_ =	sdelay $0x2  }
0x481: {  	v5 =	vperm.xlane v5, v4  }
0x482: {  	s23 =	simm.s32 $0x1D680  }
0x483: {  	v5 =	vadd.s32 v3, v5;
	[tilespmem:s23], [sflag:$0x6] =	stream.indirect_vreg.gather [hbm4b:s26+s5], $0x80, v6, vm0, $0xb8;
	[tilespmem:$0x1F700] =	vst v63  }
0x484: {  	s24 =	simm.s32 $0x1DE80  }
0x485: {  	[tilespmem:s24], [sflag:$0x6] =	stream.indirect_vreg.gather [hbm4b:s28+s5], $0x80, v6, vm1, $0xb8;
	[tilespmem:$0x1F700] =	vst v63  }
.Ltmp8:
0x486: {  	_ = 	snop;
	(pc) =	sbr.rel .LBB2_13-.Ltmp8, $4  }
0x487: {  	s29 =	simm.s32 $0x1E280  }
0x488: {  	[tilespmem:s29], [sflag:$0x6] =	stream.indirect_vreg.gather [hbm4b:s26+s5], $0x80, v5, vm0, $0xb8;
	[tilespmem:$0x1F700] =	vst v63  }
0x489: {  	s31 =	simm.s32 $0x1EA80  }
0x48a: {  	[tilespmem:s31], [sflag:$0x6] =	stream.indirect_vreg.gather [hbm4b:s28+s5], $0x80, v5, vm1, $0xb8;
	[tilespmem:$0x1F700] =	vst v63  }
.LBB2_12:
.Ltmp9:
0x48b: {  	(pc) =	sbr.rel @p1 .LBB2_20-.Ltmp9, $1  }
0x48c: {  	_ =	sdelay $0x3  }
.LBB2_13:
0x48d: {  	s31 =	sshll.u32 s21, $0x6  }
0x48e: {  	s0 =	sadd.s32 s31, s30  }
0x48f: {  	s11 =	sshrl.u32 s0, $0x3  }
0x490: {  	s9 =	simm.s32 $0x15100;
	s13 =	sadd.s32 s1, s11  }
0x491: {  	[tilespmem:s9], [sflag:$0x2] =	stream.linear.gather [hbm4b:s13+s5], $0x10, $0x38;
	[tilespmem:$0x1F700] =	vst v63  }
0x492: {  	s22 =	simm.s32 $0x15180;
	s11 =	sadd.s32 s2, s11  }
0x493: {  	[tilespmem:s22], [sflag:$0x2] =	stream.linear.gather [hbm4b:s11+s5], $0x10, $0x38;
	[tilespmem:$0x1F700] =	vst v63  }
.Ltmp10:
0x494: {  	s23 =	sshll.u32 s0, $0x4;
	s0 =	sadd.s32 s8, s0;
	(pc) =	sbr.rel @p0 .LBB2_19-.Ltmp10, $4  }
0x495: {  	s24 =	simm.s32 $0x15200;
	s0 =	sshll.u32 s0, $0x4;
	s11 =	sadd.s32 s7, s23  }
0x496: {  	[tilespmem:s24], [sflag:$0x2] =	stream.linear.gather [hbm4b:s11+s5], $0x800, $0x38;
	[tilespmem:$0x1F700] =	vst v63  }
0x497: {  	s29 =	simm.s32 $0x15A00;
	s0 =	sadd.s32 s6, s0  }
0x498: {  	[tilespmem:s29], [sflag:$0x2] =	stream.linear.gather [hbm4b:s0+s5], $0x800, $0x38;
	[tilespmem:$0x1F700] =	vst v63  }
0x499: {  	_ =	swait.ge [sflag:s25], $0x1800  }
0x49a: {  	[sflag:s25] =	ssyncset.done $0x0  }
0x49b: {  	[sflag:s25] =	ssyncadd.s32 $0xFFFFE800  }
0x49c: {  	_ =	swait.ge [sflag:s25], $0x1800  }
0x49d: {  	[sflag:s25] =	ssyncset.done $0x0  }
0x49e: {  	[sflag:s25] =	ssyncadd.s32 $0xFFFFE800  }
0x49f: {  	_ =	swait.ge [sflag:s17], $0x800  }
0x4a0: {  	[sflag:s17] =	ssyncset.done $0x0  }
0x4a1: {  	s0 =	simm.s32 $0x16320;
	s11 =	simm.s32 $0x0;
	[sflag:s17] =	ssyncadd.s32 $0xFFFFF800  }
0x4a2: {  	s29 =	simm.s32 $0x0;
	s11 =	smul.u32 $0xC00, s11;
	v5 =	vld [tilespmem:s0+$0x0]  }
0x4a3: {  	s13 =	sand.u32 $0x380, s29;
	v6 =	vld [tilespmem:s0+$0xFFFFFFE0]  }
0x4a4: {  	s24 =	sor.u32 s13, s11;
	v7 =	vld [tilespmem:s0+$0xFFFFFFF0]  }
0x4a5: {  	v8 =	vld [tilespmem:s24+$0x1A100]  }
0x4a6: {  	v9 =	vld [tilespmem:s24+$0x19D00]  }
0x4a7: {  	v10 =	vld [tilespmem:s24+$0x18900]  }
0x4a8: {  	v11 =	vld [tilespmem:s24+$0x18500]  }
0x4a9: {  	v12 =	vld [tilespmem:s24+$0x1A500]  }
0x4aa: {  	v13 =	vld [tilespmem:s24+$0x18D00]  }
0x4ab: {  	v14 =	vmul.f32 v8, v7  }
0x4ac: {  	v15 =	vmul.f32 v9, v6;
	v16 =	vmul.f32 v10, v7  }
0x4ad: {  	v17 =	vmul.f32 v11, v6;
	v9 =	vmul.f32 v9, v11  }
0x4ae: {  	v11 =	vmul.f32 v12, v5;
	v8 =	vmul.f32 v8, v10  }
0x4af: {  	v14 =	vadd.f32 v14, v15;
	v10 =	vadd.f32 v16, v17;
	v15 =	vmul.f32 v13, v5  }
0x4b0: {  	v8 =	vadd.f32 v8, v9  }
0x4b1: {  	s22 =	simm.s32 $0x16B40;
	v9 =	vmul.f32 v12, v13;
	v11 =	vadd.f32 v11, v14;
	v10 =	vadd.f32 v15, v10  }
0x4b2: {  	v12 =	vld [tilespmem:s22+$0xFFFFFFC0]  }
0x4b3: {  	v8 =	vadd.f32 v9, v8;
	v9 =	vmul.f32 v11, v10;
	_ =	sdelay $0x1  }
0x4b4: {  	v8 =	vsub.f32 v8, v9;
	_ =	sdelay $0x1  }
0x4b5: {  	v8 =	vmul.f32 v8, v12  }
0x4b6: {  	s23 =	simm.s32 $0x1B5C0  }
0x4b7: {  	[tilespmem:s23+$0xFFFFFFC0] =	vst v8  }
0x4b8: {  	v8 =	vld [tilespmem:s24+$0x18510]  }
0x4b9: {  	v9 =	vld [tilespmem:s24+$0x18910]  }
0x4ba: {  	v10 =	vld [tilespmem:s24+$0x19D10]  }
0x4bb: {  	v11 =	vld [tilespmem:s24+$0x1A110]  }
0x4bc: {  	v12 =	vld [tilespmem:s24+$0x18D10]  }
0x4bd: {  	v13 =	vld [tilespmem:s24+$0x1A510]  }
0x4be: {  	v14 =	vmul.f32 v8, v6  }
0x4bf: {  	v15 =	vmul.f32 v9, v7;
	v51 =	vmul.f32 v10, v6  }
0x4c0: {  	v52 =	vmul.f32 v11, v7;
	v8 =	vmul.f32 v10, v8  }
0x4c1: {  	v9 =	vmul.f32 v11, v9;
	v11 =	vmul.f32 v12, v5  }
0x4c2: {  	v10 =	vadd.f32 v15, v14;
	v14 =	vadd.f32 v52, v51;
	v15 =	vmul.f32 v13, v5  }
0x4c3: {  	v8 =	vadd.f32 v9, v8  }
0x4c4: {  	v9 =	vmul.f32 v13, v12;
	v10 =	vadd.f32 v11, v10;
	v11 =	vadd.f32 v15, v14  }
0x4c5: {  	v12 =	vld [tilespmem:s22+$0xFFFFFFD0]  }
0x4c6: {  	v8 =	vadd.f32 v9, v8;
	v9 =	vmul.f32 v11, v10;
	_ =	sdelay $0x1  }
0x4c7: {  	v8 =	vsub.f32 v8, v9;
	_ =	sdelay $0x1  }
0x4c8: {  	v8 =	vmul.f32 v8, v12;
	_ =	sdelay $0x1  }
0x4c9: {  	[tilespmem:s23+$0xFFFFFFD0] =	vst v8  }
0x4ca: {  	v8 =	vld [tilespmem:s24+$0x18920]  }
0x4cb: {  	v9 =	vld [tilespmem:s24+$0x1A120]  }
0x4cc: {  	v10 =	vld [tilespmem:s24+$0x19D20]  }
0x4cd: {  	v11 =	vld [tilespmem:s24+$0x18520]  }
0x4ce: {  	v12 =	vld [tilespmem:s24+$0x1A520]  }
0x4cf: {  	v13 =	vld [tilespmem:s24+$0x18D20]  }
0x4d0: {  	v14 =	vmul.f32 v8, v7  }
0x4d1: {  	v15 =	vmul.f32 v9, v7;
	v53 =	vmul.f32 v10, v6  }
0x4d2: {  	v8 =	vmul.f32 v9, v8;
	v9 =	vmul.f32 v11, v6  }
0x4d3: {  	v54 =	vmul.f32 v12, v5;
	v10 =	vmul.f32 v10, v11  }
0x4d4: {  	v11 =	vadd.f32 v15, v53;
	v9 =	vadd.f32 v14, v9;
	v14 =	vmul.f32 v13, v5  }
0x4d5: {  	v8 =	vadd.f32 v8, v10  }
0x4d6: {  	v10 =	vmul.f32 v12, v13;
	v11 =	vadd.f32 v54, v11;
	v9 =	vadd.f32 v14, v9  }
0x4d7: {  	v12 =	vld [tilespmem:s22+$0xFFFFFFE0]  }
0x4d8: {  	v8 =	vadd.f32 v10, v8;
	v9 =	vmul.f32 v11, v9;
	_ =	sdelay $0x1  }
0x4d9: {  	v8 =	vsub.f32 v8, v9;
	_ =	sdelay $0x1  }
0x4da: {  	v8 =	vmul.f32 v8, v12;
	_ =	sdelay $0x1  }
0x4db: {  	[tilespmem:s23+$0xFFFFFFE0] =	vst v8  }
0x4dc: {  	v8 =	vld [tilespmem:s24+$0x19D30]  }
0x4dd: {  	v9 =	vld [tilespmem:s24+$0x18930]  }
0x4de: {  	v10 =	vld [tilespmem:s24+$0x1A130]  }
0x4df: {  	v11 =	vld [tilespmem:s24+$0x18530]  }
0x4e0: {  	v12 =	vld [tilespmem:s24+$0x1A530]  }
0x4e1: {  	v13 =	vld [tilespmem:s24+$0x18D30]  }
0x4e2: {  	v14 =	vmul.f32 v8, v6  }
0x4e3: {  	v15 =	vmul.f32 v10, v7;
	v55 =	vmul.f32 v9, v7  }
0x4e4: {  	v56 =	vmul.f32 v11, v6;
	v8 =	vmul.f32 v8, v11  }
0x4e5: {  	v9 =	vmul.f32 v10, v9;
	v11 =	vmul.f32 v12, v5  }
0x4e6: {  	v10 =	vadd.f32 v15, v14;
	v14 =	vadd.f32 v55, v56;
	v15 =	vmul.f32 v13, v5  }
0x4e7: {  	v8 =	vadd.f32 v9, v8  }
0x4e8: {  	v9 =	vmul.f32 v12, v13;
	v10 =	vadd.f32 v11, v10;
	v11 =	vadd.f32 v15, v14  }
0x4e9: {  	v12 =	vld [tilespmem:s22+$0xFFFFFFF0]  }
0x4ea: {  	v8 =	vadd.f32 v9, v8;
	v9 =	vmul.f32 v10, v11;
	_ =	sdelay $0x1  }
0x4eb: {  	v8 =	vsub.f32 v8, v9;
	_ =	sdelay $0x1  }
0x4ec: {  	v8 =	vmul.f32 v8, v12;
	_ =	sdelay $0x1  }
0x4ed: {  	[tilespmem:s23+$0xFFFFFFF0] =	vst v8  }
0x4ee: {  	v8 =	vld [tilespmem:s24+$0x18940]  }
0x4ef: {  	v9 =	vld [tilespmem:s24+$0x19D40]  }
0x4f0: {  	v10 =	vld [tilespmem:s24+$0x18540]  }
0x4f1: {  	v11 =	vld [tilespmem:s24+$0x1A140]  }
0x4f2: {  	v12 =	vld [tilespmem:s24+$0x18D40]  }
0x4f3: {  	v13 =	vld [tilespmem:s24+$0x1A540]  }
0x4f4: {  	v14 =	vmul.f32 v8, v7  }
0x4f5: {  	v15 =	vmul.f32 v10, v6;
	v57 =	vmul.f32 v9, v6  }
0x4f6: {  	v58 =	vmul.f32 v11, v7;
	v9 =	vmul.f32 v9, v10  }
0x4f7: {  	v8 =	vmul.f32 v11, v8;
	v11 =	vmul.f32 v12, v5  }
0x4f8: {  	v10 =	vadd.f32 v14, v15;
	v14 =	vadd.f32 v58, v57;
	v15 =	vmul.f32 v13, v5  }
0x4f9: {  	v8 =	vadd.f32 v8, v9  }
0x4fa: {  	v9 =	vmul.f32 v13, v12;
	v10 =	vadd.f32 v11, v10;
	v11 =	vadd.f32 v15, v14  }
0x4fb: {  	v12 =	vld [tilespmem:s22+$0x0]  }
0x4fc: {  	v8 =	vadd.f32 v9, v8;
	v9 =	vmul.f32 v11, v10;
	_ =	sdelay $0x1  }
0x4fd: {  	v8 =	vsub.f32 v8, v9;
	_ =	sdelay $0x1  }
0x4fe: {  	v8 =	vmul.f32 v8, v12;
	_ =	sdelay $0x1  }
0x4ff: {  	[tilespmem:s23+$0x0] =	vst v8  }
0x500: {  	v8 =	vld [tilespmem:s24+$0x18550]  }
0x501: {  	v9 =	vld [tilespmem:s24+$0x18950]  }
0x502: {  	v10 =	vld [tilespmem:s24+$0x19D50]  }
0x503: {  	v11 =	vld [tilespmem:s24+$0x1A150]  }
0x504: {  	v12 =	vld [tilespmem:s24+$0x18D50]  }
0x505: {  	v13 =	vld [tilespmem:s24+$0x1A550];
	_ =	sdelay $0x1  }
0x506: {  	v14 =	vmul.f32 v8, v6;
	v15 =	vmul.f32 v9, v7  }
0x507: {  	v59 =	vmul.f32 v10, v6;
	v60 =	vmul.f32 v11, v7  }
0x508: {  	v8 =	vmul.f32 v10, v8;
	v9 =	vmul.f32 v11, v9;
	v10 =	vadd.f32 v15, v14  }
0x509: {  	v14 =	vmul.f32 v12, v5;
	v11 =	vadd.f32 v60, v59;
	v15 =	vmul.f32 v13, v5  }
0x50a: {  	v8 =	vadd.f32 v9, v8  }
0x50b: {  	v9 =	vmul.f32 v13, v12;
	v10 =	vadd.f32 v14, v10;
	v11 =	vadd.f32 v15, v11  }
0x50c: {  	v12 =	vld [tilespmem:s22+$0x10]  }
0x50d: {  	v8 =	vadd.f32 v9, v8;
	v9 =	vmul.f32 v11, v10;
	_ =	sdelay $0x1  }
0x50e: {  	v8 =	vsub.f32 v8, v9;
	_ =	sdelay $0x1  }
0x50f: {  	v8 =	vmul.f32 v8, v12;
	_ =	sdelay $0x1  }
0x510: {  	[tilespmem:s23+$0x10] =	vst v8  }
0x511: {  	v8 =	vld [tilespmem:s24+$0x19D60]  }
0x512: {  	v9 =	vld [tilespmem:s24+$0x18960]  }
0x513: {  	v10 =	vld [tilespmem:s24+$0x18560]  }
0x514: {  	v11 =	vld [tilespmem:s24+$0x1A160]  }
0x515: {  	v12 =	vld [tilespmem:s24+$0x1A560]  }
0x516: {  	v13 =	vld [tilespmem:s24+$0x18D60]  }
0x517: {  	v14 =	vmul.f32 v9, v7  }
0x518: {  	v15 =	vmul.f32 v10, v6;
	v61 =	vmul.f32 v8, v6  }
0x519: {  	v62 =	vmul.f32 v11, v7;
	v9 =	vmul.f32 v11, v9  }
0x51a: {  	v8 =	vmul.f32 v8, v10;
	v63 =	vmul.f32 v12, v5  }
0x51b: {  	v14 =	vadd.f32 v14, v15;
	v15 =	vmul.f32 v13, v5;
	v11 =	vadd.f32 v62, v61  }
0x51c: {  	v9 =	vadd.f32 v9, v8  }
0x51d: {  	s14 =	simm.s32 $0x16BC0;
	s13 =	simm.s32 $0x1;
	s11 =	simm.s32 $0x1B5C0;
	v10 =	vmul.f32 v12, v13;
	v8 =	vld [tilespmem:s22+$0x20];
	v11 =	vadd.f32 v63, v11;
	v12 =	vadd.f32 v15, v14  }
.LBB2_15:
0x51e: {  	s29 =	sadd.s32 $0x80, s29;
	s0 =	sadd.s32 $0x80, s0;
	s23 =	sadd.s32 $0x80, s23  }
0x51f: {  	p0 =	sne.s32 s13, $0xF;
	v9 =	vadd.f32 v10, v9;
	s9 =	smov.u32 s13;
	s13 =	sadd.s32 $0x1, s13;
	v10 =	vmul.f32 v11, v12  }
0x520: {  	_ = 	snop  }
0x521: {  	v9 =	vsub.f32 v9, v10;
	_ =	sdelay $0x1  }
0x522: {  	v8 =	vmul.f32 v9, v8;
	_ =	sdelay $0x1  }
0x523: {  	[tilespmem:s11+$0x20] =	vst v8  }
0x524: {  	v8 =	vld [tilespmem:s24+$0x18570]  }
0x525: {  	v9 =	vld [tilespmem:s24+$0x18970]  }
0x526: {  	v10 =	vld [tilespmem:s24+$0x1A170]  }
0x527: {  	v11 =	vld [tilespmem:s24+$0x19D70]  }
0x528: {  	v12 =	vld [tilespmem:s24+$0x18D70]  }
0x529: {  	v13 =	vld [tilespmem:s24+$0x1A570]  }
0x52a: {  	v15 =	vmul.f32 v8, v6;
	v14 =	vld [tilespmem:s22+$0x30];
	v16 =	vmul.f32 v9, v7;
	s22 =	smov.u32 s14  }
0x52b: {  	v9 =	vmul.f32 v10, v9;
	v7 =	vmul.f32 v10, v7  }
0x52c: {  	v8 =	vmul.f32 v11, v8;
	v10 =	vadd.f32 v16, v15;
	v6 =	vmul.f32 v11, v6  }
0x52d: {  	v11 =	vmul.f32 v12, v5  }
0x52e: {  	v8 =	vadd.f32 v9, v8;
	v6 =	vadd.f32 v7, v6;
	v5 =	vmul.f32 v13, v5  }
0x52f: {  	v7 =	vadd.f32 v11, v10  }
0x530: {  	v9 =	vmul.f32 v13, v12;
	v5 =	vadd.f32 v5, v6;
	_ =	sdelay $0x1  }
0x531: {  	v6 =	vadd.f32 v9, v8;
	v5 =	vmul.f32 v5, v7;
	_ =	sdelay $0x1  }
0x532: {  	v5 =	vsub.f32 v6, v5;
	_ =	sdelay $0x1  }
0x533: {  	v5 =	vmul.f32 v5, v14;
	_ =	sdelay $0x1  }
0x534: {  	s9 =	sshrl.u32 s9, $0x3;
	[tilespmem:s11+$0x30] =	vst v5;
	s11 =	smov.u32 s23  }
0x535: {  	s9 =	smul.u32 $0xC00, s9;
	v5 =	vld [tilespmem:s0+$0x0]  }
0x536: {  	s24 =	sand.u32 $0x380, s29;
	v6 =	vld [tilespmem:s0+$0xFFFFFFE0]  }
0x537: {  	s24 =	sor.u32 s24, s9;
	v7 =	vld [tilespmem:s0+$0xFFFFFFF0]  }
0x538: {  	v8 =	vld [tilespmem:s24+$0x1A500]  }
0x539: {  	v9 =	vld [tilespmem:s24+$0x1A100]  }
0x53a: {  	v10 =	vld [tilespmem:s24+$0x19D00]  }
0x53b: {  	v11 =	vld [tilespmem:s24+$0x18900]  }
0x53c: {  	v12 =	vld [tilespmem:s24+$0x18500];
	_ =	sdelay $0x1  }
0x53d: {  	v13 =	vld [tilespmem:s24+$0x18D00];
	v14 =	vmul.f32 v9, v7  }
0x53e: {  	v15 =	vmul.f32 v10, v6  }
0x53f: {  	v17 =	vmul.f32 v8, v5;
	v16 =	vmul.f32 v11, v7  }
0x540: {  	v10 =	vmul.f32 v10, v12;
	v12 =	vmul.f32 v12, v6;
	v14 =	vadd.f32 v14, v15  }
0x541: {  	v9 =	vmul.f32 v9, v11  }
0x542: {  	v11 =	vadd.f32 v16, v12;
	v12 =	vmul.f32 v13, v5;
	v14 =	vadd.f32 v17, v14  }
0x543: {  	v9 =	vadd.f32 v9, v10;
	v8 =	vmul.f32 v8, v13  }
0x544: {  	v10 =	vadd.f32 v12, v11  }
0x545: {  	v11 =	vld [tilespmem:s14+$0xFFFFFFC0]  }
0x546: {  	v8 =	vadd.f32 v8, v9;
	v9 =	vmul.f32 v14, v10;
	_ =	sdelay $0x1  }
0x547: {  	v8 =	vsub.f32 v8, v9;
	_ =	sdelay $0x1  }
0x548: {  	v8 =	vmul.f32 v8, v11;
	_ =	sdelay $0x1  }
0x549: {  	[tilespmem:s23+$0xFFFFFFC0] =	vst v8  }
0x54a: {  	v8 =	vld [tilespmem:s24+$0x18510]  }
0x54b: {  	v9 =	vld [tilespmem:s24+$0x18910]  }
0x54c: {  	v10 =	vld [tilespmem:s24+$0x19D10]  }
0x54d: {  	v11 =	vld [tilespmem:s24+$0x1A110]  }
0x54e: {  	v12 =	vld [tilespmem:s24+$0x18D10]  }
0x54f: {  	v13 =	vld [tilespmem:s24+$0x1A510]  }
0x550: {  	v14 =	vmul.f32 v8, v6;
	v15 =	vmul.f32 v9, v7  }
0x551: {  	v8 =	vmul.f32 v10, v8  }
0x552: {  	v10 =	vmul.f32 v10, v6;
	v14 =	vadd.f32 v15, v14;
	v15 =	vmul.f32 v11, v7  }
0x553: {  	v9 =	vmul.f32 v11, v9  }
0x554: {  	v11 =	vmul.f32 v12, v5;
	v10 =	vadd.f32 v15, v10;
	v15 =	vmul.f32 v13, v5  }
0x555: {  	v8 =	vadd.f32 v9, v8;
	v9 =	vmul.f32 v13, v12  }
0x556: {  	v11 =	vadd.f32 v11, v14;
	v10 =	vadd.f32 v15, v10  }
0x557: {  	v12 =	vld [tilespmem:s14+$0xFFFFFFD0]  }
0x558: {  	v8 =	vadd.f32 v9, v8;
	v9 =	vmul.f32 v10, v11;
	_ =	sdelay $0x1  }
0x559: {  	v8 =	vsub.f32 v8, v9;
	_ =	sdelay $0x1  }
0x55a: {  	v8 =	vmul.f32 v8, v12;
	_ =	sdelay $0x1  }
0x55b: {  	[tilespmem:s23+$0xFFFFFFD0] =	vst v8  }
0x55c: {  	v8 =	vld [tilespmem:s24+$0x1A520]  }
0x55d: {  	v9 =	vld [tilespmem:s24+$0x18920]  }
0x55e: {  	v10 =	vld [tilespmem:s24+$0x1A120]  }
0x55f: {  	v11 =	vld [tilespmem:s24+$0x19D20]  }
0x560: {  	v12 =	vld [tilespmem:s24+$0x18520]  }
0x561: {  	v13 =	vld [tilespmem:s24+$0x18D20];
	_ =	sdelay $0x1  }
0x562: {  	v14 =	vmul.f32 v9, v7;
	v15 =	vmul.f32 v10, v7  }
0x563: {  	v17 =	vmul.f32 v8, v5;
	v16 =	vmul.f32 v11, v6  }
0x564: {  	v9 =	vmul.f32 v10, v9;
	v10 =	vmul.f32 v12, v6  }
0x565: {  	v11 =	vmul.f32 v11, v12;
	v8 =	vmul.f32 v8, v13;
	v12 =	vadd.f32 v15, v16  }
0x566: {  	v13 =	vmul.f32 v13, v5;
	v10 =	vadd.f32 v14, v10  }
0x567: {  	v9 =	vadd.f32 v9, v11;
	v11 =	vadd.f32 v17, v12  }
0x568: {  	v10 =	vadd.f32 v13, v10  }
0x569: {  	v12 =	vld [tilespmem:s14+$0xFFFFFFE0]  }
0x56a: {  	v8 =	vadd.f32 v8, v9;
	v9 =	vmul.f32 v11, v10;
	_ =	sdelay $0x1  }
0x56b: {  	v8 =	vsub.f32 v8, v9;
	_ =	sdelay $0x1  }
0x56c: {  	v8 =	vmul.f32 v8, v12;
	_ =	sdelay $0x1  }
0x56d: {  	[tilespmem:s23+$0xFFFFFFE0] =	vst v8  }
0x56e: {  	v8 =	vld [tilespmem:s24+$0x19D30]  }
0x56f: {  	v9 =	vld [tilespmem:s24+$0x18930]  }
0x570: {  	v10 =	vld [tilespmem:s24+$0x18530]  }
0x571: {  	v11 =	vld [tilespmem:s24+$0x1A130]  }
0x572: {  	v12 =	vld [tilespmem:s24+$0x1A530]  }
0x573: {  	v13 =	vld [tilespmem:s24+$0x18D30]  }
0x574: {  	v14 =	vmul.f32 v9, v7  }
0x575: {  	v15 =	vmul.f32 v8, v10;
	v8 =	vmul.f32 v8, v6  }
0x576: {  	v9 =	vmul.f32 v11, v9;
	v11 =	vmul.f32 v11, v7  }
0x577: {  	v10 =	vmul.f32 v10, v6  }
0x578: {  	v9 =	vadd.f32 v9, v15;
	v8 =	vadd.f32 v11, v8;
	v11 =	vmul.f32 v12, v5  }
0x579: {  	v10 =	vadd.f32 v14, v10;
	v14 =	vmul.f32 v13, v5  }
0x57a: {  	v12 =	vmul.f32 v12, v13;
	v8 =	vadd.f32 v11, v8  }
0x57b: {  	v10 =	vadd.f32 v14, v10  }
0x57c: {  	v9 =	vadd.f32 v12, v9;
	v11 =	vld [tilespmem:s14+$0xFFFFFFF0]  }
0x57d: {  	v8 =	vmul.f32 v8, v10;
	_ =	sdelay $0x1  }
0x57e: {  	v8 =	vsub.f32 v9, v8;
	_ =	sdelay $0x1  }
0x57f: {  	v8 =	vmul.f32 v8, v11;
	_ =	sdelay $0x1  }
0x580: {  	[tilespmem:s23+$0xFFFFFFF0] =	vst v8  }
0x581: {  	v8 =	vld [tilespmem:s24+$0x18940]  }
0x582: {  	v9 =	vld [tilespmem:s24+$0x19D40]  }
0x583: {  	v10 =	vld [tilespmem:s24+$0x18540]  }
0x584: {  	v11 =	vld [tilespmem:s24+$0x1A140]  }
0x585: {  	v12 =	vld [tilespmem:s24+$0x18D40]  }
0x586: {  	v13 =	vld [tilespmem:s24+$0x1A540]  }
0x587: {  	v14 =	vmul.f32 v8, v7;
	v15 =	vmul.f32 v9, v6  }
0x588: {  	v9 =	vmul.f32 v9, v10;
	v10 =	vmul.f32 v10, v6  }
0x589: {  	v8 =	vmul.f32 v11, v8;
	v11 =	vmul.f32 v11, v7  }
0x58a: {  	v10 =	vadd.f32 v14, v10;
	v14 =	vmul.f32 v12, v5  }
0x58b: {  	v8 =	vadd.f32 v8, v9;
	v9 =	vadd.f32 v11, v15;
	v11 =	vmul.f32 v13, v5  }
0x58c: {  	v12 =	vmul.f32 v13, v12  }
0x58d: {  	v10 =	vadd.f32 v14, v10;
	v9 =	vadd.f32 v11, v9  }
0x58e: {  	v11 =	vld [tilespmem:s14+$0x0]  }
0x58f: {  	v8 =	vadd.f32 v12, v8;
	v9 =	vmul.f32 v9, v10;
	_ =	sdelay $0x1  }
0x590: {  	v8 =	vsub.f32 v8, v9;
	_ =	sdelay $0x1  }
0x591: {  	v8 =	vmul.f32 v8, v11;
	_ =	sdelay $0x1  }
0x592: {  	[tilespmem:s23+$0x0] =	vst v8  }
0x593: {  	v8 =	vld [tilespmem:s24+$0x18550]  }
0x594: {  	v9 =	vld [tilespmem:s24+$0x18950]  }
0x595: {  	v10 =	vld [tilespmem:s24+$0x19D50]  }
0x596: {  	v11 =	vld [tilespmem:s24+$0x1A150]  }
0x597: {  	v12 =	vld [tilespmem:s24+$0x18D50]  }
0x598: {  	v13 =	vld [tilespmem:s24+$0x1A550]  }
0x599: {  	v15 =	vmul.f32 v8, v6;
	v14 =	vld [tilespmem:s14+$0x10];
	v16 =	vmul.f32 v9, v7  }
0x59a: {  	v8 =	vmul.f32 v10, v8  }
0x59b: {  	v10 =	vmul.f32 v10, v6;
	v15 =	vadd.f32 v16, v15;
	v16 =	vmul.f32 v11, v7  }
0x59c: {  	v9 =	vmul.f32 v11, v9;
	v11 =	vmul.f32 v12, v5  }
0x59d: {  	v10 =	vadd.f32 v16, v10;
	v16 =	vmul.f32 v13, v5  }
0x59e: {  	v11 =	vadd.f32 v11, v15  }
0x59f: {  	v8 =	vadd.f32 v9, v8;
	v9 =	vmul.f32 v13, v12;
	v10 =	vadd.f32 v16, v10;
	_ =	sdelay $0x1  }
0x5a0: {  	v8 =	vadd.f32 v9, v8;
	v9 =	vmul.f32 v10, v11;
	_ =	sdelay $0x1  }
0x5a1: {  	v8 =	vsub.f32 v8, v9;
	_ =	sdelay $0x1  }
0x5a2: {  	v8 =	vmul.f32 v8, v14;
	_ =	sdelay $0x1  }
0x5a3: {  	[tilespmem:s23+$0x10] =	vst v8  }
0x5a4: {  	v9 =	vld [tilespmem:s24+$0x19D60]  }
0x5a5: {  	v10 =	vld [tilespmem:s24+$0x18960]  }
0x5a6: {  	v11 =	vld [tilespmem:s24+$0x18560]  }
0x5a7: {  	v12 =	vld [tilespmem:s24+$0x1A160]  }
0x5a8: {  	v13 =	vld [tilespmem:s24+$0x1A560]  }
0x5a9: {  	v14 =	vld [tilespmem:s24+$0x18D60]  }
0x5aa: {  	v8 =	vld [tilespmem:s14+$0x20];
	v15 =	vmul.f32 v10, v7  }
0x5ab: {  	v17 =	vmul.f32 v9, v6;
	v16 =	vmul.f32 v11, v6  }
0x5ac: {  	v10 =	vmul.f32 v12, v10;
	v12 =	vmul.f32 v12, v7  }
.Ltmp11:
0x5ad: {  	v9 =	vmul.f32 v9, v11;
	v15 =	vadd.f32 v15, v16;
	(pc) =	sbr.rel @p0 .LBB2_15-.Ltmp11, $4  }
0x5ae: {  	v16 =	vmul.f32 v14, v5;
	v11 =	vadd.f32 v12, v17;
	v12 =	vmul.f32 v13, v5  }
0x5af: {  	v9 =	vadd.f32 v10, v9;
	v10 =	vmul.f32 v13, v14  }
0x5b0: {  	v11 =	vadd.f32 v12, v11  }
0x5b1: {  	s14 =	sadd.s32 $0x80, s14;
	v12 =	vadd.f32 v16, v15  }
0x5b2: {  	_ = 	snop  }
0x5b3: {  	v9 =	vadd.f32 v10, v9;
	v10 =	vmul.f32 v11, v12;
	_ =	sdelay $0x1  }
0x5b4: {  	v9 =	vsub.f32 v9, v10;
	_ =	sdelay $0x1  }
0x5b5: {  	v8 =	vmul.f32 v9, v8;
	_ =	sdelay $0x1  }
0x5b6: {  	[tilespmem:s11+$0x20] =	vst v8  }
0x5b7: {  	v8 =	vld [tilespmem:s24+$0x18570]  }
0x5b8: {  	v9 =	vld [tilespmem:s24+$0x18970]  }
0x5b9: {  	v10 =	vld [tilespmem:s24+$0x1A170]  }
0x5ba: {  	v11 =	vld [tilespmem:s24+$0x19D70]  }
0x5bb: {  	v12 =	vld [tilespmem:s24+$0x18D70]  }
0x5bc: {  	v13 =	vld [tilespmem:s24+$0x1A570]  }
0x5bd: {  	v14 =	vmul.f32 v8, v6  }
0x5be: {  	v15 =	vmul.f32 v9, v7;
	v7 =	vmul.f32 v10, v7  }
0x5bf: {  	v6 =	vmul.f32 v11, v6;
	v9 =	vmul.f32 v10, v9  }
0x5c0: {  	v8 =	vmul.f32 v11, v8;
	v11 =	vmul.f32 v12, v5  }
0x5c1: {  	v5 =	vmul.f32 v13, v5;
	v10 =	vadd.f32 v15, v14;
	v6 =	vadd.f32 v7, v6  }
0x5c2: {  	v7 =	vadd.f32 v9, v8  }
0x5c3: {  	v9 =	vmul.f32 v13, v12;
	v8 =	vadd.f32 v11, v10;
	v5 =	vadd.f32 v5, v6  }
0x5c4: {  	v6 =	vld [tilespmem:s22+$0x30]  }
0x5c5: {  	v7 =	vadd.f32 v9, v7;
	v5 =	vmul.f32 v5, v8;
	_ =	sdelay $0x1  }
0x5c6: {  	v5 =	vsub.f32 v7, v5;
	_ =	sdelay $0x1  }
0x5c7: {  	v5 =	vmul.f32 v5, v6;
	_ =	sdelay $0x1  }
0x5c8: {  	[tilespmem:s11+$0x30] =	vst v5  }
0x5c9: {  	v5 =	vld [tilespmem:$0x16200];
	_ =	sdelay $0x4  }
0x5ca: {  	s0 =	simm.s32 $0x1B500;
	[tilespmem:$0x1B500] =	vst v5  }
0x5cb: {  	[spmem:s4] =	stream.indirect.scatter.add.f32 [tilespmem:s16], [sflag:$0x7], $0x80, s0, s10, $0xb8;
	[tilespmem:$0x1F700] =	vst v63  }
0x5cc: {  	_ =	swait.ge [sflag:s3], $0x10  }
0x5cd: {  	[sflag:s3] =	ssyncset.done $0x0  }
0x5ce: {  	[sflag:s3] =	ssyncadd.s32 $0xFFFFFFF0  }
0x5cf: {  	_ =	swait.ge [sflag:s3], $0x10  }
0x5d0: {  	[sflag:s3] =	ssyncset.done $0x0  }
0x5d1: {  	[sflag:s3] =	ssyncadd.s32 $0xFFFFFFF0  }
0x5d2: {  	_ =	swait.ge [sflag:s3], $0x800  }
0x5d3: {  	[sflag:s3] =	ssyncset.done $0x0  }
0x5d4: {  	[sflag:s3] =	ssyncadd.s32 $0xFFFFF800  }
0x5d5: {  	_ =	swait.ge [sflag:s3], $0x800  }
0x5d6: {  	[sflag:s3] =	ssyncset.done $0x0  }
0x5d7: {  	[sflag:s3] =	ssyncadd.s32 $0xFFFFF800  }
0x5d8: {  	v5 =	vld [tilespmem:$0x14080];
	_ =	sdelay $0x4  }
0x5d9: {  	v5 =	vadd.s32 v0, v5  }
0x5da: {  	[tilespmem:$0x18480] =	vst v5  }
0x5db: {  	v5 =	vld [tilespmem:$0x18480];
	_ =	sdelay $0x4  }
0x5dc: {  	v6 =	vshrl.u32 v5, $0x3  }
0x5dd: {  	v6 =	vmul.u32 $0x18, v6  }
0x5de: {  	v5 =	vand.u32 $0x7, v5  }
0x5df: {  	v5 =	vor.u32 v5, v6  }
0x5e0: {  	v6 =	vld [tilespmem:$0x14000];
	v7 =	vperm.xlane v5, v2;
	_ =	sdelay $0x1  }
0x5e1: {  	v7 =	vadd.s32 v3, v7;
	_ =	sdelay $0x1  }
0x5e2: {  	v5 =	vperm.xlane v5, v4  }
0x5e3: {  	v6 =	vadd.s32 v0, v6  }
0x5e4: {  	s14 =	simm.s32 $0x18500;
	v5 =	vadd.s32 v3, v5;
	[tilespmem:$0x18400] =	vst v6  }
0x5e5: {  	[tilespmem:s14], [sflag:$0x5] =	stream.indirect_vreg.gather [hbm4b:s26+s5], $0x80, v7, vm0, $0xb8;
	[tilespmem:$0x1F700] =	vst v63  }
0x5e6: {  	s22 =	simm.s32 $0x18D00  }
0x5e7: {  	[tilespmem:s22], [sflag:$0x5] =	stream.indirect_vreg.gather [hbm4b:s28+s5], $0x80, v7, vm1, $0xb8;
	[tilespmem:$0x1F700] =	vst v63  }
0x5e8: {  	s23 =	simm.s32 $0x19100  }
0x5e9: {  	[tilespmem:s23], [sflag:$0x5] =	stream.indirect_vreg.gather [hbm4b:s26+s5], $0x80, v5, vm0, $0xb8;
	[tilespmem:$0x1F700] =	vst v63  }
0x5ea: {  	s24 =	simm.s32 $0x19900  }
0x5eb: {  	[tilespmem:s24], [sflag:$0x5] =	stream.indirect_vreg.gather [hbm4b:s28+s5], $0x80, v5, vm1, $0xb8;
	[tilespmem:$0x1F700] =	vst v63  }
0x5ec: {  	v5 =	vld [tilespmem:$0x18400];
	_ =	sdelay $0x4  }
0x5ed: {  	v6 =	vshrl.u32 v5, $0x3  }
0x5ee: {  	v6 =	vmul.u32 $0x18, v6  }
0x5ef: {  	v5 =	vand.u32 $0x7, v5  }
0x5f0: {  	v5 =	vor.u32 v5, v6  }
0x5f1: {  	v6 =	vperm.xlane v5, v2;
	_ =	sdelay $0x1  }
0x5f2: {  	v6 =	vadd.s32 v3, v6;
	_ =	sdelay $0x1  }
0x5f3: {  	v5 =	vperm.xlane v5, v4;
	_ =	sdelay $0x1  }
0x5f4: {  	s9 =	simm.s32 $0x19D00;
	v5 =	vadd.s32 v3, v5  }
0x5f5: {  	[tilespmem:s9], [sflag:$0x5] =	stream.indirect_vreg.gather [hbm4b:s26+s5], $0x80, v6, vm0, $0xb8;
	[tilespmem:$0x1F700] =	vst v63  }
0x5f6: {  	p0 =	seq.s32 s21, $0x137;
	s11 =	simm.s32 $0x1A500;
	s0 =	rddreg [dreg:$0x17]  }
0x5f7: {  	[tilespmem:s11], [sflag:$0x5] =	stream.indirect_vreg.gather [hbm4b:s28+s5], $0x80, v6, vm1, $0xb8;
	[tilespmem:$0x1F700] =	vst v63  }
0x5f8: {  	s13 =	simm.s32 $0x1A900;
	s0 =	sadd.s32 @!p0 s31, s0  }
0x5f9: {  	[tilespmem:s13], [sflag:$0x5] =	stream.indirect_vreg.gather [hbm4b:s26+s5], $0x80, v5, vm0, $0xb8;
	[tilespmem:$0x1F700] =	vst v63  }
0x5fa: {  	s14 =	simm.s32 $0x1B100;
	s9 =	sshrl.u32 @!p0 s0, $0x3  }
0x5fb: {  	[tilespmem:s14], [sflag:$0x5] =	stream.indirect_vreg.gather [hbm4b:s28+s5], $0x80, v5, vm1, $0xb8;
	[tilespmem:$0x1F700] =	vst v63  }
0x5fc: {  	s11 =	sadd.s32 @!p0 s1, s9;
	s13 =	simm.s32 @!p0 $0x0;
	s14 =	simm.s32 @!p0 $0x16200  }
0x5fd: {  	[tilespmem:s14], [sflag:$0x3] =	stream.linear.gather @!p0 [hbm4b:s11+s13], $0x10, $0x38;
	[tilespmem:$0x1F700] =	vst v63  }
0x5fe: {  	s9 =	sadd.s32 @!p0 s2, s9;
	s11 =	simm.s32 @!p0 $0x16280  }
0x5ff: {  	[tilespmem:s11], [sflag:$0x3] =	stream.linear.gather @!p0 [hbm4b:s9+s13], $0x10, $0x38;
	[tilespmem:$0x1F700] =	vst v63  }
0x600: {  	s9 =	sshll.u32 @!p0 s0, $0x4;
	s0 =	sadd.s32 @!p0 s8, s0  }
0x601: {  	s11 =	simm.s32 @!p0 $0x16300;
	s9 =	sadd.s32 @!p0 s7, s9;
	s0 =	sshll.u32 @!p0 s0, $0x4  }
0x602: {  	[tilespmem:s11], [sflag:$0x3] =	stream.linear.gather @!p0 [hbm4b:s9+s13], $0x800, $0x38;
	[tilespmem:$0x1F700] =	vst v63  }
0x603: {  	s0 =	sadd.s32 @!p0 s6, s0;
	s9 =	simm.s32 @!p0 $0x16B00  }
0x604: {  	[tilespmem:s9], [sflag:$0x3] =	stream.linear.gather @!p0 [hbm4b:s0+s13], $0x800, $0x38;
	[tilespmem:$0x1F700] =	vst v63  }
0x605: {  	_ =	swait.ge [sflag:s12], $0x1800  }
0x606: {  	[sflag:s12] =	ssyncset.done $0x0  }
0x607: {  	[sflag:s12] =	ssyncadd.s32 $0xFFFFE800  }
0x608: {  	_ =	swait.ge [sflag:s12], $0x1800  }
0x609: {  	[sflag:s12] =	ssyncset.done $0x0  }
0x60a: {  	s22 =	simm.s32 $0x8;
	[sflag:s12] =	ssyncadd.s32 $0xFFFFE800  }
0x60b: {  	_ =	swait.ge [sflag:s22], $0x800  }
0x60c: {  	[sflag:s22] =	ssyncset.done $0x0  }
0x60d: {  	s23 =	simm.s32 $0x0;
	s0 =	simm.s32 $0x17420;
	[sflag:s22] =	ssyncadd.s32 $0xFFFFF800  }
0x60e: {  	s29 =	simm.s32 $0x0;
	s9 =	smul.u32 $0xC00, s23;
	v5 =	vld [tilespmem:s0+$0x0]  }
0x60f: {  	s24 =	sand.u32 $0x380, s29;
	v6 =	vld [tilespmem:s0+$0xFFFFFFE0]  }
0x610: {  	s24 =	sor.u32 s24, s9;
	v7 =	vld [tilespmem:s0+$0xFFFFFFF0]  }
0x611: {  	v8 =	vld [tilespmem:s24+$0x1DA80]  }
0x612: {  	v9 =	vld [tilespmem:s24+$0x1D680]  }
0x613: {  	v10 =	vld [tilespmem:s24+$0x1C280]  }
0x614: {  	v11 =	vld [tilespmem:s24+$0x1BE80]  }
0x615: {  	v12 =	vld [tilespmem:s24+$0x1DE80]  }
0x616: {  	v13 =	vld [tilespmem:s24+$0x1C680]  }
0x617: {  	v14 =	vmul.f32 v8, v7  }
0x618: {  	v15 =	vmul.f32 v9, v6;
	v16 =	vmul.f32 v10, v7  }
0x619: {  	v17 =	vmul.f32 v11, v6;
	v9 =	vmul.f32 v9, v11  }
0x61a: {  	v11 =	vmul.f32 v12, v5;
	v8 =	vmul.f32 v8, v10  }
0x61b: {  	v14 =	vadd.f32 v14, v15;
	v10 =	vadd.f32 v16, v17;
	v15 =	vmul.f32 v13, v5  }
0x61c: {  	v8 =	vadd.f32 v8, v9  }
0x61d: {  	s22 =	simm.s32 $0x17C40;
	v9 =	vmul.f32 v12, v13;
	v11 =	vadd.f32 v11, v14;
	v10 =	vadd.f32 v15, v10  }
0x61e: {  	v12 =	vld [tilespmem:s22+$0xFFFFFFC0]  }
0x61f: {  	v8 =	vadd.f32 v9, v8;
	v9 =	vmul.f32 v11, v10;
	_ =	sdelay $0x1  }
0x620: {  	v8 =	vsub.f32 v8, v9;
	_ =	sdelay $0x1  }
0x621: {  	v8 =	vmul.f32 v8, v12  }
0x622: {  	s23 =	simm.s32 $0x1EF40  }
0x623: {  	[tilespmem:s23+$0xFFFFFFC0] =	vst v8  }
0x624: {  	v8 =	vld [tilespmem:s24+$0x1BE90]  }
0x625: {  	v9 =	vld [tilespmem:s24+$0x1C290]  }
0x626: {  	v10 =	vld [tilespmem:s24+$0x1D690]  }
0x627: {  	v11 =	vld [tilespmem:s24+$0x1DA90]  }
0x628: {  	v12 =	vld [tilespmem:s24+$0x1C690]  }
0x629: {  	v13 =	vld [tilespmem:s24+$0x1DE90]  }
0x62a: {  	v14 =	vmul.f32 v8, v6  }
0x62b: {  	v15 =	vmul.f32 v9, v7;
	v51 =	vmul.f32 v10, v6  }
0x62c: {  	v52 =	vmul.f32 v11, v7;
	v8 =	vmul.f32 v10, v8  }
0x62d: {  	v9 =	vmul.f32 v11, v9;
	v11 =	vmul.f32 v12, v5  }
0x62e: {  	v10 =	vadd.f32 v15, v14;
	v14 =	vadd.f32 v52, v51;
	v15 =	vmul.f32 v13, v5  }
0x62f: {  	v8 =	vadd.f32 v9, v8  }
0x630: {  	v9 =	vmul.f32 v13, v12;
	v10 =	vadd.f32 v11, v10;
	v11 =	vadd.f32 v15, v14  }
0x631: {  	v12 =	vld [tilespmem:s22+$0xFFFFFFD0]  }
0x632: {  	v8 =	vadd.f32 v9, v8;
	v9 =	vmul.f32 v11, v10;
	_ =	sdelay $0x1  }
0x633: {  	v8 =	vsub.f32 v8, v9;
	_ =	sdelay $0x1  }
0x634: {  	v8 =	vmul.f32 v8, v12;
	_ =	sdelay $0x1  }
0x635: {  	[tilespmem:s23+$0xFFFFFFD0] =	vst v8  }
0x636: {  	v8 =	vld [tilespmem:s24+$0x1C2A0]  }
0x637: {  	v9 =	vld [tilespmem:s24+$0x1DAA0]  }
0x638: {  	v10 =	vld [tilespmem:s24+$0x1D6A0]  }
0x639: {  	v11 =	vld [tilespmem:s24+$0x1BEA0]  }
0x63a: {  	v12 =	vld [tilespmem:s24+$0x1DEA0]  }
0x63b: {  	v13 =	vld [tilespmem:s24+$0x1C6A0]  }
0x63c: {  	v14 =	vmul.f32 v8, v7  }
0x63d: {  	v15 =	vmul.f32 v9, v7;
	v53 =	vmul.f32 v10, v6  }
0x63e: {  	v8 =	vmul.f32 v9, v8;
	v9 =	vmul.f32 v11, v6  }
0x63f: {  	v54 =	vmul.f32 v12, v5;
	v10 =	vmul.f32 v10, v11  }
0x640: {  	v11 =	vadd.f32 v15, v53;
	v9 =	vadd.f32 v14, v9;
	v14 =	vmul.f32 v13, v5  }
0x641: {  	v8 =	vadd.f32 v8, v10  }
0x642: {  	v10 =	vmul.f32 v12, v13;
	v11 =	vadd.f32 v54, v11;
	v9 =	vadd.f32 v14, v9  }
0x643: {  	v12 =	vld [tilespmem:s22+$0xFFFFFFE0]  }
0x644: {  	v8 =	vadd.f32 v10, v8;
	v9 =	vmul.f32 v11, v9;
	_ =	sdelay $0x1  }
0x645: {  	v8 =	vsub.f32 v8, v9;
	_ =	sdelay $0x1  }
0x646: {  	v8 =	vmul.f32 v8, v12;
	_ =	sdelay $0x1  }
0x647: {  	[tilespmem:s23+$0xFFFFFFE0] =	vst v8  }
0x648: {  	v8 =	vld [tilespmem:s24+$0x1D6B0]  }
0x649: {  	v9 =	vld [tilespmem:s24+$0x1C2B0]  }
0x64a: {  	v10 =	vld [tilespmem:s24+$0x1DAB0]  }
0x64b: {  	v11 =	vld [tilespmem:s24+$0x1BEB0]  }
0x64c: {  	v12 =	vld [tilespmem:s24+$0x1DEB0]  }
0x64d: {  	v13 =	vld [tilespmem:s24+$0x1C6B0]  }
0x64e: {  	v14 =	vmul.f32 v8, v6  }
0x64f: {  	v15 =	vmul.f32 v10, v7;
	v55 =	vmul.f32 v9, v7  }
0x650: {  	v56 =	vmul.f32 v11, v6;
	v8 =	vmul.f32 v8, v11  }
0x651: {  	v9 =	vmul.f32 v10, v9;
	v11 =	vmul.f32 v12, v5  }
0x652: {  	v10 =	vadd.f32 v15, v14;
	v14 =	vadd.f32 v55, v56;
	v15 =	vmul.f32 v13, v5  }
0x653: {  	v8 =	vadd.f32 v9, v8  }
0x654: {  	v9 =	vmul.f32 v12, v13;
	v10 =	vadd.f32 v11, v10;
	v11 =	vadd.f32 v15, v14  }
0x655: {  	v12 =	vld [tilespmem:s22+$0xFFFFFFF0]  }
0x656: {  	v8 =	vadd.f32 v9, v8;
	v9 =	vmul.f32 v10, v11;
	_ =	sdelay $0x1  }
0x657: {  	v8 =	vsub.f32 v8, v9;
	_ =	sdelay $0x1  }
0x658: {  	v8 =	vmul.f32 v8, v12;
	_ =	sdelay $0x1  }
0x659: {  	[tilespmem:s23+$0xFFFFFFF0] =	vst v8  }
0x65a: {  	v8 =	vld [tilespmem:s24+$0x1C2C0]  }
0x65b: {  	v9 =	vld [tilespmem:s24+$0x1D6C0]  }
0x65c: {  	v10 =	vld [tilespmem:s24+$0x1BEC0]  }
0x65d: {  	v11 =	vld [tilespmem:s24+$0x1DAC0]  }
0x65e: {  	v12 =	vld [tilespmem:s24+$0x1C6C0]  }
0x65f: {  	v13 =	vld [tilespmem:s24+$0x1DEC0]  }
0x660: {  	v14 =	vmul.f32 v8, v7  }
0x661: {  	v15 =	vmul.f32 v10, v6;
	v57 =	vmul.f32 v9, v6  }
0x662: {  	v58 =	vmul.f32 v11, v7;
	v9 =	vmul.f32 v9, v10  }
0x663: {  	v8 =	vmul.f32 v11, v8;
	v11 =	vmul.f32 v12, v5  }
0x664: {  	v10 =	vadd.f32 v14, v15;
	v14 =	vadd.f32 v58, v57;
	v15 =	vmul.f32 v13, v5  }
0x665: {  	v8 =	vadd.f32 v8, v9  }
0x666: {  	v9 =	vmul.f32 v13, v12;
	v10 =	vadd.f32 v11, v10;
	v11 =	vadd.f32 v15, v14  }
0x667: {  	v12 =	vld [tilespmem:s22+$0x0]  }
0x668: {  	v8 =	vadd.f32 v9, v8;
	v9 =	vmul.f32 v11, v10;
	_ =	sdelay $0x1  }
0x669: {  	v8 =	vsub.f32 v8, v9;
	_ =	sdelay $0x1  }
0x66a: {  	v8 =	vmul.f32 v8, v12;
	_ =	sdelay $0x1  }
0x66b: {  	[tilespmem:s23+$0x0] =	vst v8  }
0x66c: {  	v8 =	vld [tilespmem:s24+$0x1BED0]  }
0x66d: {  	v9 =	vld [tilespmem:s24+$0x1C2D0]  }
0x66e: {  	v10 =	vld [tilespmem:s24+$0x1D6D0]  }
0x66f: {  	v11 =	vld [tilespmem:s24+$0x1DAD0]  }
0x670: {  	v12 =	vld [tilespmem:s24+$0x1C6D0]  }
0x671: {  	v13 =	vld [tilespmem:s24+$0x1DED0];
	_ =	sdelay $0x1  }
0x672: {  	v14 =	vmul.f32 v8, v6;
	v15 =	vmul.f32 v9, v7  }
0x673: {  	v59 =	vmul.f32 v10, v6;
	v60 =	vmul.f32 v11, v7  }
0x674: {  	v8 =	vmul.f32 v10, v8;
	v9 =	vmul.f32 v11, v9;
	v10 =	vadd.f32 v15, v14  }
0x675: {  	v14 =	vmul.f32 v12, v5;
	v11 =	vadd.f32 v60, v59;
	v15 =	vmul.f32 v13, v5  }
0x676: {  	v8 =	vadd.f32 v9, v8  }
0x677: {  	v9 =	vmul.f32 v13, v12;
	v10 =	vadd.f32 v14, v10;
	v11 =	vadd.f32 v15, v11  }
0x678: {  	v12 =	vld [tilespmem:s22+$0x10]  }
0x679: {  	v8 =	vadd.f32 v9, v8;
	v9 =	vmul.f32 v11, v10;
	_ =	sdelay $0x1  }
0x67a: {  	v8 =	vsub.f32 v8, v9;
	_ =	sdelay $0x1  }
0x67b: {  	v8 =	vmul.f32 v8, v12;
	_ =	sdelay $0x1  }
0x67c: {  	[tilespmem:s23+$0x10] =	vst v8  }
0x67d: {  	v8 =	vld [tilespmem:s24+$0x1D6E0]  }
0x67e: {  	v9 =	vld [tilespmem:s24+$0x1C2E0]  }
0x67f: {  	v10 =	vld [tilespmem:s24+$0x1BEE0]  }
0x680: {  	v11 =	vld [tilespmem:s24+$0x1DAE0]  }
0x681: {  	v12 =	vld [tilespmem:s24+$0x1DEE0]  }
0x682: {  	v13 =	vld [tilespmem:s24+$0x1C6E0]  }
0x683: {  	v14 =	vmul.f32 v9, v7  }
0x684: {  	v15 =	vmul.f32 v10, v6;
	v61 =	vmul.f32 v8, v6  }
0x685: {  	v62 =	vmul.f32 v11, v7;
	v9 =	vmul.f32 v11, v9  }
0x686: {  	v8 =	vmul.f32 v8, v10;
	v63 =	vmul.f32 v12, v5  }
0x687: {  	v14 =	vadd.f32 v14, v15;
	v15 =	vmul.f32 v13, v5;
	v11 =	vadd.f32 v62, v61  }
0x688: {  	v9 =	vadd.f32 v9, v8  }
0x689: {  	s14 =	simm.s32 $0x17CC0;
	s11 =	simm.s32 $0x1EF40;
	s13 =	simm.s32 $0x1;
	v10 =	vmul.f32 v12, v13;
	v8 =	vld [tilespmem:s22+$0x20];
	v11 =	vadd.f32 v63, v11;
	v12 =	vadd.f32 v15, v14  }
.LBB2_17:
0x68a: {  	s29 =	sadd.s32 $0x80, s29;
	s0 =	sadd.s32 $0x80, s0;
	s23 =	sadd.s32 $0x80, s23  }
0x68b: {  	p1 =	sne.s32 s13, $0xF;
	v9 =	vadd.f32 v10, v9;
	s9 =	smov.u32 s13;
	s13 =	sadd.s32 $0x1, s13;
	v10 =	vmul.f32 v11, v12  }
0x68c: {  	_ = 	snop  }
0x68d: {  	v9 =	vsub.f32 v9, v10;
	_ =	sdelay $0x1  }
0x68e: {  	v8 =	vmul.f32 v9, v8;
	_ =	sdelay $0x1  }
0x68f: {  	[tilespmem:s11+$0x20] =	vst v8  }
0x690: {  	v8 =	vld [tilespmem:s24+$0x1BEF0]  }
0x691: {  	v9 =	vld [tilespmem:s24+$0x1C2F0]  }
0x692: {  	v10 =	vld [tilespmem:s24+$0x1DAF0]  }
0x693: {  	v11 =	vld [tilespmem:s24+$0x1D6F0]  }
0x694: {  	v12 =	vld [tilespmem:s24+$0x1C6F0]  }
0x695: {  	v13 =	vld [tilespmem:s24+$0x1DEF0]  }
0x696: {  	v15 =	vmul.f32 v8, v6;
	v14 =	vld [tilespmem:s22+$0x30];
	v16 =	vmul.f32 v9, v7;
	s22 =	smov.u32 s14  }
0x697: {  	v9 =	vmul.f32 v10, v9;
	v7 =	vmul.f32 v10, v7  }
0x698: {  	v8 =	vmul.f32 v11, v8;
	v10 =	vadd.f32 v16, v15;
	v6 =	vmul.f32 v11, v6  }
0x699: {  	v11 =	vmul.f32 v12, v5  }
0x69a: {  	v8 =	vadd.f32 v9, v8;
	v6 =	vadd.f32 v7, v6;
	v5 =	vmul.f32 v13, v5  }
0x69b: {  	v7 =	vadd.f32 v11, v10  }
0x69c: {  	v9 =	vmul.f32 v13, v12;
	v5 =	vadd.f32 v5, v6;
	_ =	sdelay $0x1  }
0x69d: {  	v6 =	vadd.f32 v9, v8;
	v5 =	vmul.f32 v5, v7;
	_ =	sdelay $0x1  }
0x69e: {  	v5 =	vsub.f32 v6, v5;
	_ =	sdelay $0x1  }
0x69f: {  	v5 =	vmul.f32 v5, v14;
	_ =	sdelay $0x1  }
0x6a0: {  	s9 =	sshrl.u32 s9, $0x3;
	[tilespmem:s11+$0x30] =	vst v5;
	s11 =	smov.u32 s23  }
0x6a1: {  	s9 =	smul.u32 $0xC00, s9;
	v5 =	vld [tilespmem:s0+$0x0]  }
0x6a2: {  	s24 =	sand.u32 $0x380, s29;
	v6 =	vld [tilespmem:s0+$0xFFFFFFE0]  }
0x6a3: {  	s24 =	sor.u32 s24, s9;
	v7 =	vld [tilespmem:s0+$0xFFFFFFF0]  }
0x6a4: {  	v8 =	vld [tilespmem:s24+$0x1DE80]  }
0x6a5: {  	v9 =	vld [tilespmem:s24+$0x1DA80]  }
0x6a6: {  	v10 =	vld [tilespmem:s24+$0x1D680]  }
0x6a7: {  	v11 =	vld [tilespmem:s24+$0x1C280]  }
0x6a8: {  	v12 =	vld [tilespmem:s24+$0x1BE80];
	_ =	sdelay $0x1  }
0x6a9: {  	v13 =	vld [tilespmem:s24+$0x1C680];
	v14 =	vmul.f32 v9, v7  }
0x6aa: {  	v15 =	vmul.f32 v10, v6  }
0x6ab: {  	v17 =	vmul.f32 v8, v5;
	v16 =	vmul.f32 v11, v7  }
0x6ac: {  	v10 =	vmul.f32 v10, v12;
	v12 =	vmul.f32 v12, v6;
	v14 =	vadd.f32 v14, v15  }
0x6ad: {  	v9 =	vmul.f32 v9, v11  }
0x6ae: {  	v11 =	vadd.f32 v16, v12;
	v12 =	vmul.f32 v13, v5;
	v14 =	vadd.f32 v17, v14  }
0x6af: {  	v9 =	vadd.f32 v9, v10;
	v8 =	vmul.f32 v8, v13  }
0x6b0: {  	v10 =	vadd.f32 v12, v11  }
0x6b1: {  	v11 =	vld [tilespmem:s14+$0xFFFFFFC0]  }
0x6b2: {  	v8 =	vadd.f32 v8, v9;
	v9 =	vmul.f32 v14, v10;
	_ =	sdelay $0x1  }
0x6b3: {  	v8 =	vsub.f32 v8, v9;
	_ =	sdelay $0x1  }
0x6b4: {  	v8 =	vmul.f32 v8, v11;
	_ =	sdelay $0x1  }
0x6b5: {  	[tilespmem:s23+$0xFFFFFFC0] =	vst v8  }
0x6b6: {  	v8 =	vld [tilespmem:s24+$0x1BE90]  }
0x6b7: {  	v9 =	vld [tilespmem:s24+$0x1C290]  }
0x6b8: {  	v10 =	vld [tilespmem:s24+$0x1D690]  }
0x6b9: {  	v11 =	vld [tilespmem:s24+$0x1DA90]  }
0x6ba: {  	v12 =	vld [tilespmem:s24+$0x1C690]  }
0x6bb: {  	v13 =	vld [tilespmem:s24+$0x1DE90]  }
0x6bc: {  	v14 =	vmul.f32 v8, v6;
	v15 =	vmul.f32 v9, v7  }
0x6bd: {  	v8 =	vmul.f32 v10, v8  }
0x6be: {  	v10 =	vmul.f32 v10, v6;
	v14 =	vadd.f32 v15, v14;
	v15 =	vmul.f32 v11, v7  }
0x6bf: {  	v9 =	vmul.f32 v11, v9  }
0x6c0: {  	v11 =	vmul.f32 v12, v5;
	v10 =	vadd.f32 v15, v10;
	v15 =	vmul.f32 v13, v5  }
0x6c1: {  	v8 =	vadd.f32 v9, v8;
	v9 =	vmul.f32 v13, v12  }
0x6c2: {  	v11 =	vadd.f32 v11, v14;
	v10 =	vadd.f32 v15, v10  }
0x6c3: {  	v12 =	vld [tilespmem:s14+$0xFFFFFFD0]  }
0x6c4: {  	v8 =	vadd.f32 v9, v8;
	v9 =	vmul.f32 v10, v11;
	_ =	sdelay $0x1  }
0x6c5: {  	v8 =	vsub.f32 v8, v9;
	_ =	sdelay $0x1  }
0x6c6: {  	v8 =	vmul.f32 v8, v12;
	_ =	sdelay $0x1  }
0x6c7: {  	[tilespmem:s23+$0xFFFFFFD0] =	vst v8  }
0x6c8: {  	v8 =	vld [tilespmem:s24+$0x1DEA0]  }
0x6c9: {  	v9 =	vld [tilespmem:s24+$0x1C2A0]  }
0x6ca: {  	v10 =	vld [tilespmem:s24+$0x1DAA0]  }
0x6cb: {  	v11 =	vld [tilespmem:s24+$0x1D6A0]  }
0x6cc: {  	v12 =	vld [tilespmem:s24+$0x1BEA0]  }
0x6cd: {  	v13 =	vld [tilespmem:s24+$0x1C6A0];
	_ =	sdelay $0x1  }
0x6ce: {  	v14 =	vmul.f32 v9, v7;
	v15 =	vmul.f32 v10, v7  }
0x6cf: {  	v17 =	vmul.f32 v8, v5;
	v16 =	vmul.f32 v11, v6  }
0x6d0: {  	v9 =	vmul.f32 v10, v9;
	v10 =	vmul.f32 v12, v6  }
0x6d1: {  	v11 =	vmul.f32 v11, v12;
	v8 =	vmul.f32 v8, v13;
	v12 =	vadd.f32 v15, v16  }
0x6d2: {  	v13 =	vmul.f32 v13, v5;
	v10 =	vadd.f32 v14, v10  }
0x6d3: {  	v9 =	vadd.f32 v9, v11;
	v11 =	vadd.f32 v17, v12  }
0x6d4: {  	v10 =	vadd.f32 v13, v10  }
0x6d5: {  	v12 =	vld [tilespmem:s14+$0xFFFFFFE0]  }
0x6d6: {  	v8 =	vadd.f32 v8, v9;
	v9 =	vmul.f32 v11, v10;
	_ =	sdelay $0x1  }
0x6d7: {  	v8 =	vsub.f32 v8, v9;
	_ =	sdelay $0x1  }
0x6d8: {  	v8 =	vmul.f32 v8, v12;
	_ =	sdelay $0x1  }
0x6d9: {  	[tilespmem:s23+$0xFFFFFFE0] =	vst v8  }
0x6da: {  	v8 =	vld [tilespmem:s24+$0x1D6B0]  }
0x6db: {  	v9 =	vld [tilespmem:s24+$0x1C2B0]  }
0x6dc: {  	v10 =	vld [tilespmem:s24+$0x1BEB0]  }
0x6dd: {  	v11 =	vld [tilespmem:s24+$0x1DAB0]  }
0x6de: {  	v12 =	vld [tilespmem:s24+$0x1DEB0]  }
0x6df: {  	v13 =	vld [tilespmem:s24+$0x1C6B0]  }
0x6e0: {  	v14 =	vmul.f32 v9, v7  }
0x6e1: {  	v15 =	vmul.f32 v8, v10;
	v8 =	vmul.f32 v8, v6  }
0x6e2: {  	v9 =	vmul.f32 v11, v9;
	v11 =	vmul.f32 v11, v7  }
0x6e3: {  	v10 =	vmul.f32 v10, v6  }
0x6e4: {  	v9 =	vadd.f32 v9, v15;
	v8 =	vadd.f32 v11, v8;
	v11 =	vmul.f32 v12, v5  }
0x6e5: {  	v10 =	vadd.f32 v14, v10;
	v14 =	vmul.f32 v13, v5  }
0x6e6: {  	v12 =	vmul.f32 v12, v13;
	v8 =	vadd.f32 v11, v8  }
0x6e7: {  	v10 =	vadd.f32 v14, v10  }
0x6e8: {  	v9 =	vadd.f32 v12, v9;
	v11 =	vld [tilespmem:s14+$0xFFFFFFF0]  }
0x6e9: {  	v8 =	vmul.f32 v8, v10;
	_ =	sdelay $0x1  }
0x6ea: {  	v8 =	vsub.f32 v9, v8;
	_ =	sdelay $0x1  }
0x6eb: {  	v8 =	vmul.f32 v8, v11;
	_ =	sdelay $0x1  }
0x6ec: {  	[tilespmem:s23+$0xFFFFFFF0] =	vst v8  }
0x6ed: {  	v8 =	vld [tilespmem:s24+$0x1C2C0]  }
0x6ee: {  	v9 =	vld [tilespmem:s24+$0x1D6C0]  }
0x6ef: {  	v10 =	vld [tilespmem:s24+$0x1BEC0]  }
0x6f0: {  	v11 =	vld [tilespmem:s24+$0x1DAC0]  }
0x6f1: {  	v12 =	vld [tilespmem:s24+$0x1C6C0]  }
0x6f2: {  	v13 =	vld [tilespmem:s24+$0x1DEC0]  }
0x6f3: {  	v14 =	vmul.f32 v8, v7;
	v15 =	vmul.f32 v9, v6  }
0x6f4: {  	v9 =	vmul.f32 v9, v10;
	v10 =	vmul.f32 v10, v6  }
0x6f5: {  	v8 =	vmul.f32 v11, v8;
	v11 =	vmul.f32 v11, v7  }
0x6f6: {  	v10 =	vadd.f32 v14, v10;
	v14 =	vmul.f32 v12, v5  }
0x6f7: {  	v8 =	vadd.f32 v8, v9;
	v9 =	vadd.f32 v11, v15;
	v11 =	vmul.f32 v13, v5  }
0x6f8: {  	v12 =	vmul.f32 v13, v12  }
0x6f9: {  	v10 =	vadd.f32 v14, v10;
	v9 =	vadd.f32 v11, v9  }
0x6fa: {  	v11 =	vld [tilespmem:s14+$0x0]  }
0x6fb: {  	v8 =	vadd.f32 v12, v8;
	v9 =	vmul.f32 v9, v10;
	_ =	sdelay $0x1  }
0x6fc: {  	v8 =	vsub.f32 v8, v9;
	_ =	sdelay $0x1  }
0x6fd: {  	v8 =	vmul.f32 v8, v11;
	_ =	sdelay $0x1  }
0x6fe: {  	[tilespmem:s23+$0x0] =	vst v8  }
0x6ff: {  	v8 =	vld [tilespmem:s24+$0x1BED0]  }
0x700: {  	v9 =	vld [tilespmem:s24+$0x1C2D0]  }
0x701: {  	v10 =	vld [tilespmem:s24+$0x1D6D0]  }
0x702: {  	v11 =	vld [tilespmem:s24+$0x1DAD0]  }
0x703: {  	v12 =	vld [tilespmem:s24+$0x1C6D0]  }
0x704: {  	v13 =	vld [tilespmem:s24+$0x1DED0]  }
0x705: {  	v15 =	vmul.f32 v8, v6;
	v14 =	vld [tilespmem:s14+$0x10];
	v16 =	vmul.f32 v9, v7  }
0x706: {  	v8 =	vmul.f32 v10, v8  }
0x707: {  	v10 =	vmul.f32 v10, v6;
	v15 =	vadd.f32 v16, v15;
	v16 =	vmul.f32 v11, v7  }
0x708: {  	v9 =	vmul.f32 v11, v9;
	v11 =	vmul.f32 v12, v5  }
0x709: {  	v10 =	vadd.f32 v16, v10;
	v16 =	vmul.f32 v13, v5  }
0x70a: {  	v11 =	vadd.f32 v11, v15  }
0x70b: {  	v8 =	vadd.f32 v9, v8;
	v9 =	vmul.f32 v13, v12;
	v10 =	vadd.f32 v16, v10;
	_ =	sdelay $0x1  }
0x70c: {  	v8 =	vadd.f32 v9, v8;
	v9 =	vmul.f32 v10, v11;
	_ =	sdelay $0x1  }
0x70d: {  	v8 =	vsub.f32 v8, v9;
	_ =	sdelay $0x1  }
0x70e: {  	v8 =	vmul.f32 v8, v14;
	_ =	sdelay $0x1  }
0x70f: {  	[tilespmem:s23+$0x10] =	vst v8  }
0x710: {  	v9 =	vld [tilespmem:s24+$0x1D6E0]  }
0x711: {  	v10 =	vld [tilespmem:s24+$0x1C2E0]  }
0x712: {  	v11 =	vld [tilespmem:s24+$0x1BEE0]  }
0x713: {  	v12 =	vld [tilespmem:s24+$0x1DAE0]  }
0x714: {  	v13 =	vld [tilespmem:s24+$0x1DEE0]  }
0x715: {  	v14 =	vld [tilespmem:s24+$0x1C6E0]  }
0x716: {  	v8 =	vld [tilespmem:s14+$0x20];
	v15 =	vmul.f32 v10, v7  }
0x717: {  	v17 =	vmul.f32 v9, v6;
	v16 =	vmul.f32 v11, v6  }
0x718: {  	v10 =	vmul.f32 v12, v10;
	v12 =	vmul.f32 v12, v7  }
.Ltmp12:
0x719: {  	v9 =	vmul.f32 v9, v11;
	v15 =	vadd.f32 v15, v16;
	(pc) =	sbr.rel @p1 .LBB2_17-.Ltmp12, $4  }
0x71a: {  	v16 =	vmul.f32 v14, v5;
	v11 =	vadd.f32 v12, v17;
	v12 =	vmul.f32 v13, v5  }
0x71b: {  	v9 =	vadd.f32 v10, v9;
	v10 =	vmul.f32 v13, v14  }
0x71c: {  	v11 =	vadd.f32 v12, v11  }
0x71d: {  	s14 =	sadd.s32 $0x80, s14;
	v12 =	vadd.f32 v16, v15  }
0x71e: {  	_ = 	snop  }
0x71f: {  	v9 =	vadd.f32 v10, v9;
	v55 =	vmul.f32 v11, v12;
	_ =	sdelay $0x1  }
0x720: {  	v9 =	vsub.f32 v9, v55;
	_ =	sdelay $0x1  }
0x721: {  	v8 =	vmul.f32 v9, v8;
	_ =	sdelay $0x1  }
0x722: {  	[tilespmem:s11+$0x20] =	vst v8  }
0x723: {  	v8 =	vld [tilespmem:s24+$0x1BEF0]  }
0x724: {  	v56 =	vld [tilespmem:s24+$0x1C2F0]  }
0x725: {  	v57 =	vld [tilespmem:s24+$0x1DAF0]  }
0x726: {  	v58 =	vld [tilespmem:s24+$0x1D6F0]  }
0x727: {  	v59 =	vld [tilespmem:s24+$0x1C6F0]  }
0x728: {  	v13 =	vld [tilespmem:s24+$0x1DEF0]  }
0x729: {  	v14 =	vmul.f32 v8, v6  }
0x72a: {  	v15 =	vmul.f32 v56, v7;
	v7 =	vmul.f32 v57, v7  }
0x72b: {  	v6 =	vmul.f32 v58, v6;
	v9 =	vmul.f32 v57, v56  }
0x72c: {  	v8 =	vmul.f32 v58, v8;
	v61 =	vmul.f32 v59, v5  }
0x72d: {  	v5 =	vmul.f32 v13, v5;
	v60 =	vadd.f32 v15, v14;
	v6 =	vadd.f32 v7, v6  }
0x72e: {  	v7 =	vadd.f32 v9, v8  }
0x72f: {  	v63 =	vmul.f32 v13, v59;
	v62 =	vadd.f32 v61, v60;
	v5 =	vadd.f32 v5, v6  }
0x730: {  	v6 =	vld [tilespmem:s22+$0x30]  }
0x731: {  	v7 =	vadd.f32 v63, v7;
	v5 =	vmul.f32 v5, v62;
	_ =	sdelay $0x1  }
0x732: {  	v5 =	vsub.f32 v7, v5;
	_ =	sdelay $0x1  }
0x733: {  	v5 =	vmul.f32 v5, v6;
	_ =	sdelay $0x1  }
0x734: {  	[tilespmem:s11+$0x30] =	vst v5  }
0x735: {  	v5 =	vld [tilespmem:$0x17300];
	_ =	sdelay $0x4  }
0x736: {  	s0 =	simm.s32 $0x1EE80;
	s9 =	simm.s32 $0x1EF00;
	[tilespmem:$0x1EE80] =	vst v5  }
0x737: {  	[spmem:s4] =	stream.indirect.scatter.add.f32 [tilespmem:s9], [sflag:$0x8], $0x80, s0, s10, $0xb8;
	[tilespmem:$0x1F700] =	vst v63  }
0x738: {  	_ =	swait.ge [sflag:s19], $0x10  }
0x739: {  	[sflag:s19] =	ssyncset.done $0x0  }
0x73a: {  	[sflag:s19] =	ssyncadd.s32 $0xFFFFFFF0  }
0x73b: {  	_ =	swait.ge [sflag:s19], $0x10  }
0x73c: {  	[sflag:s19] =	ssyncset.done $0x0  }
0x73d: {  	[sflag:s19] =	ssyncadd.s32 $0xFFFFFFF0  }
0x73e: {  	_ =	swait.ge [sflag:s19], $0x800  }
0x73f: {  	[sflag:s19] =	ssyncset.done $0x0  }
0x740: {  	[sflag:s19] =	ssyncadd.s32 $0xFFFFF800  }
0x741: {  	_ =	swait.ge [sflag:s19], $0x800  }
0x742: {  	[sflag:s19] =	ssyncset.done $0x0  }
0x743: {  	[sflag:s19] =	ssyncadd.s32 $0xFFFFF800  }
0x744: {  	v5 =	vld [tilespmem:$0x15180];
	_ =	sdelay $0x4  }
0x745: {  	v5 =	vadd.s32 v0, v5  }
0x746: {  	[tilespmem:$0x1BE00] =	vst v5  }
0x747: {  	v5 =	vld [tilespmem:$0x1BE00];
	_ =	sdelay $0x4  }
0x748: {  	v6 =	vshrl.u32 v5, $0x3  }
0x749: {  	v6 =	vmul.u32 $0x18, v6  }
0x74a: {  	v5 =	vand.u32 $0x7, v5  }
0x74b: {  	v5 =	vor.u32 v5, v6  }
0x74c: {  	v6 =	vld [tilespmem:$0x15100];
	v7 =	vperm.xlane v5, v2;
	_ =	sdelay $0x1  }
0x74d: {  	v7 =	vadd.s32 v3, v7;
	_ =	sdelay $0x1  }
0x74e: {  	v5 =	vperm.xlane v5, v4  }
0x74f: {  	v6 =	vadd.s32 v0, v6  }
0x750: {  	s9 =	simm.s32 $0x1BE80;
	v5 =	vadd.s32 v3, v5;
	[tilespmem:$0x1BD80] =	vst v6  }
0x751: {  	[tilespmem:s9], [sflag:$0x6] =	stream.indirect_vreg.gather [hbm4b:s26+s5], $0x80, v7, vm0, $0xb8;
	[tilespmem:$0x1F700] =	vst v63  }
0x752: {  	s11 =	simm.s32 $0x1C680  }
0x753: {  	[tilespmem:s11], [sflag:$0x6] =	stream.indirect_vreg.gather [hbm4b:s28+s5], $0x80, v7, vm1, $0xb8;
	[tilespmem:$0x1F700] =	vst v63  }
0x754: {  	s13 =	simm.s32 $0x1CA80  }
0x755: {  	[tilespmem:s13], [sflag:$0x6] =	stream.indirect_vreg.gather [hbm4b:s26+s5], $0x80, v5, vm0, $0xb8;
	[tilespmem:$0x1F700] =	vst v63  }
0x756: {  	s14 =	simm.s32 $0x1D280  }
0x757: {  	[tilespmem:s14], [sflag:$0x6] =	stream.indirect_vreg.gather [hbm4b:s28+s5], $0x80, v5, vm1, $0xb8;
	[tilespmem:$0x1F700] =	vst v63  }
0x758: {  	v5 =	vld [tilespmem:$0x1BD80];
	_ =	sdelay $0x4  }
0x759: {  	v6 =	vshrl.u32 v5, $0x3  }
0x75a: {  	v6 =	vmul.u32 $0x18, v6  }
0x75b: {  	v5 =	vand.u32 $0x7, v5  }
0x75c: {  	v5 =	vor.u32 v5, v6  }
0x75d: {  	v6 =	vperm.xlane v5, v2;
	_ =	sdelay $0x1  }
0x75e: {  	v6 =	vadd.s32 v3, v6;
	_ =	sdelay $0x1  }
0x75f: {  	v5 =	vperm.xlane v5, v4;
	_ =	sdelay $0x1  }
0x760: {  	s22 =	simm.s32 $0x1D680;
	v5 =	vadd.s32 v3, v5  }
0x761: {  	[tilespmem:s22], [sflag:$0x6] =	stream.indirect_vreg.gather [hbm4b:s26+s5], $0x80, v6, vm0, $0xb8;
	[tilespmem:$0x1F700] =	vst v63  }
0x762: {  	s23 =	simm.s32 $0x1DE80;
	s0 =	rddreg [dreg:$0x18]  }
0x763: {  	[tilespmem:s23], [sflag:$0x6] =	stream.indirect_vreg.gather [hbm4b:s28+s5], $0x80, v6, vm1, $0xb8;
	[tilespmem:$0x1F700] =	vst v63  }
0x764: {  	s24 =	simm.s32 $0x1E280;
	s0 =	sadd.s32 @!p0 s31, s0  }
0x765: {  	[tilespmem:s24], [sflag:$0x6] =	stream.indirect_vreg.gather [hbm4b:s26+s5], $0x80, v5, vm0, $0xb8;
	[tilespmem:$0x1F700] =	vst v63  }
0x766: {  	s29 =	simm.s32 $0x1EA80;
	s9 =	sshrl.u32 @!p0 s0, $0x3  }
0x767: {  	[tilespmem:s29], [sflag:$0x6] =	stream.indirect_vreg.gather [hbm4b:s28+s5], $0x80, v5, vm1, $0xb8;
	[tilespmem:$0x1F700] =	vst v63  }
0x768: {  	s11 =	sadd.s32 @!p0 s1, s9;
	s13 =	simm.s32 @!p0 $0x0;
	s14 =	simm.s32 @!p0 $0x17300  }
0x769: {  	[tilespmem:s14], [sflag:$0x4] =	stream.linear.gather @!p0 [hbm4b:s11+s13], $0x10, $0x38;
	[tilespmem:$0x1F700] =	vst v63  }
0x76a: {  	s9 =	sadd.s32 @!p0 s2, s9;
	s11 =	simm.s32 @!p0 $0x17380  }
0x76b: {  	[tilespmem:s11], [sflag:$0x4] =	stream.linear.gather @!p0 [hbm4b:s9+s13], $0x10, $0x38;
	[tilespmem:$0x1F700] =	vst v63  }
.Ltmp13:
0x76c: {  	s9 =	sshll.u32 @!p0 s0, $0x4;
	s0 =	sadd.s32 @!p0 s8, s0;
	(pc) =	sbr.rel .LBB2_19-.Ltmp13, $4  }
0x76d: {  	s11 =	simm.s32 @!p0 $0x17400;
	s9 =	sadd.s32 @!p0 s7, s9;
	s0 =	sshll.u32 @!p0 s0, $0x4  }
0x76e: {  	[tilespmem:s11], [sflag:$0x4] =	stream.linear.gather @!p0 [hbm4b:s9+s13], $0x800, $0x38;
	[tilespmem:$0x1F700] =	vst v63  }
0x76f: {  	s0 =	sadd.s32 @!p0 s6, s0;
	s9 =	simm.s32 @!p0 $0x17C00  }
0x770: {  	[tilespmem:s9], [sflag:$0x4] =	stream.linear.gather @!p0 [hbm4b:s0+s13], $0x800, $0x38;
	[tilespmem:$0x1F700] =	vst v63  }
.LBB2_21:
0x771: {  	_ =	sfence.sel $0x180000  }
0x772: {  	[bflag:$0x0] =	sbarrier.arrive $0xFFFF  }
0x773: {  	_ =	strace $0x90000047  }
0x774: {  	s0 =	stileid.u32;
	[bflag:$0x2] =	sbarrier.arrive $0xFFFF  }
0x775: {  	p0 =	sne.s32 s0, $0x0;
	s0 =	rddreg [dreg:$0x4]  }
0x776: {  	s0 =	sadd.s32 @!p0 $0x100000, s0  }
0x777: {  	[sflag:s0] =	ssyncadd.tile.s32 @!p0 $0x1;
	_ =	shalt  }
.Lfunc_end2:
_tile_overlayer_lowered:
.L_overlay_start_2:
0x778: {  	(tag) =	ssettag $0x2  }
0x779: {  	s0 =	rddreg [dreg:$0x0];
	s2 =	stileid.u32  }
0x77a: {  	s1 =	rddreg [dreg:$0x1];
	p0 =	sne.s32 s2, $0x0  }
0x77b: {  	s3 =	rddreg [dreg:$0x2];
	[bflag:$0x3] =	sbarrier.arrive $0xFFFF;
	s2 =	simm.s32 @!p0 $0x1C09  }
0x77c: {  	[timem:s3], [sflag:s2] =	dma.local @!p0 [hbm:s0], s1  }
0x77d: {  	s0 =	simm.s32 @!p0 $0x9  }
0x77e: {  	_ =	swait.ge @!p0 [sflag:s0], s1  }
0x77f: {  	s1 =	ssub.s32 @!p0 $0x0, s1;
	[sflag:s0] =	ssyncset.done @!p0 $0x0  }
0x780: {  	[sflag:s0] =	ssyncadd.s32 @!p0 s1  }
0x781: {  	[bflag:$0x3] =	sbarrier.arrive $0xFFFF  }
0x782: {  	_ =	shalt  }

</sc_bundles>
